<compile_context>
chip_gen: v7x
topology: tpu7x:2x2x1
jax: 0.10.2.dev20260603
libtpu: 0.0.44.dev20260713+nightly
codegen_flags: <defaults>
</compile_context>

<pallas_src>
import functools

import jax
import jax.numpy as jnp
import numpy as np
from jax.experimental import pallas as pl
from jax.experimental.pallas import tpu as pltpu

B, T, N, D = 64, 96, 128, 128
M, K = 1196, 8
H, DH = 4, 32
OB = 512
MB = 128
NMB = 10


def _gelu_exact(x):
    sqrt_half = np.float32(np.sqrt(0.5))
    return 0.5 * x * (1.0 + jax.lax.erf(x * sqrt_half))


def _conv_kernel(xt_ref, dww_ref, dwb_ref, h_ref):
    xt = xt_ref[...]
    acc = xt[0:97] * dww_ref[0, :][None, None, :]
    for j in range(1, 12):
        acc = acc + xt[j:j + 97] * dww_ref[j, :][None, None, :]
    acc = acc + dwb_ref[0, :][None, None, :]
    g = _gelu_exact(acc)
    h_ref[...] = jnp.transpose(g.reshape(97 * B, N), (1, 0))


def _pw_kernel(pw_ref, pwb_ref, h_ref, g_ref, b_ref, q_ref, qt_ref):
    mm = jnp.dot(pw_ref[...], h_ref[...])
    mm = mm + pwb_ref[...]
    g = _gelu_exact(mm)
    acc128 = g[:, 0:128]
    for j in range(1, 48):
        acc128 = acc128 + g[:, 128 * j:128 * (j + 1)]
    acc = acc128[:, 0:64] + acc128[:, 64:128] + g[:, 6144:6208]
    qm = acc / 97.0
    q3 = qm.reshape(OB // 128, 128, 64)
    mu = jnp.mean(q3, axis=1, keepdims=True)
    var = jnp.mean((q3 - mu) ** 2, axis=1, keepdims=True)
    qn = (q3 - mu) / jnp.sqrt(var + 1e-5) * g_ref[...][None] + b_ref[...][None]
    qn = qn.reshape(OB, 64)
    q_ref[...] = qn
    qt_ref[...] = jnp.transpose(qn, (1, 0))


def _sim_topk_kernel(sq_ref, yq_ref, mem_ref, sm_ref, ym_ref, q_ref, idx_ref,
                     qn_scr, sim_scr):
    i = pl.program_id(0)

    @pl.when(i == 0)
    def _():
        q = q_ref[...]
        nq = jnp.sqrt(jnp.sum(q * q, axis=0, keepdims=True))
        qn_scr[...] = q / jnp.maximum(nq, 1e-12)

    mem = mem_ref[...]
    nm = jnp.sqrt(jnp.sum(mem * mem, axis=1, keepdims=True))
    memn = mem / jnp.maximum(nm, 1e-12)
    simb = jnp.dot(memn, qn_scr[...])
    smask = (sq_ref[...] == sm_ref[...]).astype(jnp.float32)
    simb = simb * smask + (1.0 - smask) * (-10000.0)
    dy = jnp.abs(yq_ref[...] - ym_ref[...])
    simb = simb * (0.5 + 0.5 * (1.0 - jnp.exp(-dy / 2.0)))
    sim_scr[i] = simb

    @pl.when(i == NMB - 1)
    def _():
        s = sim_scr[...]
        i0 = jax.lax.broadcasted_iota(jnp.int32, (NMB, MB, 64), 0)
        i1 = jax.lax.broadcasted_iota(jnp.int32, (NMB, MB, 64), 1)
        midx = i0 * MB + i1
        neg = jnp.float32(-3e38)
        cur = jnp.where(midx < M, s, neg)
        for k in range(K):
            mx = jnp.max(cur, axis=(0, 1), keepdims=True)
            cand = jnp.where(cur >= mx, midx, jnp.int32(2 ** 30))
            sel = jnp.min(cand, axis=(0, 1), keepdims=True)
            idx_ref[k, :] = sel[0, 0]
            cur = jnp.where(midx == sel, neg, cur)


GB = 8
NG = B // GB
NR = GB * K


def _attn_kernel(idx_ref, q_ref, mem_hbm, wq_ref, bq_ref, wk_ref, bk_ref,
                 wv_ref, bv_ref, wo_ref, bo_ref, wp_ref, bp_ref, out_ref,
                 kv_scr, sems):
    g = pl.program_id(0)

    def _start(grp, phase):
        for k in range(K):
            for bb in range(GB):
                pltpu.make_async_copy(
                    mem_hbm.at[idx_ref[grp * NR + bb * K + k]],
                    kv_scr.at[phase, k * GB + bb],
                    sems.at[phase, k * GB + bb]).start()

    @pl.when(g == 0)
    def _():
        _start(g, 0)

    @pl.when(g < NG - 1)
    def _():
        _start(g + 1, (g + 1) % 2)

    cur = g % 2
    for r in range(NR):
        pltpu.make_async_copy(mem_hbm.at[idx_ref[g * NR + r]],
                              kv_scr.at[cur, r], sems.at[cur, r]).wait()

    q2d = q_ref[...].reshape(GB * N, D)
    qp = jnp.dot(q2d, wq_ref[...]) + bq_ref[...]
    seg = (jax.lax.broadcasted_iota(jnp.int32, (D, H), 0) // DH
           == jax.lax.broadcasted_iota(jnp.int32, (D, H), 1)
           ).astype(jnp.float32)
    exp_m = (jax.lax.broadcasted_iota(jnp.int32, (H, D), 1) // DH
             == jax.lax.broadcasted_iota(jnp.int32, (H, D), 0)
             ).astype(jnp.float32)
    inv_sqrt = np.float32(1.0 / np.sqrt(DH))
    scores = []
    vps = []
    for k in range(K):
        kv_k = kv_scr[cur, k * GB:(k + 1) * GB].reshape(GB * N, D)
        kp_k = jnp.dot(kv_k, wk_ref[...]) + bk_ref[...]
        vps.append(jnp.dot(kv_k, wv_ref[...]) + bv_ref[...])
        scores.append(jnp.dot(qp * kp_k, seg) * inv_sqrt)
    s3 = jnp.stack(scores, axis=0)
    mx = jnp.max(s3, axis=0, keepdims=True)
    e = jnp.exp(s3 - mx)
    att3 = e / jnp.sum(e, axis=0, keepdims=True)
    o = jnp.dot(att3[0], exp_m) * vps[0]
    for k in range(1, K):
        o = o + jnp.dot(att3[k], exp_m) * vps[k]
    o1 = jnp.dot(o, wo_ref[...]) + bo_ref[...]
    out_ref[...] = (jnp.dot(o1, wp_ref[...]) + bp_ref[...]).reshape(GB, N, D)


@jax.jit
def kernel(x_scalar, season_q, year_q, memory_bank, memory_seasons,
           memory_years, params):
    p = params
    xt = jnp.pad(jnp.transpose(x_scalar, (1, 0, 2)), ((6, 6), (0, 0), (0, 0)))
    dww = jnp.transpose(p['dw_w'].reshape(N, 12))
    dwb = p['dw_b'][None, :]
    h_r = pl.pallas_call(
        _conv_kernel,
        out_shape=jax.ShapeDtypeStruct((N, 97 * B), jnp.float32),
    )(xt, dww, dwb)

    q2 = pl.pallas_call(
        _pw_kernel,
        grid=(N * D // OB,),
        in_specs=[
            pl.BlockSpec((OB, N), lambda i: (i, 0)),
            pl.BlockSpec((OB, 1), lambda i: (i, 0)),
            pl.BlockSpec((N, 97 * B), lambda i: (0, 0)),
            pl.BlockSpec((D, 1), lambda i: (0, 0)),
            pl.BlockSpec((D, 1), lambda i: (0, 0)),
        ],
        out_specs=[pl.BlockSpec((OB, 64), lambda i: (i, 0)),
                   pl.BlockSpec((B, OB), lambda i: (0, i))],
        out_shape=[jax.ShapeDtypeStruct((N * D, B), jnp.float32),
                   jax.ShapeDtypeStruct((B, N * D), jnp.float32)],
    )(p['pw_w'], p['pw_b'][:, None], h_r, p['ln_g'][:, None], p['ln_b'][:, None])
    q2, qt = q2
    q_out = qt.reshape(B, N, D)

    mem2 = memory_bank.reshape(M, N * D)
    topk_t = pl.pallas_call(
        _sim_topk_kernel,
        grid=(NMB,),
        in_specs=[
            pl.BlockSpec((1, B), lambda i: (0, 0)),
            pl.BlockSpec((1, B), lambda i: (0, 0)),
            pl.BlockSpec((MB, N * D), lambda i: (i, 0)),
            pl.BlockSpec((MB, 1), lambda i: (i, 0)),
            pl.BlockSpec((MB, 1), lambda i: (i, 0)),
            pl.BlockSpec((N * D, B), lambda i: (0, 0)),
        ],
        out_specs=pl.BlockSpec((K, B), lambda i: (0, 0)),
        out_shape=jax.ShapeDtypeStruct((K, B), jnp.int32),
        scratch_shapes=[
            pltpu.VMEM((N * D, B), jnp.float32),
            pltpu.VMEM((NMB, MB, B), jnp.float32),
        ],
    )(season_q[None, :].astype(jnp.int32), year_q[None, :], mem2,
      memory_seasons[:, None].astype(jnp.int32), memory_years[:, None], q2)
    idx_flat = jnp.transpose(topk_t).reshape(-1)

    w_in = p['w_in']
    z = pl.pallas_call(
        _attn_kernel,
        grid_spec=pltpu.PrefetchScalarGridSpec(
            num_scalar_prefetch=1,
            grid=(NG,),
            in_specs=[
                pl.BlockSpec((GB, N, D), lambda b, idx: (b, 0, 0)),
                pl.BlockSpec(memory_space=pl.ANY),
                pl.BlockSpec((D, D), lambda b, idx: (0, 0)),
                pl.BlockSpec((1, D), lambda b, idx: (0, 0)),
                pl.BlockSpec((D, D), lambda b, idx: (0, 0)),
                pl.BlockSpec((1, D), lambda b, idx: (0, 0)),
                pl.BlockSpec((D, D), lambda b, idx: (0, 0)),
                pl.BlockSpec((1, D), lambda b, idx: (0, 0)),
                pl.BlockSpec((D, D), lambda b, idx: (0, 0)),
                pl.BlockSpec((1, D), lambda b, idx: (0, 0)),
                pl.BlockSpec((D, D), lambda b, idx: (0, 0)),
                pl.BlockSpec((1, D), lambda b, idx: (0, 0)),
            ],
            out_specs=pl.BlockSpec((GB, N, D), lambda b, idx: (b, 0, 0)),
            scratch_shapes=[
                pltpu.VMEM((2, NR, N, D), jnp.float32),
                pltpu.SemaphoreType.DMA((2, NR)),
            ],
        ),
        out_shape=jax.ShapeDtypeStruct((B, N, D), jnp.float32),
    )(idx_flat, q_out, memory_bank,
      jnp.transpose(w_in[0:D]), p['b_in'][None, 0:D],
      jnp.transpose(w_in[D:2 * D]), p['b_in'][None, D:2 * D],
      jnp.transpose(w_in[2 * D:3 * D]), p['b_in'][None, 2 * D:3 * D],
      jnp.transpose(p['w_out']), p['b_out'][None],
      jnp.transpose(p['w_proj']), p['b_proj'][None])
    return z, q_out

# --- scband reference (transcript-rebuilt; emitter-appended) ---
"""Pipeline reference for scband-camelcore-14070312862149 (READ-ONLY COPY).

The authoritative reference and input builder live on the scoring server;
editing this copy changes nothing except your own understanding.
"""

import jax, jax.numpy as jnp
import numpy as np
from jax import lax

B, T, N, D = 64, 96, 128, 128
M, K = 1196, 8
H, DH = 4, 32
TAU_TIME = 2.0


def setup_inputs(seed: int = 0) -> dict:
    key = jax.random.key(seed)
    ks = jax.random.split(key, 12)
    x_scalar = jax.random.normal(ks[0], (B, T, N), dtype=jnp.float32)
    season_q = jax.random.randint(ks[1], (B,), 0, 4)
    year_q = jax.random.uniform(ks[2], (B,), dtype=jnp.float32)
    memory_bank = jax.random.normal(ks[3], (M, N, D), dtype=jnp.float32)
    memory_seasons = jax.random.randint(ks[4], (M,), 0, 4)
    memory_years = jax.random.uniform(ks[5], (M,), dtype=jnp.float32)
    s = lambda k, shape: (jax.random.normal(k, shape, dtype=jnp.float32) * 0.02)
    params = {
        'dw_w': s(ks[6], (N, 1, 12)),
        'dw_b': jnp.zeros((N,), jnp.float32),
        'pw_w': s(ks[7], (N * D, N)),
        'pw_b': jnp.zeros((N * D,), jnp.float32),
        'ln_g': jnp.ones((D,), jnp.float32),
        'ln_b': jnp.zeros((D,), jnp.float32),
        'w_in': s(ks[8], (3 * D, D)),
        'b_in': jnp.zeros((3 * D,), jnp.float32),
        'w_out': s(ks[9], (D, D)),
        'b_out': jnp.zeros((D,), jnp.float32),
        'w_proj': s(ks[10], (D, D)),
        'b_proj': jnp.zeros((D,), jnp.float32),
    }
    return {'x_scalar': x_scalar, 'season_q': season_q, 'year_q': year_q,
            'memory_bank': memory_bank, 'memory_seasons': memory_seasons,
            'memory_years': memory_years, 'params': params}


def _layernorm(x, g, b, eps=1e-5):
    mu = x.mean(-1, keepdims=True)
    var = ((x - mu) ** 2).mean(-1, keepdims=True)
    return (x - mu) / jnp.sqrt(var + eps) * g + b


def _l2norm(x):
    n = jnp.linalg.norm(x, axis=-1, keepdims=True)
    return x / jnp.clip(n, 1e-12)


def _forward(x_scalar, params, season_q, year_q, memory_bank, memory_seasons, memory_years):
    b = x_scalar.shape[0]
    # --- TemporalEncoder (depthwise + pointwise conv, pool, layernorm) ---
    x = x_scalar[..., None]                       # [b, t, n, 1]
    x = jnp.transpose(x, (0, 2, 3, 1)).reshape(b, N, T)
    x = lax.conv_general_dilated(x, params['dw_w'], (1,), [(6, 6)],
                                 dimension_numbers=('NCH', 'OIH', 'NCH'),
                                 feature_group_count=N)
    x = x + params['dw_b'][None, :, None]
    x = jax.nn.gelu(x, approximate=False)
    x = jnp.einsum('bct,oc->bot', x, params['pw_w']) + params['pw_b'][None, :, None]
    x = jax.nn.gelu(x, approximate=False)
    x = x.mean(-1).reshape(b, N, D)
    q = _layernorm(x, params['ln_g'], params['ln_b'])
    # --- Retrieval (kNN over episodic memory) ---
    q_flat = _l2norm(q.reshape(b, -1))
    mem_flat = _l2norm(memory_bank.reshape(M, -1))
    sim = q_flat @ mem_flat.T                      # [b, M]
    season_mask = (season_q[:, None] == memory_seasons[None, :]).astype(sim.dtype)
    sim = sim * season_mask + (1.0 - season_mask) * (-10000.0)
    delta_year = jnp.abs(year_q[:, None] - memory_years[None, :])
    diversity = 1.0 - jnp.exp(-delta_year / TAU_TIME)
    sim = sim * (0.5 + 0.5 * diversity)
    _, topk_idx = lax.top_k(sim, min(K, M))
    retrieved = memory_bank[topk_idx]              # [b, K, N, D]
    # --- Cross attention (4 heads, batch_first) ---
    q_attn = q.reshape(b * N, 1, D)
    kv = jnp.transpose(retrieved, (0, 2, 1, 3)).reshape(b * N, retrieved.shape[1], D)
    w_in, b_in = params['w_in'], params['b_in']
    qp = q_attn @ w_in[:D].T + b_in[:D]
    kp = kv @ w_in[D:2 * D].T + b_in[D:2 * D]
    vp = kv @ w_in[2 * D:].T + b_in[2 * D:]
    split = lambda t_: jnp.transpose(t_.reshape(t_.shape[0], t_.shape[1], H, DH), (0, 2, 1, 3))
    qh, kh, vh = split(qp), split(kp), split(vp)
    att = jax.nn.softmax(qh @ jnp.transpose(kh, (0, 1, 3, 2)) / float(np.sqrt(DH)), axis=-1)
    o = att @ vh
    o = jnp.transpose(o, (0, 2, 1, 3)).reshape(b * N, 1, D)
    o = o @ params['w_out'].T + params['b_out']
    out = o.reshape(b, N, D)
    z = out @ params['w_proj'].T + params['b_proj']
    return z, q


def reference(x_scalar, season_q, year_q, memory_bank, memory_seasons, memory_years, params):
    return _forward(x_scalar, params, season_q, year_q, memory_bank, memory_seasons, memory_years)

if __name__ == "__main__":
    import jax
    _d = setup_inputs()
    print(jax.jit(kernel)(*tuple(_d.values())))

</pallas_src>

<mosaic_0001>
module attributes {stable_mosaic.version = 14 : i64} {
  func.func @_conv_kernel(%arg0: memref<108x64x128xf32, #tpu.memory_space<vmem>>, %arg1: memref<12x128xf32, #tpu.memory_space<vmem>>, %arg2: memref<1x128xf32, #tpu.memory_space<vmem>>, %arg3: memref<128x6208xf32, #tpu.memory_space<vmem>>) attributes {dimension_semantics = [], scalar_prefetch = 0 : i64, scratch_operands = 0 : i64, tpu.core_type = #tpu.core_type<tc>} {
    %get3A = arith.constant 0 : index
    %get3A_0 = arith.constant 0 : index
    %get3A_1 = arith.constant 0 : index
    %get3A_2 = vector.load %arg0[%get3A, %get3A_0, %get3A_1] : memref<108x64x128xf32, #tpu.memory_space<vmem>>, vector<108x64x128xf32>
    %slice3A = vector.extract_strided_slice %get3A_2 {offsets = [0, 0, 0], sizes = [97, 64, 128], strides = [1, 1, 1]} : vector<108x64x128xf32> to vector<97x64x128xf32>
    %get3A_3 = arith.constant 0 : index
    %get3A_4 = arith.constant 0 : index
    %get3A_5 = vector.load %arg1[%get3A_3, %get3A_4] : memref<12x128xf32, #tpu.memory_space<vmem>>, vector<1x128xf32>
    %get3A_6 = vector.shape_cast %get3A_5 : vector<1x128xf32> to vector<128xf32>
    %broadcast_in_dim3A = vector.shape_cast %get3A_6 : vector<128xf32> to vector<1x1x128xf32>
    %mul3A = vector.broadcast %broadcast_in_dim3A : vector<1x1x128xf32> to vector<97x64x128xf32>
    %mul3A_7 = arith.mulf %slice3A, %mul3A : vector<97x64x128xf32>
    %slice3A_8 = vector.extract_strided_slice %get3A_2 {offsets = [1, 0, 0], sizes = [97, 64, 128], strides = [1, 1, 1]} : vector<108x64x128xf32> to vector<97x64x128xf32>
    %get3A_9 = arith.constant 1 : index
    %get3A_10 = arith.constant 0 : index
    %get3A_11 = vector.load %arg1[%get3A_9, %get3A_10] : memref<12x128xf32, #tpu.memory_space<vmem>>, vector<1x128xf32>
    %get3A_12 = vector.shape_cast %get3A_11 : vector<1x128xf32> to vector<128xf32>
    %broadcast_in_dim3A_13 = vector.shape_cast %get3A_12 : vector<128xf32> to vector<1x1x128xf32>
    %mul3A_14 = vector.broadcast %broadcast_in_dim3A_13 : vector<1x1x128xf32> to vector<97x64x128xf32>
    %mul3A_15 = arith.mulf %slice3A_8, %mul3A_14 : vector<97x64x128xf32>
    %add3A = arith.addf %mul3A_7, %mul3A_15 : vector<97x64x128xf32>
    %slice3A_16 = vector.extract_strided_slice %get3A_2 {offsets = [2, 0, 0], sizes = [97, 64, 128], strides = [1, 1, 1]} : vector<108x64x128xf32> to vector<97x64x128xf32>
    %get3A_17 = arith.constant 2 : index
    %get3A_18 = arith.constant 0 : index
    %get3A_19 = vector.load %arg1[%get3A_17, %get3A_18] : memref<12x128xf32, #tpu.memory_space<vmem>>, vector<1x128xf32>
    %get3A_20 = vector.shape_cast %get3A_19 : vector<1x128xf32> to vector<128xf32>
    %broadcast_in_dim3A_21 = vector.shape_cast %get3A_20 : vector<128xf32> to vector<1x1x128xf32>
    %mul3A_22 = vector.broadcast %broadcast_in_dim3A_21 : vector<1x1x128xf32> to vector<97x64x128xf32>
    %mul3A_23 = arith.mulf %slice3A_16, %mul3A_22 : vector<97x64x128xf32>
    %add3A_24 = arith.addf %add3A, %mul3A_23 : vector<97x64x128xf32>
    %slice3A_25 = vector.extract_strided_slice %get3A_2 {offsets = [3, 0, 0], sizes = [97, 64, 128], strides = [1, 1, 1]} : vector<108x64x128xf32> to vector<97x64x128xf32>
    %get3A_26 = arith.constant 3 : index
    %get3A_27 = arith.constant 0 : index
    %get3A_28 = vector.load %arg1[%get3A_26, %get3A_27] : memref<12x128xf32, #tpu.memory_space<vmem>>, vector<1x128xf32>
    %get3A_29 = vector.shape_cast %get3A_28 : vector<1x128xf32> to vector<128xf32>
    %broadcast_in_dim3A_30 = vector.shape_cast %get3A_29 : vector<128xf32> to vector<1x1x128xf32>
    %mul3A_31 = vector.broadcast %broadcast_in_dim3A_30 : vector<1x1x128xf32> to vector<97x64x128xf32>
    %mul3A_32 = arith.mulf %slice3A_25, %mul3A_31 : vector<97x64x128xf32>
    %add3A_33 = arith.addf %add3A_24, %mul3A_32 : vector<97x64x128xf32>
    %slice3A_34 = vector.extract_strided_slice %get3A_2 {offsets = [4, 0, 0], sizes = [97, 64, 128], strides = [1, 1, 1]} : vector<108x64x128xf32> to vector<97x64x128xf32>
    %get3A_35 = arith.constant 4 : index
    %get3A_36 = arith.constant 0 : index
    %get3A_37 = vector.load %arg1[%get3A_35, %get3A_36] : memref<12x128xf32, #tpu.memory_space<vmem>>, vector<1x128xf32>
    %get3A_38 = vector.shape_cast %get3A_37 : vector<1x128xf32> to vector<128xf32>
    %broadcast_in_dim3A_39 = vector.shape_cast %get3A_38 : vector<128xf32> to vector<1x1x128xf32>
    %mul3A_40 = vector.broadcast %broadcast_in_dim3A_39 : vector<1x1x128xf32> to vector<97x64x128xf32>
    %mul3A_41 = arith.mulf %slice3A_34, %mul3A_40 : vector<97x64x128xf32>
    %add3A_42 = arith.addf %add3A_33, %mul3A_41 : vector<97x64x128xf32>
    %slice3A_43 = vector.extract_strided_slice %get3A_2 {offsets = [5, 0, 0], sizes = [97, 64, 128], strides = [1, 1, 1]} : vector<108x64x128xf32> to vector<97x64x128xf32>
    %get3A_44 = arith.constant 5 : index
    %get3A_45 = arith.constant 0 : index
    %get3A_46 = vector.load %arg1[%get3A_44, %get3A_45] : memref<12x128xf32, #tpu.memory_space<vmem>>, vector<1x128xf32>
    %get3A_47 = vector.shape_cast %get3A_46 : vector<1x128xf32> to vector<128xf32>
    %broadcast_in_dim3A_48 = vector.shape_cast %get3A_47 : vector<128xf32> to vector<1x1x128xf32>
    %mul3A_49 = vector.broadcast %broadcast_in_dim3A_48 : vector<1x1x128xf32> to vector<97x64x128xf32>
    %mul3A_50 = arith.mulf %slice3A_43, %mul3A_49 : vector<97x64x128xf32>
    %add3A_51 = arith.addf %add3A_42, %mul3A_50 : vector<97x64x128xf32>
    %slice3A_52 = vector.extract_strided_slice %get3A_2 {offsets = [6, 0, 0], sizes = [97, 64, 128], strides = [1, 1, 1]} : vector<108x64x128xf32> to vector<97x64x128xf32>
    %get3A_53 = arith.constant 6 : index
    %get3A_54 = arith.constant 0 : index
    %get3A_55 = vector.load %arg1[%get3A_53, %get3A_54] : memref<12x128xf32, #tpu.memory_space<vmem>>, vector<1x128xf32>
    %get3A_56 = vector.shape_cast %get3A_55 : vector<1x128xf32> to vector<128xf32>
    %broadcast_in_dim3A_57 = vector.shape_cast %get3A_56 : vector<128xf32> to vector<1x1x128xf32>
    %mul3A_58 = vector.broadcast %broadcast_in_dim3A_57 : vector<1x1x128xf32> to vector<97x64x128xf32>
    %mul3A_59 = arith.mulf %slice3A_52, %mul3A_58 : vector<97x64x128xf32>
    %add3A_60 = arith.addf %add3A_51, %mul3A_59 : vector<97x64x128xf32>
    %slice3A_61 = vector.extract_strided_slice %get3A_2 {offsets = [7, 0, 0], sizes = [97, 64, 128], strides = [1, 1, 1]} : vector<108x64x128xf32> to vector<97x64x128xf32>
    %get3A_62 = arith.constant 7 : index
    %get3A_63 = arith.constant 0 : index
    %get3A_64 = vector.load %arg1[%get3A_62, %get3A_63] : memref<12x128xf32, #tpu.memory_space<vmem>>, vector<1x128xf32>
    %get3A_65 = vector.shape_cast %get3A_64 : vector<1x128xf32> to vector<128xf32>
    %broadcast_in_dim3A_66 = vector.shape_cast %get3A_65 : vector<128xf32> to vector<1x1x128xf32>
    %mul3A_67 = vector.broadcast %broadcast_in_dim3A_66 : vector<1x1x128xf32> to vector<97x64x128xf32>
    %mul3A_68 = arith.mulf %slice3A_61, %mul3A_67 : vector<97x64x128xf32>
    %add3A_69 = arith.addf %add3A_60, %mul3A_68 : vector<97x64x128xf32>
    %slice3A_70 = vector.extract_strided_slice %get3A_2 {offsets = [8, 0, 0], sizes = [97, 64, 128], strides = [1, 1, 1]} : vector<108x64x128xf32> to vector<97x64x128xf32>
    %get3A_71 = arith.constant 8 : index
    %get3A_72 = arith.constant 0 : index
    %get3A_73 = vector.load %arg1[%get3A_71, %get3A_72] : memref<12x128xf32, #tpu.memory_space<vmem>>, vector<1x128xf32>
    %get3A_74 = vector.shape_cast %get3A_73 : vector<1x128xf32> to vector<128xf32>
    %broadcast_in_dim3A_75 = vector.shape_cast %get3A_74 : vector<128xf32> to vector<1x1x128xf32>
    %mul3A_76 = vector.broadcast %broadcast_in_dim3A_75 : vector<1x1x128xf32> to vector<97x64x128xf32>
    %mul3A_77 = arith.mulf %slice3A_70, %mul3A_76 : vector<97x64x128xf32>
    %add3A_78 = arith.addf %add3A_69, %mul3A_77 : vector<97x64x128xf32>
    %slice3A_79 = vector.extract_strided_slice %get3A_2 {offsets = [9, 0, 0], sizes = [97, 64, 128], strides = [1, 1, 1]} : vector<108x64x128xf32> to vector<97x64x128xf32>
    %get3A_80 = arith.constant 9 : index
    %get3A_81 = arith.constant 0 : index
    %get3A_82 = vector.load %arg1[%get3A_80, %get3A_81] : memref<12x128xf32, #tpu.memory_space<vmem>>, vector<1x128xf32>
    %get3A_83 = vector.shape_cast %get3A_82 : vector<1x128xf32> to vector<128xf32>
    %broadcast_in_dim3A_84 = vector.shape_cast %get3A_83 : vector<128xf32> to vector<1x1x128xf32>
    %mul3A_85 = vector.broadcast %broadcast_in_dim3A_84 : vector<1x1x128xf32> to vector<97x64x128xf32>
    %mul3A_86 = arith.mulf %slice3A_79, %mul3A_85 : vector<97x64x128xf32>
    %add3A_87 = arith.addf %add3A_78, %mul3A_86 : vector<97x64x128xf32>
    %slice3A_88 = vector.extract_strided_slice %get3A_2 {offsets = [10, 0, 0], sizes = [97, 64, 128], strides = [1, 1, 1]} : vector<108x64x128xf32> to vector<97x64x128xf32>
    %get3A_89 = arith.constant 10 : index
    %get3A_90 = arith.constant 0 : index
    %get3A_91 = vector.load %arg1[%get3A_89, %get3A_90] : memref<12x128xf32, #tpu.memory_space<vmem>>, vector<1x128xf32>
    %get3A_92 = vector.shape_cast %get3A_91 : vector<1x128xf32> to vector<128xf32>
    %broadcast_in_dim3A_93 = vector.shape_cast %get3A_92 : vector<128xf32> to vector<1x1x128xf32>
    %mul3A_94 = vector.broadcast %broadcast_in_dim3A_93 : vector<1x1x128xf32> to vector<97x64x128xf32>
    %mul3A_95 = arith.mulf %slice3A_88, %mul3A_94 : vector<97x64x128xf32>
    %add3A_96 = arith.addf %add3A_87, %mul3A_95 : vector<97x64x128xf32>
    %slice3A_97 = vector.extract_strided_slice %get3A_2 {offsets = [11, 0, 0], sizes = [97, 64, 128], strides = [1, 1, 1]} : vector<108x64x128xf32> to vector<97x64x128xf32>
    %get3A_98 = arith.constant 11 : index
    %get3A_99 = arith.constant 0 : index
    %get3A_100 = vector.load %arg1[%get3A_98, %get3A_99] : memref<12x128xf32, #tpu.memory_space<vmem>>, vector<1x128xf32>
    %get3A_101 = vector.shape_cast %get3A_100 : vector<1x128xf32> to vector<128xf32>
    %broadcast_in_dim3A_102 = vector.shape_cast %get3A_101 : vector<128xf32> to vector<1x1x128xf32>
    %mul3A_103 = vector.broadcast %broadcast_in_dim3A_102 : vector<1x1x128xf32> to vector<97x64x128xf32>
    %mul3A_104 = arith.mulf %slice3A_97, %mul3A_103 : vector<97x64x128xf32>
    %add3A_105 = arith.addf %add3A_96, %mul3A_104 : vector<97x64x128xf32>
    %get3A_106 = arith.constant 0 : index
    %get3A_107 = arith.constant 0 : index
    %get3A_108 = vector.load %arg2[%get3A_106, %get3A_107] : memref<1x128xf32, #tpu.memory_space<vmem>>, vector<1x128xf32>
    %get3A_109 = vector.shape_cast %get3A_108 : vector<1x128xf32> to vector<128xf32>
    %broadcast_in_dim3A_110 = vector.shape_cast %get3A_109 : vector<128xf32> to vector<1x1x128xf32>
    %add3A_111 = vector.broadcast %broadcast_in_dim3A_110 : vector<1x1x128xf32> to vector<97x64x128xf32>
    %add3A_112 = arith.addf %add3A_105, %add3A_111 : vector<97x64x128xf32>
    %mul3A_113 = arith.constant 5.000000e-01 : f32
    %mul3A_114 = vector.broadcast %mul3A_113 : f32 to vector<97x64x128xf32>
    %mul3A_115 = arith.mulf %mul3A_114, %add3A_112 : vector<97x64x128xf32>
    %mul3A_116 = arith.constant 0.707106769 : f32
    %mul3A_117 = vector.broadcast %mul3A_116 : f32 to vector<97x64x128xf32>
    %mul3A_118 = arith.mulf %add3A_112, %mul3A_117 : vector<97x64x128xf32>
    %erf3A = math.erf %mul3A_118 : vector<97x64x128xf32>
    %add3A_119 = arith.constant 1.000000e+00 : f32
    %add3A_120 = vector.broadcast %add3A_119 : f32 to vector<97x64x128xf32>
    %add3A_121 = arith.addf %add3A_120, %erf3A : vector<97x64x128xf32>
    %mul3A_122 = arith.mulf %mul3A_115, %add3A_121 : vector<97x64x128xf32>
    %reshape3A = vector.shape_cast %mul3A_122 : vector<97x64x128xf32> to vector<6208x128xf32>
    %transpose3A = tpu.transpose %reshape3A, [1, 0] : vector<6208x128xf32> -> vector<128x6208xf32>
    %swap3A = arith.constant 0 : index
    %swap3A_123 = arith.constant 0 : index
    %swap3A_124 = vector.load %arg3[%swap3A, %swap3A_123] : memref<128x6208xf32, #tpu.memory_space<vmem>>, vector<128x6208xf32>
    tpu.vector_store %arg3[%swap3A, %swap3A_123], %transpose3A {strides = array<i32>} : memref<128x6208xf32, #tpu.memory_space<vmem>>, vector<128x6208xf32>,
    return
  }
}

module attributes {stable_mosaic.version = 14 : i64} {
  func.func @_pw_kernel(%arg0: i32, %arg1: memref<512x128xf32, #tpu.memory_space<vmem>>, %arg2: memref<512x1xf32, #tpu.memory_space<vmem>>, %arg3: memref<128x6208xf32, #tpu.memory_space<vmem>>, %arg4: memref<128x1xf32, #tpu.memory_space<vmem>>, %arg5: memref<128x1xf32, #tpu.memory_space<vmem>>, %arg6: memref<512x64xf32, #tpu.memory_space<vmem>>, %arg7: memref<64x512xf32, #tpu.memory_space<vmem>>) attributes {dimension_semantics = [#tpu.dimension_semantics<arbitrary>], iteration_bounds = array<i64: 32>, scalar_prefetch = 0 : i64, scratch_operands = 0 : i64, tpu.core_type = #tpu.core_type<tc>, window_params = [{transform_indices = @transform_0, window_bounds = array<i64: 512, 128>}, {transform_indices = @transform_1, window_bounds = array<i64: 512, 1>}, {pipeline_mode = #tpu.pipeline_mode<synchronous>, transform_indices = @transform_2, window_bounds = array<i64: 128, 6208>}, {pipeline_mode = #tpu.pipeline_mode<synchronous>, transform_indices = @transform_3, window_bounds = array<i64: 128, 1>}, {pipeline_mode = #tpu.pipeline_mode<synchronous>, transform_indices = @transform_4, window_bounds = array<i64: 128, 1>}, {transform_indices = @transform_5, window_bounds = array<i64: 512, 64>}, {transform_indices = @transform_6, window_bounds = array<i64: 64, 512>}]} {
    %get3A = arith.constant 0 : index
    %get3A_0 = arith.constant 0 : index
    %get3A_1 = vector.load %arg1[%get3A, %get3A_0] : memref<512x128xf32, #tpu.memory_space<vmem>>, vector<512x128xf32>
    %get3A_2 = arith.constant 0 : index
    %get3A_3 = arith.constant 0 : index
    %get3A_4 = vector.load %arg3[%get3A_2, %get3A_3] : memref<128x6208xf32, #tpu.memory_space<vmem>>, vector<128x6208xf32>
    %dot_general3A = arith.constant dense<0.000000e+00> : vector<512x6208xf32>
    %dot_general3A_5 = tpu.matmul %get3A_1, %get3A_4, %dot_general3A {dimension_numbers = #tpu.dot_dimension_numbers<[1], [0], [0], [1], [0, 0, 1, 1], [], []>, transpose_lhs_hint = false} : vector<512x128xf32>, vector<128x6208xf32>, vector<512x6208xf32> -> vector<512x6208xf32>
    %get3A_6 = arith.constant 0 : index
    %get3A_7 = arith.constant 0 : index
    %get3A_8 = vector.load %arg2[%get3A_6, %get3A_7] : memref<512x1xf32, #tpu.memory_space<vmem>>, vector<512x1xf32>
    %add3A = vector.broadcast %get3A_8 : vector<512x1xf32> to vector<512x6208xf32>
    %add3A_9 = arith.addf %dot_general3A_5, %add3A : vector<512x6208xf32>
    %mul3A = arith.constant 5.000000e-01 : f32
    %mul3A_10 = vector.broadcast %mul3A : f32 to vector<512x6208xf32>
    %mul3A_11 = arith.mulf %mul3A_10, %add3A_9 : vector<512x6208xf32>
    %mul3A_12 = arith.constant 0.707106769 : f32
    %mul3A_13 = vector.broadcast %mul3A_12 : f32 to vector<512x6208xf32>
    %mul3A_14 = arith.mulf %add3A_9, %mul3A_13 : vector<512x6208xf32>
    %erf3A = math.erf %mul3A_14 : vector<512x6208xf32>
    %add3A_15 = arith.constant 1.000000e+00 : f32
    %add3A_16 = vector.broadcast %add3A_15 : f32 to vector<512x6208xf32>
    %add3A_17 = arith.addf %add3A_16, %erf3A : vector<512x6208xf32>
    %mul3A_18 = arith.mulf %mul3A_11, %add3A_17 : vector<512x6208xf32>
    %slice3A = vector.extract_strided_slice %mul3A_18 {offsets = [0, 0], sizes = [512, 128], strides = [1, 1]} : vector<512x6208xf32> to vector<512x128xf32>
    %slice3A_19 = vector.extract_strided_slice %mul3A_18 {offsets = [0, 128], sizes = [512, 128], strides = [1, 1]} : vector<512x6208xf32> to vector<512x128xf32>
    %add3A_20 = arith.addf %slice3A, %slice3A_19 : vector<512x128xf32>
    %slice3A_21 = vector.extract_strided_slice %mul3A_18 {offsets = [0, 256], sizes = [512, 128], strides = [1, 1]} : vector<512x6208xf32> to vector<512x128xf32>
    %add3A_22 = arith.addf %add3A_20, %slice3A_21 : vector<512x128xf32>
    %slice3A_23 = vector.extract_strided_slice %mul3A_18 {offsets = [0, 384], sizes = [512, 128], strides = [1, 1]} : vector<512x6208xf32> to vector<512x128xf32>
    %add3A_24 = arith.addf %add3A_22, %slice3A_23 : vector<512x128xf32>
    %slice3A_25 = vector.extract_strided_slice %mul3A_18 {offsets = [0, 512], sizes = [512, 128], strides = [1, 1]} : vector<512x6208xf32> to vector<512x128xf32>
    %add3A_26 = arith.addf %add3A_24, %slice3A_25 : vector<512x128xf32>
    %slice3A_27 = vector.extract_strided_slice %mul3A_18 {offsets = [0, 640], sizes = [512, 128], strides = [1, 1]} : vector<512x6208xf32> to vector<512x128xf32>
    %add3A_28 = arith.addf %add3A_26, %slice3A_27 : vector<512x128xf32>
    %slice3A_29 = vector.extract_strided_slice %mul3A_18 {offsets = [0, 768], sizes = [512, 128], strides = [1, 1]} : vector<512x6208xf32> to vector<512x128xf32>
    %add3A_30 = arith.addf %add3A_28, %slice3A_29 : vector<512x128xf32>
    %slice3A_31 = vector.extract_strided_slice %mul3A_18 {offsets = [0, 896], sizes = [512, 128], strides = [1, 1]} : vector<512x6208xf32> to vector<512x128xf32>
    %add3A_32 = arith.addf %add3A_30, %slice3A_31 : vector<512x128xf32>
    %slice3A_33 = vector.extract_strided_slice %mul3A_18 {offsets = [0, 1024], sizes = [512, 128], strides = [1, 1]} : vector<512x6208xf32> to vector<512x128xf32>
    %add3A_34 = arith.addf %add3A_32, %slice3A_33 : vector<512x128xf32>
    %slice3A_35 = vector.extract_strided_slice %mul3A_18 {offsets = [0, 1152], sizes = [512, 128], strides = [1, 1]} : vector<512x6208xf32> to vector<512x128xf32>
    %add3A_36 = arith.addf %add3A_34, %slice3A_35 : vector<512x128xf32>
    %slice3A_37 = vector.extract_strided_slice %mul3A_18 {offsets = [0, 1280], sizes = [512, 128], strides = [1, 1]} : vector<512x6208xf32> to vector<512x128xf32>
    %add3A_38 = arith.addf %add3A_36, %slice3A_37 : vector<512x128xf32>
    %slice3A_39 = vector.extract_strided_slice %mul3A_18 {offsets = [0, 1408], sizes = [512, 128], strides = [1, 1]} : vector<512x6208xf32> to vector<512x128xf32>
    %add3A_40 = arith.addf %add3A_38, %slice3A_39 : vector<512x128xf32>
    %slice3A_41 = vector.extract_strided_slice %mul3A_18 {offsets = [0, 1536], sizes = [512, 128], strides = [1, 1]} : vector<512x6208xf32> to vector<512x128xf32>
    %add3A_42 = arith.addf %add3A_40, %slice3A_41 : vector<512x128xf32>
    %slice3A_43 = vector.extract_strided_slice %mul3A_18 {offsets = [0, 1664], sizes = [512, 128], strides = [1, 1]} : vector<512x6208xf32> to vector<512x128xf32>
    %add3A_44 = arith.addf %add3A_42, %slice3A_43 : vector<512x128xf32>
    %slice3A_45 = vector.extract_strided_slice %mul3A_18 {offsets = [0, 1792], sizes = [512, 128], strides = [1, 1]} : vector<512x6208xf32> to vector<512x128xf32>
    %add3A_46 = arith.addf %add3A_44, %slice3A_45 : vector<512x128xf32>
    %slice3A_47 = vector.extract_strided_slice %mul3A_18 {offsets = [0, 1920], sizes = [512, 128], strides = [1, 1]} : vector<512x6208xf32> to vector<512x128xf32>
    %add3A_48 = arith.addf %add3A_46, %slice3A_47 : vector<512x128xf32>
    %slice3A_49 = vector.extract_strided_slice %mul3A_18 {offsets = [0, 2048], sizes = [512, 128], strides = [1, 1]} : vector<512x6208xf32> to vector<512x128xf32>
    %add3A_50 = arith.addf %add3A_48, %slice3A_49 : vector<512x128xf32>
    %slice3A_51 = vector.extract_strided_slice %mul3A_18 {offsets = [0, 2176], sizes = [512, 128], strides = [1, 1]} : vector<512x6208xf32> to vector<512x128xf32>
    %add3A_52 = arith.addf %add3A_50, %slice3A_51 : vector<512x128xf32>
    %slice3A_53 = vector.extract_strided_slice %mul3A_18 {offsets = [0, 2304], sizes = [512, 128], strides = [1, 1]} : vector<512x6208xf32> to vector<512x128xf32>
    %add3A_54 = arith.addf %add3A_52, %slice3A_53 : vector<512x128xf32>
    %slice3A_55 = vector.extract_strided_slice %mul3A_18 {offsets = [0, 2432], sizes = [512, 128], strides = [1, 1]} : vector<512x6208xf32> to vector<512x128xf32>
    %add3A_56 = arith.addf %add3A_54, %slice3A_55 : vector<512x128xf32>
    %slice3A_57 = vector.extract_strided_slice %mul3A_18 {offsets = [0, 2560], sizes = [512, 128], strides = [1, 1]} : vector<512x6208xf32> to vector<512x128xf32>
    %add3A_58 = arith.addf %add3A_56, %slice3A_57 : vector<512x128xf32>
    %slice3A_59 = vector.extract_strided_slice %mul3A_18 {offsets = [0, 2688], sizes = [512, 128], strides = [1, 1]} : vector<512x6208xf32> to vector<512x128xf32>
    %add3A_60 = arith.addf %add3A_58, %slice3A_59 : vector<512x128xf32>
    %slice3A_61 = vector.extract_strided_slice %mul3A_18 {offsets = [0, 2816], sizes = [512, 128], strides = [1, 1]} : vector<512x6208xf32> to vector<512x128xf32>
    %add3A_62 = arith.addf %add3A_60, %slice3A_61 : vector<512x128xf32>
    %slice3A_63 = vector.extract_strided_slice %mul3A_18 {offsets = [0, 2944], sizes = [512, 128], strides = [1, 1]} : vector<512x6208xf32> to vector<512x128xf32>
    %add3A_64 = arith.addf %add3A_62, %slice3A_63 : vector<512x128xf32>
    %slice3A_65 = vector.extract_strided_slice %mul3A_18 {offsets = [0, 3072], sizes = [512, 128], strides = [1, 1]} : vector<512x6208xf32> to vector<512x128xf32>
    %add3A_66 = arith.addf %add3A_64, %slice3A_65 : vector<512x128xf32>
    %slice3A_67 = vector.extract_strided_slice %mul3A_18 {offsets = [0, 3200], sizes = [512, 128], strides = [1, 1]} : vector<512x6208xf32> to vector<512x128xf32>
    %add3A_68 = arith.addf %add3A_66, %slice3A_67 : vector<512x128xf32>
    %slice3A_69 = vector.extract_strided_slice %mul3A_18 {offsets = [0, 3328], sizes = [512, 128], strides = [1, 1]} : vector<512x6208xf32> to vector<512x128xf32>
    %add3A_70 = arith.addf %add3A_68, %slice3A_69 : vector<512x128xf32>
    %slice3A_71 = vector.extract_strided_slice %mul3A_18 {offsets = [0, 3456], sizes = [512, 128], strides = [1, 1]} : vector<512x6208xf32> to vector<512x128xf32>
    %add3A_72 = arith.addf %add3A_70, %slice3A_71 : vector<512x128xf32>
    %slice3A_73 = vector.extract_strided_slice %mul3A_18 {offsets = [0, 3584], sizes = [512, 128], strides = [1, 1]} : vector<512x6208xf32> to vector<512x128xf32>
    %add3A_74 = arith.addf %add3A_72, %slice3A_73 : vector<512x128xf32>
    %slice3A_75 = vector.extract_strided_slice %mul3A_18 {offsets = [0, 3712], sizes = [512, 128], strides = [1, 1]} : vector<512x6208xf32> to vector<512x128xf32>
    %add3A_76 = arith.addf %add3A_74, %slice3A_75 : vector<512x128xf32>
    %slice3A_77 = vector.extract_strided_slice %mul3A_18 {offsets = [0, 3840], sizes = [512, 128], strides = [1, 1]} : vector<512x6208xf32> to vector<512x128xf32>
    %add3A_78 = arith.addf %add3A_76, %slice3A_77 : vector<512x128xf32>
    %slice3A_79 = vector.extract_strided_slice %mul3A_18 {offsets = [0, 3968], sizes = [512, 128], strides = [1, 1]} : vector<512x6208xf32> to vector<512x128xf32>
    %add3A_80 = arith.addf %add3A_78, %slice3A_79 : vector<512x128xf32>
    %slice3A_81 = vector.extract_strided_slice %mul3A_18 {offsets = [0, 4096], sizes = [512, 128], strides = [1, 1]} : vector<512x6208xf32> to vector<512x128xf32>
    %add3A_82 = arith.addf %add3A_80, %slice3A_81 : vector<512x128xf32>
    %slice3A_83 = vector.extract_strided_slice %mul3A_18 {offsets = [0, 4224], sizes = [512, 128], strides = [1, 1]} : vector<512x6208xf32> to vector<512x128xf32>
    %add3A_84 = arith.addf %add3A_82, %slice3A_83 : vector<512x128xf32>
    %slice3A_85 = vector.extract_strided_slice %mul3A_18 {offsets = [0, 4352], sizes = [512, 128], strides = [1, 1]} : vector<512x6208xf32> to vector<512x128xf32>
    %add3A_86 = arith.addf %add3A_84, %slice3A_85 : vector<512x128xf32>
    %slice3A_87 = vector.extract_strided_slice %mul3A_18 {offsets = [0, 4480], sizes = [512, 128], strides = [1, 1]} : vector<512x6208xf32> to vector<512x128xf32>
    %add3A_88 = arith.addf %add3A_86, %slice3A_87 : vector<512x128xf32>
    %slice3A_89 = vector.extract_strided_slice %mul3A_18 {offsets = [0, 4608], sizes = [512, 128], strides = [1, 1]} : vector<512x6208xf32> to vector<512x128xf32>
    %add3A_90 = arith.addf %add3A_88, %slice3A_89 : vector<512x128xf32>
    %slice3A_91 = vector.extract_strided_slice %mul3A_18 {offsets = [0, 4736], sizes = [512, 128], strides = [1, 1]} : vector<512x6208xf32> to vector<512x128xf32>
    %add3A_92 = arith.addf %add3A_90, %slice3A_91 : vector<512x128xf32>
    %slice3A_93 = vector.extract_strided_slice %mul3A_18 {offsets = [0, 4864], sizes = [512, 128], strides = [1, 1]} : vector<512x6208xf32> to vector<512x128xf32>
    %add3A_94 = arith.addf %add3A_92, %slice3A_93 : vector<512x128xf32>
    %slice3A_95 = vector.extract_strided_slice %mul3A_18 {offsets = [0, 4992], sizes = [512, 128], strides = [1, 1]} : vector<512x6208xf32> to vector<512x128xf32>
    %add3A_96 = arith.addf %add3A_94, %slice3A_95 : vector<512x128xf32>
    %slice3A_97 = vector.extract_strided_slice %mul3A_18 {offsets = [0, 5120], sizes = [512, 128], strides = [1, 1]} : vector<512x6208xf32> to vector<512x128xf32>
    %add3A_98 = arith.addf %add3A_96, %slice3A_97 : vector<512x128xf32>
    %slice3A_99 = vector.extract_strided_slice %mul3A_18 {offsets = [0, 5248], sizes = [512, 128], strides = [1, 1]} : vector<512x6208xf32> to vector<512x128xf32>
    %add3A_100 = arith.addf %add3A_98, %slice3A_99 : vector<512x128xf32>
    %slice3A_101 = vector.extract_strided_slice %mul3A_18 {offsets = [0, 5376], sizes = [512, 128], strides = [1, 1]} : vector<512x6208xf32> to vector<512x128xf32>
    %add3A_102 = arith.addf %add3A_100, %slice3A_101 : vector<512x128xf32>
    %slice3A_103 = vector.extract_strided_slice %mul3A_18 {offsets = [0, 5504], sizes = [512, 128], strides = [1, 1]} : vector<512x6208xf32> to vector<512x128xf32>
    %add3A_104 = arith.addf %add3A_102, %slice3A_103 : vector<512x128xf32>
    %slice3A_105 = vector.extract_strided_slice %mul3A_18 {offsets = [0, 5632], sizes = [512, 128], strides = [1, 1]} : vector<512x6208xf32> to vector<512x128xf32>
    %add3A_106 = arith.addf %add3A_104, %slice3A_105 : vector<512x128xf32>
    %slice3A_107 = vector.extract_strided_slice %mul3A_18 {offsets = [0, 5760], sizes = [512, 128], strides = [1, 1]} : vector<512x6208xf32> to vector<512x128xf32>
    %add3A_108 = arith.addf %add3A_106, %slice3A_107 : vector<512x128xf32>
    %slice3A_109 = vector.extract_strided_slice %mul3A_18 {offsets = [0, 5888], sizes = [512, 128], strides = [1, 1]} : vector<512x6208xf32> to vector<512x128xf32>
    %add3A_110 = arith.addf %add3A_108, %slice3A_109 : vector<512x128xf32>
    %slice3A_111 = vector.extract_strided_slice %mul3A_18 {offsets = [0, 6016], sizes = [512, 128], strides = [1, 1]} : vector<512x6208xf32> to vector<512x128xf32>
    %add3A_112 = arith.addf %add3A_110, %slice3A_111 : vector<512x128xf32>
    %slice3A_113 = vector.extract_strided_slice %add3A_112 {offsets = [0, 0], sizes = [512, 64], strides = [1, 1]} : vector<512x128xf32> to vector<512x64xf32>
    %slice3A_114 = vector.extract_strided_slice %add3A_112 {offsets = [0, 64], sizes = [512, 64], strides = [1, 1]} : vector<512x128xf32> to vector<512x64xf32>
    %add3A_115 = arith.addf %slice3A_113, %slice3A_114 : vector<512x64xf32>
    %slice3A_116 = vector.extract_strided_slice %mul3A_18 {offsets = [0, 6144], sizes = [512, 64], strides = [1, 1]} : vector<512x6208xf32> to vector<512x64xf32>
    %add3A_117 = arith.addf %add3A_115, %slice3A_116 : vector<512x64xf32>
    %div3A = arith.constant 9.700000e+01 : f32
    %div3A_118 = vector.broadcast %div3A : f32 to vector<512x64xf32>
    %div3A_119 = arith.divf %add3A_117, %div3A_118 : vector<512x64xf32>
    %reshape3A = vector.shape_cast %div3A_119 : vector<512x64xf32> to vector<4x128x64xf32>
    %reduce_sum3A = arith.constant dense<0.000000e+00> : vector<4x64xf32>
    %reduce_sum3A_120 = vector.multi_reduction <add>, %reshape3A, %reduce_sum3A [1] : vector<4x128x64xf32> to vector<4x64xf32>
    %broadcast_in_dim3A = vector.shape_cast %reduce_sum3A_120 : vector<4x64xf32> to vector<4x1x64xf32>
    %div3A_121 = arith.constant 1.280000e+02 : f32
    %div3A_122 = vector.broadcast %div3A_121 : f32 to vector<4x1x64xf32>
    %div3A_123 = arith.divf %broadcast_in_dim3A, %div3A_122 : vector<4x1x64xf32>
    %sub3A = vector.broadcast %div3A_123 : vector<4x1x64xf32> to vector<4x128x64xf32>
    %sub3A_124 = arith.subf %reshape3A, %sub3A : vector<4x128x64xf32>
    %integer_pow3A = arith.mulf %sub3A_124, %sub3A_124 : vector<4x128x64xf32>
    %reduce_sum3A_125 = arith.constant dense<0.000000e+00> : vector<4x64xf32>
    %reduce_sum3A_126 = vector.multi_reduction <add>, %integer_pow3A, %reduce_sum3A_125 [1] : vector<4x128x64xf32> to vector<4x64xf32>
    %broadcast_in_dim3A_127 = vector.shape_cast %reduce_sum3A_126 : vector<4x64xf32> to vector<4x1x64xf32>
    %div3A_128 = arith.constant 1.280000e+02 : f32
    %div3A_129 = vector.broadcast %div3A_128 : f32 to vector<4x1x64xf32>
    %div3A_130 = arith.divf %broadcast_in_dim3A_127, %div3A_129 : vector<4x1x64xf32>
    %sub3A_131 = vector.broadcast %div3A_123 : vector<4x1x64xf32> to vector<4x128x64xf32>
    %sub3A_132 = arith.subf %reshape3A, %sub3A_131 : vector<4x128x64xf32>
    %add3A_133 = arith.constant 9.99999974E-6 : f32
    %add3A_134 = vector.broadcast %add3A_133 : f32 to vector<4x1x64xf32>
    %add3A_135 = arith.addf %div3A_130, %add3A_134 : vector<4x1x64xf32>
    %sqrt3A = math.sqrt %add3A_135 : vector<4x1x64xf32>
    %div3A_136 = vector.broadcast %sqrt3A : vector<4x1x64xf32> to vector<4x128x64xf32>
    %div3A_137 = arith.divf %sub3A_132, %div3A_136 : vector<4x128x64xf32>
    %get3A_138 = arith.constant 0 : index
    %get3A_139 = arith.constant 0 : index
    %get3A_140 = vector.load %arg4[%get3A_138, %get3A_139] : memref<128x1xf32, #tpu.memory_space<vmem>>, vector<128x1xf32>
    %broadcast_in_dim3A_141 = vector.shape_cast %get3A_140 : vector<128x1xf32> to vector<1x128x1xf32>
    %mul3A_142 = vector.broadcast %broadcast_in_dim3A_141 : vector<1x128x1xf32> to vector<4x128x64xf32>
    %mul3A_143 = arith.mulf %div3A_137, %mul3A_142 : vector<4x128x64xf32>
    %get3A_144 = arith.constant 0 : index
    %get3A_145 = arith.constant 0 : index
    %get3A_146 = vector.load %arg5[%get3A_144, %get3A_145] : memref<128x1xf32, #tpu.memory_space<vmem>>, vector<128x1xf32>
    %broadcast_in_dim3A_147 = vector.shape_cast %get3A_146 : vector<128x1xf32> to vector<1x128x1xf32>
    %add3A_148 = vector.broadcast %broadcast_in_dim3A_147 : vector<1x128x1xf32> to vector<4x128x64xf32>
    %add3A_149 = arith.addf %mul3A_143, %add3A_148 : vector<4x128x64xf32>
    %reshape3A_150 = vector.shape_cast %add3A_149 : vector<4x128x64xf32> to vector<512x64xf32>
    %swap3A = arith.constant 0 : index
    %swap3A_151 = arith.constant 0 : index
    %swap3A_152 = vector.load %arg6[%swap3A, %swap3A_151] : memref<512x64xf32, #tpu.memory_space<vmem>>, vector<512x64xf32>
    tpu.vector_store %arg6[%swap3A, %swap3A_151], %reshape3A_150 {strides = array<i32>} : memref<512x64xf32, #tpu.memory_space<vmem>>, vector<512x64xf32>,
    %transpose3A = tpu.transpose %reshape3A_150, [1, 0] : vector<512x64xf32> -> vector<64x512xf32>
    %swap3A_153 = arith.constant 0 : index
    %swap3A_154 = arith.constant 0 : index
    %swap3A_155 = vector.load %arg7[%swap3A_153, %swap3A_154] : memref<64x512xf32, #tpu.memory_space<vmem>>, vector<64x512xf32>
    tpu.vector_store %arg7[%swap3A_153, %swap3A_154], %transpose3A {strides = array<i32>} : memref<64x512xf32, #tpu.memory_space<vmem>>, vector<64x512xf32>,
    return
  }
  func.func @transform_0(%arg0: i32) -> (i32, i32) {
    %c0_i32 = arith.constant 0 : i32
    %c0_i32_0 = arith.constant 0 : i32
    return %arg0, %c0_i32 : i32, i32
  }
  func.func @transform_1(%arg0: i32) -> (i32, i32) {
    %c0_i32 = arith.constant 0 : i32
    %c0_i32_0 = arith.constant 0 : i32
    return %arg0, %c0_i32 : i32, i32
  }
  func.func @transform_2(%arg0: i32) -> (i32, i32) {
    %c0_i32 = arith.constant 0 : i32
    %c0_i32_0 = arith.constant 0 : i32
    %c0_i32_1 = arith.constant 0 : i32
    return %c0_i32, %c0_i32_0 : i32, i32
  }
  func.func @transform_3(%arg0: i32) -> (i32, i32) {
    %c0_i32 = arith.constant 0 : i32
    %c0_i32_0 = arith.constant 0 : i32
    %c0_i32_1 = arith.constant 0 : i32
    return %c0_i32, %c0_i32_0 : i32, i32
  }
  func.func @transform_4(%arg0: i32) -> (i32, i32) {
    %c0_i32 = arith.constant 0 : i32
    %c0_i32_0 = arith.constant 0 : i32
    %c0_i32_1 = arith.constant 0 : i32
    return %c0_i32, %c0_i32_0 : i32, i32
  }
  func.func @transform_5(%arg0: i32) -> (i32, i32) {
    %c0_i32 = arith.constant 0 : i32
    %c0_i32_0 = arith.constant 0 : i32
    return %arg0, %c0_i32 : i32, i32
  }
  func.func @transform_6(%arg0: i32) -> (i32, i32) {
    %c0_i32 = arith.constant 0 : i32
    %c0_i32_0 = arith.constant 0 : i32
    return %c0_i32, %arg0 : i32, i32
  }
}

module attributes {stable_mosaic.version = 14 : i64} {
  func.func @_sim_topk_kernel(%arg0: i32, %arg1: memref<1x64xi32, #tpu.memory_space<vmem>>, %arg2: memref<1x64xf32, #tpu.memory_space<vmem>>, %arg3: memref<128x16384xf32, #tpu.memory_space<vmem>>, %arg4: memref<128x1xi32, #tpu.memory_space<vmem>>, %arg5: memref<128x1xf32, #tpu.memory_space<vmem>>, %arg6: memref<16384x64xf32, #tpu.memory_space<vmem>>, %arg7: memref<8x64xi32, #tpu.memory_space<vmem>>, %arg8: memref<16384x64xf32, #tpu.memory_space<vmem>>, %arg9: memref<10x128x64xf32, #tpu.memory_space<vmem>>) attributes {dimension_semantics = [#tpu.dimension_semantics<arbitrary>], iteration_bounds = array<i64: 10>, scalar_prefetch = 0 : i64, scratch_operands = 2 : i64, tpu.core_type = #tpu.core_type<tc>, window_params = [{pipeline_mode = #tpu.pipeline_mode<synchronous>, transform_indices = @transform_0, window_bounds = array<i64: 1, 64>}, {pipeline_mode = #tpu.pipeline_mode<synchronous>, transform_indices = @transform_1, window_bounds = array<i64: 1, 64>}, {transform_indices = @transform_2, window_bounds = array<i64: 128, 16384>}, {transform_indices = @transform_3, window_bounds = array<i64: 128, 1>}, {transform_indices = @transform_4, window_bounds = array<i64: 128, 1>}, {pipeline_mode = #tpu.pipeline_mode<synchronous>, transform_indices = @transform_5, window_bounds = array<i64: 16384, 64>}, {pipeline_mode = #tpu.pipeline_mode<synchronous>, transform_indices = @transform_6, window_bounds = array<i64: 8, 64>}]} {
    %eq3A = arith.constant 0 : i32
    %eq3A_0 = arith.cmpi eq, %arg0, %eq3A : i32
    %convert_element_type3A = arith.extui %eq3A_0 : i1 to i32
    %cond3A = arith.constant 0 : i32
    %cond3A_1 = arith.cmpi ne, %convert_element_type3A, %cond3A : i32
    scf.if %cond3A_1 {
      %get3A_63 = arith.constant 0 : index
      %get3A_64 = arith.constant 0 : index
      %get3A_65 = vector.load %arg6[%get3A_63, %get3A_64] : memref<16384x64xf32, #tpu.memory_space<vmem>>, vector<16384x64xf32>
      %mul3A_66 = arith.mulf %get3A_65, %get3A_65 : vector<16384x64xf32>
      %reduce_sum3A_67 = arith.constant dense<0.000000e+00> : vector<64xf32>
      %reduce_sum3A_68 = vector.multi_reduction <add>, %mul3A_66, %reduce_sum3A_67 [0] : vector<16384x64xf32> to vector<64xf32>
      %broadcast_in_dim3A_69 = vector.shape_cast %reduce_sum3A_68 : vector<64xf32> to vector<1x64xf32>
      %sqrt3A_70 = math.sqrt %broadcast_in_dim3A_69 : vector<1x64xf32>
      %max3A_71 = arith.constant 9.99999996E-13 : f32
      %max3A_72 = vector.broadcast %max3A_71 : f32 to vector<1x64xf32>
      %max3A_73 = arith.maximumf %sqrt3A_70, %max3A_72 : vector<1x64xf32>
      %div3A_74 = vector.broadcast %max3A_73 : vector<1x64xf32> to vector<16384x64xf32>
      %div3A_75 = arith.divf %get3A_65, %div3A_74 : vector<16384x64xf32>
      %swap3A_76 = arith.constant 0 : index
      %swap3A_77 = arith.constant 0 : index
      %swap3A_78 = vector.load %arg8[%swap3A_76, %swap3A_77] : memref<16384x64xf32, #tpu.memory_space<vmem>>, vector<16384x64xf32>
      tpu.vector_store %arg8[%swap3A_76, %swap3A_77], %div3A_75 {strides = array<i32>} : memref<16384x64xf32, #tpu.memory_space<vmem>>, vector<16384x64xf32>,
    } else {
    }
    %get3A = arith.constant 0 : index
    %get3A_2 = arith.constant 0 : index
    %get3A_3 = vector.load %arg3[%get3A, %get3A_2] : memref<128x16384xf32, #tpu.memory_space<vmem>>, vector<128x16384xf32>
    %mul3A = arith.mulf %get3A_3, %get3A_3 : vector<128x16384xf32>
    %reduce_sum3A = arith.constant dense<0.000000e+00> : vector<128xf32>
    %reduce_sum3A_4 = vector.multi_reduction <add>, %mul3A, %reduce_sum3A [1] : vector<128x16384xf32> to vector<128xf32>
    %broadcast_in_dim3A = vector.shape_cast %reduce_sum3A_4 : vector<128xf32> to vector<128x1xf32>
    %sqrt3A = math.sqrt %broadcast_in_dim3A : vector<128x1xf32>
    %max3A = arith.constant 9.99999996E-13 : f32
    %max3A_5 = vector.broadcast %max3A : f32 to vector<128x1xf32>
    %max3A_6 = arith.maximumf %sqrt3A, %max3A_5 : vector<128x1xf32>
    %div3A = vector.broadcast %max3A_6 : vector<128x1xf32> to vector<128x16384xf32>
    %div3A_7 = arith.divf %get3A_3, %div3A : vector<128x16384xf32>
    %get3A_8 = arith.constant 0 : index
    %get3A_9 = arith.constant 0 : index
    %get3A_10 = vector.load %arg8[%get3A_8, %get3A_9] : memref<16384x64xf32, #tpu.memory_space<vmem>>, vector<16384x64xf32>
    %dot_general3A = arith.constant dense<0.000000e+00> : vector<128x64xf32>
    %dot_general3A_11 = tpu.matmul %div3A_7, %get3A_10, %dot_general3A {dimension_numbers = #tpu.dot_dimension_numbers<[1], [0], [0], [1], [0, 0, 1, 1], [], []>, transpose_lhs_hint = false} : vector<128x16384xf32>, vector<16384x64xf32>, vector<128x64xf32> -> vector<128x64xf32>
    %get3A_12 = arith.constant 0 : index
    %get3A_13 = arith.constant 0 : index
    %get3A_14 = vector.load %arg1[%get3A_12, %get3A_13] : memref<1x64xi32, #tpu.memory_space<vmem>>, vector<1x64xi32>
    %get3A_15 = arith.constant 0 : index
    %get3A_16 = arith.constant 0 : index
    %get3A_17 = vector.load %arg4[%get3A_15, %get3A_16] : memref<128x1xi32, #tpu.memory_space<vmem>>, vector<128x1xi32>
    %eq3A_18 = vector.broadcast %get3A_14 : vector<1x64xi32> to vector<128x64xi32>
    %eq3A_19 = vector.broadcast %get3A_17 : vector<128x1xi32> to vector<128x64xi32>
    %eq3A_20 = arith.cmpi eq, %eq3A_18, %eq3A_19 : vector<128x64xi32>
    %convert_element_type3A_21 = arith.extui %eq3A_20 : vector<128x64xi1> to vector<128x64xi32>
    %convert_element_type3A_22 = arith.sitofp %convert_element_type3A_21 : vector<128x64xi32> to vector<128x64xf32>
    %mul3A_23 = arith.mulf %dot_general3A_11, %convert_element_type3A_22 : vector<128x64xf32>
    %sub3A = arith.constant 1.000000e+00 : f32
    %sub3A_24 = vector.broadcast %sub3A : f32 to vector<128x64xf32>
    %sub3A_25 = arith.subf %sub3A_24, %convert_element_type3A_22 : vector<128x64xf32>
    %mul3A_26 = arith.constant -1.000000e+04 : f32
    %mul3A_27 = vector.broadcast %mul3A_26 : f32 to vector<128x64xf32>
    %mul3A_28 = arith.mulf %sub3A_25, %mul3A_27 : vector<128x64xf32>
    %add3A = arith.addf %mul3A_23, %mul3A_28 : vector<128x64xf32>
    %get3A_29 = arith.constant 0 : index
    %get3A_30 = arith.constant 0 : index
    %get3A_31 = vector.load %arg2[%get3A_29, %get3A_30] : memref<1x64xf32, #tpu.memory_space<vmem>>, vector<1x64xf32>
    %get3A_32 = arith.constant 0 : index
    %get3A_33 = arith.constant 0 : index
    %get3A_34 = vector.load %arg5[%get3A_32, %get3A_33] : memref<128x1xf32, #tpu.memory_space<vmem>>, vector<128x1xf32>
    %sub3A_35 = vector.broadcast %get3A_31 : vector<1x64xf32> to vector<128x64xf32>
    %sub3A_36 = vector.broadcast %get3A_34 : vector<128x1xf32> to vector<128x64xf32>
    %sub3A_37 = arith.subf %sub3A_35, %sub3A_36 : vector<128x64xf32>
    %abs3A = math.absf %sub3A_37 : vector<128x64xf32>
    %neg3A = arith.constant 0.000000e+00 : f32
    %neg3A_38 = vector.broadcast %neg3A : f32 to vector<128x64xf32>
    %neg3A_39 = arith.subf %neg3A_38, %abs3A : vector<128x64xf32>
    %div3A_40 = arith.constant 2.000000e+00 : f32
    %div3A_41 = vector.broadcast %div3A_40 : f32 to vector<128x64xf32>
    %div3A_42 = arith.divf %neg3A_39, %div3A_41 : vector<128x64xf32>
    %exp3A = math.exp %div3A_42 : vector<128x64xf32>
    %sub3A_43 = arith.constant 1.000000e+00 : f32
    %sub3A_44 = vector.broadcast %sub3A_43 : f32 to vector<128x64xf32>
    %sub3A_45 = arith.subf %sub3A_44, %exp3A : vector<128x64xf32>
    %mul3A_46 = arith.constant 5.000000e-01 : f32
    %mul3A_47 = vector.broadcast %mul3A_46 : f32 to vector<128x64xf32>
    %mul3A_48 = arith.mulf %mul3A_47, %sub3A_45 : vector<128x64xf32>
    %add3A_49 = arith.constant 5.000000e-01 : f32
    %add3A_50 = vector.broadcast %add3A_49 : f32 to vector<128x64xf32>
    %add3A_51 = arith.addf %add3A_50, %mul3A_48 : vector<128x64xf32>
    %mul3A_52 = arith.mulf %add3A, %add3A_51 : vector<128x64xf32>
    %swap3A = arith.index_cast %arg0 : i32 to index
    %swap3A_53 = arith.constant 0 : index
    %swap3A_54 = arith.constant 0 : index
    %swap3A_55 = vector.load %arg9[%swap3A, %swap3A_53, %swap3A_54] : memref<10x128x64xf32, #tpu.memory_space<vmem>>, vector<1x128x64xf32>
    %swap3A_56 = vector.shape_cast %swap3A_55 : vector<1x128x64xf32> to vector<128x64xf32>
    %swap3A_57 = vector.shape_cast %mul3A_52 : vector<128x64xf32> to vector<1x128x64xf32>
    tpu.vector_store %arg9[%swap3A, %swap3A_53, %swap3A_54], %swap3A_57 {strides = array<i32>} : memref<10x128x64xf32, #tpu.memory_space<vmem>>, vector<1x128x64xf32>,
    %eq3A_58 = arith.constant 9 : i32
    %eq3A_59 = arith.cmpi eq, %arg0, %eq3A_58 : i32
    %convert_element_type3A_60 = arith.extui %eq3A_59 : i1 to i32
    %cond3A_61 = arith.constant 0 : i32
    %cond3A_62 = arith.cmpi ne, %convert_element_type3A_60, %cond3A_61 : i32
    scf.if %cond3A_62 {
      %get3A_63 = arith.constant 0 : index
      %get3A_64 = arith.constant 0 : index
      %get3A_65 = arith.constant 0 : index
      %get3A_66 = vector.load %arg9[%get3A_63, %get3A_64, %get3A_65] : memref<10x128x64xf32, #tpu.memory_space<vmem>>, vector<10x128x64xf32>
      %iota3A = tpu.iota {dimensions = array<i32: 0>} : vector<10x128x64xi32>
      %iota3A_67 = tpu.iota {dimensions = array<i32: 1>} : vector<10x128x64xi32>
      %mul3A_68 = arith.constant 128 : i32
      %mul3A_69 = vector.broadcast %mul3A_68 : i32 to vector<10x128x64xi32>
      %mul3A_70 = arith.muli %iota3A, %mul3A_69 : vector<10x128x64xi32>
      %add3A_71 = arith.addi %mul3A_70, %iota3A_67 : vector<10x128x64xi32>
      %lt3A = arith.constant 1196 : i32
      %lt3A_72 = vector.broadcast %lt3A : i32 to vector<10x128x64xi32>
      %lt3A_73 = arith.cmpi slt, %add3A_71, %lt3A_72 : vector<10x128x64xi32>
      %jit3A = arith.constant -3.000000e+38 : f32
      %broadcast_in_dim3A_74 = vector.broadcast %jit3A : f32 to vector<10x128x64xf32>
      %select_n3A = arith.select %lt3A_73, %get3A_66, %broadcast_in_dim3A_74 : vector<10x128x64xi1>, vector<10x128x64xf32>
      %reduce_max3A = arith.constant dense<0xFF800000> : vector<64xf32>
      %reduce_max3A_75 = vector.multi_reduction <maximumf>, %select_n3A, %reduce_max3A [0, 1] : vector<10x128x64xf32> to vector<64xf32>
      %broadcast_in_dim3A_76 = vector.shape_cast %reduce_max3A_75 : vector<64xf32> to vector<1x1x64xf32>
      %ge3A = vector.broadcast %broadcast_in_dim3A_76 : vector<1x1x64xf32> to vector<10x128x64xf32>
      %ge3A_77 = arith.cmpf oge, %select_n3A, %ge3A : vector<10x128x64xf32>
      %jit3A_78 = arith.constant 1073741824 : i32
      %broadcast_in_dim3A_79 = vector.broadcast %jit3A_78 : i32 to vector<10x128x64xi32>
      %select_n3A_80 = arith.select %ge3A_77, %add3A_71, %broadcast_in_dim3A_79 : vector<10x128x64xi1>, vector<10x128x64xi32>
      %reduce_min3A = arith.constant dense<2147483647> : vector<64xi32>
      %reduce_min3A_81 = vector.multi_reduction <minsi>, %select_n3A_80, %reduce_min3A [0, 1] : vector<10x128x64xi32> to vector<64xi32>
      %broadcast_in_dim3A_82 = vector.shape_cast %reduce_min3A_81 : vector<64xi32> to vector<1x1x64xi32>
      %squeeze3A = vector.shape_cast %broadcast_in_dim3A_82 : vector<1x1x64xi32> to vector<64xi32>
      %swap3A_83 = arith.constant 0 : index
      %swap3A_84 = arith.constant 0 : index
      %swap3A_85 = vector.load %arg7[%swap3A_83, %swap3A_84] : memref<8x64xi32, #tpu.memory_space<vmem>>, vector<1x64xi32>
      %swap3A_86 = vector.shape_cast %swap3A_85 : vector<1x64xi32> to vector<64xi32>
      %swap3A_87 = vector.shape_cast %squeeze3A : vector<64xi32> to vector<1x64xi32>
      tpu.vector_store %arg7[%swap3A_83, %swap3A_84], %swap3A_87 {strides = array<i32>} : memref<8x64xi32, #tpu.memory_space<vmem>>, vector<1x64xi32>,
      %eq3A_88 = vector.broadcast %broadcast_in_dim3A_82 : vector<1x1x64xi32> to vector<10x128x64xi32>
      %eq3A_89 = arith.cmpi eq, %add3A_71, %eq3A_88 : vector<10x128x64xi32>
      %jit3A_90 = arith.constant -3.000000e+38 : f32
      %broadcast_in_dim3A_91 = vector.broadcast %jit3A_90 : f32 to vector<10x128x64xf32>
      %select_n3A_92 = arith.select %eq3A_89, %broadcast_in_dim3A_91, %select_n3A : vector<10x128x64xi1>, vector<10x128x64xf32>
      %reduce_max3A_93 = arith.constant dense<0xFF800000> : vector<64xf32>
      %reduce_max3A_94 = vector.multi_reduction <maximumf>, %select_n3A_92, %reduce_max3A_93 [0, 1] : vector<10x128x64xf32> to vector<64xf32>
      %broadcast_in_dim3A_95 = vector.shape_cast %reduce_max3A_94 : vector<64xf32> to vector<1x1x64xf32>
      %ge3A_96 = vector.broadcast %broadcast_in_dim3A_95 : vector<1x1x64xf32> to vector<10x128x64xf32>
      %ge3A_97 = arith.cmpf oge, %select_n3A_92, %ge3A_96 : vector<10x128x64xf32>
      %jit3A_98 = arith.constant 1073741824 : i32
      %broadcast_in_dim3A_99 = vector.broadcast %jit3A_98 : i32 to vector<10x128x64xi32>
      %select_n3A_100 = arith.select %ge3A_97, %add3A_71, %broadcast_in_dim3A_99 : vector<10x128x64xi1>, vector<10x128x64xi32>
      %reduce_min3A_101 = arith.constant dense<2147483647> : vector<64xi32>
      %reduce_min3A_102 = vector.multi_reduction <minsi>, %select_n3A_100, %reduce_min3A_101 [0, 1] : vector<10x128x64xi32> to vector<64xi32>
      %broadcast_in_dim3A_103 = vector.shape_cast %reduce_min3A_102 : vector<64xi32> to vector<1x1x64xi32>
      %squeeze3A_104 = vector.shape_cast %broadcast_in_dim3A_103 : vector<1x1x64xi32> to vector<64xi32>
      %swap3A_105 = arith.constant 1 : index
      %swap3A_106 = arith.constant 0 : index
      %swap3A_107 = vector.load %arg7[%swap3A_105, %swap3A_106] : memref<8x64xi32, #tpu.memory_space<vmem>>, vector<1x64xi32>
      %swap3A_108 = vector.shape_cast %swap3A_107 : vector<1x64xi32> to vector<64xi32>
      %swap3A_109 = vector.shape_cast %squeeze3A_104 : vector<64xi32> to vector<1x64xi32>
      tpu.vector_store %arg7[%swap3A_105, %swap3A_106], %swap3A_109 {strides = array<i32>} : memref<8x64xi32, #tpu.memory_space<vmem>>, vector<1x64xi32>,
      %eq3A_110 = vector.broadcast %broadcast_in_dim3A_103 : vector<1x1x64xi32> to vector<10x128x64xi32>
      %eq3A_111 = arith.cmpi eq, %add3A_71, %eq3A_110 : vector<10x128x64xi32>
      %jit3A_112 = arith.constant -3.000000e+38 : f32
      %broadcast_in_dim3A_113 = vector.broadcast %jit3A_112 : f32 to vector<10x128x64xf32>
      %select_n3A_114 = arith.select %eq3A_111, %broadcast_in_dim3A_113, %select_n3A_92 : vector<10x128x64xi1>, vector<10x128x64xf32>
      %reduce_max3A_115 = arith.constant dense<0xFF800000> : vector<64xf32>
      %reduce_max3A_116 = vector.multi_reduction <maximumf>, %select_n3A_114, %reduce_max3A_115 [0, 1] : vector<10x128x64xf32> to vector<64xf32>
      %broadcast_in_dim3A_117 = vector.shape_cast %reduce_max3A_116 : vector<64xf32> to vector<1x1x64xf32>
      %ge3A_118 = vector.broadcast %broadcast_in_dim3A_117 : vector<1x1x64xf32> to vector<10x128x64xf32>
      %ge3A_119 = arith.cmpf oge, %select_n3A_114, %ge3A_118 : vector<10x128x64xf32>
      %jit3A_120 = arith.constant 1073741824 : i32
      %broadcast_in_dim3A_121 = vector.broadcast %jit3A_120 : i32 to vector<10x128x64xi32>
      %select_n3A_122 = arith.select %ge3A_119, %add3A_71, %broadcast_in_dim3A_121 : vector<10x128x64xi1>, vector<10x128x64xi32>
      %reduce_min3A_123 = arith.constant dense<2147483647> : vector<64xi32>
      %reduce_min3A_124 = vector.multi_reduction <minsi>, %select_n3A_122, %reduce_min3A_123 [0, 1] : vector<10x128x64xi32> to vector<64xi32>
      %broadcast_in_dim3A_125 = vector.shape_cast %reduce_min3A_124 : vector<64xi32> to vector<1x1x64xi32>
      %squeeze3A_126 = vector.shape_cast %broadcast_in_dim3A_125 : vector<1x1x64xi32> to vector<64xi32>
      %swap3A_127 = arith.constant 2 : index
      %swap3A_128 = arith.constant 0 : index
      %swap3A_129 = vector.load %arg7[%swap3A_127, %swap3A_128] : memref<8x64xi32, #tpu.memory_space<vmem>>, vector<1x64xi32>
      %swap3A_130 = vector.shape_cast %swap3A_129 : vector<1x64xi32> to vector<64xi32>
      %swap3A_131 = vector.shape_cast %squeeze3A_126 : vector<64xi32> to vector<1x64xi32>
      tpu.vector_store %arg7[%swap3A_127, %swap3A_128], %swap3A_131 {strides = array<i32>} : memref<8x64xi32, #tpu.memory_space<vmem>>, vector<1x64xi32>,
      %eq3A_132 = vector.broadcast %broadcast_in_dim3A_125 : vector<1x1x64xi32> to vector<10x128x64xi32>
      %eq3A_133 = arith.cmpi eq, %add3A_71, %eq3A_132 : vector<10x128x64xi32>
      %jit3A_134 = arith.constant -3.000000e+38 : f32
      %broadcast_in_dim3A_135 = vector.broadcast %jit3A_134 : f32 to vector<10x128x64xf32>
      %select_n3A_136 = arith.select %eq3A_133, %broadcast_in_dim3A_135, %select_n3A_114 : vector<10x128x64xi1>, vector<10x128x64xf32>
      %reduce_max3A_137 = arith.constant dense<0xFF800000> : vector<64xf32>
      %reduce_max3A_138 = vector.multi_reduction <maximumf>, %select_n3A_136, %reduce_max3A_137 [0, 1] : vector<10x128x64xf32> to vector<64xf32>
      %broadcast_in_dim3A_139 = vector.shape_cast %reduce_max3A_138 : vector<64xf32> to vector<1x1x64xf32>
      %ge3A_140 = vector.broadcast %broadcast_in_dim3A_139 : vector<1x1x64xf32> to vector<10x128x64xf32>
      %ge3A_141 = arith.cmpf oge, %select_n3A_136, %ge3A_140 : vector<10x128x64xf32>
      %jit3A_142 = arith.constant 1073741824 : i32
      %broadcast_in_dim3A_143 = vector.broadcast %jit3A_142 : i32 to vector<10x128x64xi32>
      %select_n3A_144 = arith.select %ge3A_141, %add3A_71, %broadcast_in_dim3A_143 : vector<10x128x64xi1>, vector<10x128x64xi32>
      %reduce_min3A_145 = arith.constant dense<2147483647> : vector<64xi32>
      %reduce_min3A_146 = vector.multi_reduction <minsi>, %select_n3A_144, %reduce_min3A_145 [0, 1] : vector<10x128x64xi32> to vector<64xi32>
      %broadcast_in_dim3A_147 = vector.shape_cast %reduce_min3A_146 : vector<64xi32> to vector<1x1x64xi32>
      %squeeze3A_148 = vector.shape_cast %broadcast_in_dim3A_147 : vector<1x1x64xi32> to vector<64xi32>
      %swap3A_149 = arith.constant 3 : index
      %swap3A_150 = arith.constant 0 : index
      %swap3A_151 = vector.load %arg7[%swap3A_149, %swap3A_150] : memref<8x64xi32, #tpu.memory_space<vmem>>, vector<1x64xi32>
      %swap3A_152 = vector.shape_cast %swap3A_151 : vector<1x64xi32> to vector<64xi32>
      %swap3A_153 = vector.shape_cast %squeeze3A_148 : vector<64xi32> to vector<1x64xi32>
      tpu.vector_store %arg7[%swap3A_149, %swap3A_150], %swap3A_153 {strides = array<i32>} : memref<8x64xi32, #tpu.memory_space<vmem>>, vector<1x64xi32>,
      %eq3A_154 = vector.broadcast %broadcast_in_dim3A_147 : vector<1x1x64xi32> to vector<10x128x64xi32>
      %eq3A_155 = arith.cmpi eq, %add3A_71, %eq3A_154 : vector<10x128x64xi32>
      %jit3A_156 = arith.constant -3.000000e+38 : f32
      %broadcast_in_dim3A_157 = vector.broadcast %jit3A_156 : f32 to vector<10x128x64xf32>
      %select_n3A_158 = arith.select %eq3A_155, %broadcast_in_dim3A_157, %select_n3A_136 : vector<10x128x64xi1>, vector<10x128x64xf32>
      %reduce_max3A_159 = arith.constant dense<0xFF800000> : vector<64xf32>
      %reduce_max3A_160 = vector.multi_reduction <maximumf>, %select_n3A_158, %reduce_max3A_159 [0, 1] : vector<10x128x64xf32> to vector<64xf32>
      %broadcast_in_dim3A_161 = vector.shape_cast %reduce_max3A_160 : vector<64xf32> to vector<1x1x64xf32>
      %ge3A_162 = vector.broadcast %broadcast_in_dim3A_161 : vector<1x1x64xf32> to vector<10x128x64xf32>
      %ge3A_163 = arith.cmpf oge, %select_n3A_158, %ge3A_162 : vector<10x128x64xf32>
      %jit3A_164 = arith.constant 1073741824 : i32
      %broadcast_in_dim3A_165 = vector.broadcast %jit3A_164 : i32 to vector<10x128x64xi32>
      %select_n3A_166 = arith.select %ge3A_163, %add3A_71, %broadcast_in_dim3A_165 : vector<10x128x64xi1>, vector<10x128x64xi32>
      %reduce_min3A_167 = arith.constant dense<2147483647> : vector<64xi32>
      %reduce_min3A_168 = vector.multi_reduction <minsi>, %select_n3A_166, %reduce_min3A_167 [0, 1] : vector<10x128x64xi32> to vector<64xi32>
      %broadcast_in_dim3A_169 = vector.shape_cast %reduce_min3A_168 : vector<64xi32> to vector<1x1x64xi32>
      %squeeze3A_170 = vector.shape_cast %broadcast_in_dim3A_169 : vector<1x1x64xi32> to vector<64xi32>
      %swap3A_171 = arith.constant 4 : index
      %swap3A_172 = arith.constant 0 : index
      %swap3A_173 = vector.load %arg7[%swap3A_171, %swap3A_172] : memref<8x64xi32, #tpu.memory_space<vmem>>, vector<1x64xi32>
      %swap3A_174 = vector.shape_cast %swap3A_173 : vector<1x64xi32> to vector<64xi32>
      %swap3A_175 = vector.shape_cast %squeeze3A_170 : vector<64xi32> to vector<1x64xi32>
      tpu.vector_store %arg7[%swap3A_171, %swap3A_172], %swap3A_175 {strides = array<i32>} : memref<8x64xi32, #tpu.memory_space<vmem>>, vector<1x64xi32>,
      %eq3A_176 = vector.broadcast %broadcast_in_dim3A_169 : vector<1x1x64xi32> to vector<10x128x64xi32>
      %eq3A_177 = arith.cmpi eq, %add3A_71, %eq3A_176 : vector<10x128x64xi32>
      %jit3A_178 = arith.constant -3.000000e+38 : f32
      %broadcast_in_dim3A_179 = vector.broadcast %jit3A_178 : f32 to vector<10x128x64xf32>
      %select_n3A_180 = arith.select %eq3A_177, %broadcast_in_dim3A_179, %select_n3A_158 : vector<10x128x64xi1>, vector<10x128x64xf32>
      %reduce_max3A_181 = arith.constant dense<0xFF800000> : vector<64xf32>
      %reduce_max3A_182 = vector.multi_reduction <maximumf>, %select_n3A_180, %reduce_max3A_181 [0, 1] : vector<10x128x64xf32> to vector<64xf32>
      %broadcast_in_dim3A_183 = vector.shape_cast %reduce_max3A_182 : vector<64xf32> to vector<1x1x64xf32>
      %ge3A_184 = vector.broadcast %broadcast_in_dim3A_183 : vector<1x1x64xf32> to vector<10x128x64xf32>
      %ge3A_185 = arith.cmpf oge, %select_n3A_180, %ge3A_184 : vector<10x128x64xf32>
      %jit3A_186 = arith.constant 1073741824 : i32
      %broadcast_in_dim3A_187 = vector.broadcast %jit3A_186 : i32 to vector<10x128x64xi32>
      %select_n3A_188 = arith.select %ge3A_185, %add3A_71, %broadcast_in_dim3A_187 : vector<10x128x64xi1>, vector<10x128x64xi32>
      %reduce_min3A_189 = arith.constant dense<2147483647> : vector<64xi32>
      %reduce_min3A_190 = vector.multi_reduction <minsi>, %select_n3A_188, %reduce_min3A_189 [0, 1] : vector<10x128x64xi32> to vector<64xi32>
      %broadcast_in_dim3A_191 = vector.shape_cast %reduce_min3A_190 : vector<64xi32> to vector<1x1x64xi32>
      %squeeze3A_192 = vector.shape_cast %broadcast_in_dim3A_191 : vector<1x1x64xi32> to vector<64xi32>
      %swap3A_193 = arith.constant 5 : index
      %swap3A_194 = arith.constant 0 : index
      %swap3A_195 = vector.load %arg7[%swap3A_193, %swap3A_194] : memref<8x64xi32, #tpu.memory_space<vmem>>, vector<1x64xi32>
      %swap3A_196 = vector.shape_cast %swap3A_195 : vector<1x64xi32> to vector<64xi32>
      %swap3A_197 = vector.shape_cast %squeeze3A_192 : vector<64xi32> to vector<1x64xi32>
      tpu.vector_store %arg7[%swap3A_193, %swap3A_194], %swap3A_197 {strides = array<i32>} : memref<8x64xi32, #tpu.memory_space<vmem>>, vector<1x64xi32>,
      %eq3A_198 = vector.broadcast %broadcast_in_dim3A_191 : vector<1x1x64xi32> to vector<10x128x64xi32>
      %eq3A_199 = arith.cmpi eq, %add3A_71, %eq3A_198 : vector<10x128x64xi32>
      %jit3A_200 = arith.constant -3.000000e+38 : f32
      %broadcast_in_dim3A_201 = vector.broadcast %jit3A_200 : f32 to vector<10x128x64xf32>
      %select_n3A_202 = arith.select %eq3A_199, %broadcast_in_dim3A_201, %select_n3A_180 : vector<10x128x64xi1>, vector<10x128x64xf32>
      %reduce_max3A_203 = arith.constant dense<0xFF800000> : vector<64xf32>
      %reduce_max3A_204 = vector.multi_reduction <maximumf>, %select_n3A_202, %reduce_max3A_203 [0, 1] : vector<10x128x64xf32> to vector<64xf32>
      %broadcast_in_dim3A_205 = vector.shape_cast %reduce_max3A_204 : vector<64xf32> to vector<1x1x64xf32>
      %ge3A_206 = vector.broadcast %broadcast_in_dim3A_205 : vector<1x1x64xf32> to vector<10x128x64xf32>
      %ge3A_207 = arith.cmpf oge, %select_n3A_202, %ge3A_206 : vector<10x128x64xf32>
      %jit3A_208 = arith.constant 1073741824 : i32
      %broadcast_in_dim3A_209 = vector.broadcast %jit3A_208 : i32 to vector<10x128x64xi32>
      %select_n3A_210 = arith.select %ge3A_207, %add3A_71, %broadcast_in_dim3A_209 : vector<10x128x64xi1>, vector<10x128x64xi32>
      %reduce_min3A_211 = arith.constant dense<2147483647> : vector<64xi32>
      %reduce_min3A_212 = vector.multi_reduction <minsi>, %select_n3A_210, %reduce_min3A_211 [0, 1] : vector<10x128x64xi32> to vector<64xi32>
      %broadcast_in_dim3A_213 = vector.shape_cast %reduce_min3A_212 : vector<64xi32> to vector<1x1x64xi32>
      %squeeze3A_214 = vector.shape_cast %broadcast_in_dim3A_213 : vector<1x1x64xi32> to vector<64xi32>
      %swap3A_215 = arith.constant 6 : index
      %swap3A_216 = arith.constant 0 : index
      %swap3A_217 = vector.load %arg7[%swap3A_215, %swap3A_216] : memref<8x64xi32, #tpu.memory_space<vmem>>, vector<1x64xi32>
      %swap3A_218 = vector.shape_cast %swap3A_217 : vector<1x64xi32> to vector<64xi32>
      %swap3A_219 = vector.shape_cast %squeeze3A_214 : vector<64xi32> to vector<1x64xi32>
      tpu.vector_store %arg7[%swap3A_215, %swap3A_216], %swap3A_219 {strides = array<i32>} : memref<8x64xi32, #tpu.memory_space<vmem>>, vector<1x64xi32>,
      %eq3A_220 = vector.broadcast %broadcast_in_dim3A_213 : vector<1x1x64xi32> to vector<10x128x64xi32>
      %eq3A_221 = arith.cmpi eq, %add3A_71, %eq3A_220 : vector<10x128x64xi32>
      %jit3A_222 = arith.constant -3.000000e+38 : f32
      %broadcast_in_dim3A_223 = vector.broadcast %jit3A_222 : f32 to vector<10x128x64xf32>
      %select_n3A_224 = arith.select %eq3A_221, %broadcast_in_dim3A_223, %select_n3A_202 : vector<10x128x64xi1>, vector<10x128x64xf32>
      %reduce_max3A_225 = arith.constant dense<0xFF800000> : vector<64xf32>
      %reduce_max3A_226 = vector.multi_reduction <maximumf>, %select_n3A_224, %reduce_max3A_225 [0, 1] : vector<10x128x64xf32> to vector<64xf32>
      %broadcast_in_dim3A_227 = vector.shape_cast %reduce_max3A_226 : vector<64xf32> to vector<1x1x64xf32>
      %ge3A_228 = vector.broadcast %broadcast_in_dim3A_227 : vector<1x1x64xf32> to vector<10x128x64xf32>
      %ge3A_229 = arith.cmpf oge, %select_n3A_224, %ge3A_228 : vector<10x128x64xf32>
      %jit3A_230 = arith.constant 1073741824 : i32
      %broadcast_in_dim3A_231 = vector.broadcast %jit3A_230 : i32 to vector<10x128x64xi32>
      %select_n3A_232 = arith.select %ge3A_229, %add3A_71, %broadcast_in_dim3A_231 : vector<10x128x64xi1>, vector<10x128x64xi32>
      %reduce_min3A_233 = arith.constant dense<2147483647> : vector<64xi32>
      %reduce_min3A_234 = vector.multi_reduction <minsi>, %select_n3A_232, %reduce_min3A_233 [0, 1] : vector<10x128x64xi32> to vector<64xi32>
      %broadcast_in_dim3A_235 = vector.shape_cast %reduce_min3A_234 : vector<64xi32> to vector<1x1x64xi32>
      %squeeze3A_236 = vector.shape_cast %broadcast_in_dim3A_235 : vector<1x1x64xi32> to vector<64xi32>
      %swap3A_237 = arith.constant 7 : index
      %swap3A_238 = arith.constant 0 : index
      %swap3A_239 = vector.load %arg7[%swap3A_237, %swap3A_238] : memref<8x64xi32, #tpu.memory_space<vmem>>, vector<1x64xi32>
      %swap3A_240 = vector.shape_cast %swap3A_239 : vector<1x64xi32> to vector<64xi32>
      %swap3A_241 = vector.shape_cast %squeeze3A_236 : vector<64xi32> to vector<1x64xi32>
      tpu.vector_store %arg7[%swap3A_237, %swap3A_238], %swap3A_241 {strides = array<i32>} : memref<8x64xi32, #tpu.memory_space<vmem>>, vector<1x64xi32>,
    } else {
    }
    return
  }
  func.func @transform_0(%arg0: i32) -> (i32, i32) {
    %c0_i32 = arith.constant 0 : i32
    %c0_i32_0 = arith.constant 0 : i32
    %c0_i32_1 = arith.constant 0 : i32
    return %c0_i32, %c0_i32_0 : i32, i32
  }
  func.func @transform_1(%arg0: i32) -> (i32, i32) {
    %c0_i32 = arith.constant 0 : i32
    %c0_i32_0 = arith.constant 0 : i32
    %c0_i32_1 = arith.constant 0 : i32
    return %c0_i32, %c0_i32_0 : i32, i32
  }
  func.func @transform_2(%arg0: i32) -> (i32, i32) {
    %c0_i32 = arith.constant 0 : i32
    %c0_i32_0 = arith.constant 0 : i32
    return %arg0, %c0_i32 : i32, i32
  }
  func.func @transform_3(%arg0: i32) -> (i32, i32) {
    %c0_i32 = arith.constant 0 : i32
    %c0_i32_0 = arith.constant 0 : i32
    return %arg0, %c0_i32 : i32, i32
  }
  func.func @transform_4(%arg0: i32) -> (i32, i32) {
    %c0_i32 = arith.constant 0 : i32
    %c0_i32_0 = arith.constant 0 : i32
    return %arg0, %c0_i32 : i32, i32
  }
  func.func @transform_5(%arg0: i32) -> (i32, i32) {
    %c0_i32 = arith.constant 0 : i32
    %c0_i32_0 = arith.constant 0 : i32
    %c0_i32_1 = arith.constant 0 : i32
    return %c0_i32, %c0_i32_0 : i32, i32
  }
  func.func @transform_6(%arg0: i32) -> (i32, i32) {
    %c0_i32 = arith.constant 0 : i32
    %c0_i32_0 = arith.constant 0 : i32
    %c0_i32_1 = arith.constant 0 : i32
    return %c0_i32, %c0_i32_0 : i32, i32
  }
}

module attributes {stable_mosaic.version = 14 : i64} {
  func.func @_attn_kernel(%arg0: i32, %arg1: memref<512xi32, #tpu.memory_space<smem>>, %arg2: memref<8x128x128xf32, #tpu.memory_space<vmem>>, %arg3: memref<1196x128x128xf32, #tpu.memory_space<any>>, %arg4: memref<128x128xf32, #tpu.memory_space<vmem>>, %arg5: memref<1x128xf32, #tpu.memory_space<vmem>>, %arg6: memref<128x128xf32, #tpu.memory_space<vmem>>, %arg7: memref<1x128xf32, #tpu.memory_space<vmem>>, %arg8: memref<128x128xf32, #tpu.memory_space<vmem>>, %arg9: memref<1x128xf32, #tpu.memory_space<vmem>>, %arg10: memref<128x128xf32, #tpu.memory_space<vmem>>, %arg11: memref<1x128xf32, #tpu.memory_space<vmem>>, %arg12: memref<128x128xf32, #tpu.memory_space<vmem>>, %arg13: memref<1x128xf32, #tpu.memory_space<vmem>>, %arg14: memref<8x128x128xf32, #tpu.memory_space<vmem>>, %arg15: memref<2x64x128x128xf32, #tpu.memory_space<vmem>>, %arg16: memref<2x64x!tpu.dma_semaphore, #tpu.memory_space<semaphore_mem>>) attributes {dimension_semantics = [#tpu.dimension_semantics<arbitrary>], iteration_bounds = array<i64: 8>, scalar_prefetch = 1 : i64, scratch_operands = 2 : i64, tpu.core_type = #tpu.core_type<tc>, window_params = [{transform_indices = @transform_0, window_bounds = array<i64: 8, 128, 128>}, {}, {pipeline_mode = #tpu.pipeline_mode<synchronous>, transform_indices = @transform_2, window_bounds = array<i64: 128, 128>}, {pipeline_mode = #tpu.pipeline_mode<synchronous>, transform_indices = @transform_3, window_bounds = array<i64: 1, 128>}, {pipeline_mode = #tpu.pipeline_mode<synchronous>, transform_indices = @transform_4, window_bounds = array<i64: 128, 128>}, {pipeline_mode = #tpu.pipeline_mode<synchronous>, transform_indices = @transform_5, window_bounds = array<i64: 1, 128>}, {pipeline_mode = #tpu.pipeline_mode<synchronous>, transform_indices = @transform_6, window_bounds = array<i64: 128, 128>}, {pipeline_mode = #tpu.pipeline_mode<synchronous>, transform_indices = @transform_7, window_bounds = array<i64: 1, 128>}, {pipeline_mode = #tpu.pipeline_mode<synchronous>, transform_indices = @transform_8, window_bounds = array<i64: 128, 128>}, {pipeline_mode = #tpu.pipeline_mode<synchronous>, transform_indices = @transform_9, window_bounds = array<i64: 1, 128>}, {pipeline_mode = #tpu.pipeline_mode<synchronous>, transform_indices = @transform_10, window_bounds = array<i64: 128, 128>}, {pipeline_mode = #tpu.pipeline_mode<synchronous>, transform_indices = @transform_11, window_bounds = array<i64: 1, 128>}, {transform_indices = @transform_12, window_bounds = array<i64: 8, 128, 128>}]} {
    %eq3A = arith.constant 0 : i32
    %eq3A_0 = arith.cmpi eq, %arg0, %eq3A : i32
    %convert_element_type3A = arith.extui %eq3A_0 : i1 to i32
    %cond3A = arith.constant 0 : i32
    %cond3A_1 = arith.cmpi ne, %convert_element_type3A, %cond3A : i32
    scf.if %cond3A_1 {
      %mul3A_1594 = arith.constant 64 : i32
      %mul3A_1595 = arith.muli %arg0, %mul3A_1594 : i32
      %add3A_1596 = arith.constant 0 : i32
      %add3A_1597 = arith.addi %mul3A_1595, %add3A_1596 : i32
      %add3A_1598 = arith.constant 0 : i32
      %add3A_1599 = arith.addi %add3A_1597, %add3A_1598 : i32
      %get3A_1600 = arith.index_cast %add3A_1599 : i32 to index
      %get3A_1601 = memref.load %arg1[%get3A_1600] : memref<512xi32, #tpu.memory_space<smem>>
      %dma_start3A = arith.constant 0 : i32
      %dma_start3A_1602 = arith.constant 0 : i32
      %dma_start3A_1603 = arith.constant 0 : i32
      %dma_start3A_1604 = arith.constant 0 : i32
      %dma_start3A_1605 = tpu.memref_slice %arg16[%dma_start3A_1603, %dma_start3A_1604] : memref<2x64x!tpu.dma_semaphore, #tpu.memory_space<semaphore_mem>> -> memref<1x1x!tpu.dma_semaphore, #tpu.memory_space<semaphore_mem>>
      %dma_start3A_1606 = tpu.memref_squeeze %dma_start3A_1605 : memref<1x1x!tpu.dma_semaphore, #tpu.memory_space<semaphore_mem>> -> memref<!tpu.dma_semaphore, #tpu.memory_space<semaphore_mem>>
      %dma_start3A_1607 = arith.constant 0 : i32
      %dma_start3A_1608 = arith.constant 0 : i32
      %dma_start3A_1609 = tpu.memref_slice %arg15[%dma_start3A, %dma_start3A_1602, %dma_start3A_1607, %dma_start3A_1608] : memref<2x64x128x128xf32, #tpu.memory_space<vmem>> -> memref<1x1x128x128xf32, #tpu.memory_space<vmem>>
      %dma_start3A_1610 = tpu.memref_squeeze %dma_start3A_1609 : memref<1x1x128x128xf32, #tpu.memory_space<vmem>> -> memref<128x128xf32, #tpu.memory_space<vmem>>
      %dma_start3A_1611 = arith.constant 0 : i32
      %dma_start3A_1612 = arith.constant 0 : i32
      %dma_start3A_1613 = tpu.memref_slice %arg3[%get3A_1601, %dma_start3A_1611, %dma_start3A_1612] : memref<1196x128x128xf32, #tpu.memory_space<any>> -> memref<1x128x128xf32, #tpu.memory_space<any>>
      %dma_start3A_1614 = tpu.memref_squeeze %dma_start3A_1613 : memref<1x128x128xf32, #tpu.memory_space<any>> -> memref<128x128xf32, #tpu.memory_space<any>>
      tpu.enqueue_dma source(%dma_start3A_1614 : memref<128x128xf32, #tpu.memory_space<any>>) target(%dma_start3A_1610 : memref<128x128xf32, #tpu.memory_space<vmem>>) target_semaphore(%dma_start3A_1606 : memref<!tpu.dma_semaphore, #tpu.memory_space<semaphore_mem>>)
      %mul3A_1615 = arith.constant 64 : i32
      %mul3A_1616 = arith.muli %arg0, %mul3A_1615 : i32
      %add3A_1617 = arith.constant 8 : i32
      %add3A_1618 = arith.addi %mul3A_1616, %add3A_1617 : i32
      %add3A_1619 = arith.constant 0 : i32
      %add3A_1620 = arith.addi %add3A_1618, %add3A_1619 : i32
      %get3A_1621 = arith.index_cast %add3A_1620 : i32 to index
      %get3A_1622 = memref.load %arg1[%get3A_1621] : memref<512xi32, #tpu.memory_space<smem>>
      %dma_start3A_1623 = arith.constant 0 : i32
      %dma_start3A_1624 = arith.constant 1 : i32
      %dma_start3A_1625 = arith.constant 0 : i32
      %dma_start3A_1626 = arith.constant 1 : i32
      %dma_start3A_1627 = tpu.memref_slice %arg16[%dma_start3A_1625, %dma_start3A_1626] : memref<2x64x!tpu.dma_semaphore, #tpu.memory_space<semaphore_mem>> -> memref<1x1x!tpu.dma_semaphore, #tpu.memory_space<semaphore_mem>>
      %dma_start3A_1628 = tpu.memref_squeeze %dma_start3A_1627 : memref<1x1x!tpu.dma_semaphore, #tpu.memory_space<semaphore_mem>> -> memref<!tpu.dma_semaphore, #tpu.memory_space<semaphore_mem>>
      %dma_start3A_1629 = arith.constant 0 : i32
      %dma_start3A_1630 = arith.constant 0 : i32
      %dma_start3A_1631 = tpu.memref_slice %arg15[%dma_start3A_1623, %dma_start3A_1624, %dma_start3A_1629, %dma_start3A_1630] : memref<2x64x128x128xf32, #tpu.memory_space<vmem>> -> memref<1x1x128x128xf32, #tpu.memory_space<vmem>>
      %dma_start3A_1632 = tpu.memref_squeeze %dma_start3A_1631 : memref<1x1x128x128xf32, #tpu.memory_space<vmem>> -> memref<128x128xf32, #tpu.memory_space<vmem>>
      %dma_start3A_1633 = arith.constant 0 : i32
      %dma_start3A_1634 = arith.constant 0 : i32
      %dma_start3A_1635 = tpu.memref_slice %arg3[%get3A_1622, %dma_start3A_1633, %dma_start3A_1634] : memref<1196x128x128xf32, #tpu.memory_space<any>> -> memref<1x128x128xf32, #tpu.memory_space<any>>
      %dma_start3A_1636 = tpu.memref_squeeze %dma_start3A_1635 : memref<1x128x128xf32, #tpu.memory_space<any>> -> memref<128x128xf32, #tpu.memory_space<any>>
      tpu.enqueue_dma source(%dma_start3A_1636 : memref<128x128xf32, #tpu.memory_space<any>>) target(%dma_start3A_1632 : memref<128x128xf32, #tpu.memory_space<vmem>>) target_semaphore(%dma_start3A_1628 : memref<!tpu.dma_semaphore, #tpu.memory_space<semaphore_mem>>)
      %mul3A_1637 = arith.constant 64 : i32
      %mul3A_1638 = arith.muli %arg0, %mul3A_1637 : i32
      %add3A_1639 = arith.constant 16 : i32
      %add3A_1640 = arith.addi %mul3A_1638, %add3A_1639 : i32
      %add3A_1641 = arith.constant 0 : i32
      %add3A_1642 = arith.addi %add3A_1640, %add3A_1641 : i32
      %get3A_1643 = arith.index_cast %add3A_1642 : i32 to index
      %get3A_1644 = memref.load %arg1[%get3A_1643] : memref<512xi32, #tpu.memory_space<smem>>
      %dma_start3A_1645 = arith.constant 0 : i32
      %dma_start3A_1646 = arith.constant 2 : i32
      %dma_start3A_1647 = arith.constant 0 : i32
      %dma_start3A_1648 = arith.constant 2 : i32
      %dma_start3A_1649 = tpu.memref_slice %arg16[%dma_start3A_1647, %dma_start3A_1648] : memref<2x64x!tpu.dma_semaphore, #tpu.memory_space<semaphore_mem>> -> memref<1x1x!tpu.dma_semaphore, #tpu.memory_space<semaphore_mem>>
      %dma_start3A_1650 = tpu.memref_squeeze %dma_start3A_1649 : memref<1x1x!tpu.dma_semaphore, #tpu.memory_space<semaphore_mem>> -> memref<!tpu.dma_semaphore, #tpu.memory_space<semaphore_mem>>
      %dma_start3A_1651 = arith.constant 0 : i32
      %dma_start3A_1652 = arith.constant 0 : i32
      %dma_start3A_1653 = tpu.memref_slice %arg15[%dma_start3A_1645, %dma_start3A_1646, %dma_start3A_1651, %dma_start3A_1652] : memref<2x64x128x128xf32, #tpu.memory_space<vmem>> -> memref<1x1x128x128xf32, #tpu.memory_space<vmem>>
      %dma_start3A_1654 = tpu.memref_squeeze %dma_start3A_1653 : memref<1x1x128x128xf32, #tpu.memory_space<vmem>> -> memref<128x128xf32, #tpu.memory_space<vmem>>
      %dma_start3A_1655 = arith.constant 0 : i32
      %dma_start3A_1656 = arith.constant 0 : i32
      %dma_start3A_1657 = tpu.memref_slice %arg3[%get3A_1644, %dma_start3A_1655, %dma_start3A_1656] : memref<1196x128x128xf32, #tpu.memory_space<any>> -> memref<1x128x128xf32, #tpu.memory_space<any>>
      %dma_start3A_1658 = tpu.memref_squeeze %dma_start3A_1657 : memref<1x128x128xf32, #tpu.memory_space<any>> -> memref<128x128xf32, #tpu.memory_space<any>>
      tpu.enqueue_dma source(%dma_start3A_1658 : memref<128x128xf32, #tpu.memory_space<any>>) target(%dma_start3A_1654 : memref<128x128xf32, #tpu.memory_space<vmem>>) target_semaphore(%dma_start3A_1650 : memref<!tpu.dma_semaphore, #tpu.memory_space<semaphore_mem>>)
      %mul3A_1659 = arith.constant 64 : i32
      %mul3A_1660 = arith.muli %arg0, %mul3A_1659 : i32
      %add3A_1661 = arith.constant 24 : i32
      %add3A_1662 = arith.addi %mul3A_1660, %add3A_1661 : i32
      %add3A_1663 = arith.constant 0 : i32
      %add3A_1664 = arith.addi %add3A_1662, %add3A_1663 : i32
      %get3A_1665 = arith.index_cast %add3A_1664 : i32 to index
      %get3A_1666 = memref.load %arg1[%get3A_1665] : memref<512xi32, #tpu.memory_space<smem>>
      %dma_start3A_1667 = arith.constant 0 : i32
      %dma_start3A_1668 = arith.constant 3 : i32
      %dma_start3A_1669 = arith.constant 0 : i32
      %dma_start3A_1670 = arith.constant 3 : i32
      %dma_start3A_1671 = tpu.memref_slice %arg16[%dma_start3A_1669, %dma_start3A_1670] : memref<2x64x!tpu.dma_semaphore, #tpu.memory_space<semaphore_mem>> -> memref<1x1x!tpu.dma_semaphore, #tpu.memory_space<semaphore_mem>>
      %dma_start3A_1672 = tpu.memref_squeeze %dma_start3A_1671 : memref<1x1x!tpu.dma_semaphore, #tpu.memory_space<semaphore_mem>> -> memref<!tpu.dma_semaphore, #tpu.memory_space<semaphore_mem>>
      %dma_start3A_1673 = arith.constant 0 : i32
      %dma_start3A_1674 = arith.constant 0 : i32
      %dma_start3A_1675 = tpu.memref_slice %arg15[%dma_start3A_1667, %dma_start3A_1668, %dma_start3A_1673, %dma_start3A_1674] : memref<2x64x128x128xf32, #tpu.memory_space<vmem>> -> memref<1x1x128x128xf32, #tpu.memory_space<vmem>>
      %dma_start3A_1676 = tpu.memref_squeeze %dma_start3A_1675 : memref<1x1x128x128xf32, #tpu.memory_space<vmem>> -> memref<128x128xf32, #tpu.memory_space<vmem>>
      %dma_start3A_1677 = arith.constant 0 : i32
      %dma_start3A_1678 = arith.constant 0 : i32
      %dma_start3A_1679 = tpu.memref_slice %arg3[%get3A_1666, %dma_start3A_1677, %dma_start3A_1678] : memref<1196x128x128xf32, #tpu.memory_space<any>> -> memref<1x128x128xf32, #tpu.memory_space<any>>
      %dma_start3A_1680 = tpu.memref_squeeze %dma_start3A_1679 : memref<1x128x128xf32, #tpu.memory_space<any>> -> memref<128x128xf32, #tpu.memory_space<any>>
      tpu.enqueue_dma source(%dma_start3A_1680 : memref<128x128xf32, #tpu.memory_space<any>>) target(%dma_start3A_1676 : memref<128x128xf32, #tpu.memory_space<vmem>>) target_semaphore(%dma_start3A_1672 : memref<!tpu.dma_semaphore, #tpu.memory_space<semaphore_mem>>)
      %mul3A_1681 = arith.constant 64 : i32
      %mul3A_1682 = arith.muli %arg0, %mul3A_1681 : i32
      %add3A_1683 = arith.constant 32 : i32
      %add3A_1684 = arith.addi %mul3A_1682, %add3A_1683 : i32
      %add3A_1685 = arith.constant 0 : i32
      %add3A_1686 = arith.addi %add3A_1684, %add3A_1685 : i32
      %get3A_1687 = arith.index_cast %add3A_1686 : i32 to index
      %get3A_1688 = memref.load %arg1[%get3A_1687] : memref<512xi32, #tpu.memory_space<smem>>
      %dma_start3A_1689 = arith.constant 0 : i32
      %dma_start3A_1690 = arith.constant 4 : i32
      %dma_start3A_1691 = arith.constant 0 : i32
      %dma_start3A_1692 = arith.constant 4 : i32
      %dma_start3A_1693 = tpu.memref_slice %arg16[%dma_start3A_1691, %dma_start3A_1692] : memref<2x64x!tpu.dma_semaphore, #tpu.memory_space<semaphore_mem>> -> memref<1x1x!tpu.dma_semaphore, #tpu.memory_space<semaphore_mem>>
      %dma_start3A_1694 = tpu.memref_squeeze %dma_start3A_1693 : memref<1x1x!tpu.dma_semaphore, #tpu.memory_space<semaphore_mem>> -> memref<!tpu.dma_semaphore, #tpu.memory_space<semaphore_mem>>
      %dma_start3A_1695 = arith.constant 0 : i32
      %dma_start3A_1696 = arith.constant 0 : i32
      %dma_start3A_1697 = tpu.memref_slice %arg15[%dma_start3A_1689, %dma_start3A_1690, %dma_start3A_1695, %dma_start3A_1696] : memref<2x64x128x128xf32, #tpu.memory_space<vmem>> -> memref<1x1x128x128xf32, #tpu.memory_space<vmem>>
      %dma_start3A_1698 = tpu.memref_squeeze %dma_start3A_1697 : memref<1x1x128x128xf32, #tpu.memory_space<vmem>> -> memref<128x128xf32, #tpu.memory_space<vmem>>
      %dma_start3A_1699 = arith.constant 0 : i32
      %dma_start3A_1700 = arith.constant 0 : i32
      %dma_start3A_1701 = tpu.memref_slice %arg3[%get3A_1688, %dma_start3A_1699, %dma_start3A_1700] : memref<1196x128x128xf32, #tpu.memory_space<any>> -> memref<1x128x128xf32, #tpu.memory_space<any>>
      %dma_start3A_1702 = tpu.memref_squeeze %dma_start3A_1701 : memref<1x128x128xf32, #tpu.memory_space<any>> -> memref<128x128xf32, #tpu.memory_space<any>>
      tpu.enqueue_dma source(%dma_start3A_1702 : memref<128x128xf32, #tpu.memory_space<any>>) target(%dma_start3A_1698 : memref<128x128xf32, #tpu.memory_space<vmem>>) target_semaphore(%dma_start3A_1694 : memref<!tpu.dma_semaphore, #tpu.memory_space<semaphore_mem>>)
      %mul3A_1703 = arith.constant 64 : i32
      %mul3A_1704 = arith.muli %arg0, %mul3A_1703 : i32
      %add3A_1705 = arith.constant 40 : i32
      %add3A_1706 = arith.addi %mul3A_1704, %add3A_1705 : i32
      %add3A_1707 = arith.constant 0 : i32
      %add3A_1708 = arith.addi %add3A_1706, %add3A_1707 : i32
      %get3A_1709 = arith.index_cast %add3A_1708 : i32 to index
      %get3A_1710 = memref.load %arg1[%get3A_1709] : memref<512xi32, #tpu.memory_space<smem>>
      %dma_start3A_1711 = arith.constant 0 : i32
      %dma_start3A_1712 = arith.constant 5 : i32
      %dma_start3A_1713 = arith.constant 0 : i32
      %dma_start3A_1714 = arith.constant 5 : i32
      %dma_start3A_1715 = tpu.memref_slice %arg16[%dma_start3A_1713, %dma_start3A_1714] : memref<2x64x!tpu.dma_semaphore, #tpu.memory_space<semaphore_mem>> -> memref<1x1x!tpu.dma_semaphore, #tpu.memory_space<semaphore_mem>>
      %dma_start3A_1716 = tpu.memref_squeeze %dma_start3A_1715 : memref<1x1x!tpu.dma_semaphore, #tpu.memory_space<semaphore_mem>> -> memref<!tpu.dma_semaphore, #tpu.memory_space<semaphore_mem>>
      %dma_start3A_1717 = arith.constant 0 : i32
      %dma_start3A_1718 = arith.constant 0 : i32
      %dma_start3A_1719 = tpu.memref_slice %arg15[%dma_start3A_1711, %dma_start3A_1712, %dma_start3A_1717, %dma_start3A_1718] : memref<2x64x128x128xf32, #tpu.memory_space<vmem>> -> memref<1x1x128x128xf32, #tpu.memory_space<vmem>>
      %dma_start3A_1720 = tpu.memref_squeeze %dma_start3A_1719 : memref<1x1x128x128xf32, #tpu.memory_space<vmem>> -> memref<128x128xf32, #tpu.memory_space<vmem>>
      %dma_start3A_1721 = arith.constant 0 : i32
      %dma_start3A_1722 = arith.constant 0 : i32
      %dma_start3A_1723 = tpu.memref_slice %arg3[%get3A_1710, %dma_start3A_1721, %dma_start3A_1722] : memref<1196x128x128xf32, #tpu.memory_space<any>> -> memref<1x128x128xf32, #tpu.memory_space<any>>
      %dma_start3A_1724 = tpu.memref_squeeze %dma_start3A_1723 : memref<1x128x128xf32, #tpu.memory_space<any>> -> memref<128x128xf32, #tpu.memory_space<any>>
      tpu.enqueue_dma source(%dma_start3A_1724 : memref<128x128xf32, #tpu.memory_space<any>>) target(%dma_start3A_1720 : memref<128x128xf32, #tpu.memory_space<vmem>>) target_semaphore(%dma_start3A_1716 : memref<!tpu.dma_semaphore, #tpu.memory_space<semaphore_mem>>)
      %mul3A_1725 = arith.constant 64 : i32
      %mul3A_1726 = arith.muli %arg0, %mul3A_1725 : i32
      %add3A_1727 = arith.constant 48 : i32
      %add3A_1728 = arith.addi %mul3A_1726, %add3A_1727 : i32
      %add3A_1729 = arith.constant 0 : i32
      %add3A_1730 = arith.addi %add3A_1728, %add3A_1729 : i32
      %get3A_1731 = arith.index_cast %add3A_1730 : i32 to index
      %get3A_1732 = memref.load %arg1[%get3A_1731] : memref<512xi32, #tpu.memory_space<smem>>
      %dma_start3A_1733 = arith.constant 0 : i32
      %dma_start3A_1734 = arith.constant 6 : i32
      %dma_start3A_1735 = arith.constant 0 : i32
      %dma_start3A_1736 = arith.constant 6 : i32
      %dma_start3A_1737 = tpu.memref_slice %arg16[%dma_start3A_1735, %dma_start3A_1736] : memref<2x64x!tpu.dma_semaphore, #tpu.memory_space<semaphore_mem>> -> memref<1x1x!tpu.dma_semaphore, #tpu.memory_space<semaphore_mem>>
      %dma_start3A_1738 = tpu.memref_squeeze %dma_start3A_1737 : memref<1x1x!tpu.dma_semaphore, #tpu.memory_space<semaphore_mem>> -> memref<!tpu.dma_semaphore, #tpu.memory_space<semaphore_mem>>
      %dma_start3A_1739 = arith.constant 0 : i32
      %dma_start3A_1740 = arith.constant 0 : i32
      %dma_start3A_1741 = tpu.memref_slice %arg15[%dma_start3A_1733, %dma_start3A_1734, %dma_start3A_1739, %dma_start3A_1740] : memref<2x64x128x128xf32, #tpu.memory_space<vmem>> -> memref<1x1x128x128xf32, #tpu.memory_space<vmem>>
      %dma_start3A_1742 = tpu.memref_squeeze %dma_start3A_1741 : memref<1x1x128x128xf32, #tpu.memory_space<vmem>> -> memref<128x128xf32, #tpu.memory_space<vmem>>
      %dma_start3A_1743 = arith.constant 0 : i32
      %dma_start3A_1744 = arith.constant 0 : i32
      %dma_start3A_1745 = tpu.memref_slice %arg3[%get3A_1732, %dma_start3A_1743, %dma_start3A_1744] : memref<1196x128x128xf32, #tpu.memory_space<any>> -> memref<1x128x128xf32, #tpu.memory_space<any>>
      %dma_start3A_1746 = tpu.memref_squeeze %dma_start3A_1745 : memref<1x128x128xf32, #tpu.memory_space<any>> -> memref<128x128xf32, #tpu.memory_space<any>>
      tpu.enqueue_dma source(%dma_start3A_1746 : memref<128x128xf32, #tpu.memory_space<any>>) target(%dma_start3A_1742 : memref<128x128xf32, #tpu.memory_space<vmem>>) target_semaphore(%dma_start3A_1738 : memref<!tpu.dma_semaphore, #tpu.memory_space<semaphore_mem>>)
      %mul3A_1747 = arith.constant 64 : i32
      %mul3A_1748 = arith.muli %arg0, %mul3A_1747 : i32
      %add3A_1749 = arith.constant 56 : i32
      %add3A_1750 = arith.addi %mul3A_1748, %add3A_1749 : i32
      %add3A_1751 = arith.constant 0 : i32
      %add3A_1752 = arith.addi %add3A_1750, %add3A_1751 : i32
      %get3A_1753 = arith.index_cast %add3A_1752 : i32 to index
      %get3A_1754 = memref.load %arg1[%get3A_1753] : memref<512xi32, #tpu.memory_space<smem>>
      %dma_start3A_1755 = arith.constant 0 : i32
      %dma_start3A_1756 = arith.constant 7 : i32
      %dma_start3A_1757 = arith.constant 0 : i32
      %dma_start3A_1758 = arith.constant 7 : i32
      %dma_start3A_1759 = tpu.memref_slice %arg16[%dma_start3A_1757, %dma_start3A_1758] : memref<2x64x!tpu.dma_semaphore, #tpu.memory_space<semaphore_mem>> -> memref<1x1x!tpu.dma_semaphore, #tpu.memory_space<semaphore_mem>>
      %dma_start3A_1760 = tpu.memref_squeeze %dma_start3A_1759 : memref<1x1x!tpu.dma_semaphore, #tpu.memory_space<semaphore_mem>> -> memref<!tpu.dma_semaphore, #tpu.memory_space<semaphore_mem>>
      %dma_start3A_1761 = arith.constant 0 : i32
      %dma_start3A_1762 = arith.constant 0 : i32
      %dma_start3A_1763 = tpu.memref_slice %arg15[%dma_start3A_1755, %dma_start3A_1756, %dma_start3A_1761, %dma_start3A_1762] : memref<2x64x128x128xf32, #tpu.memory_space<vmem>> -> memref<1x1x128x128xf32, #tpu.memory_space<vmem>>
      %dma_start3A_1764 = tpu.memref_squeeze %dma_start3A_1763 : memref<1x1x128x128xf32, #tpu.memory_space<vmem>> -> memref<128x128xf32, #tpu.memory_space<vmem>>
      %dma_start3A_1765 = arith.constant 0 : i32
      %dma_start3A_1766 = arith.constant 0 : i32
      %dma_start3A_1767 = tpu.memref_slice %arg3[%get3A_1754, %dma_start3A_1765, %dma_start3A_1766] : memref<1196x128x128xf32, #tpu.memory_space<any>> -> memref<1x128x128xf32, #tpu.memory_space<any>>
      %dma_start3A_1768 = tpu.memref_squeeze %dma_start3A_1767 : memref<1x128x128xf32, #tpu.memory_space<any>> -> memref<128x128xf32, #tpu.memory_space<any>>
      tpu.enqueue_dma source(%dma_start3A_1768 : memref<128x128xf32, #tpu.memory_space<any>>) target(%dma_start3A_1764 : memref<128x128xf32, #tpu.memory_space<vmem>>) target_semaphore(%dma_start3A_1760 : memref<!tpu.dma_semaphore, #tpu.memory_space<semaphore_mem>>)
      %mul3A_1769 = arith.constant 64 : i32
      %mul3A_1770 = arith.muli %arg0, %mul3A_1769 : i32
      %add3A_1771 = arith.constant 0 : i32
      %add3A_1772 = arith.addi %mul3A_1770, %add3A_1771 : i32
      %add3A_1773 = arith.constant 1 : i32
      %add3A_1774 = arith.addi %add3A_1772, %add3A_1773 : i32
      %get3A_1775 = arith.index_cast %add3A_1774 : i32 to index
      %get3A_1776 = memref.load %arg1[%get3A_1775] : memref<512xi32, #tpu.memory_space<smem>>
      %dma_start3A_1777 = arith.constant 0 : i32
      %dma_start3A_1778 = arith.constant 8 : i32
      %dma_start3A_1779 = arith.constant 0 : i32
      %dma_start3A_1780 = arith.constant 8 : i32
      %dma_start3A_1781 = tpu.memref_slice %arg16[%dma_start3A_1779, %dma_start3A_1780] : memref<2x64x!tpu.dma_semaphore, #tpu.memory_space<semaphore_mem>> -> memref<1x1x!tpu.dma_semaphore, #tpu.memory_space<semaphore_mem>>
      %dma_start3A_1782 = tpu.memref_squeeze %dma_start3A_1781 : memref<1x1x!tpu.dma_semaphore, #tpu.memory_space<semaphore_mem>> -> memref<!tpu.dma_semaphore, #tpu.memory_space<semaphore_mem>>
      %dma_start3A_1783 = arith.constant 0 : i32
      %dma_start3A_1784 = arith.constant 0 : i32
      %dma_start3A_1785 = tpu.memref_slice %arg15[%dma_start3A_1777, %dma_start3A_1778, %dma_start3A_1783, %dma_start3A_1784] : memref<2x64x128x128xf32, #tpu.memory_space<vmem>> -> memref<1x1x128x128xf32, #tpu.memory_space<vmem>>
      %dma_start3A_1786 = tpu.memref_squeeze %dma_start3A_1785 : memref<1x1x128x128xf32, #tpu.memory_space<vmem>> -> memref<128x128xf32, #tpu.memory_space<vmem>>
      %dma_start3A_1787 = arith.constant 0 : i32
      %dma_start3A_1788 = arith.constant 0 : i32
      %dma_start3A_1789 = tpu.memref_slice %arg3[%get3A_1776, %dma_start3A_1787, %dma_start3A_1788] : memref<1196x128x128xf32, #tpu.memory_space<any>> -> memref<1x128x128xf32, #tpu.memory_space<any>>
      %dma_start3A_1790 = tpu.memref_squeeze %dma_start3A_1789 : memref<1x128x128xf32, #tpu.memory_space<any>> -> memref<128x128xf32, #tpu.memory_space<any>>
      tpu.enqueue_dma source(%dma_start3A_1790 : memref<128x128xf32, #tpu.memory_space<any>>) target(%dma_start3A_1786 : memref<128x128xf32, #tpu.memory_space<vmem>>) target_semaphore(%dma_start3A_1782 : memref<!tpu.dma_semaphore, #tpu.memory_space<semaphore_mem>>)
      %mul3A_1791 = arith.constant 64 : i32
      %mul3A_1792 = arith.muli %arg0, %mul3A_1791 : i32
      %add3A_1793 = arith.constant 8 : i32
      %add3A_1794 = arith.addi %mul3A_1792, %add3A_1793 : i32
      %add3A_1795 = arith.constant 1 : i32
      %add3A_1796 = arith.addi %add3A_1794, %add3A_1795 : i32
      %get3A_1797 = arith.index_cast %add3A_1796 : i32 to index
      %get3A_1798 = memref.load %arg1[%get3A_1797] : memref<512xi32, #tpu.memory_space<smem>>
      %dma_start3A_1799 = arith.constant 0 : i32
      %dma_start3A_1800 = arith.constant 9 : i32
      %dma_start3A_1801 = arith.constant 0 : i32
      %dma_start3A_1802 = arith.constant 9 : i32
      %dma_start3A_1803 = tpu.memref_slice %arg16[%dma_start3A_1801, %dma_start3A_1802] : memref<2x64x!tpu.dma_semaphore, #tpu.memory_space<semaphore_mem>> -> memref<1x1x!tpu.dma_semaphore, #tpu.memory_space<semaphore_mem>>
      %dma_start3A_1804 = tpu.memref_squeeze %dma_start3A_1803 : memref<1x1x!tpu.dma_semaphore, #tpu.memory_space<semaphore_mem>> -> memref<!tpu.dma_semaphore, #tpu.memory_space<semaphore_mem>>
      %dma_start3A_1805 = arith.constant 0 : i32
      %dma_start3A_1806 = arith.constant 0 : i32
      %dma_start3A_1807 = tpu.memref_slice %arg15[%dma_start3A_1799, %dma_start3A_1800, %dma_start3A_1805, %dma_start3A_1806] : memref<2x64x128x128xf32, #tpu.memory_space<vmem>> -> memref<1x1x128x128xf32, #tpu.memory_space<vmem>>
      %dma_start3A_1808 = tpu.memref_squeeze %dma_start3A_1807 : memref<1x1x128x128xf32, #tpu.memory_space<vmem>> -> memref<128x128xf32, #tpu.memory_space<vmem>>
      %dma_start3A_1809 = arith.constant 0 : i32
      %dma_start3A_1810 = arith.constant 0 : i32
      %dma_start3A_1811 = tpu.memref_slice %arg3[%get3A_1798, %dma_start3A_1809, %dma_start3A_1810] : memref<1196x128x128xf32, #tpu.memory_space<any>> -> memref<1x128x128xf32, #tpu.memory_space<any>>
      %dma_start3A_1812 = tpu.memref_squeeze %dma_start3A_1811 : memref<1x128x128xf32, #tpu.memory_space<any>> -> memref<128x128xf32, #tpu.memory_space<any>>
      tpu.enqueue_dma source(%dma_start3A_1812 : memref<128x128xf32, #tpu.memory_space<any>>) target(%dma_start3A_1808 : memref<128x128xf32, #tpu.memory_space<vmem>>) target_semaphore(%dma_start3A_1804 : memref<!tpu.dma_semaphore, #tpu.memory_space<semaphore_mem>>)
      %mul3A_1813 = arith.constant 64 : i32
      %mul3A_1814 = arith.muli %arg0, %mul3A_1813 : i32
      %add3A_1815 = arith.constant 16 : i32
      %add3A_1816 = arith.addi %mul3A_1814, %add3A_1815 : i32
      %add3A_1817 = arith.constant 1 : i32
      %add3A_1818 = arith.addi %add3A_1816, %add3A_1817 : i32
      %get3A_1819 = arith.index_cast %add3A_1818 : i32 to index
      %get3A_1820 = memref.load %arg1[%get3A_1819] : memref<512xi32, #tpu.memory_space<smem>>
      %dma_start3A_1821 = arith.constant 0 : i32
      %dma_start3A_1822 = arith.constant 10 : i32
      %dma_start3A_1823 = arith.constant 0 : i32
      %dma_start3A_1824 = arith.constant 10 : i32
      %dma_start3A_1825 = tpu.memref_slice %arg16[%dma_start3A_1823, %dma_start3A_1824] : memref<2x64x!tpu.dma_semaphore, #tpu.memory_space<semaphore_mem>> -> memref<1x1x!tpu.dma_semaphore, #tpu.memory_space<semaphore_mem>>
      %dma_start3A_1826 = tpu.memref_squeeze %dma_start3A_1825 : memref<1x1x!tpu.dma_semaphore, #tpu.memory_space<semaphore_mem>> -> memref<!tpu.dma_semaphore, #tpu.memory_space<semaphore_mem>>
      %dma_start3A_1827 = arith.constant 0 : i32
      %dma_start3A_1828 = arith.constant 0 : i32
      %dma_start3A_1829 = tpu.memref_slice %arg15[%dma_start3A_1821, %dma_start3A_1822, %dma_start3A_1827, %dma_start3A_1828] : memref<2x64x128x128xf32, #tpu.memory_space<vmem>> -> memref<1x1x128x128xf32, #tpu.memory_space<vmem>>
      %dma_start3A_1830 = tpu.memref_squeeze %dma_start3A_1829 : memref<1x1x128x128xf32, #tpu.memory_space<vmem>> -> memref<128x128xf32, #tpu.memory_space<vmem>>
      %dma_start3A_1831 = arith.constant 0 : i32
      %dma_start3A_1832 = arith.constant 0 : i32
      %dma_start3A_1833 = tpu.memref_slice %arg3[%get3A_1820, %dma_start3A_1831, %dma_start3A_1832] : memref<1196x128x128xf32, #tpu.memory_space<any>> -> memref<1x128x128xf32, #tpu.memory_space<any>>
      %dma_start3A_1834 = tpu.memref_squeeze %dma_start3A_1833 : memref<1x128x128xf32, #tpu.memory_space<any>> -> memref<128x128xf32, #tpu.memory_space<any>>
      tpu.enqueue_dma source(%dma_start3A_1834 : memref<128x128xf32, #tpu.memory_space<any>>) target(%dma_start3A_1830 : memref<128x128xf32, #tpu.memory_space<vmem>>) target_semaphore(%dma_start3A_1826 : memref<!tpu.dma_semaphore, #tpu.memory_space<semaphore_mem>>)
      %mul3A_1835 = arith.constant 64 : i32
      %mul3A_1836 = arith.muli %arg0, %mul3A_1835 : i32
      %add3A_1837 = arith.constant 24 : i32
      %add3A_1838 = arith.addi %mul3A_1836, %add3A_1837 : i32
      %add3A_1839 = arith.constant 1 : i32
      %add3A_1840 = arith.addi %add3A_1838, %add3A_1839 : i32
      %get3A_1841 = arith.index_cast %add3A_1840 : i32 to index
      %get3A_1842 = memref.load %arg1[%get3A_1841] : memref<512xi32, #tpu.memory_space<smem>>
      %dma_start3A_1843 = arith.constant 0 : i32
      %dma_start3A_1844 = arith.constant 11 : i32
      %dma_start3A_1845 = arith.constant 0 : i32
      %dma_start3A_1846 = arith.constant 11 : i32
      %dma_start3A_1847 = tpu.memref_slice %arg16[%dma_start3A_1845, %dma_start3A_1846] : memref<2x64x!tpu.dma_semaphore, #tpu.memory_space<semaphore_mem>> -> memref<1x1x!tpu.dma_semaphore, #tpu.memory_space<semaphore_mem>>
      %dma_start3A_1848 = tpu.memref_squeeze %dma_start3A_1847 : memref<1x1x!tpu.dma_semaphore, #tpu.memory_space<semaphore_mem>> -> memref<!tpu.dma_semaphore, #tpu.memory_space<semaphore_mem>>
      %dma_start3A_1849 = arith.constant 0 : i32
      %dma_start3A_1850 = arith.constant 0 : i32
      %dma_start3A_1851 = tpu.memref_slice %arg15[%dma_start3A_1843, %dma_start3A_1844, %dma_start3A_1849, %dma_start3A_1850] : memref<2x64x128x128xf32, #tpu.memory_space<vmem>> -> memref<1x1x128x128xf32, #tpu.memory_space<vmem>>
      %dma_start3A_1852 = tpu.memref_squeeze %dma_start3A_1851 : memref<1x1x128x128xf32, #tpu.memory_space<vmem>> -> memref<128x128xf32, #tpu.memory_space<vmem>>
      %dma_start3A_1853 = arith.constant 0 : i32
      %dma_start3A_1854 = arith.constant 0 : i32
      %dma_start3A_1855 = tpu.memref_slice %arg3[%get3A_1842, %dma_start3A_1853, %dma_start3A_1854] : memref<1196x128x128xf32, #tpu.memory_space<any>> -> memref<1x128x128xf32, #tpu.memory_space<any>>
      %dma_start3A_1856 = tpu.memref_squeeze %dma_start3A_1855 : memref<1x128x128xf32, #tpu.memory_space<any>> -> memref<128x128xf32, #tpu.memory_space<any>>
      tpu.enqueue_dma source(%dma_start3A_1856 : memref<128x128xf32, #tpu.memory_space<any>>) target(%dma_start3A_1852 : memref<128x128xf32, #tpu.memory_space<vmem>>) target_semaphore(%dma_start3A_1848 : memref<!tpu.dma_semaphore, #tpu.memory_space<semaphore_mem>>)
      %mul3A_1857 = arith.constant 64 : i32
      %mul3A_1858 = arith.muli %arg0, %mul3A_1857 : i32
      %add3A_1859 = arith.constant 32 : i32
      %add3A_1860 = arith.addi %mul3A_1858, %add3A_1859 : i32
      %add3A_1861 = arith.constant 1 : i32
      %add3A_1862 = arith.addi %add3A_1860, %add3A_1861 : i32
      %get3A_1863 = arith.index_cast %add3A_1862 : i32 to index
      %get3A_1864 = memref.load %arg1[%get3A_1863] : memref<512xi32, #tpu.memory_space<smem>>
      %dma_start3A_1865 = arith.constant 0 : i32
      %dma_start3A_1866 = arith.constant 12 : i32
      %dma_start3A_1867 = arith.constant 0 : i32
      %dma_start3A_1868 = arith.constant 12 : i32
      %dma_start3A_1869 = tpu.memref_slice %arg16[%dma_start3A_1867, %dma_start3A_1868] : memref<2x64x!tpu.dma_semaphore, #tpu.memory_space<semaphore_mem>> -> memref<1x1x!tpu.dma_semaphore, #tpu.memory_space<semaphore_mem>>
      %dma_start3A_1870 = tpu.memref_squeeze %dma_start3A_1869 : memref<1x1x!tpu.dma_semaphore, #tpu.memory_space<semaphore_mem>> -> memref<!tpu.dma_semaphore, #tpu.memory_space<semaphore_mem>>
      %dma_start3A_1871 = arith.constant 0 : i32
      %dma_start3A_1872 = arith.constant 0 : i32
      %dma_start3A_1873 = tpu.memref_slice %arg15[%dma_start3A_1865, %dma_start3A_1866, %dma_start3A_1871, %dma_start3A_1872] : memref<2x64x128x128xf32, #tpu.memory_space<vmem>> -> memref<1x1x128x128xf32, #tpu.memory_space<vmem>>
      %dma_start3A_1874 = tpu.memref_squeeze %dma_start3A_1873 : memref<1x1x128x128xf32, #tpu.memory_space<vmem>> -> memref<128x128xf32, #tpu.memory_space<vmem>>
      %dma_start3A_1875 = arith.constant 0 : i32
      %dma_start3A_1876 = arith.constant 0 : i32
      %dma_start3A_1877 = tpu.memref_slice %arg3[%get3A_1864, %dma_start3A_1875, %dma_start3A_1876] : memref<1196x128x128xf32, #tpu.memory_space<any>> -> memref<1x128x128xf32, #tpu.memory_space<any>>
      %dma_start3A_1878 = tpu.memref_squeeze %dma_start3A_1877 : memref<1x128x128xf32, #tpu.memory_space<any>> -> memref<128x128xf32, #tpu.memory_space<any>>
      tpu.enqueue_dma source(%dma_start3A_1878 : memref<128x128xf32, #tpu.memory_space<any>>) target(%dma_start3A_1874 : memref<128x128xf32, #tpu.memory_space<vmem>>) target_semaphore(%dma_start3A_1870 : memref<!tpu.dma_semaphore, #tpu.memory_space<semaphore_mem>>)
      %mul3A_1879 = arith.constant 64 : i32
      %mul3A_1880 = arith.muli %arg0, %mul3A_1879 : i32
      %add3A_1881 = arith.constant 40 : i32
      %add3A_1882 = arith.addi %mul3A_1880, %add3A_1881 : i32
      %add3A_1883 = arith.constant 1 : i32
      %add3A_1884 = arith.addi %add3A_1882, %add3A_1883 : i32
      %get3A_1885 = arith.index_cast %add3A_1884 : i32 to index
      %get3A_1886 = memref.load %arg1[%get3A_1885] : memref<512xi32, #tpu.memory_space<smem>>
      %dma_start3A_1887 = arith.constant 0 : i32
      %dma_start3A_1888 = arith.constant 13 : i32
      %dma_start3A_1889 = arith.constant 0 : i32
      %dma_start3A_1890 = arith.constant 13 : i32
      %dma_start3A_1891 = tpu.memref_slice %arg16[%dma_start3A_1889, %dma_start3A_1890] : memref<2x64x!tpu.dma_semaphore, #tpu.memory_space<semaphore_mem>> -> memref<1x1x!tpu.dma_semaphore, #tpu.memory_space<semaphore_mem>>
      %dma_start3A_1892 = tpu.memref_squeeze %dma_start3A_1891 : memref<1x1x!tpu.dma_semaphore, #tpu.memory_space<semaphore_mem>> -> memref<!tpu.dma_semaphore, #tpu.memory_space<semaphore_mem>>
      %dma_start3A_1893 = arith.constant 0 : i32
      %dma_start3A_1894 = arith.constant 0 : i32
      %dma_start3A_1895 = tpu.memref_slice %arg15[%dma_start3A_1887, %dma_start3A_1888, %dma_start3A_1893, %dma_start3A_1894] : memref<2x64x128x128xf32, #tpu.memory_space<vmem>> -> memref<1x1x128x128xf32, #tpu.memory_space<vmem>>
      %dma_start3A_1896 = tpu.memref_squeeze %dma_start3A_1895 : memref<1x1x128x128xf32, #tpu.memory_space<vmem>> -> memref<128x128xf32, #tpu.memory_space<vmem>>
      %dma_start3A_1897 = arith.constant 0 : i32
      %dma_start3A_1898 = arith.constant 0 : i32
      %dma_start3A_1899 = tpu.memref_slice %arg3[%get3A_1886, %dma_start3A_1897, %dma_start3A_1898] : memref<1196x128x128xf32, #tpu.memory_space<any>> -> memref<1x128x128xf32, #tpu.memory_space<any>>
      %dma_start3A_1900 = tpu.memref_squeeze %dma_start3A_1899 : memref<1x128x128xf32, #tpu.memory_space<any>> -> memref<128x128xf32, #tpu.memory_space<any>>
      tpu.enqueue_dma source(%dma_start3A_1900 : memref<128x128xf32, #tpu.memory_space<any>>) target(%dma_start3A_1896 : memref<128x128xf32, #tpu.memory_space<vmem>>) target_semaphore(%dma_start3A_1892 : memref<!tpu.dma_semaphore, #tpu.memory_space<semaphore_mem>>)
      %mul3A_1901 = arith.constant 64 : i32
      %mul3A_1902 = arith.muli %arg0, %mul3A_1901 : i32
      %add3A_1903 = arith.constant 48 : i32
      %add3A_1904 = arith.addi %mul3A_1902, %add3A_1903 : i32
      %add3A_1905 = arith.constant 1 : i32
      %add3A_1906 = arith.addi %add3A_1904, %add3A_1905 : i32
      %get3A_1907 = arith.index_cast %add3A_1906 : i32 to index
      %get3A_1908 = memref.load %arg1[%get3A_1907] : memref<512xi32, #tpu.memory_space<smem>>
      %dma_start3A_1909 = arith.constant 0 : i32
      %dma_start3A_1910 = arith.constant 14 : i32
      %dma_start3A_1911 = arith.constant 0 : i32
      %dma_start3A_1912 = arith.constant 14 : i32
      %dma_start3A_1913 = tpu.memref_slice %arg16[%dma_start3A_1911, %dma_start3A_1912] : memref<2x64x!tpu.dma_semaphore, #tpu.memory_space<semaphore_mem>> -> memref<1x1x!tpu.dma_semaphore, #tpu.memory_space<semaphore_mem>>
      %dma_start3A_1914 = tpu.memref_squeeze %dma_start3A_1913 : memref<1x1x!tpu.dma_semaphore, #tpu.memory_space<semaphore_mem>> -> memref<!tpu.dma_semaphore, #tpu.memory_space<semaphore_mem>>
      %dma_start3A_1915 = arith.constant 0 : i32
      %dma_start3A_1916 = arith.constant 0 : i32
      %dma_start3A_1917 = tpu.memref_slice %arg15[%dma_start3A_1909, %dma_start3A_1910, %dma_start3A_1915, %dma_start3A_1916] : memref<2x64x128x128xf32, #tpu.memory_space<vmem>> -> memref<1x1x128x128xf32, #tpu.memory_space<vmem>>
      %dma_start3A_1918 = tpu.memref_squeeze %dma_start3A_1917 : memref<1x1x128x128xf32, #tpu.memory_space<vmem>> -> memref<128x128xf32, #tpu.memory_space<vmem>>
      %dma_start3A_1919 = arith.constant 0 : i32
      %dma_start3A_1920 = arith.constant 0 : i32
      %dma_start3A_1921 = tpu.memref_slice %arg3[%get3A_1908, %dma_start3A_1919, %dma_start3A_1920] : memref<1196x128x128xf32, #tpu.memory_space<any>> -> memref<1x128x128xf32, #tpu.memory_space<any>>
      %dma_start3A_1922 = tpu.memref_squeeze %dma_start3A_1921 : memref<1x128x128xf32, #tpu.memory_space<any>> -> memref<128x128xf32, #tpu.memory_space<any>>
      tpu.enqueue_dma source(%dma_start3A_1922 : memref<128x128xf32, #tpu.memory_space<any>>) target(%dma_start3A_1918 : memref<128x128xf32, #tpu.memory_space<vmem>>) target_semaphore(%dma_start3A_1914 : memref<!tpu.dma_semaphore, #tpu.memory_space<semaphore_mem>>)
      %mul3A_1923 = arith.constant 64 : i32
      %mul3A_1924 = arith.muli %arg0, %mul3A_1923 : i32
      %add3A_1925 = arith.constant 56 : i32
      %add3A_1926 = arith.addi %mul3A_1924, %add3A_1925 : i32
      %add3A_1927 = arith.constant 1 : i32
      %add3A_1928 = arith.addi %add3A_1926, %add3A_1927 : i32
      %get3A_1929 = arith.index_cast %add3A_1928 : i32 to index
      %get3A_1930 = memref.load %arg1[%get3A_1929] : memref<512xi32, #tpu.memory_space<smem>>
      %dma_start3A_1931 = arith.constant 0 : i32
      %dma_start3A_1932 = arith.constant 15 : i32
      %dma_start3A_1933 = arith.constant 0 : i32
      %dma_start3A_1934 = arith.constant 15 : i32
      %dma_start3A_1935 = tpu.memref_slice %arg16[%dma_start3A_1933, %dma_start3A_1934] : memref<2x64x!tpu.dma_semaphore, #tpu.memory_space<semaphore_mem>> -> memref<1x1x!tpu.dma_semaphore, #tpu.memory_space<semaphore_mem>>
      %dma_start3A_1936 = tpu.memref_squeeze %dma_start3A_1935 : memref<1x1x!tpu.dma_semaphore, #tpu.memory_space<semaphore_mem>> -> memref<!tpu.dma_semaphore, #tpu.memory_space<semaphore_mem>>
      %dma_start3A_1937 = arith.constant 0 : i32
      %dma_start3A_1938 = arith.constant 0 : i32
      %dma_start3A_1939 = tpu.memref_slice %arg15[%dma_start3A_1931, %dma_start3A_1932, %dma_start3A_1937, %dma_start3A_1938] : memref<2x64x128x128xf32, #tpu.memory_space<vmem>> -> memref<1x1x128x128xf32, #tpu.memory_space<vmem>>
      %dma_start3A_1940 = tpu.memref_squeeze %dma_start3A_1939 : memref<1x1x128x128xf32, #tpu.memory_space<vmem>> -> memref<128x128xf32, #tpu.memory_space<vmem>>
      %dma_start3A_1941 = arith.constant 0 : i32
      %dma_start3A_1942 = arith.constant 0 : i32
      %dma_start3A_1943 = tpu.memref_slice %arg3[%get3A_1930, %dma_start3A_1941, %dma_start3A_1942] : memref<1196x128x128xf32, #tpu.memory_space<any>> -> memref<1x128x128xf32, #tpu.memory_space<any>>
      %dma_start3A_1944 = tpu.memref_squeeze %dma_start3A_1943 : memref<1x128x128xf32, #tpu.memory_space<any>> -> memref<128x128xf32, #tpu.memory_space<any>>
      tpu.enqueue_dma source(%dma_start3A_1944 : memref<128x128xf32, #tpu.memory_space<any>>) target(%dma_start3A_1940 : memref<128x128xf32, #tpu.memory_space<vmem>>) target_semaphore(%dma_start3A_1936 : memref<!tpu.dma_semaphore, #tpu.memory_space<semaphore_mem>>)
      %mul3A_1945 = arith.constant 64 : i32
      %mul3A_1946 = arith.muli %arg0, %mul3A_1945 : i32
      %add3A_1947 = arith.constant 0 : i32
      %add3A_1948 = arith.addi %mul3A_1946, %add3A_1947 : i32
      %add3A_1949 = arith.constant 2 : i32
      %add3A_1950 = arith.addi %add3A_1948, %add3A_1949 : i32
      %get3A_1951 = arith.index_cast %add3A_1950 : i32 to index
      %get3A_1952 = memref.load %arg1[%get3A_1951] : memref<512xi32, #tpu.memory_space<smem>>
      %dma_start3A_1953 = arith.constant 0 : i32
      %dma_start3A_1954 = arith.constant 16 : i32
      %dma_start3A_1955 = arith.constant 0 : i32
      %dma_start3A_1956 = arith.constant 16 : i32
      %dma_start3A_1957 = tpu.memref_slice %arg16[%dma_start3A_1955, %dma_start3A_1956] : memref<2x64x!tpu.dma_semaphore, #tpu.memory_space<semaphore_mem>> -> memref<1x1x!tpu.dma_semaphore, #tpu.memory_space<semaphore_mem>>
      %dma_start3A_1958 = tpu.memref_squeeze %dma_start3A_1957 : memref<1x1x!tpu.dma_semaphore, #tpu.memory_space<semaphore_mem>> -> memref<!tpu.dma_semaphore, #tpu.memory_space<semaphore_mem>>
      %dma_start3A_1959 = arith.constant 0 : i32
      %dma_start3A_1960 = arith.constant 0 : i32
      %dma_start3A_1961 = tpu.memref_slice %arg15[%dma_start3A_1953, %dma_start3A_1954, %dma_start3A_1959, %dma_start3A_1960] : memref<2x64x128x128xf32, #tpu.memory_space<vmem>> -> memref<1x1x128x128xf32, #tpu.memory_space<vmem>>
      %dma_start3A_1962 = tpu.memref_squeeze %dma_start3A_1961 : memref<1x1x128x128xf32, #tpu.memory_space<vmem>> -> memref<128x128xf32, #tpu.memory_space<vmem>>
      %dma_start3A_1963 = arith.constant 0 : i32
      %dma_start3A_1964 = arith.constant 0 : i32
      %dma_start3A_1965 = tpu.memref_slice %arg3[%get3A_1952, %dma_start3A_1963, %dma_start3A_1964] : memref<1196x128x128xf32, #tpu.memory_space<any>> -> memref<1x128x128xf32, #tpu.memory_space<any>>
      %dma_start3A_1966 = tpu.memref_squeeze %dma_start3A_1965 : memref<1x128x128xf32, #tpu.memory_space<any>> -> memref<128x128xf32, #tpu.memory_space<any>>
      tpu.enqueue_dma source(%dma_start3A_1966 : memref<128x128xf32, #tpu.memory_space<any>>) target(%dma_start3A_1962 : memref<128x128xf32, #tpu.memory_space<vmem>>) target_semaphore(%dma_start3A_1958 : memref<!tpu.dma_semaphore, #tpu.memory_space<semaphore_mem>>)
      %mul3A_1967 = arith.constant 64 : i32
      %mul3A_1968 = arith.muli %arg0, %mul3A_1967 : i32
      %add3A_1969 = arith.constant 8 : i32
      %add3A_1970 = arith.addi %mul3A_1968, %add3A_1969 : i32
      %add3A_1971 = arith.constant 2 : i32
      %add3A_1972 = arith.addi %add3A_1970, %add3A_1971 : i32
      %get3A_1973 = arith.index_cast %add3A_1972 : i32 to index
      %get3A_1974 = memref.load %arg1[%get3A_1973] : memref<512xi32, #tpu.memory_space<smem>>
      %dma_start3A_1975 = arith.constant 0 : i32
      %dma_start3A_1976 = arith.constant 17 : i32
      %dma_start3A_1977 = arith.constant 0 : i32
      %dma_start3A_1978 = arith.constant 17 : i32
      %dma_start3A_1979 = tpu.memref_slice %arg16[%dma_start3A_1977, %dma_start3A_1978] : memref<2x64x!tpu.dma_semaphore, #tpu.memory_space<semaphore_mem>> -> memref<1x1x!tpu.dma_semaphore, #tpu.memory_space<semaphore_mem>>
      %dma_start3A_1980 = tpu.memref_squeeze %dma_start3A_1979 : memref<1x1x!tpu.dma_semaphore, #tpu.memory_space<semaphore_mem>> -> memref<!tpu.dma_semaphore, #tpu.memory_space<semaphore_mem>>
      %dma_start3A_1981 = arith.constant 0 : i32
      %dma_start3A_1982 = arith.constant 0 : i32
      %dma_start3A_1983 = tpu.memref_slice %arg15[%dma_start3A_1975, %dma_start3A_1976, %dma_start3A_1981, %dma_start3A_1982] : memref<2x64x128x128xf32, #tpu.memory_space<vmem>> -> memref<1x1x128x128xf32, #tpu.memory_space<vmem>>
      %dma_start3A_1984 = tpu.memref_squeeze %dma_start3A_1983 : memref<1x1x128x128xf32, #tpu.memory_space<vmem>> -> memref<128x128xf32, #tpu.memory_space<vmem>>
      %dma_start3A_1985 = arith.constant 0 : i32
      %dma_start3A_1986 = arith.constant 0 : i32
      %dma_start3A_1987 = tpu.memref_slice %arg3[%get3A_1974, %dma_start3A_1985, %dma_start3A_1986] : memref<1196x128x128xf32, #tpu.memory_space<any>> -> memref<1x128x128xf32, #tpu.memory_space<any>>
      %dma_start3A_1988 = tpu.memref_squeeze %dma_start3A_1987 : memref<1x128x128xf32, #tpu.memory_space<any>> -> memref<128x128xf32, #tpu.memory_space<any>>
      tpu.enqueue_dma source(%dma_start3A_1988 : memref<128x128xf32, #tpu.memory_space<any>>) target(%dma_start3A_1984 : memref<128x128xf32, #tpu.memory_space<vmem>>) target_semaphore(%dma_start3A_1980 : memref<!tpu.dma_semaphore, #tpu.memory_space<semaphore_mem>>)
      %mul3A_1989 = arith.constant 64 : i32
      %mul3A_1990 = arith.muli %arg0, %mul3A_1989 : i32
      %add3A_1991 = arith.constant 16 : i32
      %add3A_1992 = arith.addi %mul3A_1990, %add3A_1991 : i32
      %add3A_1993 = arith.constant 2 : i32
      %add3A_1994 = arith.addi %add3A_1992, %add3A_1993 : i32
      %get3A_1995 = arith.index_cast %add3A_1994 : i32 to index
      %get3A_1996 = memref.load %arg1[%get3A_1995] : memref<512xi32, #tpu.memory_space<smem>>
      %dma_start3A_1997 = arith.constant 0 : i32
      %dma_start3A_1998 = arith.constant 18 : i32
      %dma_start3A_1999 = arith.constant 0 : i32
      %dma_start3A_2000 = arith.constant 18 : i32
      %dma_start3A_2001 = tpu.memref_slice %arg16[%dma_start3A_1999, %dma_start3A_2000] : memref<2x64x!tpu.dma_semaphore, #tpu.memory_space<semaphore_mem>> -> memref<1x1x!tpu.dma_semaphore, #tpu.memory_space<semaphore_mem>>
      %dma_start3A_2002 = tpu.memref_squeeze %dma_start3A_2001 : memref<1x1x!tpu.dma_semaphore, #tpu.memory_space<semaphore_mem>> -> memref<!tpu.dma_semaphore, #tpu.memory_space<semaphore_mem>>
      %dma_start3A_2003 = arith.constant 0 : i32
      %dma_start3A_2004 = arith.constant 0 : i32
      %dma_start3A_2005 = tpu.memref_slice %arg15[%dma_start3A_1997, %dma_start3A_1998, %dma_start3A_2003, %dma_start3A_2004] : memref<2x64x128x128xf32, #tpu.memory_space<vmem>> -> memref<1x1x128x128xf32, #tpu.memory_space<vmem>>
      %dma_start3A_2006 = tpu.memref_squeeze %dma_start3A_2005 : memref<1x1x128x128xf32, #tpu.memory_space<vmem>> -> memref<128x128xf32, #tpu.memory_space<vmem>>
      %dma_start3A_2007 = arith.constant 0 : i32
      %dma_start3A_2008 = arith.constant 0 : i32
      %dma_start3A_2009 = tpu.memref_slice %arg3[%get3A_1996, %dma_start3A_2007, %dma_start3A_2008] : memref<1196x128x128xf32, #tpu.memory_space<any>> -> memref<1x128x128xf32, #tpu.memory_space<any>>
      %dma_start3A_2010 = tpu.memref_squeeze %dma_start3A_2009 : memref<1x128x128xf32, #tpu.memory_space<any>> -> memref<128x128xf32, #tpu.memory_space<any>>
      tpu.enqueue_dma source(%dma_start3A_2010 : memref<128x128xf32, #tpu.memory_space<any>>) target(%dma_start3A_2006 : memref<128x128xf32, #tpu.memory_space<vmem>>) target_semaphore(%dma_start3A_2002 : memref<!tpu.dma_semaphore, #tpu.memory_space<semaphore_mem>>)
      %mul3A_2011 = arith.constant 64 : i32
      %mul3A_2012 = arith.muli %arg0, %mul3A_2011 : i32
      %add3A_2013 = arith.constant 24 : i32
      %add3A_2014 = arith.addi %mul3A_2012, %add3A_2013 : i32
      %add3A_2015 = arith.constant 2 : i32
      %add3A_2016 = arith.addi %add3A_2014, %add3A_2015 : i32
      %get3A_2017 = arith.index_cast %add3A_2016 : i32 to index
      %get3A_2018 = memref.load %arg1[%get3A_2017] : memref<512xi32, #tpu.memory_space<smem>>
      %dma_start3A_2019 = arith.constant 0 : i32
      %dma_start3A_2020 = arith.constant 19 : i32
      %dma_start3A_2021 = arith.constant 0 : i32
      %dma_start3A_2022 = arith.constant 19 : i32
      %dma_start3A_2023 = tpu.memref_slice %arg16[%dma_start3A_2021, %dma_start3A_2022] : memref<2x64x!tpu.dma_semaphore, #tpu.memory_space<semaphore_mem>> -> memref<1x1x!tpu.dma_semaphore, #tpu.memory_space<semaphore_mem>>
      %dma_start3A_2024 = tpu.memref_squeeze %dma_start3A_2023 : memref<1x1x!tpu.dma_semaphore, #tpu.memory_space<semaphore_mem>> -> memref<!tpu.dma_semaphore, #tpu.memory_space<semaphore_mem>>
      %dma_start3A_2025 = arith.constant 0 : i32
      %dma_start3A_2026 = arith.constant 0 : i32
      %dma_start3A_2027 = tpu.memref_slice %arg15[%dma_start3A_2019, %dma_start3A_2020, %dma_start3A_2025, %dma_start3A_2026] : memref<2x64x128x128xf32, #tpu.memory_space<vmem>> -> memref<1x1x128x128xf32, #tpu.memory_space<vmem>>
      %dma_start3A_2028 = tpu.memref_squeeze %dma_start3A_2027 : memref<1x1x128x128xf32, #tpu.memory_space<vmem>> -> memref<128x128xf32, #tpu.memory_space<vmem>>
      %dma_start3A_2029 = arith.constant 0 : i32
      %dma_start3A_2030 = arith.constant 0 : i32
      %dma_start3A_2031 = tpu.memref_slice %arg3[%get3A_2018, %dma_start3A_2029, %dma_start3A_2030] : memref<1196x128x128xf32, #tpu.memory_space<any>> -> memref<1x128x128xf32, #tpu.memory_space<any>>
      %dma_start3A_2032 = tpu.memref_squeeze %dma_start3A_2031 : memref<1x128x128xf32, #tpu.memory_space<any>> -> memref<128x128xf32, #tpu.memory_space<any>>
      tpu.enqueue_dma source(%dma_start3A_2032 : memref<128x128xf32, #tpu.memory_space<any>>) target(%dma_start3A_2028 : memref<128x128xf32, #tpu.memory_space<vmem>>) target_semaphore(%dma_start3A_2024 : memref<!tpu.dma_semaphore, #tpu.memory_space<semaphore_mem>>)
      %mul3A_2033 = arith.constant 64 : i32
      %mul3A_2034 = arith.muli %arg0, %mul3A_2033 : i32
      %add3A_2035 = arith.constant 32 : i32
      %add3A_2036 = arith.addi %mul3A_2034, %add3A_2035 : i32
      %add3A_2037 = arith.constant 2 : i32
      %add3A_2038 = arith.addi %add3A_2036, %add3A_2037 : i32
      %get3A_2039 = arith.index_cast %add3A_2038 : i32 to index
      %get3A_2040 = memref.load %arg1[%get3A_2039] : memref<512xi32, #tpu.memory_space<smem>>
      %dma_start3A_2041 = arith.constant 0 : i32
      %dma_start3A_2042 = arith.constant 20 : i32
      %dma_start3A_2043 = arith.constant 0 : i32
      %dma_start3A_2044 = arith.constant 20 : i32
      %dma_start3A_2045 = tpu.memref_slice %arg16[%dma_start3A_2043, %dma_start3A_2044] : memref<2x64x!tpu.dma_semaphore, #tpu.memory_space<semaphore_mem>> -> memref<1x1x!tpu.dma_semaphore, #tpu.memory_space<semaphore_mem>>
      %dma_start3A_2046 = tpu.memref_squeeze %dma_start3A_2045 : memref<1x1x!tpu.dma_semaphore, #tpu.memory_space<semaphore_mem>> -> memref<!tpu.dma_semaphore, #tpu.memory_space<semaphore_mem>>
      %dma_start3A_2047 = arith.constant 0 : i32
      %dma_start3A_2048 = arith.constant 0 : i32
      %dma_start3A_2049 = tpu.memref_slice %arg15[%dma_start3A_2041, %dma_start3A_2042, %dma_start3A_2047, %dma_start3A_2048] : memref<2x64x128x128xf32, #tpu.memory_space<vmem>> -> memref<1x1x128x128xf32, #tpu.memory_space<vmem>>
      %dma_start3A_2050 = tpu.memref_squeeze %dma_start3A_2049 : memref<1x1x128x128xf32, #tpu.memory_space<vmem>> -> memref<128x128xf32, #tpu.memory_space<vmem>>
      %dma_start3A_2051 = arith.constant 0 : i32
      %dma_start3A_2052 = arith.constant 0 : i32
      %dma_start3A_2053 = tpu.memref_slice %arg3[%get3A_2040, %dma_start3A_2051, %dma_start3A_2052] : memref<1196x128x128xf32, #tpu.memory_space<any>> -> memref<1x128x128xf32, #tpu.memory_space<any>>
      %dma_start3A_2054 = tpu.memref_squeeze %dma_start3A_2053 : memref<1x128x128xf32, #tpu.memory_space<any>> -> memref<128x128xf32, #tpu.memory_space<any>>
      tpu.enqueue_dma source(%dma_start3A_2054 : memref<128x128xf32, #tpu.memory_space<any>>) target(%dma_start3A_2050 : memref<128x128xf32, #tpu.memory_space<vmem>>) target_semaphore(%dma_start3A_2046 : memref<!tpu.dma_semaphore, #tpu.memory_space<semaphore_mem>>)
      %mul3A_2055 = arith.constant 64 : i32
      %mul3A_2056 = arith.muli %arg0, %mul3A_2055 : i32
      %add3A_2057 = arith.constant 40 : i32
      %add3A_2058 = arith.addi %mul3A_2056, %add3A_2057 : i32
      %add3A_2059 = arith.constant 2 : i32
      %add3A_2060 = arith.addi %add3A_2058, %add3A_2059 : i32
      %get3A_2061 = arith.index_cast %add3A_2060 : i32 to index
      %get3A_2062 = memref.load %arg1[%get3A_2061] : memref<512xi32, #tpu.memory_space<smem>>
      %dma_start3A_2063 = arith.constant 0 : i32
      %dma_start3A_2064 = arith.constant 21 : i32
      %dma_start3A_2065 = arith.constant 0 : i32
      %dma_start3A_2066 = arith.constant 21 : i32
      %dma_start3A_2067 = tpu.memref_slice %arg16[%dma_start3A_2065, %dma_start3A_2066] : memref<2x64x!tpu.dma_semaphore, #tpu.memory_space<semaphore_mem>> -> memref<1x1x!tpu.dma_semaphore, #tpu.memory_space<semaphore_mem>>
      %dma_start3A_2068 = tpu.memref_squeeze %dma_start3A_2067 : memref<1x1x!tpu.dma_semaphore, #tpu.memory_space<semaphore_mem>> -> memref<!tpu.dma_semaphore, #tpu.memory_space<semaphore_mem>>
      %dma_start3A_2069 = arith.constant 0 : i32
      %dma_start3A_2070 = arith.constant 0 : i32
      %dma_start3A_2071 = tpu.memref_slice %arg15[%dma_start3A_2063, %dma_start3A_2064, %dma_start3A_2069, %dma_start3A_2070] : memref<2x64x128x128xf32, #tpu.memory_space<vmem>> -> memref<1x1x128x128xf32, #tpu.memory_space<vmem>>
      %dma_start3A_2072 = tpu.memref_squeeze %dma_start3A_2071 : memref<1x1x128x128xf32, #tpu.memory_space<vmem>> -> memref<128x128xf32, #tpu.memory_space<vmem>>
      %dma_start3A_2073 = arith.constant 0 : i32
      %dma_start3A_2074 = arith.constant 0 : i32
      %dma_start3A_2075 = tpu.memref_slice %arg3[%get3A_2062, %dma_start3A_2073, %dma_start3A_2074] : memref<1196x128x128xf32, #tpu.memory_space<any>> -> memref<1x128x128xf32, #tpu.memory_space<any>>
      %dma_start3A_2076 = tpu.memref_squeeze %dma_start3A_2075 : memref<1x128x128xf32, #tpu.memory_space<any>> -> memref<128x128xf32, #tpu.memory_space<any>>
      tpu.enqueue_dma source(%dma_start3A_2076 : memref<128x128xf32, #tpu.memory_space<any>>) target(%dma_start3A_2072 : memref<128x128xf32, #tpu.memory_space<vmem>>) target_semaphore(%dma_start3A_2068 : memref<!tpu.dma_semaphore, #tpu.memory_space<semaphore_mem>>)
      %mul3A_2077 = arith.constant 64 : i32
      %mul3A_2078 = arith.muli %arg0, %mul3A_2077 : i32
      %add3A_2079 = arith.constant 48 : i32
      %add3A_2080 = arith.addi %mul3A_2078, %add3A_2079 : i32
      %add3A_2081 = arith.constant 2 : i32
      %add3A_2082 = arith.addi %add3A_2080, %add3A_2081 : i32
      %get3A_2083 = arith.index_cast %add3A_2082 : i32 to index
      %get3A_2084 = memref.load %arg1[%get3A_2083] : memref<512xi32, #tpu.memory_space<smem>>
      %dma_start3A_2085 = arith.constant 0 : i32
      %dma_start3A_2086 = arith.constant 22 : i32
      %dma_start3A_2087 = arith.constant 0 : i32
      %dma_start3A_2088 = arith.constant 22 : i32
      %dma_start3A_2089 = tpu.memref_slice %arg16[%dma_start3A_2087, %dma_start3A_2088] : memref<2x64x!tpu.dma_semaphore, #tpu.memory_space<semaphore_mem>> -> memref<1x1x!tpu.dma_semaphore, #tpu.memory_space<semaphore_mem>>
      %dma_start3A_2090 = tpu.memref_squeeze %dma_start3A_2089 : memref<1x1x!tpu.dma_semaphore, #tpu.memory_space<semaphore_mem>> -> memref<!tpu.dma_semaphore, #tpu.memory_space<semaphore_mem>>
      %dma_start3A_2091 = arith.constant 0 : i32
      %dma_start3A_2092 = arith.constant 0 : i32
      %dma_start3A_2093 = tpu.memref_slice %arg15[%dma_start3A_2085, %dma_start3A_2086, %dma_start3A_2091, %dma_start3A_2092] : memref<2x64x128x128xf32, #tpu.memory_space<vmem>> -> memref<1x1x128x128xf32, #tpu.memory_space<vmem>>
      %dma_start3A_2094 = tpu.memref_squeeze %dma_start3A_2093 : memref<1x1x128x128xf32, #tpu.memory_space<vmem>> -> memref<128x128xf32, #tpu.memory_space<vmem>>
      %dma_start3A_2095 = arith.constant 0 : i32
      %dma_start3A_2096 = arith.constant 0 : i32
      %dma_start3A_2097 = tpu.memref_slice %arg3[%get3A_2084, %dma_start3A_2095, %dma_start3A_2096] : memref<1196x128x128xf32, #tpu.memory_space<any>> -> memref<1x128x128xf32, #tpu.memory_space<any>>
      %dma_start3A_2098 = tpu.memref_squeeze %dma_start3A_2097 : memref<1x128x128xf32, #tpu.memory_space<any>> -> memref<128x128xf32, #tpu.memory_space<any>>
      tpu.enqueue_dma source(%dma_start3A_2098 : memref<128x128xf32, #tpu.memory_space<any>>) target(%dma_start3A_2094 : memref<128x128xf32, #tpu.memory_space<vmem>>) target_semaphore(%dma_start3A_2090 : memref<!tpu.dma_semaphore, #tpu.memory_space<semaphore_mem>>)
      %mul3A_2099 = arith.constant 64 : i32
      %mul3A_2100 = arith.muli %arg0, %mul3A_2099 : i32
      %add3A_2101 = arith.constant 56 : i32
      %add3A_2102 = arith.addi %mul3A_2100, %add3A_2101 : i32
      %add3A_2103 = arith.constant 2 : i32
      %add3A_2104 = arith.addi %add3A_2102, %add3A_2103 : i32
      %get3A_2105 = arith.index_cast %add3A_2104 : i32 to index
      %get3A_2106 = memref.load %arg1[%get3A_2105] : memref<512xi32, #tpu.memory_space<smem>>
      %dma_start3A_2107 = arith.constant 0 : i32
      %dma_start3A_2108 = arith.constant 23 : i32
      %dma_start3A_2109 = arith.constant 0 : i32
      %dma_start3A_2110 = arith.constant 23 : i32
      %dma_start3A_2111 = tpu.memref_slice %arg16[%dma_start3A_2109, %dma_start3A_2110] : memref<2x64x!tpu.dma_semaphore, #tpu.memory_space<semaphore_mem>> -> memref<1x1x!tpu.dma_semaphore, #tpu.memory_space<semaphore_mem>>
      %dma_start3A_2112 = tpu.memref_squeeze %dma_start3A_2111 : memref<1x1x!tpu.dma_semaphore, #tpu.memory_space<semaphore_mem>> -> memref<!tpu.dma_semaphore, #tpu.memory_space<semaphore_mem>>
      %dma_start3A_2113 = arith.constant 0 : i32
      %dma_start3A_2114 = arith.constant 0 : i32
      %dma_start3A_2115 = tpu.memref_slice %arg15[%dma_start3A_2107, %dma_start3A_2108, %dma_start3A_2113, %dma_start3A_2114] : memref<2x64x128x128xf32, #tpu.memory_space<vmem>> -> memref<1x1x128x128xf32, #tpu.memory_space<vmem>>
      %dma_start3A_2116 = tpu.memref_squeeze %dma_start3A_2115 : memref<1x1x128x128xf32, #tpu.memory_space<vmem>> -> memref<128x128xf32, #tpu.memory_space<vmem>>
      %dma_start3A_2117 = arith.constant 0 : i32
      %dma_start3A_2118 = arith.constant 0 : i32
      %dma_start3A_2119 = tpu.memref_slice %arg3[%get3A_2106, %dma_start3A_2117, %dma_start3A_2118] : memref<1196x128x128xf32, #tpu.memory_space<any>> -> memref<1x128x128xf32, #tpu.memory_space<any>>
      %dma_start3A_2120 = tpu.memref_squeeze %dma_start3A_2119 : memref<1x128x128xf32, #tpu.memory_space<any>> -> memref<128x128xf32, #tpu.memory_space<any>>
      tpu.enqueue_dma source(%dma_start3A_2120 : memref<128x128xf32, #tpu.memory_space<any>>) target(%dma_start3A_2116 : memref<128x128xf32, #tpu.memory_space<vmem>>) target_semaphore(%dma_start3A_2112 : memref<!tpu.dma_semaphore, #tpu.memory_space<semaphore_mem>>)
      %mul3A_2121 = arith.constant 64 : i32
      %mul3A_2122 = arith.muli %arg0, %mul3A_2121 : i32
      %add3A_2123 = arith.constant 0 : i32
      %add3A_2124 = arith.addi %mul3A_2122, %add3A_2123 : i32
      %add3A_2125 = arith.constant 3 : i32
      %add3A_2126 = arith.addi %add3A_2124, %add3A_2125 : i32
      %get3A_2127 = arith.index_cast %add3A_2126 : i32 to index
      %get3A_2128 = memref.load %arg1[%get3A_2127] : memref<512xi32, #tpu.memory_space<smem>>
      %dma_start3A_2129 = arith.constant 0 : i32
      %dma_start3A_2130 = arith.constant 24 : i32
      %dma_start3A_2131 = arith.constant 0 : i32
      %dma_start3A_2132 = arith.constant 24 : i32
      %dma_start3A_2133 = tpu.memref_slice %arg16[%dma_start3A_2131, %dma_start3A_2132] : memref<2x64x!tpu.dma_semaphore, #tpu.memory_space<semaphore_mem>> -> memref<1x1x!tpu.dma_semaphore, #tpu.memory_space<semaphore_mem>>
      %dma_start3A_2134 = tpu.memref_squeeze %dma_start3A_2133 : memref<1x1x!tpu.dma_semaphore, #tpu.memory_space<semaphore_mem>> -> memref<!tpu.dma_semaphore, #tpu.memory_space<semaphore_mem>>
      %dma_start3A_2135 = arith.constant 0 : i32
      %dma_start3A_2136 = arith.constant 0 : i32
      %dma_start3A_2137 = tpu.memref_slice %arg15[%dma_start3A_2129, %dma_start3A_2130, %dma_start3A_2135, %dma_start3A_2136] : memref<2x64x128x128xf32, #tpu.memory_space<vmem>> -> memref<1x1x128x128xf32, #tpu.memory_space<vmem>>
      %dma_start3A_2138 = tpu.memref_squeeze %dma_start3A_2137 : memref<1x1x128x128xf32, #tpu.memory_space<vmem>> -> memref<128x128xf32, #tpu.memory_space<vmem>>
      %dma_start3A_2139 = arith.constant 0 : i32
      %dma_start3A_2140 = arith.constant 0 : i32
      %dma_start3A_2141 = tpu.memref_slice %arg3[%get3A_2128, %dma_start3A_2139, %dma_start3A_2140] : memref<1196x128x128xf32, #tpu.memory_space<any>> -> memref<1x128x128xf32, #tpu.memory_space<any>>
      %dma_start3A_2142 = tpu.memref_squeeze %dma_start3A_2141 : memref<1x128x128xf32, #tpu.memory_space<any>> -> memref<128x128xf32, #tpu.memory_space<any>>
      tpu.enqueue_dma source(%dma_start3A_2142 : memref<128x128xf32, #tpu.memory_space<any>>) target(%dma_start3A_2138 : memref<128x128xf32, #tpu.memory_space<vmem>>) target_semaphore(%dma_start3A_2134 : memref<!tpu.dma_semaphore, #tpu.memory_space<semaphore_mem>>)
      %mul3A_2143 = arith.constant 64 : i32
      %mul3A_2144 = arith.muli %arg0, %mul3A_2143 : i32
      %add3A_2145 = arith.constant 8 : i32
      %add3A_2146 = arith.addi %mul3A_2144, %add3A_2145 : i32
      %add3A_2147 = arith.constant 3 : i32
      %add3A_2148 = arith.addi %add3A_2146, %add3A_2147 : i32
      %get3A_2149 = arith.index_cast %add3A_2148 : i32 to index
      %get3A_2150 = memref.load %arg1[%get3A_2149] : memref<512xi32, #tpu.memory_space<smem>>
      %dma_start3A_2151 = arith.constant 0 : i32
      %dma_start3A_2152 = arith.constant 25 : i32
      %dma_start3A_2153 = arith.constant 0 : i32
      %dma_start3A_2154 = arith.constant 25 : i32
      %dma_start3A_2155 = tpu.memref_slice %arg16[%dma_start3A_2153, %dma_start3A_2154] : memref<2x64x!tpu.dma_semaphore, #tpu.memory_space<semaphore_mem>> -> memref<1x1x!tpu.dma_semaphore, #tpu.memory_space<semaphore_mem>>
      %dma_start3A_2156 = tpu.memref_squeeze %dma_start3A_2155 : memref<1x1x!tpu.dma_semaphore, #tpu.memory_space<semaphore_mem>> -> memref<!tpu.dma_semaphore, #tpu.memory_space<semaphore_mem>>
      %dma_start3A_2157 = arith.constant 0 : i32
      %dma_start3A_2158 = arith.constant 0 : i32
      %dma_start3A_2159 = tpu.memref_slice %arg15[%dma_start3A_2151, %dma_start3A_2152, %dma_start3A_2157, %dma_start3A_2158] : memref<2x64x128x128xf32, #tpu.memory_space<vmem>> -> memref<1x1x128x128xf32, #tpu.memory_space<vmem>>
      %dma_start3A_2160 = tpu.memref_squeeze %dma_start3A_2159 : memref<1x1x128x128xf32, #tpu.memory_space<vmem>> -> memref<128x128xf32, #tpu.memory_space<vmem>>
      %dma_start3A_2161 = arith.constant 0 : i32
      %dma_start3A_2162 = arith.constant 0 : i32
      %dma_start3A_2163 = tpu.memref_slice %arg3[%get3A_2150, %dma_start3A_2161, %dma_start3A_2162] : memref<1196x128x128xf32, #tpu.memory_space<any>> -> memref<1x128x128xf32, #tpu.memory_space<any>>
      %dma_start3A_2164 = tpu.memref_squeeze %dma_start3A_2163 : memref<1x128x128xf32, #tpu.memory_space<any>> -> memref<128x128xf32, #tpu.memory_space<any>>
      tpu.enqueue_dma source(%dma_start3A_2164 : memref<128x128xf32, #tpu.memory_space<any>>) target(%dma_start3A_2160 : memref<128x128xf32, #tpu.memory_space<vmem>>) target_semaphore(%dma_start3A_2156 : memref<!tpu.dma_semaphore, #tpu.memory_space<semaphore_mem>>)
      %mul3A_2165 = arith.constant 64 : i32
      %mul3A_2166 = arith.muli %arg0, %mul3A_2165 : i32
      %add3A_2167 = arith.constant 16 : i32
      %add3A_2168 = arith.addi %mul3A_2166, %add3A_2167 : i32
      %add3A_2169 = arith.constant 3 : i32
      %add3A_2170 = arith.addi %add3A_2168, %add3A_2169 : i32
      %get3A_2171 = arith.index_cast %add3A_2170 : i32 to index
      %get3A_2172 = memref.load %arg1[%get3A_2171] : memref<512xi32, #tpu.memory_space<smem>>
      %dma_start3A_2173 = arith.constant 0 : i32
      %dma_start3A_2174 = arith.constant 26 : i32
      %dma_start3A_2175 = arith.constant 0 : i32
      %dma_start3A_2176 = arith.constant 26 : i32
      %dma_start3A_2177 = tpu.memref_slice %arg16[%dma_start3A_2175, %dma_start3A_2176] : memref<2x64x!tpu.dma_semaphore, #tpu.memory_space<semaphore_mem>> -> memref<1x1x!tpu.dma_semaphore, #tpu.memory_space<semaphore_mem>>
      %dma_start3A_2178 = tpu.memref_squeeze %dma_start3A_2177 : memref<1x1x!tpu.dma_semaphore, #tpu.memory_space<semaphore_mem>> -> memref<!tpu.dma_semaphore, #tpu.memory_space<semaphore_mem>>
      %dma_start3A_2179 = arith.constant 0 : i32
      %dma_start3A_2180 = arith.constant 0 : i32
      %dma_start3A_2181 = tpu.memref_slice %arg15[%dma_start3A_2173, %dma_start3A_2174, %dma_start3A_2179, %dma_start3A_2180] : memref<2x64x128x128xf32, #tpu.memory_space<vmem>> -> memref<1x1x128x128xf32, #tpu.memory_space<vmem>>
      %dma_start3A_2182 = tpu.memref_squeeze %dma_start3A_2181 : memref<1x1x128x128xf32, #tpu.memory_space<vmem>> -> memref<128x128xf32, #tpu.memory_space<vmem>>
      %dma_start3A_2183 = arith.constant 0 : i32
      %dma_start3A_2184 = arith.constant 0 : i32
      %dma_start3A_2185 = tpu.memref_slice %arg3[%get3A_2172, %dma_start3A_2183, %dma_start3A_2184] : memref<1196x128x128xf32, #tpu.memory_space<any>> -> memref<1x128x128xf32, #tpu.memory_space<any>>
      %dma_start3A_2186 = tpu.memref_squeeze %dma_start3A_2185 : memref<1x128x128xf32, #tpu.memory_space<any>> -> memref<128x128xf32, #tpu.memory_space<any>>
      tpu.enqueue_dma source(%dma_start3A_2186 : memref<128x128xf32, #tpu.memory_space<any>>) target(%dma_start3A_2182 : memref<128x128xf32, #tpu.memory_space<vmem>>) target_semaphore(%dma_start3A_2178 : memref<!tpu.dma_semaphore, #tpu.memory_space<semaphore_mem>>)
      %mul3A_2187 = arith.constant 64 : i32
      %mul3A_2188 = arith.muli %arg0, %mul3A_2187 : i32
      %add3A_2189 = arith.constant 24 : i32
      %add3A_2190 = arith.addi %mul3A_2188, %add3A_2189 : i32
      %add3A_2191 = arith.constant 3 : i32
      %add3A_2192 = arith.addi %add3A_2190, %add3A_2191 : i32
      %get3A_2193 = arith.index_cast %add3A_2192 : i32 to index
      %get3A_2194 = memref.load %arg1[%get3A_2193] : memref<512xi32, #tpu.memory_space<smem>>
      %dma_start3A_2195 = arith.constant 0 : i32
      %dma_start3A_2196 = arith.constant 27 : i32
      %dma_start3A_2197 = arith.constant 0 : i32
      %dma_start3A_2198 = arith.constant 27 : i32
      %dma_start3A_2199 = tpu.memref_slice %arg16[%dma_start3A_2197, %dma_start3A_2198] : memref<2x64x!tpu.dma_semaphore, #tpu.memory_space<semaphore_mem>> -> memref<1x1x!tpu.dma_semaphore, #tpu.memory_space<semaphore_mem>>
      %dma_start3A_2200 = tpu.memref_squeeze %dma_start3A_2199 : memref<1x1x!tpu.dma_semaphore, #tpu.memory_space<semaphore_mem>> -> memref<!tpu.dma_semaphore, #tpu.memory_space<semaphore_mem>>
      %dma_start3A_2201 = arith.constant 0 : i32
      %dma_start3A_2202 = arith.constant 0 : i32
      %dma_start3A_2203 = tpu.memref_slice %arg15[%dma_start3A_2195, %dma_start3A_2196, %dma_start3A_2201, %dma_start3A_2202] : memref<2x64x128x128xf32, #tpu.memory_space<vmem>> -> memref<1x1x128x128xf32, #tpu.memory_space<vmem>>
      %dma_start3A_2204 = tpu.memref_squeeze %dma_start3A_2203 : memref<1x1x128x128xf32, #tpu.memory_space<vmem>> -> memref<128x128xf32, #tpu.memory_space<vmem>>
      %dma_start3A_2205 = arith.constant 0 : i32
      %dma_start3A_2206 = arith.constant 0 : i32
      %dma_start3A_2207 = tpu.memref_slice %arg3[%get3A_2194, %dma_start3A_2205, %dma_start3A_2206] : memref<1196x128x128xf32, #tpu.memory_space<any>> -> memref<1x128x128xf32, #tpu.memory_space<any>>
      %dma_start3A_2208 = tpu.memref_squeeze %dma_start3A_2207 : memref<1x128x128xf32, #tpu.memory_space<any>> -> memref<128x128xf32, #tpu.memory_space<any>>
      tpu.enqueue_dma source(%dma_start3A_2208 : memref<128x128xf32, #tpu.memory_space<any>>) target(%dma_start3A_2204 : memref<128x128xf32, #tpu.memory_space<vmem>>) target_semaphore(%dma_start3A_2200 : memref<!tpu.dma_semaphore, #tpu.memory_space<semaphore_mem>>)
      %mul3A_2209 = arith.constant 64 : i32
      %mul3A_2210 = arith.muli %arg0, %mul3A_2209 : i32
      %add3A_2211 = arith.constant 32 : i32
      %add3A_2212 = arith.addi %mul3A_2210, %add3A_2211 : i32
      %add3A_2213 = arith.constant 3 : i32
      %add3A_2214 = arith.addi %add3A_2212, %add3A_2213 : i32
      %get3A_2215 = arith.index_cast %add3A_2214 : i32 to index
      %get3A_2216 = memref.load %arg1[%get3A_2215] : memref<512xi32, #tpu.memory_space<smem>>
      %dma_start3A_2217 = arith.constant 0 : i32
      %dma_start3A_2218 = arith.constant 28 : i32
      %dma_start3A_2219 = arith.constant 0 : i32
      %dma_start3A_2220 = arith.constant 28 : i32
      %dma_start3A_2221 = tpu.memref_slice %arg16[%dma_start3A_2219, %dma_start3A_2220] : memref<2x64x!tpu.dma_semaphore, #tpu.memory_space<semaphore_mem>> -> memref<1x1x!tpu.dma_semaphore, #tpu.memory_space<semaphore_mem>>
      %dma_start3A_2222 = tpu.memref_squeeze %dma_start3A_2221 : memref<1x1x!tpu.dma_semaphore, #tpu.memory_space<semaphore_mem>> -> memref<!tpu.dma_semaphore, #tpu.memory_space<semaphore_mem>>
      %dma_start3A_2223 = arith.constant 0 : i32
      %dma_start3A_2224 = arith.constant 0 : i32
      %dma_start3A_2225 = tpu.memref_slice %arg15[%dma_start3A_2217, %dma_start3A_2218, %dma_start3A_2223, %dma_start3A_2224] : memref<2x64x128x128xf32, #tpu.memory_space<vmem>> -> memref<1x1x128x128xf32, #tpu.memory_space<vmem>>
      %dma_start3A_2226 = tpu.memref_squeeze %dma_start3A_2225 : memref<1x1x128x128xf32, #tpu.memory_space<vmem>> -> memref<128x128xf32, #tpu.memory_space<vmem>>
      %dma_start3A_2227 = arith.constant 0 : i32
      %dma_start3A_2228 = arith.constant 0 : i32
      %dma_start3A_2229 = tpu.memref_slice %arg3[%get3A_2216, %dma_start3A_2227, %dma_start3A_2228] : memref<1196x128x128xf32, #tpu.memory_space<any>> -> memref<1x128x128xf32, #tpu.memory_space<any>>
      %dma_start3A_2230 = tpu.memref_squeeze %dma_start3A_2229 : memref<1x128x128xf32, #tpu.memory_space<any>> -> memref<128x128xf32, #tpu.memory_space<any>>
      tpu.enqueue_dma source(%dma_start3A_2230 : memref<128x128xf32, #tpu.memory_space<any>>) target(%dma_start3A_2226 : memref<128x128xf32, #tpu.memory_space<vmem>>) target_semaphore(%dma_start3A_2222 : memref<!tpu.dma_semaphore, #tpu.memory_space<semaphore_mem>>)
      %mul3A_2231 = arith.constant 64 : i32
      %mul3A_2232 = arith.muli %arg0, %mul3A_2231 : i32
      %add3A_2233 = arith.constant 40 : i32
      %add3A_2234 = arith.addi %mul3A_2232, %add3A_2233 : i32
      %add3A_2235 = arith.constant 3 : i32
      %add3A_2236 = arith.addi %add3A_2234, %add3A_2235 : i32
      %get3A_2237 = arith.index_cast %add3A_2236 : i32 to index
      %get3A_2238 = memref.load %arg1[%get3A_2237] : memref<512xi32, #tpu.memory_space<smem>>
      %dma_start3A_2239 = arith.constant 0 : i32
      %dma_start3A_2240 = arith.constant 29 : i32
      %dma_start3A_2241 = arith.constant 0 : i32
      %dma_start3A_2242 = arith.constant 29 : i32
      %dma_start3A_2243 = tpu.memref_slice %arg16[%dma_start3A_2241, %dma_start3A_2242] : memref<2x64x!tpu.dma_semaphore, #tpu.memory_space<semaphore_mem>> -> memref<1x1x!tpu.dma_semaphore, #tpu.memory_space<semaphore_mem>>
      %dma_start3A_2244 = tpu.memref_squeeze %dma_start3A_2243 : memref<1x1x!tpu.dma_semaphore, #tpu.memory_space<semaphore_mem>> -> memref<!tpu.dma_semaphore, #tpu.memory_space<semaphore_mem>>
      %dma_start3A_2245 = arith.constant 0 : i32
      %dma_start3A_2246 = arith.constant 0 : i32
      %dma_start3A_2247 = tpu.memref_slice %arg15[%dma_start3A_2239, %dma_start3A_2240, %dma_start3A_2245, %dma_start3A_2246] : memref<2x64x128x128xf32, #tpu.memory_space<vmem>> -> memref<1x1x128x128xf32, #tpu.memory_space<vmem>>
      %dma_start3A_2248 = tpu.memref_squeeze %dma_start3A_2247 : memref<1x1x128x128xf32, #tpu.memory_space<vmem>> -> memref<128x128xf32, #tpu.memory_space<vmem>>
      %dma_start3A_2249 = arith.constant 0 : i32
      %dma_start3A_2250 = arith.constant 0 : i32
      %dma_start3A_2251 = tpu.memref_slice %arg3[%get3A_2238, %dma_start3A_2249, %dma_start3A_2250] : memref<1196x128x128xf32, #tpu.memory_space<any>> -> memref<1x128x128xf32, #tpu.memory_space<any>>
      %dma_start3A_2252 = tpu.memref_squeeze %dma_start3A_2251 : memref<1x128x128xf32, #tpu.memory_space<any>> -> memref<128x128xf32, #tpu.memory_space<any>>
      tpu.enqueue_dma source(%dma_start3A_2252 : memref<128x128xf32, #tpu.memory_space<any>>) target(%dma_start3A_2248 : memref<128x128xf32, #tpu.memory_space<vmem>>) target_semaphore(%dma_start3A_2244 : memref<!tpu.dma_semaphore, #tpu.memory_space<semaphore_mem>>)
      %mul3A_2253 = arith.constant 64 : i32
      %mul3A_2254 = arith.muli %arg0, %mul3A_2253 : i32
      %add3A_2255 = arith.constant 48 : i32
      %add3A_2256 = arith.addi %mul3A_2254, %add3A_2255 : i32
      %add3A_2257 = arith.constant 3 : i32
      %add3A_2258 = arith.addi %add3A_2256, %add3A_2257 : i32
      %get3A_2259 = arith.index_cast %add3A_2258 : i32 to index
      %get3A_2260 = memref.load %arg1[%get3A_2259] : memref<512xi32, #tpu.memory_space<smem>>
      %dma_start3A_2261 = arith.constant 0 : i32
      %dma_start3A_2262 = arith.constant 30 : i32
      %dma_start3A_2263 = arith.constant 0 : i32
      %dma_start3A_2264 = arith.constant 30 : i32
      %dma_start3A_2265 = tpu.memref_slice %arg16[%dma_start3A_2263, %dma_start3A_2264] : memref<2x64x!tpu.dma_semaphore, #tpu.memory_space<semaphore_mem>> -> memref<1x1x!tpu.dma_semaphore, #tpu.memory_space<semaphore_mem>>
      %dma_start3A_2266 = tpu.memref_squeeze %dma_start3A_2265 : memref<1x1x!tpu.dma_semaphore, #tpu.memory_space<semaphore_mem>> -> memref<!tpu.dma_semaphore, #tpu.memory_space<semaphore_mem>>
      %dma_start3A_2267 = arith.constant 0 : i32
      %dma_start3A_2268 = arith.constant 0 : i32
      %dma_start3A_2269 = tpu.memref_slice %arg15[%dma_start3A_2261, %dma_start3A_2262, %dma_start3A_2267, %dma_start3A_2268] : memref<2x64x128x128xf32, #tpu.memory_space<vmem>> -> memref<1x1x128x128xf32, #tpu.memory_space<vmem>>
      %dma_start3A_2270 = tpu.memref_squeeze %dma_start3A_2269 : memref<1x1x128x128xf32, #tpu.memory_space<vmem>> -> memref<128x128xf32, #tpu.memory_space<vmem>>
      %dma_start3A_2271 = arith.constant 0 : i32
      %dma_start3A_2272 = arith.constant 0 : i32
      %dma_start3A_2273 = tpu.memref_slice %arg3[%get3A_2260, %dma_start3A_2271, %dma_start3A_2272] : memref<1196x128x128xf32, #tpu.memory_space<any>> -> memref<1x128x128xf32, #tpu.memory_space<any>>
      %dma_start3A_2274 = tpu.memref_squeeze %dma_start3A_2273 : memref<1x128x128xf32, #tpu.memory_space<any>> -> memref<128x128xf32, #tpu.memory_space<any>>
      tpu.enqueue_dma source(%dma_start3A_2274 : memref<128x128xf32, #tpu.memory_space<any>>) target(%dma_start3A_2270 : memref<128x128xf32, #tpu.memory_space<vmem>>) target_semaphore(%dma_start3A_2266 : memref<!tpu.dma_semaphore, #tpu.memory_space<semaphore_mem>>)
      %mul3A_2275 = arith.constant 64 : i32
      %mul3A_2276 = arith.muli %arg0, %mul3A_2275 : i32
      %add3A_2277 = arith.constant 56 : i32
      %add3A_2278 = arith.addi %mul3A_2276, %add3A_2277 : i32
      %add3A_2279 = arith.constant 3 : i32
      %add3A_2280 = arith.addi %add3A_2278, %add3A_2279 : i32
      %get3A_2281 = arith.index_cast %add3A_2280 : i32 to index
      %get3A_2282 = memref.load %arg1[%get3A_2281] : memref<512xi32, #tpu.memory_space<smem>>
      %dma_start3A_2283 = arith.constant 0 : i32
      %dma_start3A_2284 = arith.constant 31 : i32
      %dma_start3A_2285 = arith.constant 0 : i32
      %dma_start3A_2286 = arith.constant 31 : i32
      %dma_start3A_2287 = tpu.memref_slice %arg16[%dma_start3A_2285, %dma_start3A_2286] : memref<2x64x!tpu.dma_semaphore, #tpu.memory_space<semaphore_mem>> -> memref<1x1x!tpu.dma_semaphore, #tpu.memory_space<semaphore_mem>>
      %dma_start3A_2288 = tpu.memref_squeeze %dma_start3A_2287 : memref<1x1x!tpu.dma_semaphore, #tpu.memory_space<semaphore_mem>> -> memref<!tpu.dma_semaphore, #tpu.memory_space<semaphore_mem>>
      %dma_start3A_2289 = arith.constant 0 : i32
      %dma_start3A_2290 = arith.constant 0 : i32
      %dma_start3A_2291 = tpu.memref_slice %arg15[%dma_start3A_2283, %dma_start3A_2284, %dma_start3A_2289, %dma_start3A_2290] : memref<2x64x128x128xf32, #tpu.memory_space<vmem>> -> memref<1x1x128x128xf32, #tpu.memory_space<vmem>>
      %dma_start3A_2292 = tpu.memref_squeeze %dma_start3A_2291 : memref<1x1x128x128xf32, #tpu.memory_space<vmem>> -> memref<128x128xf32, #tpu.memory_space<vmem>>
      %dma_start3A_2293 = arith.constant 0 : i32
      %dma_start3A_2294 = arith.constant 0 : i32
      %dma_start3A_2295 = tpu.memref_slice %arg3[%get3A_2282, %dma_start3A_2293, %dma_start3A_2294] : memref<1196x128x128xf32, #tpu.memory_space<any>> -> memref<1x128x128xf32, #tpu.memory_space<any>>
      %dma_start3A_2296 = tpu.memref_squeeze %dma_start3A_2295 : memref<1x128x128xf32, #tpu.memory_space<any>> -> memref<128x128xf32, #tpu.memory_space<any>>
      tpu.enqueue_dma source(%dma_start3A_2296 : memref<128x128xf32, #tpu.memory_space<any>>) target(%dma_start3A_2292 : memref<128x128xf32, #tpu.memory_space<vmem>>) target_semaphore(%dma_start3A_2288 : memref<!tpu.dma_semaphore, #tpu.memory_space<semaphore_mem>>)
      %mul3A_2297 = arith.constant 64 : i32
      %mul3A_2298 = arith.muli %arg0, %mul3A_2297 : i32
      %add3A_2299 = arith.constant 0 : i32
      %add3A_2300 = arith.addi %mul3A_2298, %add3A_2299 : i32
      %add3A_2301 = arith.constant 4 : i32
      %add3A_2302 = arith.addi %add3A_2300, %add3A_2301 : i32
      %get3A_2303 = arith.index_cast %add3A_2302 : i32 to index
      %get3A_2304 = memref.load %arg1[%get3A_2303] : memref<512xi32, #tpu.memory_space<smem>>
      %dma_start3A_2305 = arith.constant 0 : i32
      %dma_start3A_2306 = arith.constant 32 : i32
      %dma_start3A_2307 = arith.constant 0 : i32
      %dma_start3A_2308 = arith.constant 32 : i32
      %dma_start3A_2309 = tpu.memref_slice %arg16[%dma_start3A_2307, %dma_start3A_2308] : memref<2x64x!tpu.dma_semaphore, #tpu.memory_space<semaphore_mem>> -> memref<1x1x!tpu.dma_semaphore, #tpu.memory_space<semaphore_mem>>
      %dma_start3A_2310 = tpu.memref_squeeze %dma_start3A_2309 : memref<1x1x!tpu.dma_semaphore, #tpu.memory_space<semaphore_mem>> -> memref<!tpu.dma_semaphore, #tpu.memory_space<semaphore_mem>>
      %dma_start3A_2311 = arith.constant 0 : i32
      %dma_start3A_2312 = arith.constant 0 : i32
      %dma_start3A_2313 = tpu.memref_slice %arg15[%dma_start3A_2305, %dma_start3A_2306, %dma_start3A_2311, %dma_start3A_2312] : memref<2x64x128x128xf32, #tpu.memory_space<vmem>> -> memref<1x1x128x128xf32, #tpu.memory_space<vmem>>
      %dma_start3A_2314 = tpu.memref_squeeze %dma_start3A_2313 : memref<1x1x128x128xf32, #tpu.memory_space<vmem>> -> memref<128x128xf32, #tpu.memory_space<vmem>>
      %dma_start3A_2315 = arith.constant 0 : i32
      %dma_start3A_2316 = arith.constant 0 : i32
      %dma_start3A_2317 = tpu.memref_slice %arg3[%get3A_2304, %dma_start3A_2315, %dma_start3A_2316] : memref<1196x128x128xf32, #tpu.memory_space<any>> -> memref<1x128x128xf32, #tpu.memory_space<any>>
      %dma_start3A_2318 = tpu.memref_squeeze %dma_start3A_2317 : memref<1x128x128xf32, #tpu.memory_space<any>> -> memref<128x128xf32, #tpu.memory_space<any>>
      tpu.enqueue_dma source(%dma_start3A_2318 : memref<128x128xf32, #tpu.memory_space<any>>) target(%dma_start3A_2314 : memref<128x128xf32, #tpu.memory_space<vmem>>) target_semaphore(%dma_start3A_2310 : memref<!tpu.dma_semaphore, #tpu.memory_space<semaphore_mem>>)
      %mul3A_2319 = arith.constant 64 : i32
      %mul3A_2320 = arith.muli %arg0, %mul3A_2319 : i32
      %add3A_2321 = arith.constant 8 : i32
      %add3A_2322 = arith.addi %mul3A_2320, %add3A_2321 : i32
      %add3A_2323 = arith.constant 4 : i32
      %add3A_2324 = arith.addi %add3A_2322, %add3A_2323 : i32
      %get3A_2325 = arith.index_cast %add3A_2324 : i32 to index
      %get3A_2326 = memref.load %arg1[%get3A_2325] : memref<512xi32, #tpu.memory_space<smem>>
      %dma_start3A_2327 = arith.constant 0 : i32
      %dma_start3A_2328 = arith.constant 33 : i32
      %dma_start3A_2329 = arith.constant 0 : i32
      %dma_start3A_2330 = arith.constant 33 : i32
      %dma_start3A_2331 = tpu.memref_slice %arg16[%dma_start3A_2329, %dma_start3A_2330] : memref<2x64x!tpu.dma_semaphore, #tpu.memory_space<semaphore_mem>> -> memref<1x1x!tpu.dma_semaphore, #tpu.memory_space<semaphore_mem>>
      %dma_start3A_2332 = tpu.memref_squeeze %dma_start3A_2331 : memref<1x1x!tpu.dma_semaphore, #tpu.memory_space<semaphore_mem>> -> memref<!tpu.dma_semaphore, #tpu.memory_space<semaphore_mem>>
      %dma_start3A_2333 = arith.constant 0 : i32
      %dma_start3A_2334 = arith.constant 0 : i32
      %dma_start3A_2335 = tpu.memref_slice %arg15[%dma_start3A_2327, %dma_start3A_2328, %dma_start3A_2333, %dma_start3A_2334] : memref<2x64x128x128xf32, #tpu.memory_space<vmem>> -> memref<1x1x128x128xf32, #tpu.memory_space<vmem>>
      %dma_start3A_2336 = tpu.memref_squeeze %dma_start3A_2335 : memref<1x1x128x128xf32, #tpu.memory_space<vmem>> -> memref<128x128xf32, #tpu.memory_space<vmem>>
      %dma_start3A_2337 = arith.constant 0 : i32
      %dma_start3A_2338 = arith.constant 0 : i32
      %dma_start3A_2339 = tpu.memref_slice %arg3[%get3A_2326, %dma_start3A_2337, %dma_start3A_2338] : memref<1196x128x128xf32, #tpu.memory_space<any>> -> memref<1x128x128xf32, #tpu.memory_space<any>>
      %dma_start3A_2340 = tpu.memref_squeeze %dma_start3A_2339 : memref<1x128x128xf32, #tpu.memory_space<any>> -> memref<128x128xf32, #tpu.memory_space<any>>
      tpu.enqueue_dma source(%dma_start3A_2340 : memref<128x128xf32, #tpu.memory_space<any>>) target(%dma_start3A_2336 : memref<128x128xf32, #tpu.memory_space<vmem>>) target_semaphore(%dma_start3A_2332 : memref<!tpu.dma_semaphore, #tpu.memory_space<semaphore_mem>>)
      %mul3A_2341 = arith.constant 64 : i32
      %mul3A_2342 = arith.muli %arg0, %mul3A_2341 : i32
      %add3A_2343 = arith.constant 16 : i32
      %add3A_2344 = arith.addi %mul3A_2342, %add3A_2343 : i32
      %add3A_2345 = arith.constant 4 : i32
      %add3A_2346 = arith.addi %add3A_2344, %add3A_2345 : i32
      %get3A_2347 = arith.index_cast %add3A_2346 : i32 to index
      %get3A_2348 = memref.load %arg1[%get3A_2347] : memref<512xi32, #tpu.memory_space<smem>>
      %dma_start3A_2349 = arith.constant 0 : i32
      %dma_start3A_2350 = arith.constant 34 : i32
      %dma_start3A_2351 = arith.constant 0 : i32
      %dma_start3A_2352 = arith.constant 34 : i32
      %dma_start3A_2353 = tpu.memref_slice %arg16[%dma_start3A_2351, %dma_start3A_2352] : memref<2x64x!tpu.dma_semaphore, #tpu.memory_space<semaphore_mem>> -> memref<1x1x!tpu.dma_semaphore, #tpu.memory_space<semaphore_mem>>
      %dma_start3A_2354 = tpu.memref_squeeze %dma_start3A_2353 : memref<1x1x!tpu.dma_semaphore, #tpu.memory_space<semaphore_mem>> -> memref<!tpu.dma_semaphore, #tpu.memory_space<semaphore_mem>>
      %dma_start3A_2355 = arith.constant 0 : i32
      %dma_start3A_2356 = arith.constant 0 : i32
      %dma_start3A_2357 = tpu.memref_slice %arg15[%dma_start3A_2349, %dma_start3A_2350, %dma_start3A_2355, %dma_start3A_2356] : memref<2x64x128x128xf32, #tpu.memory_space<vmem>> -> memref<1x1x128x128xf32, #tpu.memory_space<vmem>>
      %dma_start3A_2358 = tpu.memref_squeeze %dma_start3A_2357 : memref<1x1x128x128xf32, #tpu.memory_space<vmem>> -> memref<128x128xf32, #tpu.memory_space<vmem>>
      %dma_start3A_2359 = arith.constant 0 : i32
      %dma_start3A_2360 = arith.constant 0 : i32
      %dma_start3A_2361 = tpu.memref_slice %arg3[%get3A_2348, %dma_start3A_2359, %dma_start3A_2360] : memref<1196x128x128xf32, #tpu.memory_space<any>> -> memref<1x128x128xf32, #tpu.memory_space<any>>
      %dma_start3A_2362 = tpu.memref_squeeze %dma_start3A_2361 : memref<1x128x128xf32, #tpu.memory_space<any>> -> memref<128x128xf32, #tpu.memory_space<any>>
      tpu.enqueue_dma source(%dma_start3A_2362 : memref<128x128xf32, #tpu.memory_space<any>>) target(%dma_start3A_2358 : memref<128x128xf32, #tpu.memory_space<vmem>>) target_semaphore(%dma_start3A_2354 : memref<!tpu.dma_semaphore, #tpu.memory_space<semaphore_mem>>)
      %mul3A_2363 = arith.constant 64 : i32
      %mul3A_2364 = arith.muli %arg0, %mul3A_2363 : i32
      %add3A_2365 = arith.constant 24 : i32
      %add3A_2366 = arith.addi %mul3A_2364, %add3A_2365 : i32
      %add3A_2367 = arith.constant 4 : i32
      %add3A_2368 = arith.addi %add3A_2366, %add3A_2367 : i32
      %get3A_2369 = arith.index_cast %add3A_2368 : i32 to index
      %get3A_2370 = memref.load %arg1[%get3A_2369] : memref<512xi32, #tpu.memory_space<smem>>
      %dma_start3A_2371 = arith.constant 0 : i32
      %dma_start3A_2372 = arith.constant 35 : i32
      %dma_start3A_2373 = arith.constant 0 : i32
      %dma_start3A_2374 = arith.constant 35 : i32
      %dma_start3A_2375 = tpu.memref_slice %arg16[%dma_start3A_2373, %dma_start3A_2374] : memref<2x64x!tpu.dma_semaphore, #tpu.memory_space<semaphore_mem>> -> memref<1x1x!tpu.dma_semaphore, #tpu.memory_space<semaphore_mem>>
      %dma_start3A_2376 = tpu.memref_squeeze %dma_start3A_2375 : memref<1x1x!tpu.dma_semaphore, #tpu.memory_space<semaphore_mem>> -> memref<!tpu.dma_semaphore, #tpu.memory_space<semaphore_mem>>
      %dma_start3A_2377 = arith.constant 0 : i32
      %dma_start3A_2378 = arith.constant 0 : i32
      %dma_start3A_2379 = tpu.memref_slice %arg15[%dma_start3A_2371, %dma_start3A_2372, %dma_start3A_2377, %dma_start3A_2378] : memref<2x64x128x128xf32, #tpu.memory_space<vmem>> -> memref<1x1x128x128xf32, #tpu.memory_space<vmem>>
      %dma_start3A_2380 = tpu.memref_squeeze %dma_start3A_2379 : memref<1x1x128x128xf32, #tpu.memory_space<vmem>> -> memref<128x128xf32, #tpu.memory_space<vmem>>
      %dma_start3A_2381 = arith.constant 0 : i32
      %dma_start3A_2382 = arith.constant 0 : i32
      %dma_start3A_2383 = tpu.memref_slice %arg3[%get3A_2370, %dma_start3A_2381, %dma_start3A_2382] : memref<1196x128x128xf32, #tpu.memory_space<any>> -> memref<1x128x128xf32, #tpu.memory_space<any>>
      %dma_start3A_2384 = tpu.memref_squeeze %dma_start3A_2383 : memref<1x128x128xf32, #tpu.memory_space<any>> -> memref<128x128xf32, #tpu.memory_space<any>>
      tpu.enqueue_dma source(%dma_start3A_2384 : memref<128x128xf32, #tpu.memory_space<any>>) target(%dma_start3A_2380 : memref<128x128xf32, #tpu.memory_space<vmem>>) target_semaphore(%dma_start3A_2376 : memref<!tpu.dma_semaphore, #tpu.memory_space<semaphore_mem>>)
      %mul3A_2385 = arith.constant 64 : i32
      %mul3A_2386 = arith.muli %arg0, %mul3A_2385 : i32
      %add3A_2387 = arith.constant 32 : i32
      %add3A_2388 = arith.addi %mul3A_2386, %add3A_2387 : i32
      %add3A_2389 = arith.constant 4 : i32
      %add3A_2390 = arith.addi %add3A_2388, %add3A_2389 : i32
      %get3A_2391 = arith.index_cast %add3A_2390 : i32 to index
      %get3A_2392 = memref.load %arg1[%get3A_2391] : memref<512xi32, #tpu.memory_space<smem>>
      %dma_start3A_2393 = arith.constant 0 : i32
      %dma_start3A_2394 = arith.constant 36 : i32
      %dma_start3A_2395 = arith.constant 0 : i32
      %dma_start3A_2396 = arith.constant 36 : i32
      %dma_start3A_2397 = tpu.memref_slice %arg16[%dma_start3A_2395, %dma_start3A_2396] : memref<2x64x!tpu.dma_semaphore, #tpu.memory_space<semaphore_mem>> -> memref<1x1x!tpu.dma_semaphore, #tpu.memory_space<semaphore_mem>>
      %dma_start3A_2398 = tpu.memref_squeeze %dma_start3A_2397 : memref<1x1x!tpu.dma_semaphore, #tpu.memory_space<semaphore_mem>> -> memref<!tpu.dma_semaphore, #tpu.memory_space<semaphore_mem>>
      %dma_start3A_2399 = arith.constant 0 : i32
      %dma_start3A_2400 = arith.constant 0 : i32
      %dma_start3A_2401 = tpu.memref_slice %arg15[%dma_start3A_2393, %dma_start3A_2394, %dma_start3A_2399, %dma_start3A_2400] : memref<2x64x128x128xf32, #tpu.memory_space<vmem>> -> memref<1x1x128x128xf32, #tpu.memory_space<vmem>>
      %dma_start3A_2402 = tpu.memref_squeeze %dma_start3A_2401 : memref<1x1x128x128xf32, #tpu.memory_space<vmem>> -> memref<128x128xf32, #tpu.memory_space<vmem>>
      %dma_start3A_2403 = arith.constant 0 : i32
      %dma_start3A_2404 = arith.constant 0 : i32
      %dma_start3A_2405 = tpu.memref_slice %arg3[%get3A_2392, %dma_start3A_2403, %dma_start3A_2404] : memref<1196x128x128xf32, #tpu.memory_space<any>> -> memref<1x128x128xf32, #tpu.memory_space<any>>
      %dma_start3A_2406 = tpu.memref_squeeze %dma_start3A_2405 : memref<1x128x128xf32, #tpu.memory_space<any>> -> memref<128x128xf32, #tpu.memory_space<any>>
      tpu.enqueue_dma source(%dma_start3A_2406 : memref<128x128xf32, #tpu.memory_space<any>>) target(%dma_start3A_2402 : memref<128x128xf32, #tpu.memory_space<vmem>>) target_semaphore(%dma_start3A_2398 : memref<!tpu.dma_semaphore, #tpu.memory_space<semaphore_mem>>)
      %mul3A_2407 = arith.constant 64 : i32
      %mul3A_2408 = arith.muli %arg0, %mul3A_2407 : i32
      %add3A_2409 = arith.constant 40 : i32
      %add3A_2410 = arith.addi %mul3A_2408, %add3A_2409 : i32
      %add3A_2411 = arith.constant 4 : i32
      %add3A_2412 = arith.addi %add3A_2410, %add3A_2411 : i32
      %get3A_2413 = arith.index_cast %add3A_2412 : i32 to index
      %get3A_2414 = memref.load %arg1[%get3A_2413] : memref<512xi32, #tpu.memory_space<smem>>
      %dma_start3A_2415 = arith.constant 0 : i32
      %dma_start3A_2416 = arith.constant 37 : i32
      %dma_start3A_2417 = arith.constant 0 : i32
      %dma_start3A_2418 = arith.constant 37 : i32
      %dma_start3A_2419 = tpu.memref_slice %arg16[%dma_start3A_2417, %dma_start3A_2418] : memref<2x64x!tpu.dma_semaphore, #tpu.memory_space<semaphore_mem>> -> memref<1x1x!tpu.dma_semaphore, #tpu.memory_space<semaphore_mem>>
      %dma_start3A_2420 = tpu.memref_squeeze %dma_start3A_2419 : memref<1x1x!tpu.dma_semaphore, #tpu.memory_space<semaphore_mem>> -> memref<!tpu.dma_semaphore, #tpu.memory_space<semaphore_mem>>
      %dma_start3A_2421 = arith.constant 0 : i32
      %dma_start3A_2422 = arith.constant 0 : i32
      %dma_start3A_2423 = tpu.memref_slice %arg15[%dma_start3A_2415, %dma_start3A_2416, %dma_start3A_2421, %dma_start3A_2422] : memref<2x64x128x128xf32, #tpu.memory_space<vmem>> -> memref<1x1x128x128xf32, #tpu.memory_space<vmem>>
      %dma_start3A_2424 = tpu.memref_squeeze %dma_start3A_2423 : memref<1x1x128x128xf32, #tpu.memory_space<vmem>> -> memref<128x128xf32, #tpu.memory_space<vmem>>
      %dma_start3A_2425 = arith.constant 0 : i32
      %dma_start3A_2426 = arith.constant 0 : i32
      %dma_start3A_2427 = tpu.memref_slice %arg3[%get3A_2414, %dma_start3A_2425, %dma_start3A_2426] : memref<1196x128x128xf32, #tpu.memory_space<any>> -> memref<1x128x128xf32, #tpu.memory_space<any>>
      %dma_start3A_2428 = tpu.memref_squeeze %dma_start3A_2427 : memref<1x128x128xf32, #tpu.memory_space<any>> -> memref<128x128xf32, #tpu.memory_space<any>>
      tpu.enqueue_dma source(%dma_start3A_2428 : memref<128x128xf32, #tpu.memory_space<any>>) target(%dma_start3A_2424 : memref<128x128xf32, #tpu.memory_space<vmem>>) target_semaphore(%dma_start3A_2420 : memref<!tpu.dma_semaphore, #tpu.memory_space<semaphore_mem>>)
      %mul3A_2429 = arith.constant 64 : i32
      %mul3A_2430 = arith.muli %arg0, %mul3A_2429 : i32
      %add3A_2431 = arith.constant 48 : i32
      %add3A_2432 = arith.addi %mul3A_2430, %add3A_2431 : i32
      %add3A_2433 = arith.constant 4 : i32
      %add3A_2434 = arith.addi %add3A_2432, %add3A_2433 : i32
      %get3A_2435 = arith.index_cast %add3A_2434 : i32 to index
      %get3A_2436 = memref.load %arg1[%get3A_2435] : memref<512xi32, #tpu.memory_space<smem>>
      %dma_start3A_2437 = arith.constant 0 : i32
      %dma_start3A_2438 = arith.constant 38 : i32
      %dma_start3A_2439 = arith.constant 0 : i32
      %dma_start3A_2440 = arith.constant 38 : i32
      %dma_start3A_2441 = tpu.memref_slice %arg16[%dma_start3A_2439, %dma_start3A_2440] : memref<2x64x!tpu.dma_semaphore, #tpu.memory_space<semaphore_mem>> -> memref<1x1x!tpu.dma_semaphore, #tpu.memory_space<semaphore_mem>>
      %dma_start3A_2442 = tpu.memref_squeeze %dma_start3A_2441 : memref<1x1x!tpu.dma_semaphore, #tpu.memory_space<semaphore_mem>> -> memref<!tpu.dma_semaphore, #tpu.memory_space<semaphore_mem>>
      %dma_start3A_2443 = arith.constant 0 : i32
      %dma_start3A_2444 = arith.constant 0 : i32
      %dma_start3A_2445 = tpu.memref_slice %arg15[%dma_start3A_2437, %dma_start3A_2438, %dma_start3A_2443, %dma_start3A_2444] : memref<2x64x128x128xf32, #tpu.memory_space<vmem>> -> memref<1x1x128x128xf32, #tpu.memory_space<vmem>>
      %dma_start3A_2446 = tpu.memref_squeeze %dma_start3A_2445 : memref<1x1x128x128xf32, #tpu.memory_space<vmem>> -> memref<128x128xf32, #tpu.memory_space<vmem>>
      %dma_start3A_2447 = arith.constant 0 : i32
      %dma_start3A_2448 = arith.constant 0 : i32
      %dma_start3A_2449 = tpu.memref_slice %arg3[%get3A_2436, %dma_start3A_2447, %dma_start3A_2448] : memref<1196x128x128xf32, #tpu.memory_space<any>> -> memref<1x128x128xf32, #tpu.memory_space<any>>
      %dma_start3A_2450 = tpu.memref_squeeze %dma_start3A_2449 : memref<1x128x128xf32, #tpu.memory_space<any>> -> memref<128x128xf32, #tpu.memory_space<any>>
      tpu.enqueue_dma source(%dma_start3A_2450 : memref<128x128xf32, #tpu.memory_space<any>>) target(%dma_start3A_2446 : memref<128x128xf32, #tpu.memory_space<vmem>>) target_semaphore(%dma_start3A_2442 : memref<!tpu.dma_semaphore, #tpu.memory_space<semaphore_mem>>)
      %mul3A_2451 = arith.constant 64 : i32
      %mul3A_2452 = arith.muli %arg0, %mul3A_2451 : i32
      %add3A_2453 = arith.constant 56 : i32
      %add3A_2454 = arith.addi %mul3A_2452, %add3A_2453 : i32
      %add3A_2455 = arith.constant 4 : i32
      %add3A_2456 = arith.addi %add3A_2454, %add3A_2455 : i32
      %get3A_2457 = arith.index_cast %add3A_2456 : i32 to index
      %get3A_2458 = memref.load %arg1[%get3A_2457] : memref<512xi32, #tpu.memory_space<smem>>
      %dma_start3A_2459 = arith.constant 0 : i32
      %dma_start3A_2460 = arith.constant 39 : i32
      %dma_start3A_2461 = arith.constant 0 : i32
      %dma_start3A_2462 = arith.constant 39 : i32
      %dma_start3A_2463 = tpu.memref_slice %arg16[%dma_start3A_2461, %dma_start3A_2462] : memref<2x64x!tpu.dma_semaphore, #tpu.memory_space<semaphore_mem>> -> memref<1x1x!tpu.dma_semaphore, #tpu.memory_space<semaphore_mem>>
      %dma_start3A_2464 = tpu.memref_squeeze %dma_start3A_2463 : memref<1x1x!tpu.dma_semaphore, #tpu.memory_space<semaphore_mem>> -> memref<!tpu.dma_semaphore, #tpu.memory_space<semaphore_mem>>
      %dma_start3A_2465 = arith.constant 0 : i32
      %dma_start3A_2466 = arith.constant 0 : i32
      %dma_start3A_2467 = tpu.memref_slice %arg15[%dma_start3A_2459, %dma_start3A_2460, %dma_start3A_2465, %dma_start3A_2466] : memref<2x64x128x128xf32, #tpu.memory_space<vmem>> -> memref<1x1x128x128xf32, #tpu.memory_space<vmem>>
      %dma_start3A_2468 = tpu.memref_squeeze %dma_start3A_2467 : memref<1x1x128x128xf32, #tpu.memory_space<vmem>> -> memref<128x128xf32, #tpu.memory_space<vmem>>
      %dma_start3A_2469 = arith.constant 0 : i32
      %dma_start3A_2470 = arith.constant 0 : i32
      %dma_start3A_2471 = tpu.memref_slice %arg3[%get3A_2458, %dma_start3A_2469, %dma_start3A_2470] : memref<1196x128x128xf32, #tpu.memory_space<any>> -> memref<1x128x128xf32, #tpu.memory_space<any>>
      %dma_start3A_2472 = tpu.memref_squeeze %dma_start3A_2471 : memref<1x128x128xf32, #tpu.memory_space<any>> -> memref<128x128xf32, #tpu.memory_space<any>>
      tpu.enqueue_dma source(%dma_start3A_2472 : memref<128x128xf32, #tpu.memory_space<any>>) target(%dma_start3A_2468 : memref<128x128xf32, #tpu.memory_space<vmem>>) target_semaphore(%dma_start3A_2464 : memref<!tpu.dma_semaphore, #tpu.memory_space<semaphore_mem>>)
      %mul3A_2473 = arith.constant 64 : i32
      %mul3A_2474 = arith.muli %arg0, %mul3A_2473 : i32
      %add3A_2475 = arith.constant 0 : i32
      %add3A_2476 = arith.addi %mul3A_2474, %add3A_2475 : i32
      %add3A_2477 = arith.constant 5 : i32
      %add3A_2478 = arith.addi %add3A_2476, %add3A_2477 : i32
      %get3A_2479 = arith.index_cast %add3A_2478 : i32 to index
      %get3A_2480 = memref.load %arg1[%get3A_2479] : memref<512xi32, #tpu.memory_space<smem>>
      %dma_start3A_2481 = arith.constant 0 : i32
      %dma_start3A_2482 = arith.constant 40 : i32
      %dma_start3A_2483 = arith.constant 0 : i32
      %dma_start3A_2484 = arith.constant 40 : i32
      %dma_start3A_2485 = tpu.memref_slice %arg16[%dma_start3A_2483, %dma_start3A_2484] : memref<2x64x!tpu.dma_semaphore, #tpu.memory_space<semaphore_mem>> -> memref<1x1x!tpu.dma_semaphore, #tpu.memory_space<semaphore_mem>>
      %dma_start3A_2486 = tpu.memref_squeeze %dma_start3A_2485 : memref<1x1x!tpu.dma_semaphore, #tpu.memory_space<semaphore_mem>> -> memref<!tpu.dma_semaphore, #tpu.memory_space<semaphore_mem>>
      %dma_start3A_2487 = arith.constant 0 : i32
      %dma_start3A_2488 = arith.constant 0 : i32
      %dma_start3A_2489 = tpu.memref_slice %arg15[%dma_start3A_2481, %dma_start3A_2482, %dma_start3A_2487, %dma_start3A_2488] : memref<2x64x128x128xf32, #tpu.memory_space<vmem>> -> memref<1x1x128x128xf32, #tpu.memory_space<vmem>>
      %dma_start3A_2490 = tpu.memref_squeeze %dma_start3A_2489 : memref<1x1x128x128xf32, #tpu.memory_space<vmem>> -> memref<128x128xf32, #tpu.memory_space<vmem>>
      %dma_start3A_2491 = arith.constant 0 : i32
      %dma_start3A_2492 = arith.constant 0 : i32
      %dma_start3A_2493 = tpu.memref_slice %arg3[%get3A_2480, %dma_start3A_2491, %dma_start3A_2492] : memref<1196x128x128xf32, #tpu.memory_space<any>> -> memref<1x128x128xf32, #tpu.memory_space<any>>
      %dma_start3A_2494 = tpu.memref_squeeze %dma_start3A_2493 : memref<1x128x128xf32, #tpu.memory_space<any>> -> memref<128x128xf32, #tpu.memory_space<any>>
      tpu.enqueue_dma source(%dma_start3A_2494 : memref<128x128xf32, #tpu.memory_space<any>>) target(%dma_start3A_2490 : memref<128x128xf32, #tpu.memory_space<vmem>>) target_semaphore(%dma_start3A_2486 : memref<!tpu.dma_semaphore, #tpu.memory_space<semaphore_mem>>)
      %mul3A_2495 = arith.constant 64 : i32
      %mul3A_2496 = arith.muli %arg0, %mul3A_2495 : i32
      %add3A_2497 = arith.constant 8 : i32
      %add3A_2498 = arith.addi %mul3A_2496, %add3A_2497 : i32
      %add3A_2499 = arith.constant 5 : i32
      %add3A_2500 = arith.addi %add3A_2498, %add3A_2499 : i32
      %get3A_2501 = arith.index_cast %add3A_2500 : i32 to index
      %get3A_2502 = memref.load %arg1[%get3A_2501] : memref<512xi32, #tpu.memory_space<smem>>
      %dma_start3A_2503 = arith.constant 0 : i32
      %dma_start3A_2504 = arith.constant 41 : i32
      %dma_start3A_2505 = arith.constant 0 : i32
      %dma_start3A_2506 = arith.constant 41 : i32
      %dma_start3A_2507 = tpu.memref_slice %arg16[%dma_start3A_2505, %dma_start3A_2506] : memref<2x64x!tpu.dma_semaphore, #tpu.memory_space<semaphore_mem>> -> memref<1x1x!tpu.dma_semaphore, #tpu.memory_space<semaphore_mem>>
      %dma_start3A_2508 = tpu.memref_squeeze %dma_start3A_2507 : memref<1x1x!tpu.dma_semaphore, #tpu.memory_space<semaphore_mem>> -> memref<!tpu.dma_semaphore, #tpu.memory_space<semaphore_mem>>
      %dma_start3A_2509 = arith.constant 0 : i32
      %dma_start3A_2510 = arith.constant 0 : i32
      %dma_start3A_2511 = tpu.memref_slice %arg15[%dma_start3A_2503, %dma_start3A_2504, %dma_start3A_2509, %dma_start3A_2510] : memref<2x64x128x128xf32, #tpu.memory_space<vmem>> -> memref<1x1x128x128xf32, #tpu.memory_space<vmem>>
      %dma_start3A_2512 = tpu.memref_squeeze %dma_start3A_2511 : memref<1x1x128x128xf32, #tpu.memory_space<vmem>> -> memref<128x128xf32, #tpu.memory_space<vmem>>
      %dma_start3A_2513 = arith.constant 0 : i32
      %dma_start3A_2514 = arith.constant 0 : i32
      %dma_start3A_2515 = tpu.memref_slice %arg3[%get3A_2502, %dma_start3A_2513, %dma_start3A_2514] : memref<1196x128x128xf32, #tpu.memory_space<any>> -> memref<1x128x128xf32, #tpu.memory_space<any>>
      %dma_start3A_2516 = tpu.memref_squeeze %dma_start3A_2515 : memref<1x128x128xf32, #tpu.memory_space<any>> -> memref<128x128xf32, #tpu.memory_space<any>>
      tpu.enqueue_dma source(%dma_start3A_2516 : memref<128x128xf32, #tpu.memory_space<any>>) target(%dma_start3A_2512 : memref<128x128xf32, #tpu.memory_space<vmem>>) target_semaphore(%dma_start3A_2508 : memref<!tpu.dma_semaphore, #tpu.memory_space<semaphore_mem>>)
      %mul3A_2517 = arith.constant 64 : i32
      %mul3A_2518 = arith.muli %arg0, %mul3A_2517 : i32
      %add3A_2519 = arith.constant 16 : i32
      %add3A_2520 = arith.addi %mul3A_2518, %add3A_2519 : i32
      %add3A_2521 = arith.constant 5 : i32
      %add3A_2522 = arith.addi %add3A_2520, %add3A_2521 : i32
      %get3A_2523 = arith.index_cast %add3A_2522 : i32 to index
      %get3A_2524 = memref.load %arg1[%get3A_2523] : memref<512xi32, #tpu.memory_space<smem>>
      %dma_start3A_2525 = arith.constant 0 : i32
      %dma_start3A_2526 = arith.constant 42 : i32
      %dma_start3A_2527 = arith.constant 0 : i32
      %dma_start3A_2528 = arith.constant 42 : i32
      %dma_start3A_2529 = tpu.memref_slice %arg16[%dma_start3A_2527, %dma_start3A_2528] : memref<2x64x!tpu.dma_semaphore, #tpu.memory_space<semaphore_mem>> -> memref<1x1x!tpu.dma_semaphore, #tpu.memory_space<semaphore_mem>>
      %dma_start3A_2530 = tpu.memref_squeeze %dma_start3A_2529 : memref<1x1x!tpu.dma_semaphore, #tpu.memory_space<semaphore_mem>> -> memref<!tpu.dma_semaphore, #tpu.memory_space<semaphore_mem>>
      %dma_start3A_2531 = arith.constant 0 : i32
      %dma_start3A_2532 = arith.constant 0 : i32
      %dma_start3A_2533 = tpu.memref_slice %arg15[%dma_start3A_2525, %dma_start3A_2526, %dma_start3A_2531, %dma_start3A_2532] : memref<2x64x128x128xf32, #tpu.memory_space<vmem>> -> memref<1x1x128x128xf32, #tpu.memory_space<vmem>>
      %dma_start3A_2534 = tpu.memref_squeeze %dma_start3A_2533 : memref<1x1x128x128xf32, #tpu.memory_space<vmem>> -> memref<128x128xf32, #tpu.memory_space<vmem>>
      %dma_start3A_2535 = arith.constant 0 : i32
      %dma_start3A_2536 = arith.constant 0 : i32
      %dma_start3A_2537 = tpu.memref_slice %arg3[%get3A_2524, %dma_start3A_2535, %dma_start3A_2536] : memref<1196x128x128xf32, #tpu.memory_space<any>> -> memref<1x128x128xf32, #tpu.memory_space<any>>
      %dma_start3A_2538 = tpu.memref_squeeze %dma_start3A_2537 : memref<1x128x128xf32, #tpu.memory_space<any>> -> memref<128x128xf32, #tpu.memory_space<any>>
      tpu.enqueue_dma source(%dma_start3A_2538 : memref<128x128xf32, #tpu.memory_space<any>>) target(%dma_start3A_2534 : memref<128x128xf32, #tpu.memory_space<vmem>>) target_semaphore(%dma_start3A_2530 : memref<!tpu.dma_semaphore, #tpu.memory_space<semaphore_mem>>)
      %mul3A_2539 = arith.constant 64 : i32
      %mul3A_2540 = arith.muli %arg0, %mul3A_2539 : i32
      %add3A_2541 = arith.constant 24 : i32
      %add3A_2542 = arith.addi %mul3A_2540, %add3A_2541 : i32
      %add3A_2543 = arith.constant 5 : i32
      %add3A_2544 = arith.addi %add3A_2542, %add3A_2543 : i32
      %get3A_2545 = arith.index_cast %add3A_2544 : i32 to index
      %get3A_2546 = memref.load %arg1[%get3A_2545] : memref<512xi32, #tpu.memory_space<smem>>
      %dma_start3A_2547 = arith.constant 0 : i32
      %dma_start3A_2548 = arith.constant 43 : i32
      %dma_start3A_2549 = arith.constant 0 : i32
      %dma_start3A_2550 = arith.constant 43 : i32
      %dma_start3A_2551 = tpu.memref_slice %arg16[%dma_start3A_2549, %dma_start3A_2550] : memref<2x64x!tpu.dma_semaphore, #tpu.memory_space<semaphore_mem>> -> memref<1x1x!tpu.dma_semaphore, #tpu.memory_space<semaphore_mem>>
      %dma_start3A_2552 = tpu.memref_squeeze %dma_start3A_2551 : memref<1x1x!tpu.dma_semaphore, #tpu.memory_space<semaphore_mem>> -> memref<!tpu.dma_semaphore, #tpu.memory_space<semaphore_mem>>
      %dma_start3A_2553 = arith.constant 0 : i32
      %dma_start3A_2554 = arith.constant 0 : i32
      %dma_start3A_2555 = tpu.memref_slice %arg15[%dma_start3A_2547, %dma_start3A_2548, %dma_start3A_2553, %dma_start3A_2554] : memref<2x64x128x128xf32, #tpu.memory_space<vmem>> -> memref<1x1x128x128xf32, #tpu.memory_space<vmem>>
      %dma_start3A_2556 = tpu.memref_squeeze %dma_start3A_2555 : memref<1x1x128x128xf32, #tpu.memory_space<vmem>> -> memref<128x128xf32, #tpu.memory_space<vmem>>
      %dma_start3A_2557 = arith.constant 0 : i32
      %dma_start3A_2558 = arith.constant 0 : i32
      %dma_start3A_2559 = tpu.memref_slice %arg3[%get3A_2546, %dma_start3A_2557, %dma_start3A_2558] : memref<1196x128x128xf32, #tpu.memory_space<any>> -> memref<1x128x128xf32, #tpu.memory_space<any>>
      %dma_start3A_2560 = tpu.memref_squeeze %dma_start3A_2559 : memref<1x128x128xf32, #tpu.memory_space<any>> -> memref<128x128xf32, #tpu.memory_space<any>>
      tpu.enqueue_dma source(%dma_start3A_2560 : memref<128x128xf32, #tpu.memory_space<any>>) target(%dma_start3A_2556 : memref<128x128xf32, #tpu.memory_space<vmem>>) target_semaphore(%dma_start3A_2552 : memref<!tpu.dma_semaphore, #tpu.memory_space<semaphore_mem>>)
      %mul3A_2561 = arith.constant 64 : i32
      %mul3A_2562 = arith.muli %arg0, %mul3A_2561 : i32
      %add3A_2563 = arith.constant 32 : i32
      %add3A_2564 = arith.addi %mul3A_2562, %add3A_2563 : i32
      %add3A_2565 = arith.constant 5 : i32
      %add3A_2566 = arith.addi %add3A_2564, %add3A_2565 : i32
      %get3A_2567 = arith.index_cast %add3A_2566 : i32 to index
      %get3A_2568 = memref.load %arg1[%get3A_2567] : memref<512xi32, #tpu.memory_space<smem>>
      %dma_start3A_2569 = arith.constant 0 : i32
      %dma_start3A_2570 = arith.constant 44 : i32
      %dma_start3A_2571 = arith.constant 0 : i32
      %dma_start3A_2572 = arith.constant 44 : i32
      %dma_start3A_2573 = tpu.memref_slice %arg16[%dma_start3A_2571, %dma_start3A_2572] : memref<2x64x!tpu.dma_semaphore, #tpu.memory_space<semaphore_mem>> -> memref<1x1x!tpu.dma_semaphore, #tpu.memory_space<semaphore_mem>>
      %dma_start3A_2574 = tpu.memref_squeeze %dma_start3A_2573 : memref<1x1x!tpu.dma_semaphore, #tpu.memory_space<semaphore_mem>> -> memref<!tpu.dma_semaphore, #tpu.memory_space<semaphore_mem>>
      %dma_start3A_2575 = arith.constant 0 : i32
      %dma_start3A_2576 = arith.constant 0 : i32
      %dma_start3A_2577 = tpu.memref_slice %arg15[%dma_start3A_2569, %dma_start3A_2570, %dma_start3A_2575, %dma_start3A_2576] : memref<2x64x128x128xf32, #tpu.memory_space<vmem>> -> memref<1x1x128x128xf32, #tpu.memory_space<vmem>>
      %dma_start3A_2578 = tpu.memref_squeeze %dma_start3A_2577 : memref<1x1x128x128xf32, #tpu.memory_space<vmem>> -> memref<128x128xf32, #tpu.memory_space<vmem>>
      %dma_start3A_2579 = arith.constant 0 : i32
      %dma_start3A_2580 = arith.constant 0 : i32
      %dma_start3A_2581 = tpu.memref_slice %arg3[%get3A_2568, %dma_start3A_2579, %dma_start3A_2580] : memref<1196x128x128xf32, #tpu.memory_space<any>> -> memref<1x128x128xf32, #tpu.memory_space<any>>
      %dma_start3A_2582 = tpu.memref_squeeze %dma_start3A_2581 : memref<1x128x128xf32, #tpu.memory_space<any>> -> memref<128x128xf32, #tpu.memory_space<any>>
      tpu.enqueue_dma source(%dma_start3A_2582 : memref<128x128xf32, #tpu.memory_space<any>>) target(%dma_start3A_2578 : memref<128x128xf32, #tpu.memory_space<vmem>>) target_semaphore(%dma_start3A_2574 : memref<!tpu.dma_semaphore, #tpu.memory_space<semaphore_mem>>)
      %mul3A_2583 = arith.constant 64 : i32
      %mul3A_2584 = arith.muli %arg0, %mul3A_2583 : i32
      %add3A_2585 = arith.constant 40 : i32
      %add3A_2586 = arith.addi %mul3A_2584, %add3A_2585 : i32
      %add3A_2587 = arith.constant 5 : i32
      %add3A_2588 = arith.addi %add3A_2586, %add3A_2587 : i32
      %get3A_2589 = arith.index_cast %add3A_2588 : i32 to index
      %get3A_2590 = memref.load %arg1[%get3A_2589] : memref<512xi32, #tpu.memory_space<smem>>
      %dma_start3A_2591 = arith.constant 0 : i32
      %dma_start3A_2592 = arith.constant 45 : i32
      %dma_start3A_2593 = arith.constant 0 : i32
      %dma_start3A_2594 = arith.constant 45 : i32
      %dma_start3A_2595 = tpu.memref_slice %arg16[%dma_start3A_2593, %dma_start3A_2594] : memref<2x64x!tpu.dma_semaphore, #tpu.memory_space<semaphore_mem>> -> memref<1x1x!tpu.dma_semaphore, #tpu.memory_space<semaphore_mem>>
      %dma_start3A_2596 = tpu.memref_squeeze %dma_start3A_2595 : memref<1x1x!tpu.dma_semaphore, #tpu.memory_space<semaphore_mem>> -> memref<!tpu.dma_semaphore, #tpu.memory_space<semaphore_mem>>
      %dma_start3A_2597 = arith.constant 0 : i32
      %dma_start3A_2598 = arith.constant 0 : i32
      %dma_start3A_2599 = tpu.memref_slice %arg15[%dma_start3A_2591, %dma_start3A_2592, %dma_start3A_2597, %dma_start3A_2598] : memref<2x64x128x128xf32, #tpu.memory_space<vmem>> -> memref<1x1x128x128xf32, #tpu.memory_space<vmem>>
      %dma_start3A_2600 = tpu.memref_squeeze %dma_start3A_2599 : memref<1x1x128x128xf32, #tpu.memory_space<vmem>> -> memref<128x128xf32, #tpu.memory_space<vmem>>
      %dma_start3A_2601 = arith.constant 0 : i32
      %dma_start3A_2602 = arith.constant 0 : i32
      %dma_start3A_2603 = tpu.memref_slice %arg3[%get3A_2590, %dma_start3A_2601, %dma_start3A_2602] : memref<1196x128x128xf32, #tpu.memory_space<any>> -> memref<1x128x128xf32, #tpu.memory_space<any>>
      %dma_start3A_2604 = tpu.memref_squeeze %dma_start3A_2603 : memref<1x128x128xf32, #tpu.memory_space<any>> -> memref<128x128xf32, #tpu.memory_space<any>>
      tpu.enqueue_dma source(%dma_start3A_2604 : memref<128x128xf32, #tpu.memory_space<any>>) target(%dma_start3A_2600 : memref<128x128xf32, #tpu.memory_space<vmem>>) target_semaphore(%dma_start3A_2596 : memref<!tpu.dma_semaphore, #tpu.memory_space<semaphore_mem>>)
      %mul3A_2605 = arith.constant 64 : i32
      %mul3A_2606 = arith.muli %arg0, %mul3A_2605 : i32
      %add3A_2607 = arith.constant 48 : i32
      %add3A_2608 = arith.addi %mul3A_2606, %add3A_2607 : i32
      %add3A_2609 = arith.constant 5 : i32
      %add3A_2610 = arith.addi %add3A_2608, %add3A_2609 : i32
      %get3A_2611 = arith.index_cast %add3A_2610 : i32 to index
      %get3A_2612 = memref.load %arg1[%get3A_2611] : memref<512xi32, #tpu.memory_space<smem>>
      %dma_start3A_2613 = arith.constant 0 : i32
      %dma_start3A_2614 = arith.constant 46 : i32
      %dma_start3A_2615 = arith.constant 0 : i32
      %dma_start3A_2616 = arith.constant 46 : i32
      %dma_start3A_2617 = tpu.memref_slice %arg16[%dma_start3A_2615, %dma_start3A_2616] : memref<2x64x!tpu.dma_semaphore, #tpu.memory_space<semaphore_mem>> -> memref<1x1x!tpu.dma_semaphore, #tpu.memory_space<semaphore_mem>>
      %dma_start3A_2618 = tpu.memref_squeeze %dma_start3A_2617 : memref<1x1x!tpu.dma_semaphore, #tpu.memory_space<semaphore_mem>> -> memref<!tpu.dma_semaphore, #tpu.memory_space<semaphore_mem>>
      %dma_start3A_2619 = arith.constant 0 : i32
      %dma_start3A_2620 = arith.constant 0 : i32
      %dma_start3A_2621 = tpu.memref_slice %arg15[%dma_start3A_2613, %dma_start3A_2614, %dma_start3A_2619, %dma_start3A_2620] : memref<2x64x128x128xf32, #tpu.memory_space<vmem>> -> memref<1x1x128x128xf32, #tpu.memory_space<vmem>>
      %dma_start3A_2622 = tpu.memref_squeeze %dma_start3A_2621 : memref<1x1x128x128xf32, #tpu.memory_space<vmem>> -> memref<128x128xf32, #tpu.memory_space<vmem>>
      %dma_start3A_2623 = arith.constant 0 : i32
      %dma_start3A_2624 = arith.constant 0 : i32
      %dma_start3A_2625 = tpu.memref_slice %arg3[%get3A_2612, %dma_start3A_2623, %dma_start3A_2624] : memref<1196x128x128xf32, #tpu.memory_space<any>> -> memref<1x128x128xf32, #tpu.memory_space<any>>
      %dma_start3A_2626 = tpu.memref_squeeze %dma_start3A_2625 : memref<1x128x128xf32, #tpu.memory_space<any>> -> memref<128x128xf32, #tpu.memory_space<any>>
      tpu.enqueue_dma source(%dma_start3A_2626 : memref<128x128xf32, #tpu.memory_space<any>>) target(%dma_start3A_2622 : memref<128x128xf32, #tpu.memory_space<vmem>>) target_semaphore(%dma_start3A_2618 : memref<!tpu.dma_semaphore, #tpu.memory_space<semaphore_mem>>)
      %mul3A_2627 = arith.constant 64 : i32
      %mul3A_2628 = arith.muli %arg0, %mul3A_2627 : i32
      %add3A_2629 = arith.constant 56 : i32
      %add3A_2630 = arith.addi %mul3A_2628, %add3A_2629 : i32
      %add3A_2631 = arith.constant 5 : i32
      %add3A_2632 = arith.addi %add3A_2630, %add3A_2631 : i32
      %get3A_2633 = arith.index_cast %add3A_2632 : i32 to index
      %get3A_2634 = memref.load %arg1[%get3A_2633] : memref<512xi32, #tpu.memory_space<smem>>
      %dma_start3A_2635 = arith.constant 0 : i32
      %dma_start3A_2636 = arith.constant 47 : i32
      %dma_start3A_2637 = arith.constant 0 : i32
      %dma_start3A_2638 = arith.constant 47 : i32
      %dma_start3A_2639 = tpu.memref_slice %arg16[%dma_start3A_2637, %dma_start3A_2638] : memref<2x64x!tpu.dma_semaphore, #tpu.memory_space<semaphore_mem>> -> memref<1x1x!tpu.dma_semaphore, #tpu.memory_space<semaphore_mem>>
      %dma_start3A_2640 = tpu.memref_squeeze %dma_start3A_2639 : memref<1x1x!tpu.dma_semaphore, #tpu.memory_space<semaphore_mem>> -> memref<!tpu.dma_semaphore, #tpu.memory_space<semaphore_mem>>
      %dma_start3A_2641 = arith.constant 0 : i32
      %dma_start3A_2642 = arith.constant 0 : i32
      %dma_start3A_2643 = tpu.memref_slice %arg15[%dma_start3A_2635, %dma_start3A_2636, %dma_start3A_2641, %dma_start3A_2642] : memref<2x64x128x128xf32, #tpu.memory_space<vmem>> -> memref<1x1x128x128xf32, #tpu.memory_space<vmem>>
      %dma_start3A_2644 = tpu.memref_squeeze %dma_start3A_2643 : memref<1x1x128x128xf32, #tpu.memory_space<vmem>> -> memref<128x128xf32, #tpu.memory_space<vmem>>
      %dma_start3A_2645 = arith.constant 0 : i32
      %dma_start3A_2646 = arith.constant 0 : i32
      %dma_start3A_2647 = tpu.memref_slice %arg3[%get3A_2634, %dma_start3A_2645, %dma_start3A_2646] : memref<1196x128x128xf32, #tpu.memory_space<any>> -> memref<1x128x128xf32, #tpu.memory_space<any>>
      %dma_start3A_2648 = tpu.memref_squeeze %dma_start3A_2647 : memref<1x128x128xf32, #tpu.memory_space<any>> -> memref<128x128xf32, #tpu.memory_space<any>>
      tpu.enqueue_dma source(%dma_start3A_2648 : memref<128x128xf32, #tpu.memory_space<any>>) target(%dma_start3A_2644 : memref<128x128xf32, #tpu.memory_space<vmem>>) target_semaphore(%dma_start3A_2640 : memref<!tpu.dma_semaphore, #tpu.memory_space<semaphore_mem>>)
      %mul3A_2649 = arith.constant 64 : i32
      %mul3A_2650 = arith.muli %arg0, %mul3A_2649 : i32
      %add3A_2651 = arith.constant 0 : i32
      %add3A_2652 = arith.addi %mul3A_2650, %add3A_2651 : i32
      %add3A_2653 = arith.constant 6 : i32
      %add3A_2654 = arith.addi %add3A_2652, %add3A_2653 : i32
      %get3A_2655 = arith.index_cast %add3A_2654 : i32 to index
      %get3A_2656 = memref.load %arg1[%get3A_2655] : memref<512xi32, #tpu.memory_space<smem>>
      %dma_start3A_2657 = arith.constant 0 : i32
      %dma_start3A_2658 = arith.constant 48 : i32
      %dma_start3A_2659 = arith.constant 0 : i32
      %dma_start3A_2660 = arith.constant 48 : i32
      %dma_start3A_2661 = tpu.memref_slice %arg16[%dma_start3A_2659, %dma_start3A_2660] : memref<2x64x!tpu.dma_semaphore, #tpu.memory_space<semaphore_mem>> -> memref<1x1x!tpu.dma_semaphore, #tpu.memory_space<semaphore_mem>>
      %dma_start3A_2662 = tpu.memref_squeeze %dma_start3A_2661 : memref<1x1x!tpu.dma_semaphore, #tpu.memory_space<semaphore_mem>> -> memref<!tpu.dma_semaphore, #tpu.memory_space<semaphore_mem>>
      %dma_start3A_2663 = arith.constant 0 : i32
      %dma_start3A_2664 = arith.constant 0 : i32
      %dma_start3A_2665 = tpu.memref_slice %arg15[%dma_start3A_2657, %dma_start3A_2658, %dma_start3A_2663, %dma_start3A_2664] : memref<2x64x128x128xf32, #tpu.memory_space<vmem>> -> memref<1x1x128x128xf32, #tpu.memory_space<vmem>>
      %dma_start3A_2666 = tpu.memref_squeeze %dma_start3A_2665 : memref<1x1x128x128xf32, #tpu.memory_space<vmem>> -> memref<128x128xf32, #tpu.memory_space<vmem>>
      %dma_start3A_2667 = arith.constant 0 : i32
      %dma_start3A_2668 = arith.constant 0 : i32
      %dma_start3A_2669 = tpu.memref_slice %arg3[%get3A_2656, %dma_start3A_2667, %dma_start3A_2668] : memref<1196x128x128xf32, #tpu.memory_space<any>> -> memref<1x128x128xf32, #tpu.memory_space<any>>
      %dma_start3A_2670 = tpu.memref_squeeze %dma_start3A_2669 : memref<1x128x128xf32, #tpu.memory_space<any>> -> memref<128x128xf32, #tpu.memory_space<any>>
      tpu.enqueue_dma source(%dma_start3A_2670 : memref<128x128xf32, #tpu.memory_space<any>>) target(%dma_start3A_2666 : memref<128x128xf32, #tpu.memory_space<vmem>>) target_semaphore(%dma_start3A_2662 : memref<!tpu.dma_semaphore, #tpu.memory_space<semaphore_mem>>)
      %mul3A_2671 = arith.constant 64 : i32
      %mul3A_2672 = arith.muli %arg0, %mul3A_2671 : i32
      %add3A_2673 = arith.constant 8 : i32
      %add3A_2674 = arith.addi %mul3A_2672, %add3A_2673 : i32
      %add3A_2675 = arith.constant 6 : i32
      %add3A_2676 = arith.addi %add3A_2674, %add3A_2675 : i32
      %get3A_2677 = arith.index_cast %add3A_2676 : i32 to index
      %get3A_2678 = memref.load %arg1[%get3A_2677] : memref<512xi32, #tpu.memory_space<smem>>
      %dma_start3A_2679 = arith.constant 0 : i32
      %dma_start3A_2680 = arith.constant 49 : i32
      %dma_start3A_2681 = arith.constant 0 : i32
      %dma_start3A_2682 = arith.constant 49 : i32
      %dma_start3A_2683 = tpu.memref_slice %arg16[%dma_start3A_2681, %dma_start3A_2682] : memref<2x64x!tpu.dma_semaphore, #tpu.memory_space<semaphore_mem>> -> memref<1x1x!tpu.dma_semaphore, #tpu.memory_space<semaphore_mem>>
      %dma_start3A_2684 = tpu.memref_squeeze %dma_start3A_2683 : memref<1x1x!tpu.dma_semaphore, #tpu.memory_space<semaphore_mem>> -> memref<!tpu.dma_semaphore, #tpu.memory_space<semaphore_mem>>
      %dma_start3A_2685 = arith.constant 0 : i32
      %dma_start3A_2686 = arith.constant 0 : i32
      %dma_start3A_2687 = tpu.memref_slice %arg15[%dma_start3A_2679, %dma_start3A_2680, %dma_start3A_2685, %dma_start3A_2686] : memref<2x64x128x128xf32, #tpu.memory_space<vmem>> -> memref<1x1x128x128xf32, #tpu.memory_space<vmem>>
      %dma_start3A_2688 = tpu.memref_squeeze %dma_start3A_2687 : memref<1x1x128x128xf32, #tpu.memory_space<vmem>> -> memref<128x128xf32, #tpu.memory_space<vmem>>
      %dma_start3A_2689 = arith.constant 0 : i32
      %dma_start3A_2690 = arith.constant 0 : i32
      %dma_start3A_2691 = tpu.memref_slice %arg3[%get3A_2678, %dma_start3A_2689, %dma_start3A_2690] : memref<1196x128x128xf32, #tpu.memory_space<any>> -> memref<1x128x128xf32, #tpu.memory_space<any>>
      %dma_start3A_2692 = tpu.memref_squeeze %dma_start3A_2691 : memref<1x128x128xf32, #tpu.memory_space<any>> -> memref<128x128xf32, #tpu.memory_space<any>>
      tpu.enqueue_dma source(%dma_start3A_2692 : memref<128x128xf32, #tpu.memory_space<any>>) target(%dma_start3A_2688 : memref<128x128xf32, #tpu.memory_space<vmem>>) target_semaphore(%dma_start3A_2684 : memref<!tpu.dma_semaphore, #tpu.memory_space<semaphore_mem>>)
      %mul3A_2693 = arith.constant 64 : i32
      %mul3A_2694 = arith.muli %arg0, %mul3A_2693 : i32
      %add3A_2695 = arith.constant 16 : i32
      %add3A_2696 = arith.addi %mul3A_2694, %add3A_2695 : i32
      %add3A_2697 = arith.constant 6 : i32
      %add3A_2698 = arith.addi %add3A_2696, %add3A_2697 : i32
      %get3A_2699 = arith.index_cast %add3A_2698 : i32 to index
      %get3A_2700 = memref.load %arg1[%get3A_2699] : memref<512xi32, #tpu.memory_space<smem>>
      %dma_start3A_2701 = arith.constant 0 : i32
      %dma_start3A_2702 = arith.constant 50 : i32
      %dma_start3A_2703 = arith.constant 0 : i32
      %dma_start3A_2704 = arith.constant 50 : i32
      %dma_start3A_2705 = tpu.memref_slice %arg16[%dma_start3A_2703, %dma_start3A_2704] : memref<2x64x!tpu.dma_semaphore, #tpu.memory_space<semaphore_mem>> -> memref<1x1x!tpu.dma_semaphore, #tpu.memory_space<semaphore_mem>>
      %dma_start3A_2706 = tpu.memref_squeeze %dma_start3A_2705 : memref<1x1x!tpu.dma_semaphore, #tpu.memory_space<semaphore_mem>> -> memref<!tpu.dma_semaphore, #tpu.memory_space<semaphore_mem>>
      %dma_start3A_2707 = arith.constant 0 : i32
      %dma_start3A_2708 = arith.constant 0 : i32
      %dma_start3A_2709 = tpu.memref_slice %arg15[%dma_start3A_2701, %dma_start3A_2702, %dma_start3A_2707, %dma_start3A_2708] : memref<2x64x128x128xf32, #tpu.memory_space<vmem>> -> memref<1x1x128x128xf32, #tpu.memory_space<vmem>>
      %dma_start3A_2710 = tpu.memref_squeeze %dma_start3A_2709 : memref<1x1x128x128xf32, #tpu.memory_space<vmem>> -> memref<128x128xf32, #tpu.memory_space<vmem>>
      %dma_start3A_2711 = arith.constant 0 : i32
      %dma_start3A_2712 = arith.constant 0 : i32
      %dma_start3A_2713 = tpu.memref_slice %arg3[%get3A_2700, %dma_start3A_2711, %dma_start3A_2712] : memref<1196x128x128xf32, #tpu.memory_space<any>> -> memref<1x128x128xf32, #tpu.memory_space<any>>
      %dma_start3A_2714 = tpu.memref_squeeze %dma_start3A_2713 : memref<1x128x128xf32, #tpu.memory_space<any>> -> memref<128x128xf32, #tpu.memory_space<any>>
      tpu.enqueue_dma source(%dma_start3A_2714 : memref<128x128xf32, #tpu.memory_space<any>>) target(%dma_start3A_2710 : memref<128x128xf32, #tpu.memory_space<vmem>>) target_semaphore(%dma_start3A_2706 : memref<!tpu.dma_semaphore, #tpu.memory_space<semaphore_mem>>)
      %mul3A_2715 = arith.constant 64 : i32
      %mul3A_2716 = arith.muli %arg0, %mul3A_2715 : i32
      %add3A_2717 = arith.constant 24 : i32
      %add3A_2718 = arith.addi %mul3A_2716, %add3A_2717 : i32
      %add3A_2719 = arith.constant 6 : i32
      %add3A_2720 = arith.addi %add3A_2718, %add3A_2719 : i32
      %get3A_2721 = arith.index_cast %add3A_2720 : i32 to index
      %get3A_2722 = memref.load %arg1[%get3A_2721] : memref<512xi32, #tpu.memory_space<smem>>
      %dma_start3A_2723 = arith.constant 0 : i32
      %dma_start3A_2724 = arith.constant 51 : i32
      %dma_start3A_2725 = arith.constant 0 : i32
      %dma_start3A_2726 = arith.constant 51 : i32
      %dma_start3A_2727 = tpu.memref_slice %arg16[%dma_start3A_2725, %dma_start3A_2726] : memref<2x64x!tpu.dma_semaphore, #tpu.memory_space<semaphore_mem>> -> memref<1x1x!tpu.dma_semaphore, #tpu.memory_space<semaphore_mem>>
      %dma_start3A_2728 = tpu.memref_squeeze %dma_start3A_2727 : memref<1x1x!tpu.dma_semaphore, #tpu.memory_space<semaphore_mem>> -> memref<!tpu.dma_semaphore, #tpu.memory_space<semaphore_mem>>
      %dma_start3A_2729 = arith.constant 0 : i32
      %dma_start3A_2730 = arith.constant 0 : i32
      %dma_start3A_2731 = tpu.memref_slice %arg15[%dma_start3A_2723, %dma_start3A_2724, %dma_start3A_2729, %dma_start3A_2730] : memref<2x64x128x128xf32, #tpu.memory_space<vmem>> -> memref<1x1x128x128xf32, #tpu.memory_space<vmem>>
      %dma_start3A_2732 = tpu.memref_squeeze %dma_start3A_2731 : memref<1x1x128x128xf32, #tpu.memory_space<vmem>> -> memref<128x128xf32, #tpu.memory_space<vmem>>
      %dma_start3A_2733 = arith.constant 0 : i32
      %dma_start3A_2734 = arith.constant 0 : i32
      %dma_start3A_2735 = tpu.memref_slice %arg3[%get3A_2722, %dma_start3A_2733, %dma_start3A_2734] : memref<1196x128x128xf32, #tpu.memory_space<any>> -> memref<1x128x128xf32, #tpu.memory_space<any>>
      %dma_start3A_2736 = tpu.memref_squeeze %dma_start3A_2735 : memref<1x128x128xf32, #tpu.memory_space<any>> -> memref<128x128xf32, #tpu.memory_space<any>>
      tpu.enqueue_dma source(%dma_start3A_2736 : memref<128x128xf32, #tpu.memory_space<any>>) target(%dma_start3A_2732 : memref<128x128xf32, #tpu.memory_space<vmem>>) target_semaphore(%dma_start3A_2728 : memref<!tpu.dma_semaphore, #tpu.memory_space<semaphore_mem>>)
      %mul3A_2737 = arith.constant 64 : i32
      %mul3A_2738 = arith.muli %arg0, %mul3A_2737 : i32
      %add3A_2739 = arith.constant 32 : i32
      %add3A_2740 = arith.addi %mul3A_2738, %add3A_2739 : i32
      %add3A_2741 = arith.constant 6 : i32
      %add3A_2742 = arith.addi %add3A_2740, %add3A_2741 : i32
      %get3A_2743 = arith.index_cast %add3A_2742 : i32 to index
      %get3A_2744 = memref.load %arg1[%get3A_2743] : memref<512xi32, #tpu.memory_space<smem>>
      %dma_start3A_2745 = arith.constant 0 : i32
      %dma_start3A_2746 = arith.constant 52 : i32
      %dma_start3A_2747 = arith.constant 0 : i32
      %dma_start3A_2748 = arith.constant 52 : i32
      %dma_start3A_2749 = tpu.memref_slice %arg16[%dma_start3A_2747, %dma_start3A_2748] : memref<2x64x!tpu.dma_semaphore, #tpu.memory_space<semaphore_mem>> -> memref<1x1x!tpu.dma_semaphore, #tpu.memory_space<semaphore_mem>>
      %dma_start3A_2750 = tpu.memref_squeeze %dma_start3A_2749 : memref<1x1x!tpu.dma_semaphore, #tpu.memory_space<semaphore_mem>> -> memref<!tpu.dma_semaphore, #tpu.memory_space<semaphore_mem>>
      %dma_start3A_2751 = arith.constant 0 : i32
      %dma_start3A_2752 = arith.constant 0 : i32
      %dma_start3A_2753 = tpu.memref_slice %arg15[%dma_start3A_2745, %dma_start3A_2746, %dma_start3A_2751, %dma_start3A_2752] : memref<2x64x128x128xf32, #tpu.memory_space<vmem>> -> memref<1x1x128x128xf32, #tpu.memory_space<vmem>>
      %dma_start3A_2754 = tpu.memref_squeeze %dma_start3A_2753 : memref<1x1x128x128xf32, #tpu.memory_space<vmem>> -> memref<128x128xf32, #tpu.memory_space<vmem>>
      %dma_start3A_2755 = arith.constant 0 : i32
      %dma_start3A_2756 = arith.constant 0 : i32
      %dma_start3A_2757 = tpu.memref_slice %arg3[%get3A_2744, %dma_start3A_2755, %dma_start3A_2756] : memref<1196x128x128xf32, #tpu.memory_space<any>> -> memref<1x128x128xf32, #tpu.memory_space<any>>
      %dma_start3A_2758 = tpu.memref_squeeze %dma_start3A_2757 : memref<1x128x128xf32, #tpu.memory_space<any>> -> memref<128x128xf32, #tpu.memory_space<any>>
      tpu.enqueue_dma source(%dma_start3A_2758 : memref<128x128xf32, #tpu.memory_space<any>>) target(%dma_start3A_2754 : memref<128x128xf32, #tpu.memory_space<vmem>>) target_semaphore(%dma_start3A_2750 : memref<!tpu.dma_semaphore, #tpu.memory_space<semaphore_mem>>)
      %mul3A_2759 = arith.constant 64 : i32
      %mul3A_2760 = arith.muli %arg0, %mul3A_2759 : i32
      %add3A_2761 = arith.constant 40 : i32
      %add3A_2762 = arith.addi %mul3A_2760, %add3A_2761 : i32
      %add3A_2763 = arith.constant 6 : i32
      %add3A_2764 = arith.addi %add3A_2762, %add3A_2763 : i32
      %get3A_2765 = arith.index_cast %add3A_2764 : i32 to index
      %get3A_2766 = memref.load %arg1[%get3A_2765] : memref<512xi32, #tpu.memory_space<smem>>
      %dma_start3A_2767 = arith.constant 0 : i32
      %dma_start3A_2768 = arith.constant 53 : i32
      %dma_start3A_2769 = arith.constant 0 : i32
      %dma_start3A_2770 = arith.constant 53 : i32
      %dma_start3A_2771 = tpu.memref_slice %arg16[%dma_start3A_2769, %dma_start3A_2770] : memref<2x64x!tpu.dma_semaphore, #tpu.memory_space<semaphore_mem>> -> memref<1x1x!tpu.dma_semaphore, #tpu.memory_space<semaphore_mem>>
      %dma_start3A_2772 = tpu.memref_squeeze %dma_start3A_2771 : memref<1x1x!tpu.dma_semaphore, #tpu.memory_space<semaphore_mem>> -> memref<!tpu.dma_semaphore, #tpu.memory_space<semaphore_mem>>
      %dma_start3A_2773 = arith.constant 0 : i32
      %dma_start3A_2774 = arith.constant 0 : i32
      %dma_start3A_2775 = tpu.memref_slice %arg15[%dma_start3A_2767, %dma_start3A_2768, %dma_start3A_2773, %dma_start3A_2774] : memref<2x64x128x128xf32, #tpu.memory_space<vmem>> -> memref<1x1x128x128xf32, #tpu.memory_space<vmem>>
      %dma_start3A_2776 = tpu.memref_squeeze %dma_start3A_2775 : memref<1x1x128x128xf32, #tpu.memory_space<vmem>> -> memref<128x128xf32, #tpu.memory_space<vmem>>
      %dma_start3A_2777 = arith.constant 0 : i32
      %dma_start3A_2778 = arith.constant 0 : i32
      %dma_start3A_2779 = tpu.memref_slice %arg3[%get3A_2766, %dma_start3A_2777, %dma_start3A_2778] : memref<1196x128x128xf32, #tpu.memory_space<any>> -> memref<1x128x128xf32, #tpu.memory_space<any>>
      %dma_start3A_2780 = tpu.memref_squeeze %dma_start3A_2779 : memref<1x128x128xf32, #tpu.memory_space<any>> -> memref<128x128xf32, #tpu.memory_space<any>>
      tpu.enqueue_dma source(%dma_start3A_2780 : memref<128x128xf32, #tpu.memory_space<any>>) target(%dma_start3A_2776 : memref<128x128xf32, #tpu.memory_space<vmem>>) target_semaphore(%dma_start3A_2772 : memref<!tpu.dma_semaphore, #tpu.memory_space<semaphore_mem>>)
      %mul3A_2781 = arith.constant 64 : i32
      %mul3A_2782 = arith.muli %arg0, %mul3A_2781 : i32
      %add3A_2783 = arith.constant 48 : i32
      %add3A_2784 = arith.addi %mul3A_2782, %add3A_2783 : i32
      %add3A_2785 = arith.constant 6 : i32
      %add3A_2786 = arith.addi %add3A_2784, %add3A_2785 : i32
      %get3A_2787 = arith.index_cast %add3A_2786 : i32 to index
      %get3A_2788 = memref.load %arg1[%get3A_2787] : memref<512xi32, #tpu.memory_space<smem>>
      %dma_start3A_2789 = arith.constant 0 : i32
      %dma_start3A_2790 = arith.constant 54 : i32
      %dma_start3A_2791 = arith.constant 0 : i32
      %dma_start3A_2792 = arith.constant 54 : i32
      %dma_start3A_2793 = tpu.memref_slice %arg16[%dma_start3A_2791, %dma_start3A_2792] : memref<2x64x!tpu.dma_semaphore, #tpu.memory_space<semaphore_mem>> -> memref<1x1x!tpu.dma_semaphore, #tpu.memory_space<semaphore_mem>>
      %dma_start3A_2794 = tpu.memref_squeeze %dma_start3A_2793 : memref<1x1x!tpu.dma_semaphore, #tpu.memory_space<semaphore_mem>> -> memref<!tpu.dma_semaphore, #tpu.memory_space<semaphore_mem>>
      %dma_start3A_2795 = arith.constant 0 : i32
      %dma_start3A_2796 = arith.constant 0 : i32
      %dma_start3A_2797 = tpu.memref_slice %arg15[%dma_start3A_2789, %dma_start3A_2790, %dma_start3A_2795, %dma_start3A_2796] : memref<2x64x128x128xf32, #tpu.memory_space<vmem>> -> memref<1x1x128x128xf32, #tpu.memory_space<vmem>>
      %dma_start3A_2798 = tpu.memref_squeeze %dma_start3A_2797 : memref<1x1x128x128xf32, #tpu.memory_space<vmem>> -> memref<128x128xf32, #tpu.memory_space<vmem>>
      %dma_start3A_2799 = arith.constant 0 : i32
      %dma_start3A_2800 = arith.constant 0 : i32
      %dma_start3A_2801 = tpu.memref_slice %arg3[%get3A_2788, %dma_start3A_2799, %dma_start3A_2800] : memref<1196x128x128xf32, #tpu.memory_space<any>> -> memref<1x128x128xf32, #tpu.memory_space<any>>
      %dma_start3A_2802 = tpu.memref_squeeze %dma_start3A_2801 : memref<1x128x128xf32, #tpu.memory_space<any>> -> memref<128x128xf32, #tpu.memory_space<any>>
      tpu.enqueue_dma source(%dma_start3A_2802 : memref<128x128xf32, #tpu.memory_space<any>>) target(%dma_start3A_2798 : memref<128x128xf32, #tpu.memory_space<vmem>>) target_semaphore(%dma_start3A_2794 : memref<!tpu.dma_semaphore, #tpu.memory_space<semaphore_mem>>)
      %mul3A_2803 = arith.constant 64 : i32
      %mul3A_2804 = arith.muli %arg0, %mul3A_2803 : i32
      %add3A_2805 = arith.constant 56 : i32
      %add3A_2806 = arith.addi %mul3A_2804, %add3A_2805 : i32
      %add3A_2807 = arith.constant 6 : i32
      %add3A_2808 = arith.addi %add3A_2806, %add3A_2807 : i32
      %get3A_2809 = arith.index_cast %add3A_2808 : i32 to index
      %get3A_2810 = memref.load %arg1[%get3A_2809] : memref<512xi32, #tpu.memory_space<smem>>
      %dma_start3A_2811 = arith.constant 0 : i32
      %dma_start3A_2812 = arith.constant 55 : i32
      %dma_start3A_2813 = arith.constant 0 : i32
      %dma_start3A_2814 = arith.constant 55 : i32
      %dma_start3A_2815 = tpu.memref_slice %arg16[%dma_start3A_2813, %dma_start3A_2814] : memref<2x64x!tpu.dma_semaphore, #tpu.memory_space<semaphore_mem>> -> memref<1x1x!tpu.dma_semaphore, #tpu.memory_space<semaphore_mem>>
      %dma_start3A_2816 = tpu.memref_squeeze %dma_start3A_2815 : memref<1x1x!tpu.dma_semaphore, #tpu.memory_space<semaphore_mem>> -> memref<!tpu.dma_semaphore, #tpu.memory_space<semaphore_mem>>
      %dma_start3A_2817 = arith.constant 0 : i32
      %dma_start3A_2818 = arith.constant 0 : i32
      %dma_start3A_2819 = tpu.memref_slice %arg15[%dma_start3A_2811, %dma_start3A_2812, %dma_start3A_2817, %dma_start3A_2818] : memref<2x64x128x128xf32, #tpu.memory_space<vmem>> -> memref<1x1x128x128xf32, #tpu.memory_space<vmem>>
      %dma_start3A_2820 = tpu.memref_squeeze %dma_start3A_2819 : memref<1x1x128x128xf32, #tpu.memory_space<vmem>> -> memref<128x128xf32, #tpu.memory_space<vmem>>
      %dma_start3A_2821 = arith.constant 0 : i32
      %dma_start3A_2822 = arith.constant 0 : i32
      %dma_start3A_2823 = tpu.memref_slice %arg3[%get3A_2810, %dma_start3A_2821, %dma_start3A_2822] : memref<1196x128x128xf32, #tpu.memory_space<any>> -> memref<1x128x128xf32, #tpu.memory_space<any>>
      %dma_start3A_2824 = tpu.memref_squeeze %dma_start3A_2823 : memref<1x128x128xf32, #tpu.memory_space<any>> -> memref<128x128xf32, #tpu.memory_space<any>>
      tpu.enqueue_dma source(%dma_start3A_2824 : memref<128x128xf32, #tpu.memory_space<any>>) target(%dma_start3A_2820 : memref<128x128xf32, #tpu.memory_space<vmem>>) target_semaphore(%dma_start3A_2816 : memref<!tpu.dma_semaphore, #tpu.memory_space<semaphore_mem>>)
      %mul3A_2825 = arith.constant 64 : i32
      %mul3A_2826 = arith.muli %arg0, %mul3A_2825 : i32
      %add3A_2827 = arith.constant 0 : i32
      %add3A_2828 = arith.addi %mul3A_2826, %add3A_2827 : i32
      %add3A_2829 = arith.constant 7 : i32
      %add3A_2830 = arith.addi %add3A_2828, %add3A_2829 : i32
      %get3A_2831 = arith.index_cast %add3A_2830 : i32 to index
      %get3A_2832 = memref.load %arg1[%get3A_2831] : memref<512xi32, #tpu.memory_space<smem>>
      %dma_start3A_2833 = arith.constant 0 : i32
      %dma_start3A_2834 = arith.constant 56 : i32
      %dma_start3A_2835 = arith.constant 0 : i32
      %dma_start3A_2836 = arith.constant 56 : i32
      %dma_start3A_2837 = tpu.memref_slice %arg16[%dma_start3A_2835, %dma_start3A_2836] : memref<2x64x!tpu.dma_semaphore, #tpu.memory_space<semaphore_mem>> -> memref<1x1x!tpu.dma_semaphore, #tpu.memory_space<semaphore_mem>>
      %dma_start3A_2838 = tpu.memref_squeeze %dma_start3A_2837 : memref<1x1x!tpu.dma_semaphore, #tpu.memory_space<semaphore_mem>> -> memref<!tpu.dma_semaphore, #tpu.memory_space<semaphore_mem>>
      %dma_start3A_2839 = arith.constant 0 : i32
      %dma_start3A_2840 = arith.constant 0 : i32
      %dma_start3A_2841 = tpu.memref_slice %arg15[%dma_start3A_2833, %dma_start3A_2834, %dma_start3A_2839, %dma_start3A_2840] : memref<2x64x128x128xf32, #tpu.memory_space<vmem>> -> memref<1x1x128x128xf32, #tpu.memory_space<vmem>>
      %dma_start3A_2842 = tpu.memref_squeeze %dma_start3A_2841 : memref<1x1x128x128xf32, #tpu.memory_space<vmem>> -> memref<128x128xf32, #tpu.memory_space<vmem>>
      %dma_start3A_2843 = arith.constant 0 : i32
      %dma_start3A_2844 = arith.constant 0 : i32
      %dma_start3A_2845 = tpu.memref_slice %arg3[%get3A_2832, %dma_start3A_2843, %dma_start3A_2844] : memref<1196x128x128xf32, #tpu.memory_space<any>> -> memref<1x128x128xf32, #tpu.memory_space<any>>
      %dma_start3A_2846 = tpu.memref_squeeze %dma_start3A_2845 : memref<1x128x128xf32, #tpu.memory_space<any>> -> memref<128x128xf32, #tpu.memory_space<any>>
      tpu.enqueue_dma source(%dma_start3A_2846 : memref<128x128xf32, #tpu.memory_space<any>>) target(%dma_start3A_2842 : memref<128x128xf32, #tpu.memory_space<vmem>>) target_semaphore(%dma_start3A_2838 : memref<!tpu.dma_semaphore, #tpu.memory_space<semaphore_mem>>)
      %mul3A_2847 = arith.constant 64 : i32
      %mul3A_2848 = arith.muli %arg0, %mul3A_2847 : i32
      %add3A_2849 = arith.constant 8 : i32
      %add3A_2850 = arith.addi %mul3A_2848, %add3A_2849 : i32
      %add3A_2851 = arith.constant 7 : i32
      %add3A_2852 = arith.addi %add3A_2850, %add3A_2851 : i32
      %get3A_2853 = arith.index_cast %add3A_2852 : i32 to index
      %get3A_2854 = memref.load %arg1[%get3A_2853] : memref<512xi32, #tpu.memory_space<smem>>
      %dma_start3A_2855 = arith.constant 0 : i32
      %dma_start3A_2856 = arith.constant 57 : i32
      %dma_start3A_2857 = arith.constant 0 : i32
      %dma_start3A_2858 = arith.constant 57 : i32
      %dma_start3A_2859 = tpu.memref_slice %arg16[%dma_start3A_2857, %dma_start3A_2858] : memref<2x64x!tpu.dma_semaphore, #tpu.memory_space<semaphore_mem>> -> memref<1x1x!tpu.dma_semaphore, #tpu.memory_space<semaphore_mem>>
      %dma_start3A_2860 = tpu.memref_squeeze %dma_start3A_2859 : memref<1x1x!tpu.dma_semaphore, #tpu.memory_space<semaphore_mem>> -> memref<!tpu.dma_semaphore, #tpu.memory_space<semaphore_mem>>
      %dma_start3A_2861 = arith.constant 0 : i32
      %dma_start3A_2862 = arith.constant 0 : i32
      %dma_start3A_2863 = tpu.memref_slice %arg15[%dma_start3A_2855, %dma_start3A_2856, %dma_start3A_2861, %dma_start3A_2862] : memref<2x64x128x128xf32, #tpu.memory_space<vmem>> -> memref<1x1x128x128xf32, #tpu.memory_space<vmem>>
      %dma_start3A_2864 = tpu.memref_squeeze %dma_start3A_2863 : memref<1x1x128x128xf32, #tpu.memory_space<vmem>> -> memref<128x128xf32, #tpu.memory_space<vmem>>
      %dma_start3A_2865 = arith.constant 0 : i32
      %dma_start3A_2866 = arith.constant 0 : i32
      %dma_start3A_2867 = tpu.memref_slice %arg3[%get3A_2854, %dma_start3A_2865, %dma_start3A_2866] : memref<1196x128x128xf32, #tpu.memory_space<any>> -> memref<1x128x128xf32, #tpu.memory_space<any>>
      %dma_start3A_2868 = tpu.memref_squeeze %dma_start3A_2867 : memref<1x128x128xf32, #tpu.memory_space<any>> -> memref<128x128xf32, #tpu.memory_space<any>>
      tpu.enqueue_dma source(%dma_start3A_2868 : memref<128x128xf32, #tpu.memory_space<any>>) target(%dma_start3A_2864 : memref<128x128xf32, #tpu.memory_space<vmem>>) target_semaphore(%dma_start3A_2860 : memref<!tpu.dma_semaphore, #tpu.memory_space<semaphore_mem>>)
      %mul3A_2869 = arith.constant 64 : i32
      %mul3A_2870 = arith.muli %arg0, %mul3A_2869 : i32
      %add3A_2871 = arith.constant 16 : i32
      %add3A_2872 = arith.addi %mul3A_2870, %add3A_2871 : i32
      %add3A_2873 = arith.constant 7 : i32
      %add3A_2874 = arith.addi %add3A_2872, %add3A_2873 : i32
      %get3A_2875 = arith.index_cast %add3A_2874 : i32 to index
      %get3A_2876 = memref.load %arg1[%get3A_2875] : memref<512xi32, #tpu.memory_space<smem>>
      %dma_start3A_2877 = arith.constant 0 : i32
      %dma_start3A_2878 = arith.constant 58 : i32
      %dma_start3A_2879 = arith.constant 0 : i32
      %dma_start3A_2880 = arith.constant 58 : i32
      %dma_start3A_2881 = tpu.memref_slice %arg16[%dma_start3A_2879, %dma_start3A_2880] : memref<2x64x!tpu.dma_semaphore, #tpu.memory_space<semaphore_mem>> -> memref<1x1x!tpu.dma_semaphore, #tpu.memory_space<semaphore_mem>>
      %dma_start3A_2882 = tpu.memref_squeeze %dma_start3A_2881 : memref<1x1x!tpu.dma_semaphore, #tpu.memory_space<semaphore_mem>> -> memref<!tpu.dma_semaphore, #tpu.memory_space<semaphore_mem>>
      %dma_start3A_2883 = arith.constant 0 : i32
      %dma_start3A_2884 = arith.constant 0 : i32
      %dma_start3A_2885 = tpu.memref_slice %arg15[%dma_start3A_2877, %dma_start3A_2878, %dma_start3A_2883, %dma_start3A_2884] : memref<2x64x128x128xf32, #tpu.memory_space<vmem>> -> memref<1x1x128x128xf32, #tpu.memory_space<vmem>>
      %dma_start3A_2886 = tpu.memref_squeeze %dma_start3A_2885 : memref<1x1x128x128xf32, #tpu.memory_space<vmem>> -> memref<128x128xf32, #tpu.memory_space<vmem>>
      %dma_start3A_2887 = arith.constant 0 : i32
      %dma_start3A_2888 = arith.constant 0 : i32
      %dma_start3A_2889 = tpu.memref_slice %arg3[%get3A_2876, %dma_start3A_2887, %dma_start3A_2888] : memref<1196x128x128xf32, #tpu.memory_space<any>> -> memref<1x128x128xf32, #tpu.memory_space<any>>
      %dma_start3A_2890 = tpu.memref_squeeze %dma_start3A_2889 : memref<1x128x128xf32, #tpu.memory_space<any>> -> memref<128x128xf32, #tpu.memory_space<any>>
      tpu.enqueue_dma source(%dma_start3A_2890 : memref<128x128xf32, #tpu.memory_space<any>>) target(%dma_start3A_2886 : memref<128x128xf32, #tpu.memory_space<vmem>>) target_semaphore(%dma_start3A_2882 : memref<!tpu.dma_semaphore, #tpu.memory_space<semaphore_mem>>)
      %mul3A_2891 = arith.constant 64 : i32
      %mul3A_2892 = arith.muli %arg0, %mul3A_2891 : i32
      %add3A_2893 = arith.constant 24 : i32
      %add3A_2894 = arith.addi %mul3A_2892, %add3A_2893 : i32
      %add3A_2895 = arith.constant 7 : i32
      %add3A_2896 = arith.addi %add3A_2894, %add3A_2895 : i32
      %get3A_2897 = arith.index_cast %add3A_2896 : i32 to index
      %get3A_2898 = memref.load %arg1[%get3A_2897] : memref<512xi32, #tpu.memory_space<smem>>
      %dma_start3A_2899 = arith.constant 0 : i32
      %dma_start3A_2900 = arith.constant 59 : i32
      %dma_start3A_2901 = arith.constant 0 : i32
      %dma_start3A_2902 = arith.constant 59 : i32
      %dma_start3A_2903 = tpu.memref_slice %arg16[%dma_start3A_2901, %dma_start3A_2902] : memref<2x64x!tpu.dma_semaphore, #tpu.memory_space<semaphore_mem>> -> memref<1x1x!tpu.dma_semaphore, #tpu.memory_space<semaphore_mem>>
      %dma_start3A_2904 = tpu.memref_squeeze %dma_start3A_2903 : memref<1x1x!tpu.dma_semaphore, #tpu.memory_space<semaphore_mem>> -> memref<!tpu.dma_semaphore, #tpu.memory_space<semaphore_mem>>
      %dma_start3A_2905 = arith.constant 0 : i32
      %dma_start3A_2906 = arith.constant 0 : i32
      %dma_start3A_2907 = tpu.memref_slice %arg15[%dma_start3A_2899, %dma_start3A_2900, %dma_start3A_2905, %dma_start3A_2906] : memref<2x64x128x128xf32, #tpu.memory_space<vmem>> -> memref<1x1x128x128xf32, #tpu.memory_space<vmem>>
      %dma_start3A_2908 = tpu.memref_squeeze %dma_start3A_2907 : memref<1x1x128x128xf32, #tpu.memory_space<vmem>> -> memref<128x128xf32, #tpu.memory_space<vmem>>
      %dma_start3A_2909 = arith.constant 0 : i32
      %dma_start3A_2910 = arith.constant 0 : i32
      %dma_start3A_2911 = tpu.memref_slice %arg3[%get3A_2898, %dma_start3A_2909, %dma_start3A_2910] : memref<1196x128x128xf32, #tpu.memory_space<any>> -> memref<1x128x128xf32, #tpu.memory_space<any>>
      %dma_start3A_2912 = tpu.memref_squeeze %dma_start3A_2911 : memref<1x128x128xf32, #tpu.memory_space<any>> -> memref<128x128xf32, #tpu.memory_space<any>>
      tpu.enqueue_dma source(%dma_start3A_2912 : memref<128x128xf32, #tpu.memory_space<any>>) target(%dma_start3A_2908 : memref<128x128xf32, #tpu.memory_space<vmem>>) target_semaphore(%dma_start3A_2904 : memref<!tpu.dma_semaphore, #tpu.memory_space<semaphore_mem>>)
      %mul3A_2913 = arith.constant 64 : i32
      %mul3A_2914 = arith.muli %arg0, %mul3A_2913 : i32
      %add3A_2915 = arith.constant 32 : i32
      %add3A_2916 = arith.addi %mul3A_2914, %add3A_2915 : i32
      %add3A_2917 = arith.constant 7 : i32
      %add3A_2918 = arith.addi %add3A_2916, %add3A_2917 : i32
      %get3A_2919 = arith.index_cast %add3A_2918 : i32 to index
      %get3A_2920 = memref.load %arg1[%get3A_2919] : memref<512xi32, #tpu.memory_space<smem>>
      %dma_start3A_2921 = arith.constant 0 : i32
      %dma_start3A_2922 = arith.constant 60 : i32
      %dma_start3A_2923 = arith.constant 0 : i32
      %dma_start3A_2924 = arith.constant 60 : i32
      %dma_start3A_2925 = tpu.memref_slice %arg16[%dma_start3A_2923, %dma_start3A_2924] : memref<2x64x!tpu.dma_semaphore, #tpu.memory_space<semaphore_mem>> -> memref<1x1x!tpu.dma_semaphore, #tpu.memory_space<semaphore_mem>>
      %dma_start3A_2926 = tpu.memref_squeeze %dma_start3A_2925 : memref<1x1x!tpu.dma_semaphore, #tpu.memory_space<semaphore_mem>> -> memref<!tpu.dma_semaphore, #tpu.memory_space<semaphore_mem>>
      %dma_start3A_2927 = arith.constant 0 : i32
      %dma_start3A_2928 = arith.constant 0 : i32
      %dma_start3A_2929 = tpu.memref_slice %arg15[%dma_start3A_2921, %dma_start3A_2922, %dma_start3A_2927, %dma_start3A_2928] : memref<2x64x128x128xf32, #tpu.memory_space<vmem>> -> memref<1x1x128x128xf32, #tpu.memory_space<vmem>>
      %dma_start3A_2930 = tpu.memref_squeeze %dma_start3A_2929 : memref<1x1x128x128xf32, #tpu.memory_space<vmem>> -> memref<128x128xf32, #tpu.memory_space<vmem>>
      %dma_start3A_2931 = arith.constant 0 : i32
      %dma_start3A_2932 = arith.constant 0 : i32
      %dma_start3A_2933 = tpu.memref_slice %arg3[%get3A_2920, %dma_start3A_2931, %dma_start3A_2932] : memref<1196x128x128xf32, #tpu.memory_space<any>> -> memref<1x128x128xf32, #tpu.memory_space<any>>
      %dma_start3A_2934 = tpu.memref_squeeze %dma_start3A_2933 : memref<1x128x128xf32, #tpu.memory_space<any>> -> memref<128x128xf32, #tpu.memory_space<any>>
      tpu.enqueue_dma source(%dma_start3A_2934 : memref<128x128xf32, #tpu.memory_space<any>>) target(%dma_start3A_2930 : memref<128x128xf32, #tpu.memory_space<vmem>>) target_semaphore(%dma_start3A_2926 : memref<!tpu.dma_semaphore, #tpu.memory_space<semaphore_mem>>)
      %mul3A_2935 = arith.constant 64 : i32
      %mul3A_2936 = arith.muli %arg0, %mul3A_2935 : i32
      %add3A_2937 = arith.constant 40 : i32
      %add3A_2938 = arith.addi %mul3A_2936, %add3A_2937 : i32
      %add3A_2939 = arith.constant 7 : i32
      %add3A_2940 = arith.addi %add3A_2938, %add3A_2939 : i32
      %get3A_2941 = arith.index_cast %add3A_2940 : i32 to index
      %get3A_2942 = memref.load %arg1[%get3A_2941] : memref<512xi32, #tpu.memory_space<smem>>
      %dma_start3A_2943 = arith.constant 0 : i32
      %dma_start3A_2944 = arith.constant 61 : i32
      %dma_start3A_2945 = arith.constant 0 : i32
      %dma_start3A_2946 = arith.constant 61 : i32
      %dma_start3A_2947 = tpu.memref_slice %arg16[%dma_start3A_2945, %dma_start3A_2946] : memref<2x64x!tpu.dma_semaphore, #tpu.memory_space<semaphore_mem>> -> memref<1x1x!tpu.dma_semaphore, #tpu.memory_space<semaphore_mem>>
      %dma_start3A_2948 = tpu.memref_squeeze %dma_start3A_2947 : memref<1x1x!tpu.dma_semaphore, #tpu.memory_space<semaphore_mem>> -> memref<!tpu.dma_semaphore, #tpu.memory_space<semaphore_mem>>
      %dma_start3A_2949 = arith.constant 0 : i32
      %dma_start3A_2950 = arith.constant 0 : i32
      %dma_start3A_2951 = tpu.memref_slice %arg15[%dma_start3A_2943, %dma_start3A_2944, %dma_start3A_2949, %dma_start3A_2950] : memref<2x64x128x128xf32, #tpu.memory_space<vmem>> -> memref<1x1x128x128xf32, #tpu.memory_space<vmem>>
      %dma_start3A_2952 = tpu.memref_squeeze %dma_start3A_2951 : memref<1x1x128x128xf32, #tpu.memory_space<vmem>> -> memref<128x128xf32, #tpu.memory_space<vmem>>
      %dma_start3A_2953 = arith.constant 0 : i32
      %dma_start3A_2954 = arith.constant 0 : i32
      %dma_start3A_2955 = tpu.memref_slice %arg3[%get3A_2942, %dma_start3A_2953, %dma_start3A_2954] : memref<1196x128x128xf32, #tpu.memory_space<any>> -> memref<1x128x128xf32, #tpu.memory_space<any>>
      %dma_start3A_2956 = tpu.memref_squeeze %dma_start3A_2955 : memref<1x128x128xf32, #tpu.memory_space<any>> -> memref<128x128xf32, #tpu.memory_space<any>>
      tpu.enqueue_dma source(%dma_start3A_2956 : memref<128x128xf32, #tpu.memory_space<any>>) target(%dma_start3A_2952 : memref<128x128xf32, #tpu.memory_space<vmem>>) target_semaphore(%dma_start3A_2948 : memref<!tpu.dma_semaphore, #tpu.memory_space<semaphore_mem>>)
      %mul3A_2957 = arith.constant 64 : i32
      %mul3A_2958 = arith.muli %arg0, %mul3A_2957 : i32
      %add3A_2959 = arith.constant 48 : i32
      %add3A_2960 = arith.addi %mul3A_2958, %add3A_2959 : i32
      %add3A_2961 = arith.constant 7 : i32
      %add3A_2962 = arith.addi %add3A_2960, %add3A_2961 : i32
      %get3A_2963 = arith.index_cast %add3A_2962 : i32 to index
      %get3A_2964 = memref.load %arg1[%get3A_2963] : memref<512xi32, #tpu.memory_space<smem>>
      %dma_start3A_2965 = arith.constant 0 : i32
      %dma_start3A_2966 = arith.constant 62 : i32
      %dma_start3A_2967 = arith.constant 0 : i32
      %dma_start3A_2968 = arith.constant 62 : i32
      %dma_start3A_2969 = tpu.memref_slice %arg16[%dma_start3A_2967, %dma_start3A_2968] : memref<2x64x!tpu.dma_semaphore, #tpu.memory_space<semaphore_mem>> -> memref<1x1x!tpu.dma_semaphore, #tpu.memory_space<semaphore_mem>>
      %dma_start3A_2970 = tpu.memref_squeeze %dma_start3A_2969 : memref<1x1x!tpu.dma_semaphore, #tpu.memory_space<semaphore_mem>> -> memref<!tpu.dma_semaphore, #tpu.memory_space<semaphore_mem>>
      %dma_start3A_2971 = arith.constant 0 : i32
      %dma_start3A_2972 = arith.constant 0 : i32
      %dma_start3A_2973 = tpu.memref_slice %arg15[%dma_start3A_2965, %dma_start3A_2966, %dma_start3A_2971, %dma_start3A_2972] : memref<2x64x128x128xf32, #tpu.memory_space<vmem>> -> memref<1x1x128x128xf32, #tpu.memory_space<vmem>>
      %dma_start3A_2974 = tpu.memref_squeeze %dma_start3A_2973 : memref<1x1x128x128xf32, #tpu.memory_space<vmem>> -> memref<128x128xf32, #tpu.memory_space<vmem>>
      %dma_start3A_2975 = arith.constant 0 : i32
      %dma_start3A_2976 = arith.constant 0 : i32
      %dma_start3A_2977 = tpu.memref_slice %arg3[%get3A_2964, %dma_start3A_2975, %dma_start3A_2976] : memref<1196x128x128xf32, #tpu.memory_space<any>> -> memref<1x128x128xf32, #tpu.memory_space<any>>
      %dma_start3A_2978 = tpu.memref_squeeze %dma_start3A_2977 : memref<1x128x128xf32, #tpu.memory_space<any>> -> memref<128x128xf32, #tpu.memory_space<any>>
      tpu.enqueue_dma source(%dma_start3A_2978 : memref<128x128xf32, #tpu.memory_space<any>>) target(%dma_start3A_2974 : memref<128x128xf32, #tpu.memory_space<vmem>>) target_semaphore(%dma_start3A_2970 : memref<!tpu.dma_semaphore, #tpu.memory_space<semaphore_mem>>)
      %mul3A_2979 = arith.constant 64 : i32
      %mul3A_2980 = arith.muli %arg0, %mul3A_2979 : i32
      %add3A_2981 = arith.constant 56 : i32
      %add3A_2982 = arith.addi %mul3A_2980, %add3A_2981 : i32
      %add3A_2983 = arith.constant 7 : i32
      %add3A_2984 = arith.addi %add3A_2982, %add3A_2983 : i32
      %get3A_2985 = arith.index_cast %add3A_2984 : i32 to index
      %get3A_2986 = memref.load %arg1[%get3A_2985] : memref<512xi32, #tpu.memory_space<smem>>
      %dma_start3A_2987 = arith.constant 0 : i32
      %dma_start3A_2988 = arith.constant 63 : i32
      %dma_start3A_2989 = arith.constant 0 : i32
      %dma_start3A_2990 = arith.constant 63 : i32
      %dma_start3A_2991 = tpu.memref_slice %arg16[%dma_start3A_2989, %dma_start3A_2990] : memref<2x64x!tpu.dma_semaphore, #tpu.memory_space<semaphore_mem>> -> memref<1x1x!tpu.dma_semaphore, #tpu.memory_space<semaphore_mem>>
      %dma_start3A_2992 = tpu.memref_squeeze %dma_start3A_2991 : memref<1x1x!tpu.dma_semaphore, #tpu.memory_space<semaphore_mem>> -> memref<!tpu.dma_semaphore, #tpu.memory_space<semaphore_mem>>
      %dma_start3A_2993 = arith.constant 0 : i32
      %dma_start3A_2994 = arith.constant 0 : i32
      %dma_start3A_2995 = tpu.memref_slice %arg15[%dma_start3A_2987, %dma_start3A_2988, %dma_start3A_2993, %dma_start3A_2994] : memref<2x64x128x128xf32, #tpu.memory_space<vmem>> -> memref<1x1x128x128xf32, #tpu.memory_space<vmem>>
      %dma_start3A_2996 = tpu.memref_squeeze %dma_start3A_2995 : memref<1x1x128x128xf32, #tpu.memory_space<vmem>> -> memref<128x128xf32, #tpu.memory_space<vmem>>
      %dma_start3A_2997 = arith.constant 0 : i32
      %dma_start3A_2998 = arith.constant 0 : i32
      %dma_start3A_2999 = tpu.memref_slice %arg3[%get3A_2986, %dma_start3A_2997, %dma_start3A_2998] : memref<1196x128x128xf32, #tpu.memory_space<any>> -> memref<1x128x128xf32, #tpu.memory_space<any>>
      %dma_start3A_3000 = tpu.memref_squeeze %dma_start3A_2999 : memref<1x128x128xf32, #tpu.memory_space<any>> -> memref<128x128xf32, #tpu.memory_space<any>>
      tpu.enqueue_dma source(%dma_start3A_3000 : memref<128x128xf32, #tpu.memory_space<any>>) target(%dma_start3A_2996 : memref<128x128xf32, #tpu.memory_space<vmem>>) target_semaphore(%dma_start3A_2992 : memref<!tpu.dma_semaphore, #tpu.memory_space<semaphore_mem>>)
    } else {
    }
    %lt3A = arith.constant 7 : i32
    %lt3A_2 = arith.cmpi slt, %arg0, %lt3A : i32
    %convert_element_type3A_3 = arith.extui %lt3A_2 : i1 to i32
    %cond3A_4 = arith.constant 0 : i32
    %cond3A_5 = arith.cmpi ne, %convert_element_type3A_3, %cond3A_4 : i32
    scf.if %cond3A_5 {
      %add3A_1594 = arith.constant 1 : i32
      %add3A_1595 = arith.addi %arg0, %add3A_1594 : i32
      %add3A_1596 = arith.constant 1 : i32
      %add3A_1597 = arith.addi %arg0, %add3A_1596 : i32
      %jit3A_1598 = arith.constant 2 : i32
      %eq3A_1599 = arith.constant 0 : i32
      %eq3A_1600 = arith.cmpi eq, %jit3A_1598, %eq3A_1599 : i32
      %jit3A_1601 = arith.constant 1 : i32
      %select_n3A_1602 = arith.select %eq3A_1600, %jit3A_1601, %jit3A_1598 : i32
      %rem3A_1603 = arith.remsi %add3A_1597, %select_n3A_1602 : i32
      %ne3A_1604 = arith.constant 0 : i32
      %ne3A_1605 = arith.cmpi ne, %rem3A_1603, %ne3A_1604 : i32
      %lt3A_1606 = arith.constant 0 : i32
      %lt3A_1607 = arith.cmpi slt, %rem3A_1603, %lt3A_1606 : i32
      %lt3A_1608 = arith.constant 0 : i32
      %lt3A_1609 = arith.cmpi slt, %select_n3A_1602, %lt3A_1608 : i32
      %ne3A_1610 = arith.xori %lt3A_1607, %lt3A_1609 : i1
      %and3A_1611 = arith.andi %ne3A_1610, %ne3A_1605 : i1
      %add3A_1612 = arith.addi %rem3A_1603, %select_n3A_1602 : i32
      %select_n3A_1613 = arith.select %and3A_1611, %add3A_1612, %rem3A_1603 : i32
      %mul3A_1614 = arith.constant 64 : i32
      %mul3A_1615 = arith.muli %add3A_1595, %mul3A_1614 : i32
      %add3A_1616 = arith.constant 0 : i32
      %add3A_1617 = arith.addi %mul3A_1615, %add3A_1616 : i32
      %add3A_1618 = arith.constant 0 : i32
      %add3A_1619 = arith.addi %add3A_1617, %add3A_1618 : i32
      %get3A_1620 = arith.index_cast %add3A_1619 : i32 to index
      %get3A_1621 = memref.load %arg1[%get3A_1620] : memref<512xi32, #tpu.memory_space<smem>>
      %dma_start3A = arith.constant 0 : i32
      %dma_start3A_1622 = arith.constant 0 : i32
      %dma_start3A_1623 = tpu.memref_slice %arg16[%select_n3A_1613, %dma_start3A_1622] : memref<2x64x!tpu.dma_semaphore, #tpu.memory_space<semaphore_mem>> -> memref<1x1x!tpu.dma_semaphore, #tpu.memory_space<semaphore_mem>>
      %dma_start3A_1624 = tpu.memref_squeeze %dma_start3A_1623 : memref<1x1x!tpu.dma_semaphore, #tpu.memory_space<semaphore_mem>> -> memref<!tpu.dma_semaphore, #tpu.memory_space<semaphore_mem>>
      %dma_start3A_1625 = arith.constant 0 : i32
      %dma_start3A_1626 = arith.constant 0 : i32
      %dma_start3A_1627 = tpu.memref_slice %arg15[%select_n3A_1613, %dma_start3A, %dma_start3A_1625, %dma_start3A_1626] : memref<2x64x128x128xf32, #tpu.memory_space<vmem>> -> memref<1x1x128x128xf32, #tpu.memory_space<vmem>>
      %dma_start3A_1628 = tpu.memref_squeeze %dma_start3A_1627 : memref<1x1x128x128xf32, #tpu.memory_space<vmem>> -> memref<128x128xf32, #tpu.memory_space<vmem>>
      %dma_start3A_1629 = arith.constant 0 : i32
      %dma_start3A_1630 = arith.constant 0 : i32
      %dma_start3A_1631 = tpu.memref_slice %arg3[%get3A_1621, %dma_start3A_1629, %dma_start3A_1630] : memref<1196x128x128xf32, #tpu.memory_space<any>> -> memref<1x128x128xf32, #tpu.memory_space<any>>
      %dma_start3A_1632 = tpu.memref_squeeze %dma_start3A_1631 : memref<1x128x128xf32, #tpu.memory_space<any>> -> memref<128x128xf32, #tpu.memory_space<any>>
      tpu.enqueue_dma source(%dma_start3A_1632 : memref<128x128xf32, #tpu.memory_space<any>>) target(%dma_start3A_1628 : memref<128x128xf32, #tpu.memory_space<vmem>>) target_semaphore(%dma_start3A_1624 : memref<!tpu.dma_semaphore, #tpu.memory_space<semaphore_mem>>)
      %mul3A_1633 = arith.constant 64 : i32
      %mul3A_1634 = arith.muli %add3A_1595, %mul3A_1633 : i32
      %add3A_1635 = arith.constant 8 : i32
      %add3A_1636 = arith.addi %mul3A_1634, %add3A_1635 : i32
      %add3A_1637 = arith.constant 0 : i32
      %add3A_1638 = arith.addi %add3A_1636, %add3A_1637 : i32
      %get3A_1639 = arith.index_cast %add3A_1638 : i32 to index
      %get3A_1640 = memref.load %arg1[%get3A_1639] : memref<512xi32, #tpu.memory_space<smem>>
      %dma_start3A_1641 = arith.constant 1 : i32
      %dma_start3A_1642 = arith.constant 1 : i32
      %dma_start3A_1643 = tpu.memref_slice %arg16[%select_n3A_1613, %dma_start3A_1642] : memref<2x64x!tpu.dma_semaphore, #tpu.memory_space<semaphore_mem>> -> memref<1x1x!tpu.dma_semaphore, #tpu.memory_space<semaphore_mem>>
      %dma_start3A_1644 = tpu.memref_squeeze %dma_start3A_1643 : memref<1x1x!tpu.dma_semaphore, #tpu.memory_space<semaphore_mem>> -> memref<!tpu.dma_semaphore, #tpu.memory_space<semaphore_mem>>
      %dma_start3A_1645 = arith.constant 0 : i32
      %dma_start3A_1646 = arith.constant 0 : i32
      %dma_start3A_1647 = tpu.memref_slice %arg15[%select_n3A_1613, %dma_start3A_1641, %dma_start3A_1645, %dma_start3A_1646] : memref<2x64x128x128xf32, #tpu.memory_space<vmem>> -> memref<1x1x128x128xf32, #tpu.memory_space<vmem>>
      %dma_start3A_1648 = tpu.memref_squeeze %dma_start3A_1647 : memref<1x1x128x128xf32, #tpu.memory_space<vmem>> -> memref<128x128xf32, #tpu.memory_space<vmem>>
      %dma_start3A_1649 = arith.constant 0 : i32
      %dma_start3A_1650 = arith.constant 0 : i32
      %dma_start3A_1651 = tpu.memref_slice %arg3[%get3A_1640, %dma_start3A_1649, %dma_start3A_1650] : memref<1196x128x128xf32, #tpu.memory_space<any>> -> memref<1x128x128xf32, #tpu.memory_space<any>>
      %dma_start3A_1652 = tpu.memref_squeeze %dma_start3A_1651 : memref<1x128x128xf32, #tpu.memory_space<any>> -> memref<128x128xf32, #tpu.memory_space<any>>
      tpu.enqueue_dma source(%dma_start3A_1652 : memref<128x128xf32, #tpu.memory_space<any>>) target(%dma_start3A_1648 : memref<128x128xf32, #tpu.memory_space<vmem>>) target_semaphore(%dma_start3A_1644 : memref<!tpu.dma_semaphore, #tpu.memory_space<semaphore_mem>>)
      %mul3A_1653 = arith.constant 64 : i32
      %mul3A_1654 = arith.muli %add3A_1595, %mul3A_1653 : i32
      %add3A_1655 = arith.constant 16 : i32
      %add3A_1656 = arith.addi %mul3A_1654, %add3A_1655 : i32
      %add3A_1657 = arith.constant 0 : i32
      %add3A_1658 = arith.addi %add3A_1656, %add3A_1657 : i32
      %get3A_1659 = arith.index_cast %add3A_1658 : i32 to index
      %get3A_1660 = memref.load %arg1[%get3A_1659] : memref<512xi32, #tpu.memory_space<smem>>
      %dma_start3A_1661 = arith.constant 2 : i32
      %dma_start3A_1662 = arith.constant 2 : i32
      %dma_start3A_1663 = tpu.memref_slice %arg16[%select_n3A_1613, %dma_start3A_1662] : memref<2x64x!tpu.dma_semaphore, #tpu.memory_space<semaphore_mem>> -> memref<1x1x!tpu.dma_semaphore, #tpu.memory_space<semaphore_mem>>
      %dma_start3A_1664 = tpu.memref_squeeze %dma_start3A_1663 : memref<1x1x!tpu.dma_semaphore, #tpu.memory_space<semaphore_mem>> -> memref<!tpu.dma_semaphore, #tpu.memory_space<semaphore_mem>>
      %dma_start3A_1665 = arith.constant 0 : i32
      %dma_start3A_1666 = arith.constant 0 : i32
      %dma_start3A_1667 = tpu.memref_slice %arg15[%select_n3A_1613, %dma_start3A_1661, %dma_start3A_1665, %dma_start3A_1666] : memref<2x64x128x128xf32, #tpu.memory_space<vmem>> -> memref<1x1x128x128xf32, #tpu.memory_space<vmem>>
      %dma_start3A_1668 = tpu.memref_squeeze %dma_start3A_1667 : memref<1x1x128x128xf32, #tpu.memory_space<vmem>> -> memref<128x128xf32, #tpu.memory_space<vmem>>
      %dma_start3A_1669 = arith.constant 0 : i32
      %dma_start3A_1670 = arith.constant 0 : i32
      %dma_start3A_1671 = tpu.memref_slice %arg3[%get3A_1660, %dma_start3A_1669, %dma_start3A_1670] : memref<1196x128x128xf32, #tpu.memory_space<any>> -> memref<1x128x128xf32, #tpu.memory_space<any>>
      %dma_start3A_1672 = tpu.memref_squeeze %dma_start3A_1671 : memref<1x128x128xf32, #tpu.memory_space<any>> -> memref<128x128xf32, #tpu.memory_space<any>>
      tpu.enqueue_dma source(%dma_start3A_1672 : memref<128x128xf32, #tpu.memory_space<any>>) target(%dma_start3A_1668 : memref<128x128xf32, #tpu.memory_space<vmem>>) target_semaphore(%dma_start3A_1664 : memref<!tpu.dma_semaphore, #tpu.memory_space<semaphore_mem>>)
      %mul3A_1673 = arith.constant 64 : i32
      %mul3A_1674 = arith.muli %add3A_1595, %mul3A_1673 : i32
      %add3A_1675 = arith.constant 24 : i32
      %add3A_1676 = arith.addi %mul3A_1674, %add3A_1675 : i32
      %add3A_1677 = arith.constant 0 : i32
      %add3A_1678 = arith.addi %add3A_1676, %add3A_1677 : i32
      %get3A_1679 = arith.index_cast %add3A_1678 : i32 to index
      %get3A_1680 = memref.load %arg1[%get3A_1679] : memref<512xi32, #tpu.memory_space<smem>>
      %dma_start3A_1681 = arith.constant 3 : i32
      %dma_start3A_1682 = arith.constant 3 : i32
      %dma_start3A_1683 = tpu.memref_slice %arg16[%select_n3A_1613, %dma_start3A_1682] : memref<2x64x!tpu.dma_semaphore, #tpu.memory_space<semaphore_mem>> -> memref<1x1x!tpu.dma_semaphore, #tpu.memory_space<semaphore_mem>>
      %dma_start3A_1684 = tpu.memref_squeeze %dma_start3A_1683 : memref<1x1x!tpu.dma_semaphore, #tpu.memory_space<semaphore_mem>> -> memref<!tpu.dma_semaphore, #tpu.memory_space<semaphore_mem>>
      %dma_start3A_1685 = arith.constant 0 : i32
      %dma_start3A_1686 = arith.constant 0 : i32
      %dma_start3A_1687 = tpu.memref_slice %arg15[%select_n3A_1613, %dma_start3A_1681, %dma_start3A_1685, %dma_start3A_1686] : memref<2x64x128x128xf32, #tpu.memory_space<vmem>> -> memref<1x1x128x128xf32, #tpu.memory_space<vmem>>
      %dma_start3A_1688 = tpu.memref_squeeze %dma_start3A_1687 : memref<1x1x128x128xf32, #tpu.memory_space<vmem>> -> memref<128x128xf32, #tpu.memory_space<vmem>>
      %dma_start3A_1689 = arith.constant 0 : i32
      %dma_start3A_1690 = arith.constant 0 : i32
      %dma_start3A_1691 = tpu.memref_slice %arg3[%get3A_1680, %dma_start3A_1689, %dma_start3A_1690] : memref<1196x128x128xf32, #tpu.memory_space<any>> -> memref<1x128x128xf32, #tpu.memory_space<any>>
      %dma_start3A_1692 = tpu.memref_squeeze %dma_start3A_1691 : memref<1x128x128xf32, #tpu.memory_space<any>> -> memref<128x128xf32, #tpu.memory_space<any>>
      tpu.enqueue_dma source(%dma_start3A_1692 : memref<128x128xf32, #tpu.memory_space<any>>) target(%dma_start3A_1688 : memref<128x128xf32, #tpu.memory_space<vmem>>) target_semaphore(%dma_start3A_1684 : memref<!tpu.dma_semaphore, #tpu.memory_space<semaphore_mem>>)
      %mul3A_1693 = arith.constant 64 : i32
      %mul3A_1694 = arith.muli %add3A_1595, %mul3A_1693 : i32
      %add3A_1695 = arith.constant 32 : i32
      %add3A_1696 = arith.addi %mul3A_1694, %add3A_1695 : i32
      %add3A_1697 = arith.constant 0 : i32
      %add3A_1698 = arith.addi %add3A_1696, %add3A_1697 : i32
      %get3A_1699 = arith.index_cast %add3A_1698 : i32 to index
      %get3A_1700 = memref.load %arg1[%get3A_1699] : memref<512xi32, #tpu.memory_space<smem>>
      %dma_start3A_1701 = arith.constant 4 : i32
      %dma_start3A_1702 = arith.constant 4 : i32
      %dma_start3A_1703 = tpu.memref_slice %arg16[%select_n3A_1613, %dma_start3A_1702] : memref<2x64x!tpu.dma_semaphore, #tpu.memory_space<semaphore_mem>> -> memref<1x1x!tpu.dma_semaphore, #tpu.memory_space<semaphore_mem>>
      %dma_start3A_1704 = tpu.memref_squeeze %dma_start3A_1703 : memref<1x1x!tpu.dma_semaphore, #tpu.memory_space<semaphore_mem>> -> memref<!tpu.dma_semaphore, #tpu.memory_space<semaphore_mem>>
      %dma_start3A_1705 = arith.constant 0 : i32
      %dma_start3A_1706 = arith.constant 0 : i32
      %dma_start3A_1707 = tpu.memref_slice %arg15[%select_n3A_1613, %dma_start3A_1701, %dma_start3A_1705, %dma_start3A_1706] : memref<2x64x128x128xf32, #tpu.memory_space<vmem>> -> memref<1x1x128x128xf32, #tpu.memory_space<vmem>>
      %dma_start3A_1708 = tpu.memref_squeeze %dma_start3A_1707 : memref<1x1x128x128xf32, #tpu.memory_space<vmem>> -> memref<128x128xf32, #tpu.memory_space<vmem>>
      %dma_start3A_1709 = arith.constant 0 : i32
      %dma_start3A_1710 = arith.constant 0 : i32
      %dma_start3A_1711 = tpu.memref_slice %arg3[%get3A_1700, %dma_start3A_1709, %dma_start3A_1710] : memref<1196x128x128xf32, #tpu.memory_space<any>> -> memref<1x128x128xf32, #tpu.memory_space<any>>
      %dma_start3A_1712 = tpu.memref_squeeze %dma_start3A_1711 : memref<1x128x128xf32, #tpu.memory_space<any>> -> memref<128x128xf32, #tpu.memory_space<any>>
      tpu.enqueue_dma source(%dma_start3A_1712 : memref<128x128xf32, #tpu.memory_space<any>>) target(%dma_start3A_1708 : memref<128x128xf32, #tpu.memory_space<vmem>>) target_semaphore(%dma_start3A_1704 : memref<!tpu.dma_semaphore, #tpu.memory_space<semaphore_mem>>)
      %mul3A_1713 = arith.constant 64 : i32
      %mul3A_1714 = arith.muli %add3A_1595, %mul3A_1713 : i32
      %add3A_1715 = arith.constant 40 : i32
      %add3A_1716 = arith.addi %mul3A_1714, %add3A_1715 : i32
      %add3A_1717 = arith.constant 0 : i32
      %add3A_1718 = arith.addi %add3A_1716, %add3A_1717 : i32
      %get3A_1719 = arith.index_cast %add3A_1718 : i32 to index
      %get3A_1720 = memref.load %arg1[%get3A_1719] : memref<512xi32, #tpu.memory_space<smem>>
      %dma_start3A_1721 = arith.constant 5 : i32
      %dma_start3A_1722 = arith.constant 5 : i32
      %dma_start3A_1723 = tpu.memref_slice %arg16[%select_n3A_1613, %dma_start3A_1722] : memref<2x64x!tpu.dma_semaphore, #tpu.memory_space<semaphore_mem>> -> memref<1x1x!tpu.dma_semaphore, #tpu.memory_space<semaphore_mem>>
      %dma_start3A_1724 = tpu.memref_squeeze %dma_start3A_1723 : memref<1x1x!tpu.dma_semaphore, #tpu.memory_space<semaphore_mem>> -> memref<!tpu.dma_semaphore, #tpu.memory_space<semaphore_mem>>
      %dma_start3A_1725 = arith.constant 0 : i32
      %dma_start3A_1726 = arith.constant 0 : i32
      %dma_start3A_1727 = tpu.memref_slice %arg15[%select_n3A_1613, %dma_start3A_1721, %dma_start3A_1725, %dma_start3A_1726] : memref<2x64x128x128xf32, #tpu.memory_space<vmem>> -> memref<1x1x128x128xf32, #tpu.memory_space<vmem>>
      %dma_start3A_1728 = tpu.memref_squeeze %dma_start3A_1727 : memref<1x1x128x128xf32, #tpu.memory_space<vmem>> -> memref<128x128xf32, #tpu.memory_space<vmem>>
      %dma_start3A_1729 = arith.constant 0 : i32
      %dma_start3A_1730 = arith.constant 0 : i32
      %dma_start3A_1731 = tpu.memref_slice %arg3[%get3A_1720, %dma_start3A_1729, %dma_start3A_1730] : memref<1196x128x128xf32, #tpu.memory_space<any>> -> memref<1x128x128xf32, #tpu.memory_space<any>>
      %dma_start3A_1732 = tpu.memref_squeeze %dma_start3A_1731 : memref<1x128x128xf32, #tpu.memory_space<any>> -> memref<128x128xf32, #tpu.memory_space<any>>
      tpu.enqueue_dma source(%dma_start3A_1732 : memref<128x128xf32, #tpu.memory_space<any>>) target(%dma_start3A_1728 : memref<128x128xf32, #tpu.memory_space<vmem>>) target_semaphore(%dma_start3A_1724 : memref<!tpu.dma_semaphore, #tpu.memory_space<semaphore_mem>>)
      %mul3A_1733 = arith.constant 64 : i32
      %mul3A_1734 = arith.muli %add3A_1595, %mul3A_1733 : i32
      %add3A_1735 = arith.constant 48 : i32
      %add3A_1736 = arith.addi %mul3A_1734, %add3A_1735 : i32
      %add3A_1737 = arith.constant 0 : i32
      %add3A_1738 = arith.addi %add3A_1736, %add3A_1737 : i32
      %get3A_1739 = arith.index_cast %add3A_1738 : i32 to index
      %get3A_1740 = memref.load %arg1[%get3A_1739] : memref<512xi32, #tpu.memory_space<smem>>
      %dma_start3A_1741 = arith.constant 6 : i32
      %dma_start3A_1742 = arith.constant 6 : i32
      %dma_start3A_1743 = tpu.memref_slice %arg16[%select_n3A_1613, %dma_start3A_1742] : memref<2x64x!tpu.dma_semaphore, #tpu.memory_space<semaphore_mem>> -> memref<1x1x!tpu.dma_semaphore, #tpu.memory_space<semaphore_mem>>
      %dma_start3A_1744 = tpu.memref_squeeze %dma_start3A_1743 : memref<1x1x!tpu.dma_semaphore, #tpu.memory_space<semaphore_mem>> -> memref<!tpu.dma_semaphore, #tpu.memory_space<semaphore_mem>>
      %dma_start3A_1745 = arith.constant 0 : i32
      %dma_start3A_1746 = arith.constant 0 : i32
      %dma_start3A_1747 = tpu.memref_slice %arg15[%select_n3A_1613, %dma_start3A_1741, %dma_start3A_1745, %dma_start3A_1746] : memref<2x64x128x128xf32, #tpu.memory_space<vmem>> -> memref<1x1x128x128xf32, #tpu.memory_space<vmem>>
      %dma_start3A_1748 = tpu.memref_squeeze %dma_start3A_1747 : memref<1x1x128x128xf32, #tpu.memory_space<vmem>> -> memref<128x128xf32, #tpu.memory_space<vmem>>
      %dma_start3A_1749 = arith.constant 0 : i32
      %dma_start3A_1750 = arith.constant 0 : i32
      %dma_start3A_1751 = tpu.memref_slice %arg3[%get3A_1740, %dma_start3A_1749, %dma_start3A_1750] : memref<1196x128x128xf32, #tpu.memory_space<any>> -> memref<1x128x128xf32, #tpu.memory_space<any>>
      %dma_start3A_1752 = tpu.memref_squeeze %dma_start3A_1751 : memref<1x128x128xf32, #tpu.memory_space<any>> -> memref<128x128xf32, #tpu.memory_space<any>>
      tpu.enqueue_dma source(%dma_start3A_1752 : memref<128x128xf32, #tpu.memory_space<any>>) target(%dma_start3A_1748 : memref<128x128xf32, #tpu.memory_space<vmem>>) target_semaphore(%dma_start3A_1744 : memref<!tpu.dma_semaphore, #tpu.memory_space<semaphore_mem>>)
      %mul3A_1753 = arith.constant 64 : i32
      %mul3A_1754 = arith.muli %add3A_1595, %mul3A_1753 : i32
      %add3A_1755 = arith.constant 56 : i32
      %add3A_1756 = arith.addi %mul3A_1754, %add3A_1755 : i32
      %add3A_1757 = arith.constant 0 : i32
      %add3A_1758 = arith.addi %add3A_1756, %add3A_1757 : i32
      %get3A_1759 = arith.index_cast %add3A_1758 : i32 to index
      %get3A_1760 = memref.load %arg1[%get3A_1759] : memref<512xi32, #tpu.memory_space<smem>>
      %dma_start3A_1761 = arith.constant 7 : i32
      %dma_start3A_1762 = arith.constant 7 : i32
      %dma_start3A_1763 = tpu.memref_slice %arg16[%select_n3A_1613, %dma_start3A_1762] : memref<2x64x!tpu.dma_semaphore, #tpu.memory_space<semaphore_mem>> -> memref<1x1x!tpu.dma_semaphore, #tpu.memory_space<semaphore_mem>>
      %dma_start3A_1764 = tpu.memref_squeeze %dma_start3A_1763 : memref<1x1x!tpu.dma_semaphore, #tpu.memory_space<semaphore_mem>> -> memref<!tpu.dma_semaphore, #tpu.memory_space<semaphore_mem>>
      %dma_start3A_1765 = arith.constant 0 : i32
      %dma_start3A_1766 = arith.constant 0 : i32
      %dma_start3A_1767 = tpu.memref_slice %arg15[%select_n3A_1613, %dma_start3A_1761, %dma_start3A_1765, %dma_start3A_1766] : memref<2x64x128x128xf32, #tpu.memory_space<vmem>> -> memref<1x1x128x128xf32, #tpu.memory_space<vmem>>
      %dma_start3A_1768 = tpu.memref_squeeze %dma_start3A_1767 : memref<1x1x128x128xf32, #tpu.memory_space<vmem>> -> memref<128x128xf32, #tpu.memory_space<vmem>>
      %dma_start3A_1769 = arith.constant 0 : i32
      %dma_start3A_1770 = arith.constant 0 : i32
      %dma_start3A_1771 = tpu.memref_slice %arg3[%get3A_1760, %dma_start3A_1769, %dma_start3A_1770] : memref<1196x128x128xf32, #tpu.memory_space<any>> -> memref<1x128x128xf32, #tpu.memory_space<any>>
      %dma_start3A_1772 = tpu.memref_squeeze %dma_start3A_1771 : memref<1x128x128xf32, #tpu.memory_space<any>> -> memref<128x128xf32, #tpu.memory_space<any>>
      tpu.enqueue_dma source(%dma_start3A_1772 : memref<128x128xf32, #tpu.memory_space<any>>) target(%dma_start3A_1768 : memref<128x128xf32, #tpu.memory_space<vmem>>) target_semaphore(%dma_start3A_1764 : memref<!tpu.dma_semaphore, #tpu.memory_space<semaphore_mem>>)
      %mul3A_1773 = arith.constant 64 : i32
      %mul3A_1774 = arith.muli %add3A_1595, %mul3A_1773 : i32
      %add3A_1775 = arith.constant 0 : i32
      %add3A_1776 = arith.addi %mul3A_1774, %add3A_1775 : i32
      %add3A_1777 = arith.constant 1 : i32
      %add3A_1778 = arith.addi %add3A_1776, %add3A_1777 : i32
      %get3A_1779 = arith.index_cast %add3A_1778 : i32 to index
      %get3A_1780 = memref.load %arg1[%get3A_1779] : memref<512xi32, #tpu.memory_space<smem>>
      %dma_start3A_1781 = arith.constant 8 : i32
      %dma_start3A_1782 = arith.constant 8 : i32
      %dma_start3A_1783 = tpu.memref_slice %arg16[%select_n3A_1613, %dma_start3A_1782] : memref<2x64x!tpu.dma_semaphore, #tpu.memory_space<semaphore_mem>> -> memref<1x1x!tpu.dma_semaphore, #tpu.memory_space<semaphore_mem>>
      %dma_start3A_1784 = tpu.memref_squeeze %dma_start3A_1783 : memref<1x1x!tpu.dma_semaphore, #tpu.memory_space<semaphore_mem>> -> memref<!tpu.dma_semaphore, #tpu.memory_space<semaphore_mem>>
      %dma_start3A_1785 = arith.constant 0 : i32
      %dma_start3A_1786 = arith.constant 0 : i32
      %dma_start3A_1787 = tpu.memref_slice %arg15[%select_n3A_1613, %dma_start3A_1781, %dma_start3A_1785, %dma_start3A_1786] : memref<2x64x128x128xf32, #tpu.memory_space<vmem>> -> memref<1x1x128x128xf32, #tpu.memory_space<vmem>>
      %dma_start3A_1788 = tpu.memref_squeeze %dma_start3A_1787 : memref<1x1x128x128xf32, #tpu.memory_space<vmem>> -> memref<128x128xf32, #tpu.memory_space<vmem>>
      %dma_start3A_1789 = arith.constant 0 : i32
      %dma_start3A_1790 = arith.constant 0 : i32
      %dma_start3A_1791 = tpu.memref_slice %arg3[%get3A_1780, %dma_start3A_1789, %dma_start3A_1790] : memref<1196x128x128xf32, #tpu.memory_space<any>> -> memref<1x128x128xf32, #tpu.memory_space<any>>
      %dma_start3A_1792 = tpu.memref_squeeze %dma_start3A_1791 : memref<1x128x128xf32, #tpu.memory_space<any>> -> memref<128x128xf32, #tpu.memory_space<any>>
      tpu.enqueue_dma source(%dma_start3A_1792 : memref<128x128xf32, #tpu.memory_space<any>>) target(%dma_start3A_1788 : memref<128x128xf32, #tpu.memory_space<vmem>>) target_semaphore(%dma_start3A_1784 : memref<!tpu.dma_semaphore, #tpu.memory_space<semaphore_mem>>)
      %mul3A_1793 = arith.constant 64 : i32
      %mul3A_1794 = arith.muli %add3A_1595, %mul3A_1793 : i32
      %add3A_1795 = arith.constant 8 : i32
      %add3A_1796 = arith.addi %mul3A_1794, %add3A_1795 : i32
      %add3A_1797 = arith.constant 1 : i32
      %add3A_1798 = arith.addi %add3A_1796, %add3A_1797 : i32
      %get3A_1799 = arith.index_cast %add3A_1798 : i32 to index
      %get3A_1800 = memref.load %arg1[%get3A_1799] : memref<512xi32, #tpu.memory_space<smem>>
      %dma_start3A_1801 = arith.constant 9 : i32
      %dma_start3A_1802 = arith.constant 9 : i32
      %dma_start3A_1803 = tpu.memref_slice %arg16[%select_n3A_1613, %dma_start3A_1802] : memref<2x64x!tpu.dma_semaphore, #tpu.memory_space<semaphore_mem>> -> memref<1x1x!tpu.dma_semaphore, #tpu.memory_space<semaphore_mem>>
      %dma_start3A_1804 = tpu.memref_squeeze %dma_start3A_1803 : memref<1x1x!tpu.dma_semaphore, #tpu.memory_space<semaphore_mem>> -> memref<!tpu.dma_semaphore, #tpu.memory_space<semaphore_mem>>
      %dma_start3A_1805 = arith.constant 0 : i32
      %dma_start3A_1806 = arith.constant 0 : i32
      %dma_start3A_1807 = tpu.memref_slice %arg15[%select_n3A_1613, %dma_start3A_1801, %dma_start3A_1805, %dma_start3A_1806] : memref<2x64x128x128xf32, #tpu.memory_space<vmem>> -> memref<1x1x128x128xf32, #tpu.memory_space<vmem>>
      %dma_start3A_1808 = tpu.memref_squeeze %dma_start3A_1807 : memref<1x1x128x128xf32, #tpu.memory_space<vmem>> -> memref<128x128xf32, #tpu.memory_space<vmem>>
      %dma_start3A_1809 = arith.constant 0 : i32
      %dma_start3A_1810 = arith.constant 0 : i32
      %dma_start3A_1811 = tpu.memref_slice %arg3[%get3A_1800, %dma_start3A_1809, %dma_start3A_1810] : memref<1196x128x128xf32, #tpu.memory_space<any>> -> memref<1x128x128xf32, #tpu.memory_space<any>>
      %dma_start3A_1812 = tpu.memref_squeeze %dma_start3A_1811 : memref<1x128x128xf32, #tpu.memory_space<any>> -> memref<128x128xf32, #tpu.memory_space<any>>
      tpu.enqueue_dma source(%dma_start3A_1812 : memref<128x128xf32, #tpu.memory_space<any>>) target(%dma_start3A_1808 : memref<128x128xf32, #tpu.memory_space<vmem>>) target_semaphore(%dma_start3A_1804 : memref<!tpu.dma_semaphore, #tpu.memory_space<semaphore_mem>>)
      %mul3A_1813 = arith.constant 64 : i32
      %mul3A_1814 = arith.muli %add3A_1595, %mul3A_1813 : i32
      %add3A_1815 = arith.constant 16 : i32
      %add3A_1816 = arith.addi %mul3A_1814, %add3A_1815 : i32
      %add3A_1817 = arith.constant 1 : i32
      %add3A_1818 = arith.addi %add3A_1816, %add3A_1817 : i32
      %get3A_1819 = arith.index_cast %add3A_1818 : i32 to index
      %get3A_1820 = memref.load %arg1[%get3A_1819] : memref<512xi32, #tpu.memory_space<smem>>
      %dma_start3A_1821 = arith.constant 10 : i32
      %dma_start3A_1822 = arith.constant 10 : i32
      %dma_start3A_1823 = tpu.memref_slice %arg16[%select_n3A_1613, %dma_start3A_1822] : memref<2x64x!tpu.dma_semaphore, #tpu.memory_space<semaphore_mem>> -> memref<1x1x!tpu.dma_semaphore, #tpu.memory_space<semaphore_mem>>
      %dma_start3A_1824 = tpu.memref_squeeze %dma_start3A_1823 : memref<1x1x!tpu.dma_semaphore, #tpu.memory_space<semaphore_mem>> -> memref<!tpu.dma_semaphore, #tpu.memory_space<semaphore_mem>>
      %dma_start3A_1825 = arith.constant 0 : i32
      %dma_start3A_1826 = arith.constant 0 : i32
      %dma_start3A_1827 = tpu.memref_slice %arg15[%select_n3A_1613, %dma_start3A_1821, %dma_start3A_1825, %dma_start3A_1826] : memref<2x64x128x128xf32, #tpu.memory_space<vmem>> -> memref<1x1x128x128xf32, #tpu.memory_space<vmem>>
      %dma_start3A_1828 = tpu.memref_squeeze %dma_start3A_1827 : memref<1x1x128x128xf32, #tpu.memory_space<vmem>> -> memref<128x128xf32, #tpu.memory_space<vmem>>
      %dma_start3A_1829 = arith.constant 0 : i32
      %dma_start3A_1830 = arith.constant 0 : i32
      %dma_start3A_1831 = tpu.memref_slice %arg3[%get3A_1820, %dma_start3A_1829, %dma_start3A_1830] : memref<1196x128x128xf32, #tpu.memory_space<any>> -> memref<1x128x128xf32, #tpu.memory_space<any>>
      %dma_start3A_1832 = tpu.memref_squeeze %dma_start3A_1831 : memref<1x128x128xf32, #tpu.memory_space<any>> -> memref<128x128xf32, #tpu.memory_space<any>>
      tpu.enqueue_dma source(%dma_start3A_1832 : memref<128x128xf32, #tpu.memory_space<any>>) target(%dma_start3A_1828 : memref<128x128xf32, #tpu.memory_space<vmem>>) target_semaphore(%dma_start3A_1824 : memref<!tpu.dma_semaphore, #tpu.memory_space<semaphore_mem>>)
      %mul3A_1833 = arith.constant 64 : i32
      %mul3A_1834 = arith.muli %add3A_1595, %mul3A_1833 : i32
      %add3A_1835 = arith.constant 24 : i32
      %add3A_1836 = arith.addi %mul3A_1834, %add3A_1835 : i32
      %add3A_1837 = arith.constant 1 : i32
      %add3A_1838 = arith.addi %add3A_1836, %add3A_1837 : i32
      %get3A_1839 = arith.index_cast %add3A_1838 : i32 to index
      %get3A_1840 = memref.load %arg1[%get3A_1839] : memref<512xi32, #tpu.memory_space<smem>>
      %dma_start3A_1841 = arith.constant 11 : i32
      %dma_start3A_1842 = arith.constant 11 : i32
      %dma_start3A_1843 = tpu.memref_slice %arg16[%select_n3A_1613, %dma_start3A_1842] : memref<2x64x!tpu.dma_semaphore, #tpu.memory_space<semaphore_mem>> -> memref<1x1x!tpu.dma_semaphore, #tpu.memory_space<semaphore_mem>>
      %dma_start3A_1844 = tpu.memref_squeeze %dma_start3A_1843 : memref<1x1x!tpu.dma_semaphore, #tpu.memory_space<semaphore_mem>> -> memref<!tpu.dma_semaphore, #tpu.memory_space<semaphore_mem>>
      %dma_start3A_1845 = arith.constant 0 : i32
      %dma_start3A_1846 = arith.constant 0 : i32
      %dma_start3A_1847 = tpu.memref_slice %arg15[%select_n3A_1613, %dma_start3A_1841, %dma_start3A_1845, %dma_start3A_1846] : memref<2x64x128x128xf32, #tpu.memory_space<vmem>> -> memref<1x1x128x128xf32, #tpu.memory_space<vmem>>
      %dma_start3A_1848 = tpu.memref_squeeze %dma_start3A_1847 : memref<1x1x128x128xf32, #tpu.memory_space<vmem>> -> memref<128x128xf32, #tpu.memory_space<vmem>>
      %dma_start3A_1849 = arith.constant 0 : i32
      %dma_start3A_1850 = arith.constant 0 : i32
      %dma_start3A_1851 = tpu.memref_slice %arg3[%get3A_1840, %dma_start3A_1849, %dma_start3A_1850] : memref<1196x128x128xf32, #tpu.memory_space<any>> -> memref<1x128x128xf32, #tpu.memory_space<any>>
      %dma_start3A_1852 = tpu.memref_squeeze %dma_start3A_1851 : memref<1x128x128xf32, #tpu.memory_space<any>> -> memref<128x128xf32, #tpu.memory_space<any>>
      tpu.enqueue_dma source(%dma_start3A_1852 : memref<128x128xf32, #tpu.memory_space<any>>) target(%dma_start3A_1848 : memref<128x128xf32, #tpu.memory_space<vmem>>) target_semaphore(%dma_start3A_1844 : memref<!tpu.dma_semaphore, #tpu.memory_space<semaphore_mem>>)
      %mul3A_1853 = arith.constant 64 : i32
      %mul3A_1854 = arith.muli %add3A_1595, %mul3A_1853 : i32
      %add3A_1855 = arith.constant 32 : i32
      %add3A_1856 = arith.addi %mul3A_1854, %add3A_1855 : i32
      %add3A_1857 = arith.constant 1 : i32
      %add3A_1858 = arith.addi %add3A_1856, %add3A_1857 : i32
      %get3A_1859 = arith.index_cast %add3A_1858 : i32 to index
      %get3A_1860 = memref.load %arg1[%get3A_1859] : memref<512xi32, #tpu.memory_space<smem>>
      %dma_start3A_1861 = arith.constant 12 : i32
      %dma_start3A_1862 = arith.constant 12 : i32
      %dma_start3A_1863 = tpu.memref_slice %arg16[%select_n3A_1613, %dma_start3A_1862] : memref<2x64x!tpu.dma_semaphore, #tpu.memory_space<semaphore_mem>> -> memref<1x1x!tpu.dma_semaphore, #tpu.memory_space<semaphore_mem>>
      %dma_start3A_1864 = tpu.memref_squeeze %dma_start3A_1863 : memref<1x1x!tpu.dma_semaphore, #tpu.memory_space<semaphore_mem>> -> memref<!tpu.dma_semaphore, #tpu.memory_space<semaphore_mem>>
      %dma_start3A_1865 = arith.constant 0 : i32
      %dma_start3A_1866 = arith.constant 0 : i32
      %dma_start3A_1867 = tpu.memref_slice %arg15[%select_n3A_1613, %dma_start3A_1861, %dma_start3A_1865, %dma_start3A_1866] : memref<2x64x128x128xf32, #tpu.memory_space<vmem>> -> memref<1x1x128x128xf32, #tpu.memory_space<vmem>>
      %dma_start3A_1868 = tpu.memref_squeeze %dma_start3A_1867 : memref<1x1x128x128xf32, #tpu.memory_space<vmem>> -> memref<128x128xf32, #tpu.memory_space<vmem>>
      %dma_start3A_1869 = arith.constant 0 : i32
      %dma_start3A_1870 = arith.constant 0 : i32
      %dma_start3A_1871 = tpu.memref_slice %arg3[%get3A_1860, %dma_start3A_1869, %dma_start3A_1870] : memref<1196x128x128xf32, #tpu.memory_space<any>> -> memref<1x128x128xf32, #tpu.memory_space<any>>
      %dma_start3A_1872 = tpu.memref_squeeze %dma_start3A_1871 : memref<1x128x128xf32, #tpu.memory_space<any>> -> memref<128x128xf32, #tpu.memory_space<any>>
      tpu.enqueue_dma source(%dma_start3A_1872 : memref<128x128xf32, #tpu.memory_space<any>>) target(%dma_start3A_1868 : memref<128x128xf32, #tpu.memory_space<vmem>>) target_semaphore(%dma_start3A_1864 : memref<!tpu.dma_semaphore, #tpu.memory_space<semaphore_mem>>)
      %mul3A_1873 = arith.constant 64 : i32
      %mul3A_1874 = arith.muli %add3A_1595, %mul3A_1873 : i32
      %add3A_1875 = arith.constant 40 : i32
      %add3A_1876 = arith.addi %mul3A_1874, %add3A_1875 : i32
      %add3A_1877 = arith.constant 1 : i32
      %add3A_1878 = arith.addi %add3A_1876, %add3A_1877 : i32
      %get3A_1879 = arith.index_cast %add3A_1878 : i32 to index
      %get3A_1880 = memref.load %arg1[%get3A_1879] : memref<512xi32, #tpu.memory_space<smem>>
      %dma_start3A_1881 = arith.constant 13 : i32
      %dma_start3A_1882 = arith.constant 13 : i32
      %dma_start3A_1883 = tpu.memref_slice %arg16[%select_n3A_1613, %dma_start3A_1882] : memref<2x64x!tpu.dma_semaphore, #tpu.memory_space<semaphore_mem>> -> memref<1x1x!tpu.dma_semaphore, #tpu.memory_space<semaphore_mem>>
      %dma_start3A_1884 = tpu.memref_squeeze %dma_start3A_1883 : memref<1x1x!tpu.dma_semaphore, #tpu.memory_space<semaphore_mem>> -> memref<!tpu.dma_semaphore, #tpu.memory_space<semaphore_mem>>
      %dma_start3A_1885 = arith.constant 0 : i32
      %dma_start3A_1886 = arith.constant 0 : i32
      %dma_start3A_1887 = tpu.memref_slice %arg15[%select_n3A_1613, %dma_start3A_1881, %dma_start3A_1885, %dma_start3A_1886] : memref<2x64x128x128xf32, #tpu.memory_space<vmem>> -> memref<1x1x128x128xf32, #tpu.memory_space<vmem>>
      %dma_start3A_1888 = tpu.memref_squeeze %dma_start3A_1887 : memref<1x1x128x128xf32, #tpu.memory_space<vmem>> -> memref<128x128xf32, #tpu.memory_space<vmem>>
      %dma_start3A_1889 = arith.constant 0 : i32
      %dma_start3A_1890 = arith.constant 0 : i32
      %dma_start3A_1891 = tpu.memref_slice %arg3[%get3A_1880, %dma_start3A_1889, %dma_start3A_1890] : memref<1196x128x128xf32, #tpu.memory_space<any>> -> memref<1x128x128xf32, #tpu.memory_space<any>>
      %dma_start3A_1892 = tpu.memref_squeeze %dma_start3A_1891 : memref<1x128x128xf32, #tpu.memory_space<any>> -> memref<128x128xf32, #tpu.memory_space<any>>
      tpu.enqueue_dma source(%dma_start3A_1892 : memref<128x128xf32, #tpu.memory_space<any>>) target(%dma_start3A_1888 : memref<128x128xf32, #tpu.memory_space<vmem>>) target_semaphore(%dma_start3A_1884 : memref<!tpu.dma_semaphore, #tpu.memory_space<semaphore_mem>>)
      %mul3A_1893 = arith.constant 64 : i32
      %mul3A_1894 = arith.muli %add3A_1595, %mul3A_1893 : i32
      %add3A_1895 = arith.constant 48 : i32
      %add3A_1896 = arith.addi %mul3A_1894, %add3A_1895 : i32
      %add3A_1897 = arith.constant 1 : i32
      %add3A_1898 = arith.addi %add3A_1896, %add3A_1897 : i32
      %get3A_1899 = arith.index_cast %add3A_1898 : i32 to index
      %get3A_1900 = memref.load %arg1[%get3A_1899] : memref<512xi32, #tpu.memory_space<smem>>
      %dma_start3A_1901 = arith.constant 14 : i32
      %dma_start3A_1902 = arith.constant 14 : i32
      %dma_start3A_1903 = tpu.memref_slice %arg16[%select_n3A_1613, %dma_start3A_1902] : memref<2x64x!tpu.dma_semaphore, #tpu.memory_space<semaphore_mem>> -> memref<1x1x!tpu.dma_semaphore, #tpu.memory_space<semaphore_mem>>
      %dma_start3A_1904 = tpu.memref_squeeze %dma_start3A_1903 : memref<1x1x!tpu.dma_semaphore, #tpu.memory_space<semaphore_mem>> -> memref<!tpu.dma_semaphore, #tpu.memory_space<semaphore_mem>>
      %dma_start3A_1905 = arith.constant 0 : i32
      %dma_start3A_1906 = arith.constant 0 : i32
      %dma_start3A_1907 = tpu.memref_slice %arg15[%select_n3A_1613, %dma_start3A_1901, %dma_start3A_1905, %dma_start3A_1906] : memref<2x64x128x128xf32, #tpu.memory_space<vmem>> -> memref<1x1x128x128xf32, #tpu.memory_space<vmem>>
      %dma_start3A_1908 = tpu.memref_squeeze %dma_start3A_1907 : memref<1x1x128x128xf32, #tpu.memory_space<vmem>> -> memref<128x128xf32, #tpu.memory_space<vmem>>
      %dma_start3A_1909 = arith.constant 0 : i32
      %dma_start3A_1910 = arith.constant 0 : i32
      %dma_start3A_1911 = tpu.memref_slice %arg3[%get3A_1900, %dma_start3A_1909, %dma_start3A_1910] : memref<1196x128x128xf32, #tpu.memory_space<any>> -> memref<1x128x128xf32, #tpu.memory_space<any>>
      %dma_start3A_1912 = tpu.memref_squeeze %dma_start3A_1911 : memref<1x128x128xf32, #tpu.memory_space<any>> -> memref<128x128xf32, #tpu.memory_space<any>>
      tpu.enqueue_dma source(%dma_start3A_1912 : memref<128x128xf32, #tpu.memory_space<any>>) target(%dma_start3A_1908 : memref<128x128xf32, #tpu.memory_space<vmem>>) target_semaphore(%dma_start3A_1904 : memref<!tpu.dma_semaphore, #tpu.memory_space<semaphore_mem>>)
      %mul3A_1913 = arith.constant 64 : i32
      %mul3A_1914 = arith.muli %add3A_1595, %mul3A_1913 : i32
      %add3A_1915 = arith.constant 56 : i32
      %add3A_1916 = arith.addi %mul3A_1914, %add3A_1915 : i32
      %add3A_1917 = arith.constant 1 : i32
      %add3A_1918 = arith.addi %add3A_1916, %add3A_1917 : i32
      %get3A_1919 = arith.index_cast %add3A_1918 : i32 to index
      %get3A_1920 = memref.load %arg1[%get3A_1919] : memref<512xi32, #tpu.memory_space<smem>>
      %dma_start3A_1921 = arith.constant 15 : i32
      %dma_start3A_1922 = arith.constant 15 : i32
      %dma_start3A_1923 = tpu.memref_slice %arg16[%select_n3A_1613, %dma_start3A_1922] : memref<2x64x!tpu.dma_semaphore, #tpu.memory_space<semaphore_mem>> -> memref<1x1x!tpu.dma_semaphore, #tpu.memory_space<semaphore_mem>>
      %dma_start3A_1924 = tpu.memref_squeeze %dma_start3A_1923 : memref<1x1x!tpu.dma_semaphore, #tpu.memory_space<semaphore_mem>> -> memref<!tpu.dma_semaphore, #tpu.memory_space<semaphore_mem>>
      %dma_start3A_1925 = arith.constant 0 : i32
      %dma_start3A_1926 = arith.constant 0 : i32
      %dma_start3A_1927 = tpu.memref_slice %arg15[%select_n3A_1613, %dma_start3A_1921, %dma_start3A_1925, %dma_start3A_1926] : memref<2x64x128x128xf32, #tpu.memory_space<vmem>> -> memref<1x1x128x128xf32, #tpu.memory_space<vmem>>
      %dma_start3A_1928 = tpu.memref_squeeze %dma_start3A_1927 : memref<1x1x128x128xf32, #tpu.memory_space<vmem>> -> memref<128x128xf32, #tpu.memory_space<vmem>>
      %dma_start3A_1929 = arith.constant 0 : i32
      %dma_start3A_1930 = arith.constant 0 : i32
      %dma_start3A_1931 = tpu.memref_slice %arg3[%get3A_1920, %dma_start3A_1929, %dma_start3A_1930] : memref<1196x128x128xf32, #tpu.memory_space<any>> -> memref<1x128x128xf32, #tpu.memory_space<any>>
      %dma_start3A_1932 = tpu.memref_squeeze %dma_start3A_1931 : memref<1x128x128xf32, #tpu.memory_space<any>> -> memref<128x128xf32, #tpu.memory_space<any>>
      tpu.enqueue_dma source(%dma_start3A_1932 : memref<128x128xf32, #tpu.memory_space<any>>) target(%dma_start3A_1928 : memref<128x128xf32, #tpu.memory_space<vmem>>) target_semaphore(%dma_start3A_1924 : memref<!tpu.dma_semaphore, #tpu.memory_space<semaphore_mem>>)
      %mul3A_1933 = arith.constant 64 : i32
      %mul3A_1934 = arith.muli %add3A_1595, %mul3A_1933 : i32
      %add3A_1935 = arith.constant 0 : i32
      %add3A_1936 = arith.addi %mul3A_1934, %add3A_1935 : i32
      %add3A_1937 = arith.constant 2 : i32
      %add3A_1938 = arith.addi %add3A_1936, %add3A_1937 : i32
      %get3A_1939 = arith.index_cast %add3A_1938 : i32 to index
      %get3A_1940 = memref.load %arg1[%get3A_1939] : memref<512xi32, #tpu.memory_space<smem>>
      %dma_start3A_1941 = arith.constant 16 : i32
      %dma_start3A_1942 = arith.constant 16 : i32
      %dma_start3A_1943 = tpu.memref_slice %arg16[%select_n3A_1613, %dma_start3A_1942] : memref<2x64x!tpu.dma_semaphore, #tpu.memory_space<semaphore_mem>> -> memref<1x1x!tpu.dma_semaphore, #tpu.memory_space<semaphore_mem>>
      %dma_start3A_1944 = tpu.memref_squeeze %dma_start3A_1943 : memref<1x1x!tpu.dma_semaphore, #tpu.memory_space<semaphore_mem>> -> memref<!tpu.dma_semaphore, #tpu.memory_space<semaphore_mem>>
      %dma_start3A_1945 = arith.constant 0 : i32
      %dma_start3A_1946 = arith.constant 0 : i32
      %dma_start3A_1947 = tpu.memref_slice %arg15[%select_n3A_1613, %dma_start3A_1941, %dma_start3A_1945, %dma_start3A_1946] : memref<2x64x128x128xf32, #tpu.memory_space<vmem>> -> memref<1x1x128x128xf32, #tpu.memory_space<vmem>>
      %dma_start3A_1948 = tpu.memref_squeeze %dma_start3A_1947 : memref<1x1x128x128xf32, #tpu.memory_space<vmem>> -> memref<128x128xf32, #tpu.memory_space<vmem>>
      %dma_start3A_1949 = arith.constant 0 : i32
      %dma_start3A_1950 = arith.constant 0 : i32
      %dma_start3A_1951 = tpu.memref_slice %arg3[%get3A_1940, %dma_start3A_1949, %dma_start3A_1950] : memref<1196x128x128xf32, #tpu.memory_space<any>> -> memref<1x128x128xf32, #tpu.memory_space<any>>
      %dma_start3A_1952 = tpu.memref_squeeze %dma_start3A_1951 : memref<1x128x128xf32, #tpu.memory_space<any>> -> memref<128x128xf32, #tpu.memory_space<any>>
      tpu.enqueue_dma source(%dma_start3A_1952 : memref<128x128xf32, #tpu.memory_space<any>>) target(%dma_start3A_1948 : memref<128x128xf32, #tpu.memory_space<vmem>>) target_semaphore(%dma_start3A_1944 : memref<!tpu.dma_semaphore, #tpu.memory_space<semaphore_mem>>)
      %mul3A_1953 = arith.constant 64 : i32
      %mul3A_1954 = arith.muli %add3A_1595, %mul3A_1953 : i32
      %add3A_1955 = arith.constant 8 : i32
      %add3A_1956 = arith.addi %mul3A_1954, %add3A_1955 : i32
      %add3A_1957 = arith.constant 2 : i32
      %add3A_1958 = arith.addi %add3A_1956, %add3A_1957 : i32
      %get3A_1959 = arith.index_cast %add3A_1958 : i32 to index
      %get3A_1960 = memref.load %arg1[%get3A_1959] : memref<512xi32, #tpu.memory_space<smem>>
      %dma_start3A_1961 = arith.constant 17 : i32
      %dma_start3A_1962 = arith.constant 17 : i32
      %dma_start3A_1963 = tpu.memref_slice %arg16[%select_n3A_1613, %dma_start3A_1962] : memref<2x64x!tpu.dma_semaphore, #tpu.memory_space<semaphore_mem>> -> memref<1x1x!tpu.dma_semaphore, #tpu.memory_space<semaphore_mem>>
      %dma_start3A_1964 = tpu.memref_squeeze %dma_start3A_1963 : memref<1x1x!tpu.dma_semaphore, #tpu.memory_space<semaphore_mem>> -> memref<!tpu.dma_semaphore, #tpu.memory_space<semaphore_mem>>
      %dma_start3A_1965 = arith.constant 0 : i32
      %dma_start3A_1966 = arith.constant 0 : i32
      %dma_start3A_1967 = tpu.memref_slice %arg15[%select_n3A_1613, %dma_start3A_1961, %dma_start3A_1965, %dma_start3A_1966] : memref<2x64x128x128xf32, #tpu.memory_space<vmem>> -> memref<1x1x128x128xf32, #tpu.memory_space<vmem>>
      %dma_start3A_1968 = tpu.memref_squeeze %dma_start3A_1967 : memref<1x1x128x128xf32, #tpu.memory_space<vmem>> -> memref<128x128xf32, #tpu.memory_space<vmem>>
      %dma_start3A_1969 = arith.constant 0 : i32
      %dma_start3A_1970 = arith.constant 0 : i32
      %dma_start3A_1971 = tpu.memref_slice %arg3[%get3A_1960, %dma_start3A_1969, %dma_start3A_1970] : memref<1196x128x128xf32, #tpu.memory_space<any>> -> memref<1x128x128xf32, #tpu.memory_space<any>>
      %dma_start3A_1972 = tpu.memref_squeeze %dma_start3A_1971 : memref<1x128x128xf32, #tpu.memory_space<any>> -> memref<128x128xf32, #tpu.memory_space<any>>
      tpu.enqueue_dma source(%dma_start3A_1972 : memref<128x128xf32, #tpu.memory_space<any>>) target(%dma_start3A_1968 : memref<128x128xf32, #tpu.memory_space<vmem>>) target_semaphore(%dma_start3A_1964 : memref<!tpu.dma_semaphore, #tpu.memory_space<semaphore_mem>>)
      %mul3A_1973 = arith.constant 64 : i32
      %mul3A_1974 = arith.muli %add3A_1595, %mul3A_1973 : i32
      %add3A_1975 = arith.constant 16 : i32
      %add3A_1976 = arith.addi %mul3A_1974, %add3A_1975 : i32
      %add3A_1977 = arith.constant 2 : i32
      %add3A_1978 = arith.addi %add3A_1976, %add3A_1977 : i32
      %get3A_1979 = arith.index_cast %add3A_1978 : i32 to index
      %get3A_1980 = memref.load %arg1[%get3A_1979] : memref<512xi32, #tpu.memory_space<smem>>
      %dma_start3A_1981 = arith.constant 18 : i32
      %dma_start3A_1982 = arith.constant 18 : i32
      %dma_start3A_1983 = tpu.memref_slice %arg16[%select_n3A_1613, %dma_start3A_1982] : memref<2x64x!tpu.dma_semaphore, #tpu.memory_space<semaphore_mem>> -> memref<1x1x!tpu.dma_semaphore, #tpu.memory_space<semaphore_mem>>
      %dma_start3A_1984 = tpu.memref_squeeze %dma_start3A_1983 : memref<1x1x!tpu.dma_semaphore, #tpu.memory_space<semaphore_mem>> -> memref<!tpu.dma_semaphore, #tpu.memory_space<semaphore_mem>>
      %dma_start3A_1985 = arith.constant 0 : i32
      %dma_start3A_1986 = arith.constant 0 : i32
      %dma_start3A_1987 = tpu.memref_slice %arg15[%select_n3A_1613, %dma_start3A_1981, %dma_start3A_1985, %dma_start3A_1986] : memref<2x64x128x128xf32, #tpu.memory_space<vmem>> -> memref<1x1x128x128xf32, #tpu.memory_space<vmem>>
      %dma_start3A_1988 = tpu.memref_squeeze %dma_start3A_1987 : memref<1x1x128x128xf32, #tpu.memory_space<vmem>> -> memref<128x128xf32, #tpu.memory_space<vmem>>
      %dma_start3A_1989 = arith.constant 0 : i32
      %dma_start3A_1990 = arith.constant 0 : i32
      %dma_start3A_1991 = tpu.memref_slice %arg3[%get3A_1980, %dma_start3A_1989, %dma_start3A_1990] : memref<1196x128x128xf32, #tpu.memory_space<any>> -> memref<1x128x128xf32, #tpu.memory_space<any>>
      %dma_start3A_1992 = tpu.memref_squeeze %dma_start3A_1991 : memref<1x128x128xf32, #tpu.memory_space<any>> -> memref<128x128xf32, #tpu.memory_space<any>>
      tpu.enqueue_dma source(%dma_start3A_1992 : memref<128x128xf32, #tpu.memory_space<any>>) target(%dma_start3A_1988 : memref<128x128xf32, #tpu.memory_space<vmem>>) target_semaphore(%dma_start3A_1984 : memref<!tpu.dma_semaphore, #tpu.memory_space<semaphore_mem>>)
      %mul3A_1993 = arith.constant 64 : i32
      %mul3A_1994 = arith.muli %add3A_1595, %mul3A_1993 : i32
      %add3A_1995 = arith.constant 24 : i32
      %add3A_1996 = arith.addi %mul3A_1994, %add3A_1995 : i32
      %add3A_1997 = arith.constant 2 : i32
      %add3A_1998 = arith.addi %add3A_1996, %add3A_1997 : i32
      %get3A_1999 = arith.index_cast %add3A_1998 : i32 to index
      %get3A_2000 = memref.load %arg1[%get3A_1999] : memref<512xi32, #tpu.memory_space<smem>>
      %dma_start3A_2001 = arith.constant 19 : i32
      %dma_start3A_2002 = arith.constant 19 : i32
      %dma_start3A_2003 = tpu.memref_slice %arg16[%select_n3A_1613, %dma_start3A_2002] : memref<2x64x!tpu.dma_semaphore, #tpu.memory_space<semaphore_mem>> -> memref<1x1x!tpu.dma_semaphore, #tpu.memory_space<semaphore_mem>>
      %dma_start3A_2004 = tpu.memref_squeeze %dma_start3A_2003 : memref<1x1x!tpu.dma_semaphore, #tpu.memory_space<semaphore_mem>> -> memref<!tpu.dma_semaphore, #tpu.memory_space<semaphore_mem>>
      %dma_start3A_2005 = arith.constant 0 : i32
      %dma_start3A_2006 = arith.constant 0 : i32
      %dma_start3A_2007 = tpu.memref_slice %arg15[%select_n3A_1613, %dma_start3A_2001, %dma_start3A_2005, %dma_start3A_2006] : memref<2x64x128x128xf32, #tpu.memory_space<vmem>> -> memref<1x1x128x128xf32, #tpu.memory_space<vmem>>
      %dma_start3A_2008 = tpu.memref_squeeze %dma_start3A_2007 : memref<1x1x128x128xf32, #tpu.memory_space<vmem>> -> memref<128x128xf32, #tpu.memory_space<vmem>>
      %dma_start3A_2009 = arith.constant 0 : i32
      %dma_start3A_2010 = arith.constant 0 : i32
      %dma_start3A_2011 = tpu.memref_slice %arg3[%get3A_2000, %dma_start3A_2009, %dma_start3A_2010] : memref<1196x128x128xf32, #tpu.memory_space<any>> -> memref<1x128x128xf32, #tpu.memory_space<any>>
      %dma_start3A_2012 = tpu.memref_squeeze %dma_start3A_2011 : memref<1x128x128xf32, #tpu.memory_space<any>> -> memref<128x128xf32, #tpu.memory_space<any>>
      tpu.enqueue_dma source(%dma_start3A_2012 : memref<128x128xf32, #tpu.memory_space<any>>) target(%dma_start3A_2008 : memref<128x128xf32, #tpu.memory_space<vmem>>) target_semaphore(%dma_start3A_2004 : memref<!tpu.dma_semaphore, #tpu.memory_space<semaphore_mem>>)
      %mul3A_2013 = arith.constant 64 : i32
      %mul3A_2014 = arith.muli %add3A_1595, %mul3A_2013 : i32
      %add3A_2015 = arith.constant 32 : i32
      %add3A_2016 = arith.addi %mul3A_2014, %add3A_2015 : i32
      %add3A_2017 = arith.constant 2 : i32
      %add3A_2018 = arith.addi %add3A_2016, %add3A_2017 : i32
      %get3A_2019 = arith.index_cast %add3A_2018 : i32 to index
      %get3A_2020 = memref.load %arg1[%get3A_2019] : memref<512xi32, #tpu.memory_space<smem>>
      %dma_start3A_2021 = arith.constant 20 : i32
      %dma_start3A_2022 = arith.constant 20 : i32
      %dma_start3A_2023 = tpu.memref_slice %arg16[%select_n3A_1613, %dma_start3A_2022] : memref<2x64x!tpu.dma_semaphore, #tpu.memory_space<semaphore_mem>> -> memref<1x1x!tpu.dma_semaphore, #tpu.memory_space<semaphore_mem>>
      %dma_start3A_2024 = tpu.memref_squeeze %dma_start3A_2023 : memref<1x1x!tpu.dma_semaphore, #tpu.memory_space<semaphore_mem>> -> memref<!tpu.dma_semaphore, #tpu.memory_space<semaphore_mem>>
      %dma_start3A_2025 = arith.constant 0 : i32
      %dma_start3A_2026 = arith.constant 0 : i32
      %dma_start3A_2027 = tpu.memref_slice %arg15[%select_n3A_1613, %dma_start3A_2021, %dma_start3A_2025, %dma_start3A_2026] : memref<2x64x128x128xf32, #tpu.memory_space<vmem>> -> memref<1x1x128x128xf32, #tpu.memory_space<vmem>>
      %dma_start3A_2028 = tpu.memref_squeeze %dma_start3A_2027 : memref<1x1x128x128xf32, #tpu.memory_space<vmem>> -> memref<128x128xf32, #tpu.memory_space<vmem>>
      %dma_start3A_2029 = arith.constant 0 : i32
      %dma_start3A_2030 = arith.constant 0 : i32
      %dma_start3A_2031 = tpu.memref_slice %arg3[%get3A_2020, %dma_start3A_2029, %dma_start3A_2030] : memref<1196x128x128xf32, #tpu.memory_space<any>> -> memref<1x128x128xf32, #tpu.memory_space<any>>
      %dma_start3A_2032 = tpu.memref_squeeze %dma_start3A_2031 : memref<1x128x128xf32, #tpu.memory_space<any>> -> memref<128x128xf32, #tpu.memory_space<any>>
      tpu.enqueue_dma source(%dma_start3A_2032 : memref<128x128xf32, #tpu.memory_space<any>>) target(%dma_start3A_2028 : memref<128x128xf32, #tpu.memory_space<vmem>>) target_semaphore(%dma_start3A_2024 : memref<!tpu.dma_semaphore, #tpu.memory_space<semaphore_mem>>)
      %mul3A_2033 = arith.constant 64 : i32
      %mul3A_2034 = arith.muli %add3A_1595, %mul3A_2033 : i32
      %add3A_2035 = arith.constant 40 : i32
      %add3A_2036 = arith.addi %mul3A_2034, %add3A_2035 : i32
      %add3A_2037 = arith.constant 2 : i32
      %add3A_2038 = arith.addi %add3A_2036, %add3A_2037 : i32
      %get3A_2039 = arith.index_cast %add3A_2038 : i32 to index
      %get3A_2040 = memref.load %arg1[%get3A_2039] : memref<512xi32, #tpu.memory_space<smem>>
      %dma_start3A_2041 = arith.constant 21 : i32
      %dma_start3A_2042 = arith.constant 21 : i32
      %dma_start3A_2043 = tpu.memref_slice %arg16[%select_n3A_1613, %dma_start3A_2042] : memref<2x64x!tpu.dma_semaphore, #tpu.memory_space<semaphore_mem>> -> memref<1x1x!tpu.dma_semaphore, #tpu.memory_space<semaphore_mem>>
      %dma_start3A_2044 = tpu.memref_squeeze %dma_start3A_2043 : memref<1x1x!tpu.dma_semaphore, #tpu.memory_space<semaphore_mem>> -> memref<!tpu.dma_semaphore, #tpu.memory_space<semaphore_mem>>
      %dma_start3A_2045 = arith.constant 0 : i32
      %dma_start3A_2046 = arith.constant 0 : i32
      %dma_start3A_2047 = tpu.memref_slice %arg15[%select_n3A_1613, %dma_start3A_2041, %dma_start3A_2045, %dma_start3A_2046] : memref<2x64x128x128xf32, #tpu.memory_space<vmem>> -> memref<1x1x128x128xf32, #tpu.memory_space<vmem>>
      %dma_start3A_2048 = tpu.memref_squeeze %dma_start3A_2047 : memref<1x1x128x128xf32, #tpu.memory_space<vmem>> -> memref<128x128xf32, #tpu.memory_space<vmem>>
      %dma_start3A_2049 = arith.constant 0 : i32
      %dma_start3A_2050 = arith.constant 0 : i32
      %dma_start3A_2051 = tpu.memref_slice %arg3[%get3A_2040, %dma_start3A_2049, %dma_start3A_2050] : memref<1196x128x128xf32, #tpu.memory_space<any>> -> memref<1x128x128xf32, #tpu.memory_space<any>>
      %dma_start3A_2052 = tpu.memref_squeeze %dma_start3A_2051 : memref<1x128x128xf32, #tpu.memory_space<any>> -> memref<128x128xf32, #tpu.memory_space<any>>
      tpu.enqueue_dma source(%dma_start3A_2052 : memref<128x128xf32, #tpu.memory_space<any>>) target(%dma_start3A_2048 : memref<128x128xf32, #tpu.memory_space<vmem>>) target_semaphore(%dma_start3A_2044 : memref<!tpu.dma_semaphore, #tpu.memory_space<semaphore_mem>>)
      %mul3A_2053 = arith.constant 64 : i32
      %mul3A_2054 = arith.muli %add3A_1595, %mul3A_2053 : i32
      %add3A_2055 = arith.constant 48 : i32
      %add3A_2056 = arith.addi %mul3A_2054, %add3A_2055 : i32
      %add3A_2057 = arith.constant 2 : i32
      %add3A_2058 = arith.addi %add3A_2056, %add3A_2057 : i32
      %get3A_2059 = arith.index_cast %add3A_2058 : i32 to index
      %get3A_2060 = memref.load %arg1[%get3A_2059] : memref<512xi32, #tpu.memory_space<smem>>
      %dma_start3A_2061 = arith.constant 22 : i32
      %dma_start3A_2062 = arith.constant 22 : i32
      %dma_start3A_2063 = tpu.memref_slice %arg16[%select_n3A_1613, %dma_start3A_2062] : memref<2x64x!tpu.dma_semaphore, #tpu.memory_space<semaphore_mem>> -> memref<1x1x!tpu.dma_semaphore, #tpu.memory_space<semaphore_mem>>
      %dma_start3A_2064 = tpu.memref_squeeze %dma_start3A_2063 : memref<1x1x!tpu.dma_semaphore, #tpu.memory_space<semaphore_mem>> -> memref<!tpu.dma_semaphore, #tpu.memory_space<semaphore_mem>>
      %dma_start3A_2065 = arith.constant 0 : i32
      %dma_start3A_2066 = arith.constant 0 : i32
      %dma_start3A_2067 = tpu.memref_slice %arg15[%select_n3A_1613, %dma_start3A_2061, %dma_start3A_2065, %dma_start3A_2066] : memref<2x64x128x128xf32, #tpu.memory_space<vmem>> -> memref<1x1x128x128xf32, #tpu.memory_space<vmem>>
      %dma_start3A_2068 = tpu.memref_squeeze %dma_start3A_2067 : memref<1x1x128x128xf32, #tpu.memory_space<vmem>> -> memref<128x128xf32, #tpu.memory_space<vmem>>
      %dma_start3A_2069 = arith.constant 0 : i32
      %dma_start3A_2070 = arith.constant 0 : i32
      %dma_start3A_2071 = tpu.memref_slice %arg3[%get3A_2060, %dma_start3A_2069, %dma_start3A_2070] : memref<1196x128x128xf32, #tpu.memory_space<any>> -> memref<1x128x128xf32, #tpu.memory_space<any>>
      %dma_start3A_2072 = tpu.memref_squeeze %dma_start3A_2071 : memref<1x128x128xf32, #tpu.memory_space<any>> -> memref<128x128xf32, #tpu.memory_space<any>>
      tpu.enqueue_dma source(%dma_start3A_2072 : memref<128x128xf32, #tpu.memory_space<any>>) target(%dma_start3A_2068 : memref<128x128xf32, #tpu.memory_space<vmem>>) target_semaphore(%dma_start3A_2064 : memref<!tpu.dma_semaphore, #tpu.memory_space<semaphore_mem>>)
      %mul3A_2073 = arith.constant 64 : i32
      %mul3A_2074 = arith.muli %add3A_1595, %mul3A_2073 : i32
      %add3A_2075 = arith.constant 56 : i32
      %add3A_2076 = arith.addi %mul3A_2074, %add3A_2075 : i32
      %add3A_2077 = arith.constant 2 : i32
      %add3A_2078 = arith.addi %add3A_2076, %add3A_2077 : i32
      %get3A_2079 = arith.index_cast %add3A_2078 : i32 to index
      %get3A_2080 = memref.load %arg1[%get3A_2079] : memref<512xi32, #tpu.memory_space<smem>>
      %dma_start3A_2081 = arith.constant 23 : i32
      %dma_start3A_2082 = arith.constant 23 : i32
      %dma_start3A_2083 = tpu.memref_slice %arg16[%select_n3A_1613, %dma_start3A_2082] : memref<2x64x!tpu.dma_semaphore, #tpu.memory_space<semaphore_mem>> -> memref<1x1x!tpu.dma_semaphore, #tpu.memory_space<semaphore_mem>>
      %dma_start3A_2084 = tpu.memref_squeeze %dma_start3A_2083 : memref<1x1x!tpu.dma_semaphore, #tpu.memory_space<semaphore_mem>> -> memref<!tpu.dma_semaphore, #tpu.memory_space<semaphore_mem>>
      %dma_start3A_2085 = arith.constant 0 : i32
      %dma_start3A_2086 = arith.constant 0 : i32
      %dma_start3A_2087 = tpu.memref_slice %arg15[%select_n3A_1613, %dma_start3A_2081, %dma_start3A_2085, %dma_start3A_2086] : memref<2x64x128x128xf32, #tpu.memory_space<vmem>> -> memref<1x1x128x128xf32, #tpu.memory_space<vmem>>
      %dma_start3A_2088 = tpu.memref_squeeze %dma_start3A_2087 : memref<1x1x128x128xf32, #tpu.memory_space<vmem>> -> memref<128x128xf32, #tpu.memory_space<vmem>>
      %dma_start3A_2089 = arith.constant 0 : i32
      %dma_start3A_2090 = arith.constant 0 : i32
      %dma_start3A_2091 = tpu.memref_slice %arg3[%get3A_2080, %dma_start3A_2089, %dma_start3A_2090] : memref<1196x128x128xf32, #tpu.memory_space<any>> -> memref<1x128x128xf32, #tpu.memory_space<any>>
      %dma_start3A_2092 = tpu.memref_squeeze %dma_start3A_2091 : memref<1x128x128xf32, #tpu.memory_space<any>> -> memref<128x128xf32, #tpu.memory_space<any>>
      tpu.enqueue_dma source(%dma_start3A_2092 : memref<128x128xf32, #tpu.memory_space<any>>) target(%dma_start3A_2088 : memref<128x128xf32, #tpu.memory_space<vmem>>) target_semaphore(%dma_start3A_2084 : memref<!tpu.dma_semaphore, #tpu.memory_space<semaphore_mem>>)
      %mul3A_2093 = arith.constant 64 : i32
      %mul3A_2094 = arith.muli %add3A_1595, %mul3A_2093 : i32
      %add3A_2095 = arith.constant 0 : i32
      %add3A_2096 = arith.addi %mul3A_2094, %add3A_2095 : i32
      %add3A_2097 = arith.constant 3 : i32
      %add3A_2098 = arith.addi %add3A_2096, %add3A_2097 : i32
      %get3A_2099 = arith.index_cast %add3A_2098 : i32 to index
      %get3A_2100 = memref.load %arg1[%get3A_2099] : memref<512xi32, #tpu.memory_space<smem>>
      %dma_start3A_2101 = arith.constant 24 : i32
      %dma_start3A_2102 = arith.constant 24 : i32
      %dma_start3A_2103 = tpu.memref_slice %arg16[%select_n3A_1613, %dma_start3A_2102] : memref<2x64x!tpu.dma_semaphore, #tpu.memory_space<semaphore_mem>> -> memref<1x1x!tpu.dma_semaphore, #tpu.memory_space<semaphore_mem>>
      %dma_start3A_2104 = tpu.memref_squeeze %dma_start3A_2103 : memref<1x1x!tpu.dma_semaphore, #tpu.memory_space<semaphore_mem>> -> memref<!tpu.dma_semaphore, #tpu.memory_space<semaphore_mem>>
      %dma_start3A_2105 = arith.constant 0 : i32
      %dma_start3A_2106 = arith.constant 0 : i32
      %dma_start3A_2107 = tpu.memref_slice %arg15[%select_n3A_1613, %dma_start3A_2101, %dma_start3A_2105, %dma_start3A_2106] : memref<2x64x128x128xf32, #tpu.memory_space<vmem>> -> memref<1x1x128x128xf32, #tpu.memory_space<vmem>>
      %dma_start3A_2108 = tpu.memref_squeeze %dma_start3A_2107 : memref<1x1x128x128xf32, #tpu.memory_space<vmem>> -> memref<128x128xf32, #tpu.memory_space<vmem>>
      %dma_start3A_2109 = arith.constant 0 : i32
      %dma_start3A_2110 = arith.constant 0 : i32
      %dma_start3A_2111 = tpu.memref_slice %arg3[%get3A_2100, %dma_start3A_2109, %dma_start3A_2110] : memref<1196x128x128xf32, #tpu.memory_space<any>> -> memref<1x128x128xf32, #tpu.memory_space<any>>
      %dma_start3A_2112 = tpu.memref_squeeze %dma_start3A_2111 : memref<1x128x128xf32, #tpu.memory_space<any>> -> memref<128x128xf32, #tpu.memory_space<any>>
      tpu.enqueue_dma source(%dma_start3A_2112 : memref<128x128xf32, #tpu.memory_space<any>>) target(%dma_start3A_2108 : memref<128x128xf32, #tpu.memory_space<vmem>>) target_semaphore(%dma_start3A_2104 : memref<!tpu.dma_semaphore, #tpu.memory_space<semaphore_mem>>)
      %mul3A_2113 = arith.constant 64 : i32
      %mul3A_2114 = arith.muli %add3A_1595, %mul3A_2113 : i32
      %add3A_2115 = arith.constant 8 : i32
      %add3A_2116 = arith.addi %mul3A_2114, %add3A_2115 : i32
      %add3A_2117 = arith.constant 3 : i32
      %add3A_2118 = arith.addi %add3A_2116, %add3A_2117 : i32
      %get3A_2119 = arith.index_cast %add3A_2118 : i32 to index
      %get3A_2120 = memref.load %arg1[%get3A_2119] : memref<512xi32, #tpu.memory_space<smem>>
      %dma_start3A_2121 = arith.constant 25 : i32
      %dma_start3A_2122 = arith.constant 25 : i32
      %dma_start3A_2123 = tpu.memref_slice %arg16[%select_n3A_1613, %dma_start3A_2122] : memref<2x64x!tpu.dma_semaphore, #tpu.memory_space<semaphore_mem>> -> memref<1x1x!tpu.dma_semaphore, #tpu.memory_space<semaphore_mem>>
      %dma_start3A_2124 = tpu.memref_squeeze %dma_start3A_2123 : memref<1x1x!tpu.dma_semaphore, #tpu.memory_space<semaphore_mem>> -> memref<!tpu.dma_semaphore, #tpu.memory_space<semaphore_mem>>
      %dma_start3A_2125 = arith.constant 0 : i32
      %dma_start3A_2126 = arith.constant 0 : i32
      %dma_start3A_2127 = tpu.memref_slice %arg15[%select_n3A_1613, %dma_start3A_2121, %dma_start3A_2125, %dma_start3A_2126] : memref<2x64x128x128xf32, #tpu.memory_space<vmem>> -> memref<1x1x128x128xf32, #tpu.memory_space<vmem>>
      %dma_start3A_2128 = tpu.memref_squeeze %dma_start3A_2127 : memref<1x1x128x128xf32, #tpu.memory_space<vmem>> -> memref<128x128xf32, #tpu.memory_space<vmem>>
      %dma_start3A_2129 = arith.constant 0 : i32
      %dma_start3A_2130 = arith.constant 0 : i32
      %dma_start3A_2131 = tpu.memref_slice %arg3[%get3A_2120, %dma_start3A_2129, %dma_start3A_2130] : memref<1196x128x128xf32, #tpu.memory_space<any>> -> memref<1x128x128xf32, #tpu.memory_space<any>>
      %dma_start3A_2132 = tpu.memref_squeeze %dma_start3A_2131 : memref<1x128x128xf32, #tpu.memory_space<any>> -> memref<128x128xf32, #tpu.memory_space<any>>
      tpu.enqueue_dma source(%dma_start3A_2132 : memref<128x128xf32, #tpu.memory_space<any>>) target(%dma_start3A_2128 : memref<128x128xf32, #tpu.memory_space<vmem>>) target_semaphore(%dma_start3A_2124 : memref<!tpu.dma_semaphore, #tpu.memory_space<semaphore_mem>>)
      %mul3A_2133 = arith.constant 64 : i32
      %mul3A_2134 = arith.muli %add3A_1595, %mul3A_2133 : i32
      %add3A_2135 = arith.constant 16 : i32
      %add3A_2136 = arith.addi %mul3A_2134, %add3A_2135 : i32
      %add3A_2137 = arith.constant 3 : i32
      %add3A_2138 = arith.addi %add3A_2136, %add3A_2137 : i32
      %get3A_2139 = arith.index_cast %add3A_2138 : i32 to index
      %get3A_2140 = memref.load %arg1[%get3A_2139] : memref<512xi32, #tpu.memory_space<smem>>
      %dma_start3A_2141 = arith.constant 26 : i32
      %dma_start3A_2142 = arith.constant 26 : i32
      %dma_start3A_2143 = tpu.memref_slice %arg16[%select_n3A_1613, %dma_start3A_2142] : memref<2x64x!tpu.dma_semaphore, #tpu.memory_space<semaphore_mem>> -> memref<1x1x!tpu.dma_semaphore, #tpu.memory_space<semaphore_mem>>
      %dma_start3A_2144 = tpu.memref_squeeze %dma_start3A_2143 : memref<1x1x!tpu.dma_semaphore, #tpu.memory_space<semaphore_mem>> -> memref<!tpu.dma_semaphore, #tpu.memory_space<semaphore_mem>>
      %dma_start3A_2145 = arith.constant 0 : i32
      %dma_start3A_2146 = arith.constant 0 : i32
      %dma_start3A_2147 = tpu.memref_slice %arg15[%select_n3A_1613, %dma_start3A_2141, %dma_start3A_2145, %dma_start3A_2146] : memref<2x64x128x128xf32, #tpu.memory_space<vmem>> -> memref<1x1x128x128xf32, #tpu.memory_space<vmem>>
      %dma_start3A_2148 = tpu.memref_squeeze %dma_start3A_2147 : memref<1x1x128x128xf32, #tpu.memory_space<vmem>> -> memref<128x128xf32, #tpu.memory_space<vmem>>
      %dma_start3A_2149 = arith.constant 0 : i32
      %dma_start3A_2150 = arith.constant 0 : i32
      %dma_start3A_2151 = tpu.memref_slice %arg3[%get3A_2140, %dma_start3A_2149, %dma_start3A_2150] : memref<1196x128x128xf32, #tpu.memory_space<any>> -> memref<1x128x128xf32, #tpu.memory_space<any>>
      %dma_start3A_2152 = tpu.memref_squeeze %dma_start3A_2151 : memref<1x128x128xf32, #tpu.memory_space<any>> -> memref<128x128xf32, #tpu.memory_space<any>>
      tpu.enqueue_dma source(%dma_start3A_2152 : memref<128x128xf32, #tpu.memory_space<any>>) target(%dma_start3A_2148 : memref<128x128xf32, #tpu.memory_space<vmem>>) target_semaphore(%dma_start3A_2144 : memref<!tpu.dma_semaphore, #tpu.memory_space<semaphore_mem>>)
      %mul3A_2153 = arith.constant 64 : i32
      %mul3A_2154 = arith.muli %add3A_1595, %mul3A_2153 : i32
      %add3A_2155 = arith.constant 24 : i32
      %add3A_2156 = arith.addi %mul3A_2154, %add3A_2155 : i32
      %add3A_2157 = arith.constant 3 : i32
      %add3A_2158 = arith.addi %add3A_2156, %add3A_2157 : i32
      %get3A_2159 = arith.index_cast %add3A_2158 : i32 to index
      %get3A_2160 = memref.load %arg1[%get3A_2159] : memref<512xi32, #tpu.memory_space<smem>>
      %dma_start3A_2161 = arith.constant 27 : i32
      %dma_start3A_2162 = arith.constant 27 : i32
      %dma_start3A_2163 = tpu.memref_slice %arg16[%select_n3A_1613, %dma_start3A_2162] : memref<2x64x!tpu.dma_semaphore, #tpu.memory_space<semaphore_mem>> -> memref<1x1x!tpu.dma_semaphore, #tpu.memory_space<semaphore_mem>>
      %dma_start3A_2164 = tpu.memref_squeeze %dma_start3A_2163 : memref<1x1x!tpu.dma_semaphore, #tpu.memory_space<semaphore_mem>> -> memref<!tpu.dma_semaphore, #tpu.memory_space<semaphore_mem>>
      %dma_start3A_2165 = arith.constant 0 : i32
      %dma_start3A_2166 = arith.constant 0 : i32
      %dma_start3A_2167 = tpu.memref_slice %arg15[%select_n3A_1613, %dma_start3A_2161, %dma_start3A_2165, %dma_start3A_2166] : memref<2x64x128x128xf32, #tpu.memory_space<vmem>> -> memref<1x1x128x128xf32, #tpu.memory_space<vmem>>
      %dma_start3A_2168 = tpu.memref_squeeze %dma_start3A_2167 : memref<1x1x128x128xf32, #tpu.memory_space<vmem>> -> memref<128x128xf32, #tpu.memory_space<vmem>>
      %dma_start3A_2169 = arith.constant 0 : i32
      %dma_start3A_2170 = arith.constant 0 : i32
      %dma_start3A_2171 = tpu.memref_slice %arg3[%get3A_2160, %dma_start3A_2169, %dma_start3A_2170] : memref<1196x128x128xf32, #tpu.memory_space<any>> -> memref<1x128x128xf32, #tpu.memory_space<any>>
      %dma_start3A_2172 = tpu.memref_squeeze %dma_start3A_2171 : memref<1x128x128xf32, #tpu.memory_space<any>> -> memref<128x128xf32, #tpu.memory_space<any>>
      tpu.enqueue_dma source(%dma_start3A_2172 : memref<128x128xf32, #tpu.memory_space<any>>) target(%dma_start3A_2168 : memref<128x128xf32, #tpu.memory_space<vmem>>) target_semaphore(%dma_start3A_2164 : memref<!tpu.dma_semaphore, #tpu.memory_space<semaphore_mem>>)
      %mul3A_2173 = arith.constant 64 : i32
      %mul3A_2174 = arith.muli %add3A_1595, %mul3A_2173 : i32
      %add3A_2175 = arith.constant 32 : i32
      %add3A_2176 = arith.addi %mul3A_2174, %add3A_2175 : i32
      %add3A_2177 = arith.constant 3 : i32
      %add3A_2178 = arith.addi %add3A_2176, %add3A_2177 : i32
      %get3A_2179 = arith.index_cast %add3A_2178 : i32 to index
      %get3A_2180 = memref.load %arg1[%get3A_2179] : memref<512xi32, #tpu.memory_space<smem>>
      %dma_start3A_2181 = arith.constant 28 : i32
      %dma_start3A_2182 = arith.constant 28 : i32
      %dma_start3A_2183 = tpu.memref_slice %arg16[%select_n3A_1613, %dma_start3A_2182] : memref<2x64x!tpu.dma_semaphore, #tpu.memory_space<semaphore_mem>> -> memref<1x1x!tpu.dma_semaphore, #tpu.memory_space<semaphore_mem>>
      %dma_start3A_2184 = tpu.memref_squeeze %dma_start3A_2183 : memref<1x1x!tpu.dma_semaphore, #tpu.memory_space<semaphore_mem>> -> memref<!tpu.dma_semaphore, #tpu.memory_space<semaphore_mem>>
      %dma_start3A_2185 = arith.constant 0 : i32
      %dma_start3A_2186 = arith.constant 0 : i32
      %dma_start3A_2187 = tpu.memref_slice %arg15[%select_n3A_1613, %dma_start3A_2181, %dma_start3A_2185, %dma_start3A_2186] : memref<2x64x128x128xf32, #tpu.memory_space<vmem>> -> memref<1x1x128x128xf32, #tpu.memory_space<vmem>>
      %dma_start3A_2188 = tpu.memref_squeeze %dma_start3A_2187 : memref<1x1x128x128xf32, #tpu.memory_space<vmem>> -> memref<128x128xf32, #tpu.memory_space<vmem>>
      %dma_start3A_2189 = arith.constant 0 : i32
      %dma_start3A_2190 = arith.constant 0 : i32
      %dma_start3A_2191 = tpu.memref_slice %arg3[%get3A_2180, %dma_start3A_2189, %dma_start3A_2190] : memref<1196x128x128xf32, #tpu.memory_space<any>> -> memref<1x128x128xf32, #tpu.memory_space<any>>
      %dma_start3A_2192 = tpu.memref_squeeze %dma_start3A_2191 : memref<1x128x128xf32, #tpu.memory_space<any>> -> memref<128x128xf32, #tpu.memory_space<any>>
      tpu.enqueue_dma source(%dma_start3A_2192 : memref<128x128xf32, #tpu.memory_space<any>>) target(%dma_start3A_2188 : memref<128x128xf32, #tpu.memory_space<vmem>>) target_semaphore(%dma_start3A_2184 : memref<!tpu.dma_semaphore, #tpu.memory_space<semaphore_mem>>)
      %mul3A_2193 = arith.constant 64 : i32
      %mul3A_2194 = arith.muli %add3A_1595, %mul3A_2193 : i32
      %add3A_2195 = arith.constant 40 : i32
      %add3A_2196 = arith.addi %mul3A_2194, %add3A_2195 : i32
      %add3A_2197 = arith.constant 3 : i32
      %add3A_2198 = arith.addi %add3A_2196, %add3A_2197 : i32
      %get3A_2199 = arith.index_cast %add3A_2198 : i32 to index
      %get3A_2200 = memref.load %arg1[%get3A_2199] : memref<512xi32, #tpu.memory_space<smem>>
      %dma_start3A_2201 = arith.constant 29 : i32
      %dma_start3A_2202 = arith.constant 29 : i32
      %dma_start3A_2203 = tpu.memref_slice %arg16[%select_n3A_1613, %dma_start3A_2202] : memref<2x64x!tpu.dma_semaphore, #tpu.memory_space<semaphore_mem>> -> memref<1x1x!tpu.dma_semaphore, #tpu.memory_space<semaphore_mem>>
      %dma_start3A_2204 = tpu.memref_squeeze %dma_start3A_2203 : memref<1x1x!tpu.dma_semaphore, #tpu.memory_space<semaphore_mem>> -> memref<!tpu.dma_semaphore, #tpu.memory_space<semaphore_mem>>
      %dma_start3A_2205 = arith.constant 0 : i32
      %dma_start3A_2206 = arith.constant 0 : i32
      %dma_start3A_2207 = tpu.memref_slice %arg15[%select_n3A_1613, %dma_start3A_2201, %dma_start3A_2205, %dma_start3A_2206] : memref<2x64x128x128xf32, #tpu.memory_space<vmem>> -> memref<1x1x128x128xf32, #tpu.memory_space<vmem>>
      %dma_start3A_2208 = tpu.memref_squeeze %dma_start3A_2207 : memref<1x1x128x128xf32, #tpu.memory_space<vmem>> -> memref<128x128xf32, #tpu.memory_space<vmem>>
      %dma_start3A_2209 = arith.constant 0 : i32
      %dma_start3A_2210 = arith.constant 0 : i32
      %dma_start3A_2211 = tpu.memref_slice %arg3[%get3A_2200, %dma_start3A_2209, %dma_start3A_2210] : memref<1196x128x128xf32, #tpu.memory_space<any>> -> memref<1x128x128xf32, #tpu.memory_space<any>>
      %dma_start3A_2212 = tpu.memref_squeeze %dma_start3A_2211 : memref<1x128x128xf32, #tpu.memory_space<any>> -> memref<128x128xf32, #tpu.memory_space<any>>
      tpu.enqueue_dma source(%dma_start3A_2212 : memref<128x128xf32, #tpu.memory_space<any>>) target(%dma_start3A_2208 : memref<128x128xf32, #tpu.memory_space<vmem>>) target_semaphore(%dma_start3A_2204 : memref<!tpu.dma_semaphore, #tpu.memory_space<semaphore_mem>>)
      %mul3A_2213 = arith.constant 64 : i32
      %mul3A_2214 = arith.muli %add3A_1595, %mul3A_2213 : i32
      %add3A_2215 = arith.constant 48 : i32
      %add3A_2216 = arith.addi %mul3A_2214, %add3A_2215 : i32
      %add3A_2217 = arith.constant 3 : i32
      %add3A_2218 = arith.addi %add3A_2216, %add3A_2217 : i32
      %get3A_2219 = arith.index_cast %add3A_2218 : i32 to index
      %get3A_2220 = memref.load %arg1[%get3A_2219] : memref<512xi32, #tpu.memory_space<smem>>
      %dma_start3A_2221 = arith.constant 30 : i32
      %dma_start3A_2222 = arith.constant 30 : i32
      %dma_start3A_2223 = tpu.memref_slice %arg16[%select_n3A_1613, %dma_start3A_2222] : memref<2x64x!tpu.dma_semaphore, #tpu.memory_space<semaphore_mem>> -> memref<1x1x!tpu.dma_semaphore, #tpu.memory_space<semaphore_mem>>
      %dma_start3A_2224 = tpu.memref_squeeze %dma_start3A_2223 : memref<1x1x!tpu.dma_semaphore, #tpu.memory_space<semaphore_mem>> -> memref<!tpu.dma_semaphore, #tpu.memory_space<semaphore_mem>>
      %dma_start3A_2225 = arith.constant 0 : i32
      %dma_start3A_2226 = arith.constant 0 : i32
      %dma_start3A_2227 = tpu.memref_slice %arg15[%select_n3A_1613, %dma_start3A_2221, %dma_start3A_2225, %dma_start3A_2226] : memref<2x64x128x128xf32, #tpu.memory_space<vmem>> -> memref<1x1x128x128xf32, #tpu.memory_space<vmem>>
      %dma_start3A_2228 = tpu.memref_squeeze %dma_start3A_2227 : memref<1x1x128x128xf32, #tpu.memory_space<vmem>> -> memref<128x128xf32, #tpu.memory_space<vmem>>
      %dma_start3A_2229 = arith.constant 0 : i32
      %dma_start3A_2230 = arith.constant 0 : i32
      %dma_start3A_2231 = tpu.memref_slice %arg3[%get3A_2220, %dma_start3A_2229, %dma_start3A_2230] : memref<1196x128x128xf32, #tpu.memory_space<any>> -> memref<1x128x128xf32, #tpu.memory_space<any>>
      %dma_start3A_2232 = tpu.memref_squeeze %dma_start3A_2231 : memref<1x128x128xf32, #tpu.memory_space<any>> -> memref<128x128xf32, #tpu.memory_space<any>>
      tpu.enqueue_dma source(%dma_start3A_2232 : memref<128x128xf32, #tpu.memory_space<any>>) target(%dma_start3A_2228 : memref<128x128xf32, #tpu.memory_space<vmem>>) target_semaphore(%dma_start3A_2224 : memref<!tpu.dma_semaphore, #tpu.memory_space<semaphore_mem>>)
      %mul3A_2233 = arith.constant 64 : i32
      %mul3A_2234 = arith.muli %add3A_1595, %mul3A_2233 : i32
      %add3A_2235 = arith.constant 56 : i32
      %add3A_2236 = arith.addi %mul3A_2234, %add3A_2235 : i32
      %add3A_2237 = arith.constant 3 : i32
      %add3A_2238 = arith.addi %add3A_2236, %add3A_2237 : i32
      %get3A_2239 = arith.index_cast %add3A_2238 : i32 to index
      %get3A_2240 = memref.load %arg1[%get3A_2239] : memref<512xi32, #tpu.memory_space<smem>>
      %dma_start3A_2241 = arith.constant 31 : i32
      %dma_start3A_2242 = arith.constant 31 : i32
      %dma_start3A_2243 = tpu.memref_slice %arg16[%select_n3A_1613, %dma_start3A_2242] : memref<2x64x!tpu.dma_semaphore, #tpu.memory_space<semaphore_mem>> -> memref<1x1x!tpu.dma_semaphore, #tpu.memory_space<semaphore_mem>>
      %dma_start3A_2244 = tpu.memref_squeeze %dma_start3A_2243 : memref<1x1x!tpu.dma_semaphore, #tpu.memory_space<semaphore_mem>> -> memref<!tpu.dma_semaphore, #tpu.memory_space<semaphore_mem>>
      %dma_start3A_2245 = arith.constant 0 : i32
      %dma_start3A_2246 = arith.constant 0 : i32
      %dma_start3A_2247 = tpu.memref_slice %arg15[%select_n3A_1613, %dma_start3A_2241, %dma_start3A_2245, %dma_start3A_2246] : memref<2x64x128x128xf32, #tpu.memory_space<vmem>> -> memref<1x1x128x128xf32, #tpu.memory_space<vmem>>
      %dma_start3A_2248 = tpu.memref_squeeze %dma_start3A_2247 : memref<1x1x128x128xf32, #tpu.memory_space<vmem>> -> memref<128x128xf32, #tpu.memory_space<vmem>>
      %dma_start3A_2249 = arith.constant 0 : i32
      %dma_start3A_2250 = arith.constant 0 : i32
      %dma_start3A_2251 = tpu.memref_slice %arg3[%get3A_2240, %dma_start3A_2249, %dma_start3A_2250] : memref<1196x128x128xf32, #tpu.memory_space<any>> -> memref<1x128x128xf32, #tpu.memory_space<any>>
      %dma_start3A_2252 = tpu.memref_squeeze %dma_start3A_2251 : memref<1x128x128xf32, #tpu.memory_space<any>> -> memref<128x128xf32, #tpu.memory_space<any>>
      tpu.enqueue_dma source(%dma_start3A_2252 : memref<128x128xf32, #tpu.memory_space<any>>) target(%dma_start3A_2248 : memref<128x128xf32, #tpu.memory_space<vmem>>) target_semaphore(%dma_start3A_2244 : memref<!tpu.dma_semaphore, #tpu.memory_space<semaphore_mem>>)
      %mul3A_2253 = arith.constant 64 : i32
      %mul3A_2254 = arith.muli %add3A_1595, %mul3A_2253 : i32
      %add3A_2255 = arith.constant 0 : i32
      %add3A_2256 = arith.addi %mul3A_2254, %add3A_2255 : i32
      %add3A_2257 = arith.constant 4 : i32
      %add3A_2258 = arith.addi %add3A_2256, %add3A_2257 : i32
      %get3A_2259 = arith.index_cast %add3A_2258 : i32 to index
      %get3A_2260 = memref.load %arg1[%get3A_2259] : memref<512xi32, #tpu.memory_space<smem>>
      %dma_start3A_2261 = arith.constant 32 : i32
      %dma_start3A_2262 = arith.constant 32 : i32
      %dma_start3A_2263 = tpu.memref_slice %arg16[%select_n3A_1613, %dma_start3A_2262] : memref<2x64x!tpu.dma_semaphore, #tpu.memory_space<semaphore_mem>> -> memref<1x1x!tpu.dma_semaphore, #tpu.memory_space<semaphore_mem>>
      %dma_start3A_2264 = tpu.memref_squeeze %dma_start3A_2263 : memref<1x1x!tpu.dma_semaphore, #tpu.memory_space<semaphore_mem>> -> memref<!tpu.dma_semaphore, #tpu.memory_space<semaphore_mem>>
      %dma_start3A_2265 = arith.constant 0 : i32
      %dma_start3A_2266 = arith.constant 0 : i32
      %dma_start3A_2267 = tpu.memref_slice %arg15[%select_n3A_1613, %dma_start3A_2261, %dma_start3A_2265, %dma_start3A_2266] : memref<2x64x128x128xf32, #tpu.memory_space<vmem>> -> memref<1x1x128x128xf32, #tpu.memory_space<vmem>>
      %dma_start3A_2268 = tpu.memref_squeeze %dma_start3A_2267 : memref<1x1x128x128xf32, #tpu.memory_space<vmem>> -> memref<128x128xf32, #tpu.memory_space<vmem>>
      %dma_start3A_2269 = arith.constant 0 : i32
      %dma_start3A_2270 = arith.constant 0 : i32
      %dma_start3A_2271 = tpu.memref_slice %arg3[%get3A_2260, %dma_start3A_2269, %dma_start3A_2270] : memref<1196x128x128xf32, #tpu.memory_space<any>> -> memref<1x128x128xf32, #tpu.memory_space<any>>
      %dma_start3A_2272 = tpu.memref_squeeze %dma_start3A_2271 : memref<1x128x128xf32, #tpu.memory_space<any>> -> memref<128x128xf32, #tpu.memory_space<any>>
      tpu.enqueue_dma source(%dma_start3A_2272 : memref<128x128xf32, #tpu.memory_space<any>>) target(%dma_start3A_2268 : memref<128x128xf32, #tpu.memory_space<vmem>>) target_semaphore(%dma_start3A_2264 : memref<!tpu.dma_semaphore, #tpu.memory_space<semaphore_mem>>)
      %mul3A_2273 = arith.constant 64 : i32
      %mul3A_2274 = arith.muli %add3A_1595, %mul3A_2273 : i32
      %add3A_2275 = arith.constant 8 : i32
      %add3A_2276 = arith.addi %mul3A_2274, %add3A_2275 : i32
      %add3A_2277 = arith.constant 4 : i32
      %add3A_2278 = arith.addi %add3A_2276, %add3A_2277 : i32
      %get3A_2279 = arith.index_cast %add3A_2278 : i32 to index
      %get3A_2280 = memref.load %arg1[%get3A_2279] : memref<512xi32, #tpu.memory_space<smem>>
      %dma_start3A_2281 = arith.constant 33 : i32
      %dma_start3A_2282 = arith.constant 33 : i32
      %dma_start3A_2283 = tpu.memref_slice %arg16[%select_n3A_1613, %dma_start3A_2282] : memref<2x64x!tpu.dma_semaphore, #tpu.memory_space<semaphore_mem>> -> memref<1x1x!tpu.dma_semaphore, #tpu.memory_space<semaphore_mem>>
      %dma_start3A_2284 = tpu.memref_squeeze %dma_start3A_2283 : memref<1x1x!tpu.dma_semaphore, #tpu.memory_space<semaphore_mem>> -> memref<!tpu.dma_semaphore, #tpu.memory_space<semaphore_mem>>
      %dma_start3A_2285 = arith.constant 0 : i32
      %dma_start3A_2286 = arith.constant 0 : i32
      %dma_start3A_2287 = tpu.memref_slice %arg15[%select_n3A_1613, %dma_start3A_2281, %dma_start3A_2285, %dma_start3A_2286] : memref<2x64x128x128xf32, #tpu.memory_space<vmem>> -> memref<1x1x128x128xf32, #tpu.memory_space<vmem>>
      %dma_start3A_2288 = tpu.memref_squeeze %dma_start3A_2287 : memref<1x1x128x128xf32, #tpu.memory_space<vmem>> -> memref<128x128xf32, #tpu.memory_space<vmem>>
      %dma_start3A_2289 = arith.constant 0 : i32
      %dma_start3A_2290 = arith.constant 0 : i32
      %dma_start3A_2291 = tpu.memref_slice %arg3[%get3A_2280, %dma_start3A_2289, %dma_start3A_2290] : memref<1196x128x128xf32, #tpu.memory_space<any>> -> memref<1x128x128xf32, #tpu.memory_space<any>>
      %dma_start3A_2292 = tpu.memref_squeeze %dma_start3A_2291 : memref<1x128x128xf32, #tpu.memory_space<any>> -> memref<128x128xf32, #tpu.memory_space<any>>
      tpu.enqueue_dma source(%dma_start3A_2292 : memref<128x128xf32, #tpu.memory_space<any>>) target(%dma_start3A_2288 : memref<128x128xf32, #tpu.memory_space<vmem>>) target_semaphore(%dma_start3A_2284 : memref<!tpu.dma_semaphore, #tpu.memory_space<semaphore_mem>>)
      %mul3A_2293 = arith.constant 64 : i32
      %mul3A_2294 = arith.muli %add3A_1595, %mul3A_2293 : i32
      %add3A_2295 = arith.constant 16 : i32
      %add3A_2296 = arith.addi %mul3A_2294, %add3A_2295 : i32
      %add3A_2297 = arith.constant 4 : i32
      %add3A_2298 = arith.addi %add3A_2296, %add3A_2297 : i32
      %get3A_2299 = arith.index_cast %add3A_2298 : i32 to index
      %get3A_2300 = memref.load %arg1[%get3A_2299] : memref<512xi32, #tpu.memory_space<smem>>
      %dma_start3A_2301 = arith.constant 34 : i32
      %dma_start3A_2302 = arith.constant 34 : i32
      %dma_start3A_2303 = tpu.memref_slice %arg16[%select_n3A_1613, %dma_start3A_2302] : memref<2x64x!tpu.dma_semaphore, #tpu.memory_space<semaphore_mem>> -> memref<1x1x!tpu.dma_semaphore, #tpu.memory_space<semaphore_mem>>
      %dma_start3A_2304 = tpu.memref_squeeze %dma_start3A_2303 : memref<1x1x!tpu.dma_semaphore, #tpu.memory_space<semaphore_mem>> -> memref<!tpu.dma_semaphore, #tpu.memory_space<semaphore_mem>>
      %dma_start3A_2305 = arith.constant 0 : i32
      %dma_start3A_2306 = arith.constant 0 : i32
      %dma_start3A_2307 = tpu.memref_slice %arg15[%select_n3A_1613, %dma_start3A_2301, %dma_start3A_2305, %dma_start3A_2306] : memref<2x64x128x128xf32, #tpu.memory_space<vmem>> -> memref<1x1x128x128xf32, #tpu.memory_space<vmem>>
      %dma_start3A_2308 = tpu.memref_squeeze %dma_start3A_2307 : memref<1x1x128x128xf32, #tpu.memory_space<vmem>> -> memref<128x128xf32, #tpu.memory_space<vmem>>
      %dma_start3A_2309 = arith.constant 0 : i32
      %dma_start3A_2310 = arith.constant 0 : i32
      %dma_start3A_2311 = tpu.memref_slice %arg3[%get3A_2300, %dma_start3A_2309, %dma_start3A_2310] : memref<1196x128x128xf32, #tpu.memory_space<any>> -> memref<1x128x128xf32, #tpu.memory_space<any>>
      %dma_start3A_2312 = tpu.memref_squeeze %dma_start3A_2311 : memref<1x128x128xf32, #tpu.memory_space<any>> -> memref<128x128xf32, #tpu.memory_space<any>>
      tpu.enqueue_dma source(%dma_start3A_2312 : memref<128x128xf32, #tpu.memory_space<any>>) target(%dma_start3A_2308 : memref<128x128xf32, #tpu.memory_space<vmem>>) target_semaphore(%dma_start3A_2304 : memref<!tpu.dma_semaphore, #tpu.memory_space<semaphore_mem>>)
      %mul3A_2313 = arith.constant 64 : i32
      %mul3A_2314 = arith.muli %add3A_1595, %mul3A_2313 : i32
      %add3A_2315 = arith.constant 24 : i32
      %add3A_2316 = arith.addi %mul3A_2314, %add3A_2315 : i32
      %add3A_2317 = arith.constant 4 : i32
      %add3A_2318 = arith.addi %add3A_2316, %add3A_2317 : i32
      %get3A_2319 = arith.index_cast %add3A_2318 : i32 to index
      %get3A_2320 = memref.load %arg1[%get3A_2319] : memref<512xi32, #tpu.memory_space<smem>>
      %dma_start3A_2321 = arith.constant 35 : i32
      %dma_start3A_2322 = arith.constant 35 : i32
      %dma_start3A_2323 = tpu.memref_slice %arg16[%select_n3A_1613, %dma_start3A_2322] : memref<2x64x!tpu.dma_semaphore, #tpu.memory_space<semaphore_mem>> -> memref<1x1x!tpu.dma_semaphore, #tpu.memory_space<semaphore_mem>>
      %dma_start3A_2324 = tpu.memref_squeeze %dma_start3A_2323 : memref<1x1x!tpu.dma_semaphore, #tpu.memory_space<semaphore_mem>> -> memref<!tpu.dma_semaphore, #tpu.memory_space<semaphore_mem>>
      %dma_start3A_2325 = arith.constant 0 : i32
      %dma_start3A_2326 = arith.constant 0 : i32
      %dma_start3A_2327 = tpu.memref_slice %arg15[%select_n3A_1613, %dma_start3A_2321, %dma_start3A_2325, %dma_start3A_2326] : memref<2x64x128x128xf32, #tpu.memory_space<vmem>> -> memref<1x1x128x128xf32, #tpu.memory_space<vmem>>
      %dma_start3A_2328 = tpu.memref_squeeze %dma_start3A_2327 : memref<1x1x128x128xf32, #tpu.memory_space<vmem>> -> memref<128x128xf32, #tpu.memory_space<vmem>>
      %dma_start3A_2329 = arith.constant 0 : i32
      %dma_start3A_2330 = arith.constant 0 : i32
      %dma_start3A_2331 = tpu.memref_slice %arg3[%get3A_2320, %dma_start3A_2329, %dma_start3A_2330] : memref<1196x128x128xf32, #tpu.memory_space<any>> -> memref<1x128x128xf32, #tpu.memory_space<any>>
      %dma_start3A_2332 = tpu.memref_squeeze %dma_start3A_2331 : memref<1x128x128xf32, #tpu.memory_space<any>> -> memref<128x128xf32, #tpu.memory_space<any>>
      tpu.enqueue_dma source(%dma_start3A_2332 : memref<128x128xf32, #tpu.memory_space<any>>) target(%dma_start3A_2328 : memref<128x128xf32, #tpu.memory_space<vmem>>) target_semaphore(%dma_start3A_2324 : memref<!tpu.dma_semaphore, #tpu.memory_space<semaphore_mem>>)
      %mul3A_2333 = arith.constant 64 : i32
      %mul3A_2334 = arith.muli %add3A_1595, %mul3A_2333 : i32
      %add3A_2335 = arith.constant 32 : i32
      %add3A_2336 = arith.addi %mul3A_2334, %add3A_2335 : i32
      %add3A_2337 = arith.constant 4 : i32
      %add3A_2338 = arith.addi %add3A_2336, %add3A_2337 : i32
      %get3A_2339 = arith.index_cast %add3A_2338 : i32 to index
      %get3A_2340 = memref.load %arg1[%get3A_2339] : memref<512xi32, #tpu.memory_space<smem>>
      %dma_start3A_2341 = arith.constant 36 : i32
      %dma_start3A_2342 = arith.constant 36 : i32
      %dma_start3A_2343 = tpu.memref_slice %arg16[%select_n3A_1613, %dma_start3A_2342] : memref<2x64x!tpu.dma_semaphore, #tpu.memory_space<semaphore_mem>> -> memref<1x1x!tpu.dma_semaphore, #tpu.memory_space<semaphore_mem>>
      %dma_start3A_2344 = tpu.memref_squeeze %dma_start3A_2343 : memref<1x1x!tpu.dma_semaphore, #tpu.memory_space<semaphore_mem>> -> memref<!tpu.dma_semaphore, #tpu.memory_space<semaphore_mem>>
      %dma_start3A_2345 = arith.constant 0 : i32
      %dma_start3A_2346 = arith.constant 0 : i32
      %dma_start3A_2347 = tpu.memref_slice %arg15[%select_n3A_1613, %dma_start3A_2341, %dma_start3A_2345, %dma_start3A_2346] : memref<2x64x128x128xf32, #tpu.memory_space<vmem>> -> memref<1x1x128x128xf32, #tpu.memory_space<vmem>>
      %dma_start3A_2348 = tpu.memref_squeeze %dma_start3A_2347 : memref<1x1x128x128xf32, #tpu.memory_space<vmem>> -> memref<128x128xf32, #tpu.memory_space<vmem>>
      %dma_start3A_2349 = arith.constant 0 : i32
      %dma_start3A_2350 = arith.constant 0 : i32
      %dma_start3A_2351 = tpu.memref_slice %arg3[%get3A_2340, %dma_start3A_2349, %dma_start3A_2350] : memref<1196x128x128xf32, #tpu.memory_space<any>> -> memref<1x128x128xf32, #tpu.memory_space<any>>
      %dma_start3A_2352 = tpu.memref_squeeze %dma_start3A_2351 : memref<1x128x128xf32, #tpu.memory_space<any>> -> memref<128x128xf32, #tpu.memory_space<any>>
      tpu.enqueue_dma source(%dma_start3A_2352 : memref<128x128xf32, #tpu.memory_space<any>>) target(%dma_start3A_2348 : memref<128x128xf32, #tpu.memory_space<vmem>>) target_semaphore(%dma_start3A_2344 : memref<!tpu.dma_semaphore, #tpu.memory_space<semaphore_mem>>)
      %mul3A_2353 = arith.constant 64 : i32
      %mul3A_2354 = arith.muli %add3A_1595, %mul3A_2353 : i32
      %add3A_2355 = arith.constant 40 : i32
      %add3A_2356 = arith.addi %mul3A_2354, %add3A_2355 : i32
      %add3A_2357 = arith.constant 4 : i32
      %add3A_2358 = arith.addi %add3A_2356, %add3A_2357 : i32
      %get3A_2359 = arith.index_cast %add3A_2358 : i32 to index
      %get3A_2360 = memref.load %arg1[%get3A_2359] : memref<512xi32, #tpu.memory_space<smem>>
      %dma_start3A_2361 = arith.constant 37 : i32
      %dma_start3A_2362 = arith.constant 37 : i32
      %dma_start3A_2363 = tpu.memref_slice %arg16[%select_n3A_1613, %dma_start3A_2362] : memref<2x64x!tpu.dma_semaphore, #tpu.memory_space<semaphore_mem>> -> memref<1x1x!tpu.dma_semaphore, #tpu.memory_space<semaphore_mem>>
      %dma_start3A_2364 = tpu.memref_squeeze %dma_start3A_2363 : memref<1x1x!tpu.dma_semaphore, #tpu.memory_space<semaphore_mem>> -> memref<!tpu.dma_semaphore, #tpu.memory_space<semaphore_mem>>
      %dma_start3A_2365 = arith.constant 0 : i32
      %dma_start3A_2366 = arith.constant 0 : i32
      %dma_start3A_2367 = tpu.memref_slice %arg15[%select_n3A_1613, %dma_start3A_2361, %dma_start3A_2365, %dma_start3A_2366] : memref<2x64x128x128xf32, #tpu.memory_space<vmem>> -> memref<1x1x128x128xf32, #tpu.memory_space<vmem>>
      %dma_start3A_2368 = tpu.memref_squeeze %dma_start3A_2367 : memref<1x1x128x128xf32, #tpu.memory_space<vmem>> -> memref<128x128xf32, #tpu.memory_space<vmem>>
      %dma_start3A_2369 = arith.constant 0 : i32
      %dma_start3A_2370 = arith.constant 0 : i32
      %dma_start3A_2371 = tpu.memref_slice %arg3[%get3A_2360, %dma_start3A_2369, %dma_start3A_2370] : memref<1196x128x128xf32, #tpu.memory_space<any>> -> memref<1x128x128xf32, #tpu.memory_space<any>>
      %dma_start3A_2372 = tpu.memref_squeeze %dma_start3A_2371 : memref<1x128x128xf32, #tpu.memory_space<any>> -> memref<128x128xf32, #tpu.memory_space<any>>
      tpu.enqueue_dma source(%dma_start3A_2372 : memref<128x128xf32, #tpu.memory_space<any>>) target(%dma_start3A_2368 : memref<128x128xf32, #tpu.memory_space<vmem>>) target_semaphore(%dma_start3A_2364 : memref<!tpu.dma_semaphore, #tpu.memory_space<semaphore_mem>>)
      %mul3A_2373 = arith.constant 64 : i32
      %mul3A_2374 = arith.muli %add3A_1595, %mul3A_2373 : i32
      %add3A_2375 = arith.constant 48 : i32
      %add3A_2376 = arith.addi %mul3A_2374, %add3A_2375 : i32
      %add3A_2377 = arith.constant 4 : i32
      %add3A_2378 = arith.addi %add3A_2376, %add3A_2377 : i32
      %get3A_2379 = arith.index_cast %add3A_2378 : i32 to index
      %get3A_2380 = memref.load %arg1[%get3A_2379] : memref<512xi32, #tpu.memory_space<smem>>
      %dma_start3A_2381 = arith.constant 38 : i32
      %dma_start3A_2382 = arith.constant 38 : i32
      %dma_start3A_2383 = tpu.memref_slice %arg16[%select_n3A_1613, %dma_start3A_2382] : memref<2x64x!tpu.dma_semaphore, #tpu.memory_space<semaphore_mem>> -> memref<1x1x!tpu.dma_semaphore, #tpu.memory_space<semaphore_mem>>
      %dma_start3A_2384 = tpu.memref_squeeze %dma_start3A_2383 : memref<1x1x!tpu.dma_semaphore, #tpu.memory_space<semaphore_mem>> -> memref<!tpu.dma_semaphore, #tpu.memory_space<semaphore_mem>>
      %dma_start3A_2385 = arith.constant 0 : i32
      %dma_start3A_2386 = arith.constant 0 : i32
      %dma_start3A_2387 = tpu.memref_slice %arg15[%select_n3A_1613, %dma_start3A_2381, %dma_start3A_2385, %dma_start3A_2386] : memref<2x64x128x128xf32, #tpu.memory_space<vmem>> -> memref<1x1x128x128xf32, #tpu.memory_space<vmem>>
      %dma_start3A_2388 = tpu.memref_squeeze %dma_start3A_2387 : memref<1x1x128x128xf32, #tpu.memory_space<vmem>> -> memref<128x128xf32, #tpu.memory_space<vmem>>
      %dma_start3A_2389 = arith.constant 0 : i32
      %dma_start3A_2390 = arith.constant 0 : i32
      %dma_start3A_2391 = tpu.memref_slice %arg3[%get3A_2380, %dma_start3A_2389, %dma_start3A_2390] : memref<1196x128x128xf32, #tpu.memory_space<any>> -> memref<1x128x128xf32, #tpu.memory_space<any>>
      %dma_start3A_2392 = tpu.memref_squeeze %dma_start3A_2391 : memref<1x128x128xf32, #tpu.memory_space<any>> -> memref<128x128xf32, #tpu.memory_space<any>>
      tpu.enqueue_dma source(%dma_start3A_2392 : memref<128x128xf32, #tpu.memory_space<any>>) target(%dma_start3A_2388 : memref<128x128xf32, #tpu.memory_space<vmem>>) target_semaphore(%dma_start3A_2384 : memref<!tpu.dma_semaphore, #tpu.memory_space<semaphore_mem>>)
      %mul3A_2393 = arith.constant 64 : i32
      %mul3A_2394 = arith.muli %add3A_1595, %mul3A_2393 : i32
      %add3A_2395 = arith.constant 56 : i32
      %add3A_2396 = arith.addi %mul3A_2394, %add3A_2395 : i32
      %add3A_2397 = arith.constant 4 : i32
      %add3A_2398 = arith.addi %add3A_2396, %add3A_2397 : i32
      %get3A_2399 = arith.index_cast %add3A_2398 : i32 to index
      %get3A_2400 = memref.load %arg1[%get3A_2399] : memref<512xi32, #tpu.memory_space<smem>>
      %dma_start3A_2401 = arith.constant 39 : i32
      %dma_start3A_2402 = arith.constant 39 : i32
      %dma_start3A_2403 = tpu.memref_slice %arg16[%select_n3A_1613, %dma_start3A_2402] : memref<2x64x!tpu.dma_semaphore, #tpu.memory_space<semaphore_mem>> -> memref<1x1x!tpu.dma_semaphore, #tpu.memory_space<semaphore_mem>>
      %dma_start3A_2404 = tpu.memref_squeeze %dma_start3A_2403 : memref<1x1x!tpu.dma_semaphore, #tpu.memory_space<semaphore_mem>> -> memref<!tpu.dma_semaphore, #tpu.memory_space<semaphore_mem>>
      %dma_start3A_2405 = arith.constant 0 : i32
      %dma_start3A_2406 = arith.constant 0 : i32
      %dma_start3A_2407 = tpu.memref_slice %arg15[%select_n3A_1613, %dma_start3A_2401, %dma_start3A_2405, %dma_start3A_2406] : memref<2x64x128x128xf32, #tpu.memory_space<vmem>> -> memref<1x1x128x128xf32, #tpu.memory_space<vmem>>
      %dma_start3A_2408 = tpu.memref_squeeze %dma_start3A_2407 : memref<1x1x128x128xf32, #tpu.memory_space<vmem>> -> memref<128x128xf32, #tpu.memory_space<vmem>>
      %dma_start3A_2409 = arith.constant 0 : i32
      %dma_start3A_2410 = arith.constant 0 : i32
      %dma_start3A_2411 = tpu.memref_slice %arg3[%get3A_2400, %dma_start3A_2409, %dma_start3A_2410] : memref<1196x128x128xf32, #tpu.memory_space<any>> -> memref<1x128x128xf32, #tpu.memory_space<any>>
      %dma_start3A_2412 = tpu.memref_squeeze %dma_start3A_2411 : memref<1x128x128xf32, #tpu.memory_space<any>> -> memref<128x128xf32, #tpu.memory_space<any>>
      tpu.enqueue_dma source(%dma_start3A_2412 : memref<128x128xf32, #tpu.memory_space<any>>) target(%dma_start3A_2408 : memref<128x128xf32, #tpu.memory_space<vmem>>) target_semaphore(%dma_start3A_2404 : memref<!tpu.dma_semaphore, #tpu.memory_space<semaphore_mem>>)
      %mul3A_2413 = arith.constant 64 : i32
      %mul3A_2414 = arith.muli %add3A_1595, %mul3A_2413 : i32
      %add3A_2415 = arith.constant 0 : i32
      %add3A_2416 = arith.addi %mul3A_2414, %add3A_2415 : i32
      %add3A_2417 = arith.constant 5 : i32
      %add3A_2418 = arith.addi %add3A_2416, %add3A_2417 : i32
      %get3A_2419 = arith.index_cast %add3A_2418 : i32 to index
      %get3A_2420 = memref.load %arg1[%get3A_2419] : memref<512xi32, #tpu.memory_space<smem>>
      %dma_start3A_2421 = arith.constant 40 : i32
      %dma_start3A_2422 = arith.constant 40 : i32
      %dma_start3A_2423 = tpu.memref_slice %arg16[%select_n3A_1613, %dma_start3A_2422] : memref<2x64x!tpu.dma_semaphore, #tpu.memory_space<semaphore_mem>> -> memref<1x1x!tpu.dma_semaphore, #tpu.memory_space<semaphore_mem>>
      %dma_start3A_2424 = tpu.memref_squeeze %dma_start3A_2423 : memref<1x1x!tpu.dma_semaphore, #tpu.memory_space<semaphore_mem>> -> memref<!tpu.dma_semaphore, #tpu.memory_space<semaphore_mem>>
      %dma_start3A_2425 = arith.constant 0 : i32
      %dma_start3A_2426 = arith.constant 0 : i32
      %dma_start3A_2427 = tpu.memref_slice %arg15[%select_n3A_1613, %dma_start3A_2421, %dma_start3A_2425, %dma_start3A_2426] : memref<2x64x128x128xf32, #tpu.memory_space<vmem>> -> memref<1x1x128x128xf32, #tpu.memory_space<vmem>>
      %dma_start3A_2428 = tpu.memref_squeeze %dma_start3A_2427 : memref<1x1x128x128xf32, #tpu.memory_space<vmem>> -> memref<128x128xf32, #tpu.memory_space<vmem>>
      %dma_start3A_2429 = arith.constant 0 : i32
      %dma_start3A_2430 = arith.constant 0 : i32
      %dma_start3A_2431 = tpu.memref_slice %arg3[%get3A_2420, %dma_start3A_2429, %dma_start3A_2430] : memref<1196x128x128xf32, #tpu.memory_space<any>> -> memref<1x128x128xf32, #tpu.memory_space<any>>
      %dma_start3A_2432 = tpu.memref_squeeze %dma_start3A_2431 : memref<1x128x128xf32, #tpu.memory_space<any>> -> memref<128x128xf32, #tpu.memory_space<any>>
      tpu.enqueue_dma source(%dma_start3A_2432 : memref<128x128xf32, #tpu.memory_space<any>>) target(%dma_start3A_2428 : memref<128x128xf32, #tpu.memory_space<vmem>>) target_semaphore(%dma_start3A_2424 : memref<!tpu.dma_semaphore, #tpu.memory_space<semaphore_mem>>)
      %mul3A_2433 = arith.constant 64 : i32
      %mul3A_2434 = arith.muli %add3A_1595, %mul3A_2433 : i32
      %add3A_2435 = arith.constant 8 : i32
      %add3A_2436 = arith.addi %mul3A_2434, %add3A_2435 : i32
      %add3A_2437 = arith.constant 5 : i32
      %add3A_2438 = arith.addi %add3A_2436, %add3A_2437 : i32
      %get3A_2439 = arith.index_cast %add3A_2438 : i32 to index
      %get3A_2440 = memref.load %arg1[%get3A_2439] : memref<512xi32, #tpu.memory_space<smem>>
      %dma_start3A_2441 = arith.constant 41 : i32
      %dma_start3A_2442 = arith.constant 41 : i32
      %dma_start3A_2443 = tpu.memref_slice %arg16[%select_n3A_1613, %dma_start3A_2442] : memref<2x64x!tpu.dma_semaphore, #tpu.memory_space<semaphore_mem>> -> memref<1x1x!tpu.dma_semaphore, #tpu.memory_space<semaphore_mem>>
      %dma_start3A_2444 = tpu.memref_squeeze %dma_start3A_2443 : memref<1x1x!tpu.dma_semaphore, #tpu.memory_space<semaphore_mem>> -> memref<!tpu.dma_semaphore, #tpu.memory_space<semaphore_mem>>
      %dma_start3A_2445 = arith.constant 0 : i32
      %dma_start3A_2446 = arith.constant 0 : i32
      %dma_start3A_2447 = tpu.memref_slice %arg15[%select_n3A_1613, %dma_start3A_2441, %dma_start3A_2445, %dma_start3A_2446] : memref<2x64x128x128xf32, #tpu.memory_space<vmem>> -> memref<1x1x128x128xf32, #tpu.memory_space<vmem>>
      %dma_start3A_2448 = tpu.memref_squeeze %dma_start3A_2447 : memref<1x1x128x128xf32, #tpu.memory_space<vmem>> -> memref<128x128xf32, #tpu.memory_space<vmem>>
      %dma_start3A_2449 = arith.constant 0 : i32
      %dma_start3A_2450 = arith.constant 0 : i32
      %dma_start3A_2451 = tpu.memref_slice %arg3[%get3A_2440, %dma_start3A_2449, %dma_start3A_2450] : memref<1196x128x128xf32, #tpu.memory_space<any>> -> memref<1x128x128xf32, #tpu.memory_space<any>>
      %dma_start3A_2452 = tpu.memref_squeeze %dma_start3A_2451 : memref<1x128x128xf32, #tpu.memory_space<any>> -> memref<128x128xf32, #tpu.memory_space<any>>
      tpu.enqueue_dma source(%dma_start3A_2452 : memref<128x128xf32, #tpu.memory_space<any>>) target(%dma_start3A_2448 : memref<128x128xf32, #tpu.memory_space<vmem>>) target_semaphore(%dma_start3A_2444 : memref<!tpu.dma_semaphore, #tpu.memory_space<semaphore_mem>>)
      %mul3A_2453 = arith.constant 64 : i32
      %mul3A_2454 = arith.muli %add3A_1595, %mul3A_2453 : i32
      %add3A_2455 = arith.constant 16 : i32
      %add3A_2456 = arith.addi %mul3A_2454, %add3A_2455 : i32
      %add3A_2457 = arith.constant 5 : i32
      %add3A_2458 = arith.addi %add3A_2456, %add3A_2457 : i32
      %get3A_2459 = arith.index_cast %add3A_2458 : i32 to index
      %get3A_2460 = memref.load %arg1[%get3A_2459] : memref<512xi32, #tpu.memory_space<smem>>
      %dma_start3A_2461 = arith.constant 42 : i32
      %dma_start3A_2462 = arith.constant 42 : i32
      %dma_start3A_2463 = tpu.memref_slice %arg16[%select_n3A_1613, %dma_start3A_2462] : memref<2x64x!tpu.dma_semaphore, #tpu.memory_space<semaphore_mem>> -> memref<1x1x!tpu.dma_semaphore, #tpu.memory_space<semaphore_mem>>
      %dma_start3A_2464 = tpu.memref_squeeze %dma_start3A_2463 : memref<1x1x!tpu.dma_semaphore, #tpu.memory_space<semaphore_mem>> -> memref<!tpu.dma_semaphore, #tpu.memory_space<semaphore_mem>>
      %dma_start3A_2465 = arith.constant 0 : i32
      %dma_start3A_2466 = arith.constant 0 : i32
      %dma_start3A_2467 = tpu.memref_slice %arg15[%select_n3A_1613, %dma_start3A_2461, %dma_start3A_2465, %dma_start3A_2466] : memref<2x64x128x128xf32, #tpu.memory_space<vmem>> -> memref<1x1x128x128xf32, #tpu.memory_space<vmem>>
      %dma_start3A_2468 = tpu.memref_squeeze %dma_start3A_2467 : memref<1x1x128x128xf32, #tpu.memory_space<vmem>> -> memref<128x128xf32, #tpu.memory_space<vmem>>
      %dma_start3A_2469 = arith.constant 0 : i32
      %dma_start3A_2470 = arith.constant 0 : i32
      %dma_start3A_2471 = tpu.memref_slice %arg3[%get3A_2460, %dma_start3A_2469, %dma_start3A_2470] : memref<1196x128x128xf32, #tpu.memory_space<any>> -> memref<1x128x128xf32, #tpu.memory_space<any>>
      %dma_start3A_2472 = tpu.memref_squeeze %dma_start3A_2471 : memref<1x128x128xf32, #tpu.memory_space<any>> -> memref<128x128xf32, #tpu.memory_space<any>>
      tpu.enqueue_dma source(%dma_start3A_2472 : memref<128x128xf32, #tpu.memory_space<any>>) target(%dma_start3A_2468 : memref<128x128xf32, #tpu.memory_space<vmem>>) target_semaphore(%dma_start3A_2464 : memref<!tpu.dma_semaphore, #tpu.memory_space<semaphore_mem>>)
      %mul3A_2473 = arith.constant 64 : i32
      %mul3A_2474 = arith.muli %add3A_1595, %mul3A_2473 : i32
      %add3A_2475 = arith.constant 24 : i32
      %add3A_2476 = arith.addi %mul3A_2474, %add3A_2475 : i32
      %add3A_2477 = arith.constant 5 : i32
      %add3A_2478 = arith.addi %add3A_2476, %add3A_2477 : i32
      %get3A_2479 = arith.index_cast %add3A_2478 : i32 to index
      %get3A_2480 = memref.load %arg1[%get3A_2479] : memref<512xi32, #tpu.memory_space<smem>>
      %dma_start3A_2481 = arith.constant 43 : i32
      %dma_start3A_2482 = arith.constant 43 : i32
      %dma_start3A_2483 = tpu.memref_slice %arg16[%select_n3A_1613, %dma_start3A_2482] : memref<2x64x!tpu.dma_semaphore, #tpu.memory_space<semaphore_mem>> -> memref<1x1x!tpu.dma_semaphore, #tpu.memory_space<semaphore_mem>>
      %dma_start3A_2484 = tpu.memref_squeeze %dma_start3A_2483 : memref<1x1x!tpu.dma_semaphore, #tpu.memory_space<semaphore_mem>> -> memref<!tpu.dma_semaphore, #tpu.memory_space<semaphore_mem>>
      %dma_start3A_2485 = arith.constant 0 : i32
      %dma_start3A_2486 = arith.constant 0 : i32
      %dma_start3A_2487 = tpu.memref_slice %arg15[%select_n3A_1613, %dma_start3A_2481, %dma_start3A_2485, %dma_start3A_2486] : memref<2x64x128x128xf32, #tpu.memory_space<vmem>> -> memref<1x1x128x128xf32, #tpu.memory_space<vmem>>
      %dma_start3A_2488 = tpu.memref_squeeze %dma_start3A_2487 : memref<1x1x128x128xf32, #tpu.memory_space<vmem>> -> memref<128x128xf32, #tpu.memory_space<vmem>>
      %dma_start3A_2489 = arith.constant 0 : i32
      %dma_start3A_2490 = arith.constant 0 : i32
      %dma_start3A_2491 = tpu.memref_slice %arg3[%get3A_2480, %dma_start3A_2489, %dma_start3A_2490] : memref<1196x128x128xf32, #tpu.memory_space<any>> -> memref<1x128x128xf32, #tpu.memory_space<any>>
      %dma_start3A_2492 = tpu.memref_squeeze %dma_start3A_2491 : memref<1x128x128xf32, #tpu.memory_space<any>> -> memref<128x128xf32, #tpu.memory_space<any>>
      tpu.enqueue_dma source(%dma_start3A_2492 : memref<128x128xf32, #tpu.memory_space<any>>) target(%dma_start3A_2488 : memref<128x128xf32, #tpu.memory_space<vmem>>) target_semaphore(%dma_start3A_2484 : memref<!tpu.dma_semaphore, #tpu.memory_space<semaphore_mem>>)
      %mul3A_2493 = arith.constant 64 : i32
      %mul3A_2494 = arith.muli %add3A_1595, %mul3A_2493 : i32
      %add3A_2495 = arith.constant 32 : i32
      %add3A_2496 = arith.addi %mul3A_2494, %add3A_2495 : i32
      %add3A_2497 = arith.constant 5 : i32
      %add3A_2498 = arith.addi %add3A_2496, %add3A_2497 : i32
      %get3A_2499 = arith.index_cast %add3A_2498 : i32 to index
      %get3A_2500 = memref.load %arg1[%get3A_2499] : memref<512xi32, #tpu.memory_space<smem>>
      %dma_start3A_2501 = arith.constant 44 : i32
      %dma_start3A_2502 = arith.constant 44 : i32
      %dma_start3A_2503 = tpu.memref_slice %arg16[%select_n3A_1613, %dma_start3A_2502] : memref<2x64x!tpu.dma_semaphore, #tpu.memory_space<semaphore_mem>> -> memref<1x1x!tpu.dma_semaphore, #tpu.memory_space<semaphore_mem>>
      %dma_start3A_2504 = tpu.memref_squeeze %dma_start3A_2503 : memref<1x1x!tpu.dma_semaphore, #tpu.memory_space<semaphore_mem>> -> memref<!tpu.dma_semaphore, #tpu.memory_space<semaphore_mem>>
      %dma_start3A_2505 = arith.constant 0 : i32
      %dma_start3A_2506 = arith.constant 0 : i32
      %dma_start3A_2507 = tpu.memref_slice %arg15[%select_n3A_1613, %dma_start3A_2501, %dma_start3A_2505, %dma_start3A_2506] : memref<2x64x128x128xf32, #tpu.memory_space<vmem>> -> memref<1x1x128x128xf32, #tpu.memory_space<vmem>>
      %dma_start3A_2508 = tpu.memref_squeeze %dma_start3A_2507 : memref<1x1x128x128xf32, #tpu.memory_space<vmem>> -> memref<128x128xf32, #tpu.memory_space<vmem>>
      %dma_start3A_2509 = arith.constant 0 : i32
      %dma_start3A_2510 = arith.constant 0 : i32
      %dma_start3A_2511 = tpu.memref_slice %arg3[%get3A_2500, %dma_start3A_2509, %dma_start3A_2510] : memref<1196x128x128xf32, #tpu.memory_space<any>> -> memref<1x128x128xf32, #tpu.memory_space<any>>
      %dma_start3A_2512 = tpu.memref_squeeze %dma_start3A_2511 : memref<1x128x128xf32, #tpu.memory_space<any>> -> memref<128x128xf32, #tpu.memory_space<any>>
      tpu.enqueue_dma source(%dma_start3A_2512 : memref<128x128xf32, #tpu.memory_space<any>>) target(%dma_start3A_2508 : memref<128x128xf32, #tpu.memory_space<vmem>>) target_semaphore(%dma_start3A_2504 : memref<!tpu.dma_semaphore, #tpu.memory_space<semaphore_mem>>)
      %mul3A_2513 = arith.constant 64 : i32
      %mul3A_2514 = arith.muli %add3A_1595, %mul3A_2513 : i32
      %add3A_2515 = arith.constant 40 : i32
      %add3A_2516 = arith.addi %mul3A_2514, %add3A_2515 : i32
      %add3A_2517 = arith.constant 5 : i32
      %add3A_2518 = arith.addi %add3A_2516, %add3A_2517 : i32
      %get3A_2519 = arith.index_cast %add3A_2518 : i32 to index
      %get3A_2520 = memref.load %arg1[%get3A_2519] : memref<512xi32, #tpu.memory_space<smem>>
      %dma_start3A_2521 = arith.constant 45 : i32
      %dma_start3A_2522 = arith.constant 45 : i32
      %dma_start3A_2523 = tpu.memref_slice %arg16[%select_n3A_1613, %dma_start3A_2522] : memref<2x64x!tpu.dma_semaphore, #tpu.memory_space<semaphore_mem>> -> memref<1x1x!tpu.dma_semaphore, #tpu.memory_space<semaphore_mem>>
      %dma_start3A_2524 = tpu.memref_squeeze %dma_start3A_2523 : memref<1x1x!tpu.dma_semaphore, #tpu.memory_space<semaphore_mem>> -> memref<!tpu.dma_semaphore, #tpu.memory_space<semaphore_mem>>
      %dma_start3A_2525 = arith.constant 0 : i32
      %dma_start3A_2526 = arith.constant 0 : i32
      %dma_start3A_2527 = tpu.memref_slice %arg15[%select_n3A_1613, %dma_start3A_2521, %dma_start3A_2525, %dma_start3A_2526] : memref<2x64x128x128xf32, #tpu.memory_space<vmem>> -> memref<1x1x128x128xf32, #tpu.memory_space<vmem>>
      %dma_start3A_2528 = tpu.memref_squeeze %dma_start3A_2527 : memref<1x1x128x128xf32, #tpu.memory_space<vmem>> -> memref<128x128xf32, #tpu.memory_space<vmem>>
      %dma_start3A_2529 = arith.constant 0 : i32
      %dma_start3A_2530 = arith.constant 0 : i32
      %dma_start3A_2531 = tpu.memref_slice %arg3[%get3A_2520, %dma_start3A_2529, %dma_start3A_2530] : memref<1196x128x128xf32, #tpu.memory_space<any>> -> memref<1x128x128xf32, #tpu.memory_space<any>>
      %dma_start3A_2532 = tpu.memref_squeeze %dma_start3A_2531 : memref<1x128x128xf32, #tpu.memory_space<any>> -> memref<128x128xf32, #tpu.memory_space<any>>
      tpu.enqueue_dma source(%dma_start3A_2532 : memref<128x128xf32, #tpu.memory_space<any>>) target(%dma_start3A_2528 : memref<128x128xf32, #tpu.memory_space<vmem>>) target_semaphore(%dma_start3A_2524 : memref<!tpu.dma_semaphore, #tpu.memory_space<semaphore_mem>>)
      %mul3A_2533 = arith.constant 64 : i32
      %mul3A_2534 = arith.muli %add3A_1595, %mul3A_2533 : i32
      %add3A_2535 = arith.constant 48 : i32
      %add3A_2536 = arith.addi %mul3A_2534, %add3A_2535 : i32
      %add3A_2537 = arith.constant 5 : i32
      %add3A_2538 = arith.addi %add3A_2536, %add3A_2537 : i32
      %get3A_2539 = arith.index_cast %add3A_2538 : i32 to index
      %get3A_2540 = memref.load %arg1[%get3A_2539] : memref<512xi32, #tpu.memory_space<smem>>
      %dma_start3A_2541 = arith.constant 46 : i32
      %dma_start3A_2542 = arith.constant 46 : i32
      %dma_start3A_2543 = tpu.memref_slice %arg16[%select_n3A_1613, %dma_start3A_2542] : memref<2x64x!tpu.dma_semaphore, #tpu.memory_space<semaphore_mem>> -> memref<1x1x!tpu.dma_semaphore, #tpu.memory_space<semaphore_mem>>
      %dma_start3A_2544 = tpu.memref_squeeze %dma_start3A_2543 : memref<1x1x!tpu.dma_semaphore, #tpu.memory_space<semaphore_mem>> -> memref<!tpu.dma_semaphore, #tpu.memory_space<semaphore_mem>>
      %dma_start3A_2545 = arith.constant 0 : i32
      %dma_start3A_2546 = arith.constant 0 : i32
      %dma_start3A_2547 = tpu.memref_slice %arg15[%select_n3A_1613, %dma_start3A_2541, %dma_start3A_2545, %dma_start3A_2546] : memref<2x64x128x128xf32, #tpu.memory_space<vmem>> -> memref<1x1x128x128xf32, #tpu.memory_space<vmem>>
      %dma_start3A_2548 = tpu.memref_squeeze %dma_start3A_2547 : memref<1x1x128x128xf32, #tpu.memory_space<vmem>> -> memref<128x128xf32, #tpu.memory_space<vmem>>
      %dma_start3A_2549 = arith.constant 0 : i32
      %dma_start3A_2550 = arith.constant 0 : i32
      %dma_start3A_2551 = tpu.memref_slice %arg3[%get3A_2540, %dma_start3A_2549, %dma_start3A_2550] : memref<1196x128x128xf32, #tpu.memory_space<any>> -> memref<1x128x128xf32, #tpu.memory_space<any>>
      %dma_start3A_2552 = tpu.memref_squeeze %dma_start3A_2551 : memref<1x128x128xf32, #tpu.memory_space<any>> -> memref<128x128xf32, #tpu.memory_space<any>>
      tpu.enqueue_dma source(%dma_start3A_2552 : memref<128x128xf32, #tpu.memory_space<any>>) target(%dma_start3A_2548 : memref<128x128xf32, #tpu.memory_space<vmem>>) target_semaphore(%dma_start3A_2544 : memref<!tpu.dma_semaphore, #tpu.memory_space<semaphore_mem>>)
      %mul3A_2553 = arith.constant 64 : i32
      %mul3A_2554 = arith.muli %add3A_1595, %mul3A_2553 : i32
      %add3A_2555 = arith.constant 56 : i32
      %add3A_2556 = arith.addi %mul3A_2554, %add3A_2555 : i32
      %add3A_2557 = arith.constant 5 : i32
      %add3A_2558 = arith.addi %add3A_2556, %add3A_2557 : i32
      %get3A_2559 = arith.index_cast %add3A_2558 : i32 to index
      %get3A_2560 = memref.load %arg1[%get3A_2559] : memref<512xi32, #tpu.memory_space<smem>>
      %dma_start3A_2561 = arith.constant 47 : i32
      %dma_start3A_2562 = arith.constant 47 : i32
      %dma_start3A_2563 = tpu.memref_slice %arg16[%select_n3A_1613, %dma_start3A_2562] : memref<2x64x!tpu.dma_semaphore, #tpu.memory_space<semaphore_mem>> -> memref<1x1x!tpu.dma_semaphore, #tpu.memory_space<semaphore_mem>>
      %dma_start3A_2564 = tpu.memref_squeeze %dma_start3A_2563 : memref<1x1x!tpu.dma_semaphore, #tpu.memory_space<semaphore_mem>> -> memref<!tpu.dma_semaphore, #tpu.memory_space<semaphore_mem>>
      %dma_start3A_2565 = arith.constant 0 : i32
      %dma_start3A_2566 = arith.constant 0 : i32
      %dma_start3A_2567 = tpu.memref_slice %arg15[%select_n3A_1613, %dma_start3A_2561, %dma_start3A_2565, %dma_start3A_2566] : memref<2x64x128x128xf32, #tpu.memory_space<vmem>> -> memref<1x1x128x128xf32, #tpu.memory_space<vmem>>
      %dma_start3A_2568 = tpu.memref_squeeze %dma_start3A_2567 : memref<1x1x128x128xf32, #tpu.memory_space<vmem>> -> memref<128x128xf32, #tpu.memory_space<vmem>>
      %dma_start3A_2569 = arith.constant 0 : i32
      %dma_start3A_2570 = arith.constant 0 : i32
      %dma_start3A_2571 = tpu.memref_slice %arg3[%get3A_2560, %dma_start3A_2569, %dma_start3A_2570] : memref<1196x128x128xf32, #tpu.memory_space<any>> -> memref<1x128x128xf32, #tpu.memory_space<any>>
      %dma_start3A_2572 = tpu.memref_squeeze %dma_start3A_2571 : memref<1x128x128xf32, #tpu.memory_space<any>> -> memref<128x128xf32, #tpu.memory_space<any>>
      tpu.enqueue_dma source(%dma_start3A_2572 : memref<128x128xf32, #tpu.memory_space<any>>) target(%dma_start3A_2568 : memref<128x128xf32, #tpu.memory_space<vmem>>) target_semaphore(%dma_start3A_2564 : memref<!tpu.dma_semaphore, #tpu.memory_space<semaphore_mem>>)
      %mul3A_2573 = arith.constant 64 : i32
      %mul3A_2574 = arith.muli %add3A_1595, %mul3A_2573 : i32
      %add3A_2575 = arith.constant 0 : i32
      %add3A_2576 = arith.addi %mul3A_2574, %add3A_2575 : i32
      %add3A_2577 = arith.constant 6 : i32
      %add3A_2578 = arith.addi %add3A_2576, %add3A_2577 : i32
      %get3A_2579 = arith.index_cast %add3A_2578 : i32 to index
      %get3A_2580 = memref.load %arg1[%get3A_2579] : memref<512xi32, #tpu.memory_space<smem>>
      %dma_start3A_2581 = arith.constant 48 : i32
      %dma_start3A_2582 = arith.constant 48 : i32
      %dma_start3A_2583 = tpu.memref_slice %arg16[%select_n3A_1613, %dma_start3A_2582] : memref<2x64x!tpu.dma_semaphore, #tpu.memory_space<semaphore_mem>> -> memref<1x1x!tpu.dma_semaphore, #tpu.memory_space<semaphore_mem>>
      %dma_start3A_2584 = tpu.memref_squeeze %dma_start3A_2583 : memref<1x1x!tpu.dma_semaphore, #tpu.memory_space<semaphore_mem>> -> memref<!tpu.dma_semaphore, #tpu.memory_space<semaphore_mem>>
      %dma_start3A_2585 = arith.constant 0 : i32
      %dma_start3A_2586 = arith.constant 0 : i32
      %dma_start3A_2587 = tpu.memref_slice %arg15[%select_n3A_1613, %dma_start3A_2581, %dma_start3A_2585, %dma_start3A_2586] : memref<2x64x128x128xf32, #tpu.memory_space<vmem>> -> memref<1x1x128x128xf32, #tpu.memory_space<vmem>>
      %dma_start3A_2588 = tpu.memref_squeeze %dma_start3A_2587 : memref<1x1x128x128xf32, #tpu.memory_space<vmem>> -> memref<128x128xf32, #tpu.memory_space<vmem>>
      %dma_start3A_2589 = arith.constant 0 : i32
      %dma_start3A_2590 = arith.constant 0 : i32
      %dma_start3A_2591 = tpu.memref_slice %arg3[%get3A_2580, %dma_start3A_2589, %dma_start3A_2590] : memref<1196x128x128xf32, #tpu.memory_space<any>> -> memref<1x128x128xf32, #tpu.memory_space<any>>
      %dma_start3A_2592 = tpu.memref_squeeze %dma_start3A_2591 : memref<1x128x128xf32, #tpu.memory_space<any>> -> memref<128x128xf32, #tpu.memory_space<any>>
      tpu.enqueue_dma source(%dma_start3A_2592 : memref<128x128xf32, #tpu.memory_space<any>>) target(%dma_start3A_2588 : memref<128x128xf32, #tpu.memory_space<vmem>>) target_semaphore(%dma_start3A_2584 : memref<!tpu.dma_semaphore, #tpu.memory_space<semaphore_mem>>)
      %mul3A_2593 = arith.constant 64 : i32
      %mul3A_2594 = arith.muli %add3A_1595, %mul3A_2593 : i32
      %add3A_2595 = arith.constant 8 : i32
      %add3A_2596 = arith.addi %mul3A_2594, %add3A_2595 : i32
      %add3A_2597 = arith.constant 6 : i32
      %add3A_2598 = arith.addi %add3A_2596, %add3A_2597 : i32
      %get3A_2599 = arith.index_cast %add3A_2598 : i32 to index
      %get3A_2600 = memref.load %arg1[%get3A_2599] : memref<512xi32, #tpu.memory_space<smem>>
      %dma_start3A_2601 = arith.constant 49 : i32
      %dma_start3A_2602 = arith.constant 49 : i32
      %dma_start3A_2603 = tpu.memref_slice %arg16[%select_n3A_1613, %dma_start3A_2602] : memref<2x64x!tpu.dma_semaphore, #tpu.memory_space<semaphore_mem>> -> memref<1x1x!tpu.dma_semaphore, #tpu.memory_space<semaphore_mem>>
      %dma_start3A_2604 = tpu.memref_squeeze %dma_start3A_2603 : memref<1x1x!tpu.dma_semaphore, #tpu.memory_space<semaphore_mem>> -> memref<!tpu.dma_semaphore, #tpu.memory_space<semaphore_mem>>
      %dma_start3A_2605 = arith.constant 0 : i32
      %dma_start3A_2606 = arith.constant 0 : i32
      %dma_start3A_2607 = tpu.memref_slice %arg15[%select_n3A_1613, %dma_start3A_2601, %dma_start3A_2605, %dma_start3A_2606] : memref<2x64x128x128xf32, #tpu.memory_space<vmem>> -> memref<1x1x128x128xf32, #tpu.memory_space<vmem>>
      %dma_start3A_2608 = tpu.memref_squeeze %dma_start3A_2607 : memref<1x1x128x128xf32, #tpu.memory_space<vmem>> -> memref<128x128xf32, #tpu.memory_space<vmem>>
      %dma_start3A_2609 = arith.constant 0 : i32
      %dma_start3A_2610 = arith.constant 0 : i32
      %dma_start3A_2611 = tpu.memref_slice %arg3[%get3A_2600, %dma_start3A_2609, %dma_start3A_2610] : memref<1196x128x128xf32, #tpu.memory_space<any>> -> memref<1x128x128xf32, #tpu.memory_space<any>>
      %dma_start3A_2612 = tpu.memref_squeeze %dma_start3A_2611 : memref<1x128x128xf32, #tpu.memory_space<any>> -> memref<128x128xf32, #tpu.memory_space<any>>
      tpu.enqueue_dma source(%dma_start3A_2612 : memref<128x128xf32, #tpu.memory_space<any>>) target(%dma_start3A_2608 : memref<128x128xf32, #tpu.memory_space<vmem>>) target_semaphore(%dma_start3A_2604 : memref<!tpu.dma_semaphore, #tpu.memory_space<semaphore_mem>>)
      %mul3A_2613 = arith.constant 64 : i32
      %mul3A_2614 = arith.muli %add3A_1595, %mul3A_2613 : i32
      %add3A_2615 = arith.constant 16 : i32
      %add3A_2616 = arith.addi %mul3A_2614, %add3A_2615 : i32
      %add3A_2617 = arith.constant 6 : i32
      %add3A_2618 = arith.addi %add3A_2616, %add3A_2617 : i32
      %get3A_2619 = arith.index_cast %add3A_2618 : i32 to index
      %get3A_2620 = memref.load %arg1[%get3A_2619] : memref<512xi32, #tpu.memory_space<smem>>
      %dma_start3A_2621 = arith.constant 50 : i32
      %dma_start3A_2622 = arith.constant 50 : i32
      %dma_start3A_2623 = tpu.memref_slice %arg16[%select_n3A_1613, %dma_start3A_2622] : memref<2x64x!tpu.dma_semaphore, #tpu.memory_space<semaphore_mem>> -> memref<1x1x!tpu.dma_semaphore, #tpu.memory_space<semaphore_mem>>
      %dma_start3A_2624 = tpu.memref_squeeze %dma_start3A_2623 : memref<1x1x!tpu.dma_semaphore, #tpu.memory_space<semaphore_mem>> -> memref<!tpu.dma_semaphore, #tpu.memory_space<semaphore_mem>>
      %dma_start3A_2625 = arith.constant 0 : i32
      %dma_start3A_2626 = arith.constant 0 : i32
      %dma_start3A_2627 = tpu.memref_slice %arg15[%select_n3A_1613, %dma_start3A_2621, %dma_start3A_2625, %dma_start3A_2626] : memref<2x64x128x128xf32, #tpu.memory_space<vmem>> -> memref<1x1x128x128xf32, #tpu.memory_space<vmem>>
      %dma_start3A_2628 = tpu.memref_squeeze %dma_start3A_2627 : memref<1x1x128x128xf32, #tpu.memory_space<vmem>> -> memref<128x128xf32, #tpu.memory_space<vmem>>
      %dma_start3A_2629 = arith.constant 0 : i32
      %dma_start3A_2630 = arith.constant 0 : i32
      %dma_start3A_2631 = tpu.memref_slice %arg3[%get3A_2620, %dma_start3A_2629, %dma_start3A_2630] : memref<1196x128x128xf32, #tpu.memory_space<any>> -> memref<1x128x128xf32, #tpu.memory_space<any>>
      %dma_start3A_2632 = tpu.memref_squeeze %dma_start3A_2631 : memref<1x128x128xf32, #tpu.memory_space<any>> -> memref<128x128xf32, #tpu.memory_space<any>>
      tpu.enqueue_dma source(%dma_start3A_2632 : memref<128x128xf32, #tpu.memory_space<any>>) target(%dma_start3A_2628 : memref<128x128xf32, #tpu.memory_space<vmem>>) target_semaphore(%dma_start3A_2624 : memref<!tpu.dma_semaphore, #tpu.memory_space<semaphore_mem>>)
      %mul3A_2633 = arith.constant 64 : i32
      %mul3A_2634 = arith.muli %add3A_1595, %mul3A_2633 : i32
      %add3A_2635 = arith.constant 24 : i32
      %add3A_2636 = arith.addi %mul3A_2634, %add3A_2635 : i32
      %add3A_2637 = arith.constant 6 : i32
      %add3A_2638 = arith.addi %add3A_2636, %add3A_2637 : i32
      %get3A_2639 = arith.index_cast %add3A_2638 : i32 to index
      %get3A_2640 = memref.load %arg1[%get3A_2639] : memref<512xi32, #tpu.memory_space<smem>>
      %dma_start3A_2641 = arith.constant 51 : i32
      %dma_start3A_2642 = arith.constant 51 : i32
      %dma_start3A_2643 = tpu.memref_slice %arg16[%select_n3A_1613, %dma_start3A_2642] : memref<2x64x!tpu.dma_semaphore, #tpu.memory_space<semaphore_mem>> -> memref<1x1x!tpu.dma_semaphore, #tpu.memory_space<semaphore_mem>>
      %dma_start3A_2644 = tpu.memref_squeeze %dma_start3A_2643 : memref<1x1x!tpu.dma_semaphore, #tpu.memory_space<semaphore_mem>> -> memref<!tpu.dma_semaphore, #tpu.memory_space<semaphore_mem>>
      %dma_start3A_2645 = arith.constant 0 : i32
      %dma_start3A_2646 = arith.constant 0 : i32
      %dma_start3A_2647 = tpu.memref_slice %arg15[%select_n3A_1613, %dma_start3A_2641, %dma_start3A_2645, %dma_start3A_2646] : memref<2x64x128x128xf32, #tpu.memory_space<vmem>> -> memref<1x1x128x128xf32, #tpu.memory_space<vmem>>
      %dma_start3A_2648 = tpu.memref_squeeze %dma_start3A_2647 : memref<1x1x128x128xf32, #tpu.memory_space<vmem>> -> memref<128x128xf32, #tpu.memory_space<vmem>>
      %dma_start3A_2649 = arith.constant 0 : i32
      %dma_start3A_2650 = arith.constant 0 : i32
      %dma_start3A_2651 = tpu.memref_slice %arg3[%get3A_2640, %dma_start3A_2649, %dma_start3A_2650] : memref<1196x128x128xf32, #tpu.memory_space<any>> -> memref<1x128x128xf32, #tpu.memory_space<any>>
      %dma_start3A_2652 = tpu.memref_squeeze %dma_start3A_2651 : memref<1x128x128xf32, #tpu.memory_space<any>> -> memref<128x128xf32, #tpu.memory_space<any>>
      tpu.enqueue_dma source(%dma_start3A_2652 : memref<128x128xf32, #tpu.memory_space<any>>) target(%dma_start3A_2648 : memref<128x128xf32, #tpu.memory_space<vmem>>) target_semaphore(%dma_start3A_2644 : memref<!tpu.dma_semaphore, #tpu.memory_space<semaphore_mem>>)
      %mul3A_2653 = arith.constant 64 : i32
      %mul3A_2654 = arith.muli %add3A_1595, %mul3A_2653 : i32
      %add3A_2655 = arith.constant 32 : i32
      %add3A_2656 = arith.addi %mul3A_2654, %add3A_2655 : i32
      %add3A_2657 = arith.constant 6 : i32
      %add3A_2658 = arith.addi %add3A_2656, %add3A_2657 : i32
      %get3A_2659 = arith.index_cast %add3A_2658 : i32 to index
      %get3A_2660 = memref.load %arg1[%get3A_2659] : memref<512xi32, #tpu.memory_space<smem>>
      %dma_start3A_2661 = arith.constant 52 : i32
      %dma_start3A_2662 = arith.constant 52 : i32
      %dma_start3A_2663 = tpu.memref_slice %arg16[%select_n3A_1613, %dma_start3A_2662] : memref<2x64x!tpu.dma_semaphore, #tpu.memory_space<semaphore_mem>> -> memref<1x1x!tpu.dma_semaphore, #tpu.memory_space<semaphore_mem>>
      %dma_start3A_2664 = tpu.memref_squeeze %dma_start3A_2663 : memref<1x1x!tpu.dma_semaphore, #tpu.memory_space<semaphore_mem>> -> memref<!tpu.dma_semaphore, #tpu.memory_space<semaphore_mem>>
      %dma_start3A_2665 = arith.constant 0 : i32
      %dma_start3A_2666 = arith.constant 0 : i32
      %dma_start3A_2667 = tpu.memref_slice %arg15[%select_n3A_1613, %dma_start3A_2661, %dma_start3A_2665, %dma_start3A_2666] : memref<2x64x128x128xf32, #tpu.memory_space<vmem>> -> memref<1x1x128x128xf32, #tpu.memory_space<vmem>>
      %dma_start3A_2668 = tpu.memref_squeeze %dma_start3A_2667 : memref<1x1x128x128xf32, #tpu.memory_space<vmem>> -> memref<128x128xf32, #tpu.memory_space<vmem>>
      %dma_start3A_2669 = arith.constant 0 : i32
      %dma_start3A_2670 = arith.constant 0 : i32
      %dma_start3A_2671 = tpu.memref_slice %arg3[%get3A_2660, %dma_start3A_2669, %dma_start3A_2670] : memref<1196x128x128xf32, #tpu.memory_space<any>> -> memref<1x128x128xf32, #tpu.memory_space<any>>
      %dma_start3A_2672 = tpu.memref_squeeze %dma_start3A_2671 : memref<1x128x128xf32, #tpu.memory_space<any>> -> memref<128x128xf32, #tpu.memory_space<any>>
      tpu.enqueue_dma source(%dma_start3A_2672 : memref<128x128xf32, #tpu.memory_space<any>>) target(%dma_start3A_2668 : memref<128x128xf32, #tpu.memory_space<vmem>>) target_semaphore(%dma_start3A_2664 : memref<!tpu.dma_semaphore, #tpu.memory_space<semaphore_mem>>)
      %mul3A_2673 = arith.constant 64 : i32
      %mul3A_2674 = arith.muli %add3A_1595, %mul3A_2673 : i32
      %add3A_2675 = arith.constant 40 : i32
      %add3A_2676 = arith.addi %mul3A_2674, %add3A_2675 : i32
      %add3A_2677 = arith.constant 6 : i32
      %add3A_2678 = arith.addi %add3A_2676, %add3A_2677 : i32
      %get3A_2679 = arith.index_cast %add3A_2678 : i32 to index
      %get3A_2680 = memref.load %arg1[%get3A_2679] : memref<512xi32, #tpu.memory_space<smem>>
      %dma_start3A_2681 = arith.constant 53 : i32
      %dma_start3A_2682 = arith.constant 53 : i32
      %dma_start3A_2683 = tpu.memref_slice %arg16[%select_n3A_1613, %dma_start3A_2682] : memref<2x64x!tpu.dma_semaphore, #tpu.memory_space<semaphore_mem>> -> memref<1x1x!tpu.dma_semaphore, #tpu.memory_space<semaphore_mem>>
      %dma_start3A_2684 = tpu.memref_squeeze %dma_start3A_2683 : memref<1x1x!tpu.dma_semaphore, #tpu.memory_space<semaphore_mem>> -> memref<!tpu.dma_semaphore, #tpu.memory_space<semaphore_mem>>
      %dma_start3A_2685 = arith.constant 0 : i32
      %dma_start3A_2686 = arith.constant 0 : i32
      %dma_start3A_2687 = tpu.memref_slice %arg15[%select_n3A_1613, %dma_start3A_2681, %dma_start3A_2685, %dma_start3A_2686] : memref<2x64x128x128xf32, #tpu.memory_space<vmem>> -> memref<1x1x128x128xf32, #tpu.memory_space<vmem>>
      %dma_start3A_2688 = tpu.memref_squeeze %dma_start3A_2687 : memref<1x1x128x128xf32, #tpu.memory_space<vmem>> -> memref<128x128xf32, #tpu.memory_space<vmem>>
      %dma_start3A_2689 = arith.constant 0 : i32
      %dma_start3A_2690 = arith.constant 0 : i32
      %dma_start3A_2691 = tpu.memref_slice %arg3[%get3A_2680, %dma_start3A_2689, %dma_start3A_2690] : memref<1196x128x128xf32, #tpu.memory_space<any>> -> memref<1x128x128xf32, #tpu.memory_space<any>>
      %dma_start3A_2692 = tpu.memref_squeeze %dma_start3A_2691 : memref<1x128x128xf32, #tpu.memory_space<any>> -> memref<128x128xf32, #tpu.memory_space<any>>
      tpu.enqueue_dma source(%dma_start3A_2692 : memref<128x128xf32, #tpu.memory_space<any>>) target(%dma_start3A_2688 : memref<128x128xf32, #tpu.memory_space<vmem>>) target_semaphore(%dma_start3A_2684 : memref<!tpu.dma_semaphore, #tpu.memory_space<semaphore_mem>>)
      %mul3A_2693 = arith.constant 64 : i32
      %mul3A_2694 = arith.muli %add3A_1595, %mul3A_2693 : i32
      %add3A_2695 = arith.constant 48 : i32
      %add3A_2696 = arith.addi %mul3A_2694, %add3A_2695 : i32
      %add3A_2697 = arith.constant 6 : i32
      %add3A_2698 = arith.addi %add3A_2696, %add3A_2697 : i32
      %get3A_2699 = arith.index_cast %add3A_2698 : i32 to index
      %get3A_2700 = memref.load %arg1[%get3A_2699] : memref<512xi32, #tpu.memory_space<smem>>
      %dma_start3A_2701 = arith.constant 54 : i32
      %dma_start3A_2702 = arith.constant 54 : i32
      %dma_start3A_2703 = tpu.memref_slice %arg16[%select_n3A_1613, %dma_start3A_2702] : memref<2x64x!tpu.dma_semaphore, #tpu.memory_space<semaphore_mem>> -> memref<1x1x!tpu.dma_semaphore, #tpu.memory_space<semaphore_mem>>
      %dma_start3A_2704 = tpu.memref_squeeze %dma_start3A_2703 : memref<1x1x!tpu.dma_semaphore, #tpu.memory_space<semaphore_mem>> -> memref<!tpu.dma_semaphore, #tpu.memory_space<semaphore_mem>>
      %dma_start3A_2705 = arith.constant 0 : i32
      %dma_start3A_2706 = arith.constant 0 : i32
      %dma_start3A_2707 = tpu.memref_slice %arg15[%select_n3A_1613, %dma_start3A_2701, %dma_start3A_2705, %dma_start3A_2706] : memref<2x64x128x128xf32, #tpu.memory_space<vmem>> -> memref<1x1x128x128xf32, #tpu.memory_space<vmem>>
      %dma_start3A_2708 = tpu.memref_squeeze %dma_start3A_2707 : memref<1x1x128x128xf32, #tpu.memory_space<vmem>> -> memref<128x128xf32, #tpu.memory_space<vmem>>
      %dma_start3A_2709 = arith.constant 0 : i32
      %dma_start3A_2710 = arith.constant 0 : i32
      %dma_start3A_2711 = tpu.memref_slice %arg3[%get3A_2700, %dma_start3A_2709, %dma_start3A_2710] : memref<1196x128x128xf32, #tpu.memory_space<any>> -> memref<1x128x128xf32, #tpu.memory_space<any>>
      %dma_start3A_2712 = tpu.memref_squeeze %dma_start3A_2711 : memref<1x128x128xf32, #tpu.memory_space<any>> -> memref<128x128xf32, #tpu.memory_space<any>>
      tpu.enqueue_dma source(%dma_start3A_2712 : memref<128x128xf32, #tpu.memory_space<any>>) target(%dma_start3A_2708 : memref<128x128xf32, #tpu.memory_space<vmem>>) target_semaphore(%dma_start3A_2704 : memref<!tpu.dma_semaphore, #tpu.memory_space<semaphore_mem>>)
      %mul3A_2713 = arith.constant 64 : i32
      %mul3A_2714 = arith.muli %add3A_1595, %mul3A_2713 : i32
      %add3A_2715 = arith.constant 56 : i32
      %add3A_2716 = arith.addi %mul3A_2714, %add3A_2715 : i32
      %add3A_2717 = arith.constant 6 : i32
      %add3A_2718 = arith.addi %add3A_2716, %add3A_2717 : i32
      %get3A_2719 = arith.index_cast %add3A_2718 : i32 to index
      %get3A_2720 = memref.load %arg1[%get3A_2719] : memref<512xi32, #tpu.memory_space<smem>>
      %dma_start3A_2721 = arith.constant 55 : i32
      %dma_start3A_2722 = arith.constant 55 : i32
      %dma_start3A_2723 = tpu.memref_slice %arg16[%select_n3A_1613, %dma_start3A_2722] : memref<2x64x!tpu.dma_semaphore, #tpu.memory_space<semaphore_mem>> -> memref<1x1x!tpu.dma_semaphore, #tpu.memory_space<semaphore_mem>>
      %dma_start3A_2724 = tpu.memref_squeeze %dma_start3A_2723 : memref<1x1x!tpu.dma_semaphore, #tpu.memory_space<semaphore_mem>> -> memref<!tpu.dma_semaphore, #tpu.memory_space<semaphore_mem>>
      %dma_start3A_2725 = arith.constant 0 : i32
      %dma_start3A_2726 = arith.constant 0 : i32
      %dma_start3A_2727 = tpu.memref_slice %arg15[%select_n3A_1613, %dma_start3A_2721, %dma_start3A_2725, %dma_start3A_2726] : memref<2x64x128x128xf32, #tpu.memory_space<vmem>> -> memref<1x1x128x128xf32, #tpu.memory_space<vmem>>
      %dma_start3A_2728 = tpu.memref_squeeze %dma_start3A_2727 : memref<1x1x128x128xf32, #tpu.memory_space<vmem>> -> memref<128x128xf32, #tpu.memory_space<vmem>>
      %dma_start3A_2729 = arith.constant 0 : i32
      %dma_start3A_2730 = arith.constant 0 : i32
      %dma_start3A_2731 = tpu.memref_slice %arg3[%get3A_2720, %dma_start3A_2729, %dma_start3A_2730] : memref<1196x128x128xf32, #tpu.memory_space<any>> -> memref<1x128x128xf32, #tpu.memory_space<any>>
      %dma_start3A_2732 = tpu.memref_squeeze %dma_start3A_2731 : memref<1x128x128xf32, #tpu.memory_space<any>> -> memref<128x128xf32, #tpu.memory_space<any>>
      tpu.enqueue_dma source(%dma_start3A_2732 : memref<128x128xf32, #tpu.memory_space<any>>) target(%dma_start3A_2728 : memref<128x128xf32, #tpu.memory_space<vmem>>) target_semaphore(%dma_start3A_2724 : memref<!tpu.dma_semaphore, #tpu.memory_space<semaphore_mem>>)
      %mul3A_2733 = arith.constant 64 : i32
      %mul3A_2734 = arith.muli %add3A_1595, %mul3A_2733 : i32
      %add3A_2735 = arith.constant 0 : i32
      %add3A_2736 = arith.addi %mul3A_2734, %add3A_2735 : i32
      %add3A_2737 = arith.constant 7 : i32
      %add3A_2738 = arith.addi %add3A_2736, %add3A_2737 : i32
      %get3A_2739 = arith.index_cast %add3A_2738 : i32 to index
      %get3A_2740 = memref.load %arg1[%get3A_2739] : memref<512xi32, #tpu.memory_space<smem>>
      %dma_start3A_2741 = arith.constant 56 : i32
      %dma_start3A_2742 = arith.constant 56 : i32
      %dma_start3A_2743 = tpu.memref_slice %arg16[%select_n3A_1613, %dma_start3A_2742] : memref<2x64x!tpu.dma_semaphore, #tpu.memory_space<semaphore_mem>> -> memref<1x1x!tpu.dma_semaphore, #tpu.memory_space<semaphore_mem>>
      %dma_start3A_2744 = tpu.memref_squeeze %dma_start3A_2743 : memref<1x1x!tpu.dma_semaphore, #tpu.memory_space<semaphore_mem>> -> memref<!tpu.dma_semaphore, #tpu.memory_space<semaphore_mem>>
      %dma_start3A_2745 = arith.constant 0 : i32
      %dma_start3A_2746 = arith.constant 0 : i32
      %dma_start3A_2747 = tpu.memref_slice %arg15[%select_n3A_1613, %dma_start3A_2741, %dma_start3A_2745, %dma_start3A_2746] : memref<2x64x128x128xf32, #tpu.memory_space<vmem>> -> memref<1x1x128x128xf32, #tpu.memory_space<vmem>>
      %dma_start3A_2748 = tpu.memref_squeeze %dma_start3A_2747 : memref<1x1x128x128xf32, #tpu.memory_space<vmem>> -> memref<128x128xf32, #tpu.memory_space<vmem>>
      %dma_start3A_2749 = arith.constant 0 : i32
      %dma_start3A_2750 = arith.constant 0 : i32
      %dma_start3A_2751 = tpu.memref_slice %arg3[%get3A_2740, %dma_start3A_2749, %dma_start3A_2750] : memref<1196x128x128xf32, #tpu.memory_space<any>> -> memref<1x128x128xf32, #tpu.memory_space<any>>
      %dma_start3A_2752 = tpu.memref_squeeze %dma_start3A_2751 : memref<1x128x128xf32, #tpu.memory_space<any>> -> memref<128x128xf32, #tpu.memory_space<any>>
      tpu.enqueue_dma source(%dma_start3A_2752 : memref<128x128xf32, #tpu.memory_space<any>>) target(%dma_start3A_2748 : memref<128x128xf32, #tpu.memory_space<vmem>>) target_semaphore(%dma_start3A_2744 : memref<!tpu.dma_semaphore, #tpu.memory_space<semaphore_mem>>)
      %mul3A_2753 = arith.constant 64 : i32
      %mul3A_2754 = arith.muli %add3A_1595, %mul3A_2753 : i32
      %add3A_2755 = arith.constant 8 : i32
      %add3A_2756 = arith.addi %mul3A_2754, %add3A_2755 : i32
      %add3A_2757 = arith.constant 7 : i32
      %add3A_2758 = arith.addi %add3A_2756, %add3A_2757 : i32
      %get3A_2759 = arith.index_cast %add3A_2758 : i32 to index
      %get3A_2760 = memref.load %arg1[%get3A_2759] : memref<512xi32, #tpu.memory_space<smem>>
      %dma_start3A_2761 = arith.constant 57 : i32
      %dma_start3A_2762 = arith.constant 57 : i32
      %dma_start3A_2763 = tpu.memref_slice %arg16[%select_n3A_1613, %dma_start3A_2762] : memref<2x64x!tpu.dma_semaphore, #tpu.memory_space<semaphore_mem>> -> memref<1x1x!tpu.dma_semaphore, #tpu.memory_space<semaphore_mem>>
      %dma_start3A_2764 = tpu.memref_squeeze %dma_start3A_2763 : memref<1x1x!tpu.dma_semaphore, #tpu.memory_space<semaphore_mem>> -> memref<!tpu.dma_semaphore, #tpu.memory_space<semaphore_mem>>
      %dma_start3A_2765 = arith.constant 0 : i32
      %dma_start3A_2766 = arith.constant 0 : i32
      %dma_start3A_2767 = tpu.memref_slice %arg15[%select_n3A_1613, %dma_start3A_2761, %dma_start3A_2765, %dma_start3A_2766] : memref<2x64x128x128xf32, #tpu.memory_space<vmem>> -> memref<1x1x128x128xf32, #tpu.memory_space<vmem>>
      %dma_start3A_2768 = tpu.memref_squeeze %dma_start3A_2767 : memref<1x1x128x128xf32, #tpu.memory_space<vmem>> -> memref<128x128xf32, #tpu.memory_space<vmem>>
      %dma_start3A_2769 = arith.constant 0 : i32
      %dma_start3A_2770 = arith.constant 0 : i32
      %dma_start3A_2771 = tpu.memref_slice %arg3[%get3A_2760, %dma_start3A_2769, %dma_start3A_2770] : memref<1196x128x128xf32, #tpu.memory_space<any>> -> memref<1x128x128xf32, #tpu.memory_space<any>>
      %dma_start3A_2772 = tpu.memref_squeeze %dma_start3A_2771 : memref<1x128x128xf32, #tpu.memory_space<any>> -> memref<128x128xf32, #tpu.memory_space<any>>
      tpu.enqueue_dma source(%dma_start3A_2772 : memref<128x128xf32, #tpu.memory_space<any>>) target(%dma_start3A_2768 : memref<128x128xf32, #tpu.memory_space<vmem>>) target_semaphore(%dma_start3A_2764 : memref<!tpu.dma_semaphore, #tpu.memory_space<semaphore_mem>>)
      %mul3A_2773 = arith.constant 64 : i32
      %mul3A_2774 = arith.muli %add3A_1595, %mul3A_2773 : i32
      %add3A_2775 = arith.constant 16 : i32
      %add3A_2776 = arith.addi %mul3A_2774, %add3A_2775 : i32
      %add3A_2777 = arith.constant 7 : i32
      %add3A_2778 = arith.addi %add3A_2776, %add3A_2777 : i32
      %get3A_2779 = arith.index_cast %add3A_2778 : i32 to index
      %get3A_2780 = memref.load %arg1[%get3A_2779] : memref<512xi32, #tpu.memory_space<smem>>
      %dma_start3A_2781 = arith.constant 58 : i32
      %dma_start3A_2782 = arith.constant 58 : i32
      %dma_start3A_2783 = tpu.memref_slice %arg16[%select_n3A_1613, %dma_start3A_2782] : memref<2x64x!tpu.dma_semaphore, #tpu.memory_space<semaphore_mem>> -> memref<1x1x!tpu.dma_semaphore, #tpu.memory_space<semaphore_mem>>
      %dma_start3A_2784 = tpu.memref_squeeze %dma_start3A_2783 : memref<1x1x!tpu.dma_semaphore, #tpu.memory_space<semaphore_mem>> -> memref<!tpu.dma_semaphore, #tpu.memory_space<semaphore_mem>>
      %dma_start3A_2785 = arith.constant 0 : i32
      %dma_start3A_2786 = arith.constant 0 : i32
      %dma_start3A_2787 = tpu.memref_slice %arg15[%select_n3A_1613, %dma_start3A_2781, %dma_start3A_2785, %dma_start3A_2786] : memref<2x64x128x128xf32, #tpu.memory_space<vmem>> -> memref<1x1x128x128xf32, #tpu.memory_space<vmem>>
      %dma_start3A_2788 = tpu.memref_squeeze %dma_start3A_2787 : memref<1x1x128x128xf32, #tpu.memory_space<vmem>> -> memref<128x128xf32, #tpu.memory_space<vmem>>
      %dma_start3A_2789 = arith.constant 0 : i32
      %dma_start3A_2790 = arith.constant 0 : i32
      %dma_start3A_2791 = tpu.memref_slice %arg3[%get3A_2780, %dma_start3A_2789, %dma_start3A_2790] : memref<1196x128x128xf32, #tpu.memory_space<any>> -> memref<1x128x128xf32, #tpu.memory_space<any>>
      %dma_start3A_2792 = tpu.memref_squeeze %dma_start3A_2791 : memref<1x128x128xf32, #tpu.memory_space<any>> -> memref<128x128xf32, #tpu.memory_space<any>>
      tpu.enqueue_dma source(%dma_start3A_2792 : memref<128x128xf32, #tpu.memory_space<any>>) target(%dma_start3A_2788 : memref<128x128xf32, #tpu.memory_space<vmem>>) target_semaphore(%dma_start3A_2784 : memref<!tpu.dma_semaphore, #tpu.memory_space<semaphore_mem>>)
      %mul3A_2793 = arith.constant 64 : i32
      %mul3A_2794 = arith.muli %add3A_1595, %mul3A_2793 : i32
      %add3A_2795 = arith.constant 24 : i32
      %add3A_2796 = arith.addi %mul3A_2794, %add3A_2795 : i32
      %add3A_2797 = arith.constant 7 : i32
      %add3A_2798 = arith.addi %add3A_2796, %add3A_2797 : i32
      %get3A_2799 = arith.index_cast %add3A_2798 : i32 to index
      %get3A_2800 = memref.load %arg1[%get3A_2799] : memref<512xi32, #tpu.memory_space<smem>>
      %dma_start3A_2801 = arith.constant 59 : i32
      %dma_start3A_2802 = arith.constant 59 : i32
      %dma_start3A_2803 = tpu.memref_slice %arg16[%select_n3A_1613, %dma_start3A_2802] : memref<2x64x!tpu.dma_semaphore, #tpu.memory_space<semaphore_mem>> -> memref<1x1x!tpu.dma_semaphore, #tpu.memory_space<semaphore_mem>>
      %dma_start3A_2804 = tpu.memref_squeeze %dma_start3A_2803 : memref<1x1x!tpu.dma_semaphore, #tpu.memory_space<semaphore_mem>> -> memref<!tpu.dma_semaphore, #tpu.memory_space<semaphore_mem>>
      %dma_start3A_2805 = arith.constant 0 : i32
      %dma_start3A_2806 = arith.constant 0 : i32
      %dma_start3A_2807 = tpu.memref_slice %arg15[%select_n3A_1613, %dma_start3A_2801, %dma_start3A_2805, %dma_start3A_2806] : memref<2x64x128x128xf32, #tpu.memory_space<vmem>> -> memref<1x1x128x128xf32, #tpu.memory_space<vmem>>
      %dma_start3A_2808 = tpu.memref_squeeze %dma_start3A_2807 : memref<1x1x128x128xf32, #tpu.memory_space<vmem>> -> memref<128x128xf32, #tpu.memory_space<vmem>>
      %dma_start3A_2809 = arith.constant 0 : i32
      %dma_start3A_2810 = arith.constant 0 : i32
      %dma_start3A_2811 = tpu.memref_slice %arg3[%get3A_2800, %dma_start3A_2809, %dma_start3A_2810] : memref<1196x128x128xf32, #tpu.memory_space<any>> -> memref<1x128x128xf32, #tpu.memory_space<any>>
      %dma_start3A_2812 = tpu.memref_squeeze %dma_start3A_2811 : memref<1x128x128xf32, #tpu.memory_space<any>> -> memref<128x128xf32, #tpu.memory_space<any>>
      tpu.enqueue_dma source(%dma_start3A_2812 : memref<128x128xf32, #tpu.memory_space<any>>) target(%dma_start3A_2808 : memref<128x128xf32, #tpu.memory_space<vmem>>) target_semaphore(%dma_start3A_2804 : memref<!tpu.dma_semaphore, #tpu.memory_space<semaphore_mem>>)
      %mul3A_2813 = arith.constant 64 : i32
      %mul3A_2814 = arith.muli %add3A_1595, %mul3A_2813 : i32
      %add3A_2815 = arith.constant 32 : i32
      %add3A_2816 = arith.addi %mul3A_2814, %add3A_2815 : i32
      %add3A_2817 = arith.constant 7 : i32
      %add3A_2818 = arith.addi %add3A_2816, %add3A_2817 : i32
      %get3A_2819 = arith.index_cast %add3A_2818 : i32 to index
      %get3A_2820 = memref.load %arg1[%get3A_2819] : memref<512xi32, #tpu.memory_space<smem>>
      %dma_start3A_2821 = arith.constant 60 : i32
      %dma_start3A_2822 = arith.constant 60 : i32
      %dma_start3A_2823 = tpu.memref_slice %arg16[%select_n3A_1613, %dma_start3A_2822] : memref<2x64x!tpu.dma_semaphore, #tpu.memory_space<semaphore_mem>> -> memref<1x1x!tpu.dma_semaphore, #tpu.memory_space<semaphore_mem>>
      %dma_start3A_2824 = tpu.memref_squeeze %dma_start3A_2823 : memref<1x1x!tpu.dma_semaphore, #tpu.memory_space<semaphore_mem>> -> memref<!tpu.dma_semaphore, #tpu.memory_space<semaphore_mem>>
      %dma_start3A_2825 = arith.constant 0 : i32
      %dma_start3A_2826 = arith.constant 0 : i32
      %dma_start3A_2827 = tpu.memref_slice %arg15[%select_n3A_1613, %dma_start3A_2821, %dma_start3A_2825, %dma_start3A_2826] : memref<2x64x128x128xf32, #tpu.memory_space<vmem>> -> memref<1x1x128x128xf32, #tpu.memory_space<vmem>>
      %dma_start3A_2828 = tpu.memref_squeeze %dma_start3A_2827 : memref<1x1x128x128xf32, #tpu.memory_space<vmem>> -> memref<128x128xf32, #tpu.memory_space<vmem>>
      %dma_start3A_2829 = arith.constant 0 : i32
      %dma_start3A_2830 = arith.constant 0 : i32
      %dma_start3A_2831 = tpu.memref_slice %arg3[%get3A_2820, %dma_start3A_2829, %dma_start3A_2830] : memref<1196x128x128xf32, #tpu.memory_space<any>> -> memref<1x128x128xf32, #tpu.memory_space<any>>
      %dma_start3A_2832 = tpu.memref_squeeze %dma_start3A_2831 : memref<1x128x128xf32, #tpu.memory_space<any>> -> memref<128x128xf32, #tpu.memory_space<any>>
      tpu.enqueue_dma source(%dma_start3A_2832 : memref<128x128xf32, #tpu.memory_space<any>>) target(%dma_start3A_2828 : memref<128x128xf32, #tpu.memory_space<vmem>>) target_semaphore(%dma_start3A_2824 : memref<!tpu.dma_semaphore, #tpu.memory_space<semaphore_mem>>)
      %mul3A_2833 = arith.constant 64 : i32
      %mul3A_2834 = arith.muli %add3A_1595, %mul3A_2833 : i32
      %add3A_2835 = arith.constant 40 : i32
      %add3A_2836 = arith.addi %mul3A_2834, %add3A_2835 : i32
      %add3A_2837 = arith.constant 7 : i32
      %add3A_2838 = arith.addi %add3A_2836, %add3A_2837 : i32
      %get3A_2839 = arith.index_cast %add3A_2838 : i32 to index
      %get3A_2840 = memref.load %arg1[%get3A_2839] : memref<512xi32, #tpu.memory_space<smem>>
      %dma_start3A_2841 = arith.constant 61 : i32
      %dma_start3A_2842 = arith.constant 61 : i32
      %dma_start3A_2843 = tpu.memref_slice %arg16[%select_n3A_1613, %dma_start3A_2842] : memref<2x64x!tpu.dma_semaphore, #tpu.memory_space<semaphore_mem>> -> memref<1x1x!tpu.dma_semaphore, #tpu.memory_space<semaphore_mem>>
      %dma_start3A_2844 = tpu.memref_squeeze %dma_start3A_2843 : memref<1x1x!tpu.dma_semaphore, #tpu.memory_space<semaphore_mem>> -> memref<!tpu.dma_semaphore, #tpu.memory_space<semaphore_mem>>
      %dma_start3A_2845 = arith.constant 0 : i32
      %dma_start3A_2846 = arith.constant 0 : i32
      %dma_start3A_2847 = tpu.memref_slice %arg15[%select_n3A_1613, %dma_start3A_2841, %dma_start3A_2845, %dma_start3A_2846] : memref<2x64x128x128xf32, #tpu.memory_space<vmem>> -> memref<1x1x128x128xf32, #tpu.memory_space<vmem>>
      %dma_start3A_2848 = tpu.memref_squeeze %dma_start3A_2847 : memref<1x1x128x128xf32, #tpu.memory_space<vmem>> -> memref<128x128xf32, #tpu.memory_space<vmem>>
      %dma_start3A_2849 = arith.constant 0 : i32
      %dma_start3A_2850 = arith.constant 0 : i32
      %dma_start3A_2851 = tpu.memref_slice %arg3[%get3A_2840, %dma_start3A_2849, %dma_start3A_2850] : memref<1196x128x128xf32, #tpu.memory_space<any>> -> memref<1x128x128xf32, #tpu.memory_space<any>>
      %dma_start3A_2852 = tpu.memref_squeeze %dma_start3A_2851 : memref<1x128x128xf32, #tpu.memory_space<any>> -> memref<128x128xf32, #tpu.memory_space<any>>
      tpu.enqueue_dma source(%dma_start3A_2852 : memref<128x128xf32, #tpu.memory_space<any>>) target(%dma_start3A_2848 : memref<128x128xf32, #tpu.memory_space<vmem>>) target_semaphore(%dma_start3A_2844 : memref<!tpu.dma_semaphore, #tpu.memory_space<semaphore_mem>>)
      %mul3A_2853 = arith.constant 64 : i32
      %mul3A_2854 = arith.muli %add3A_1595, %mul3A_2853 : i32
      %add3A_2855 = arith.constant 48 : i32
      %add3A_2856 = arith.addi %mul3A_2854, %add3A_2855 : i32
      %add3A_2857 = arith.constant 7 : i32
      %add3A_2858 = arith.addi %add3A_2856, %add3A_2857 : i32
      %get3A_2859 = arith.index_cast %add3A_2858 : i32 to index
      %get3A_2860 = memref.load %arg1[%get3A_2859] : memref<512xi32, #tpu.memory_space<smem>>
      %dma_start3A_2861 = arith.constant 62 : i32
      %dma_start3A_2862 = arith.constant 62 : i32
      %dma_start3A_2863 = tpu.memref_slice %arg16[%select_n3A_1613, %dma_start3A_2862] : memref<2x64x!tpu.dma_semaphore, #tpu.memory_space<semaphore_mem>> -> memref<1x1x!tpu.dma_semaphore, #tpu.memory_space<semaphore_mem>>
      %dma_start3A_2864 = tpu.memref_squeeze %dma_start3A_2863 : memref<1x1x!tpu.dma_semaphore, #tpu.memory_space<semaphore_mem>> -> memref<!tpu.dma_semaphore, #tpu.memory_space<semaphore_mem>>
      %dma_start3A_2865 = arith.constant 0 : i32
      %dma_start3A_2866 = arith.constant 0 : i32
      %dma_start3A_2867 = tpu.memref_slice %arg15[%select_n3A_1613, %dma_start3A_2861, %dma_start3A_2865, %dma_start3A_2866] : memref<2x64x128x128xf32, #tpu.memory_space<vmem>> -> memref<1x1x128x128xf32, #tpu.memory_space<vmem>>
      %dma_start3A_2868 = tpu.memref_squeeze %dma_start3A_2867 : memref<1x1x128x128xf32, #tpu.memory_space<vmem>> -> memref<128x128xf32, #tpu.memory_space<vmem>>
      %dma_start3A_2869 = arith.constant 0 : i32
      %dma_start3A_2870 = arith.constant 0 : i32
      %dma_start3A_2871 = tpu.memref_slice %arg3[%get3A_2860, %dma_start3A_2869, %dma_start3A_2870] : memref<1196x128x128xf32, #tpu.memory_space<any>> -> memref<1x128x128xf32, #tpu.memory_space<any>>
      %dma_start3A_2872 = tpu.memref_squeeze %dma_start3A_2871 : memref<1x128x128xf32, #tpu.memory_space<any>> -> memref<128x128xf32, #tpu.memory_space<any>>
      tpu.enqueue_dma source(%dma_start3A_2872 : memref<128x128xf32, #tpu.memory_space<any>>) target(%dma_start3A_2868 : memref<128x128xf32, #tpu.memory_space<vmem>>) target_semaphore(%dma_start3A_2864 : memref<!tpu.dma_semaphore, #tpu.memory_space<semaphore_mem>>)
      %mul3A_2873 = arith.constant 64 : i32
      %mul3A_2874 = arith.muli %add3A_1595, %mul3A_2873 : i32
      %add3A_2875 = arith.constant 56 : i32
      %add3A_2876 = arith.addi %mul3A_2874, %add3A_2875 : i32
      %add3A_2877 = arith.constant 7 : i32
      %add3A_2878 = arith.addi %add3A_2876, %add3A_2877 : i32
      %get3A_2879 = arith.index_cast %add3A_2878 : i32 to index
      %get3A_2880 = memref.load %arg1[%get3A_2879] : memref<512xi32, #tpu.memory_space<smem>>
      %dma_start3A_2881 = arith.constant 63 : i32
      %dma_start3A_2882 = arith.constant 63 : i32
      %dma_start3A_2883 = tpu.memref_slice %arg16[%select_n3A_1613, %dma_start3A_2882] : memref<2x64x!tpu.dma_semaphore, #tpu.memory_space<semaphore_mem>> -> memref<1x1x!tpu.dma_semaphore, #tpu.memory_space<semaphore_mem>>
      %dma_start3A_2884 = tpu.memref_squeeze %dma_start3A_2883 : memref<1x1x!tpu.dma_semaphore, #tpu.memory_space<semaphore_mem>> -> memref<!tpu.dma_semaphore, #tpu.memory_space<semaphore_mem>>
      %dma_start3A_2885 = arith.constant 0 : i32
      %dma_start3A_2886 = arith.constant 0 : i32
      %dma_start3A_2887 = tpu.memref_slice %arg15[%select_n3A_1613, %dma_start3A_2881, %dma_start3A_2885, %dma_start3A_2886] : memref<2x64x128x128xf32, #tpu.memory_space<vmem>> -> memref<1x1x128x128xf32, #tpu.memory_space<vmem>>
      %dma_start3A_2888 = tpu.memref_squeeze %dma_start3A_2887 : memref<1x1x128x128xf32, #tpu.memory_space<vmem>> -> memref<128x128xf32, #tpu.memory_space<vmem>>
      %dma_start3A_2889 = arith.constant 0 : i32
      %dma_start3A_2890 = arith.constant 0 : i32
      %dma_start3A_2891 = tpu.memref_slice %arg3[%get3A_2880, %dma_start3A_2889, %dma_start3A_2890] : memref<1196x128x128xf32, #tpu.memory_space<any>> -> memref<1x128x128xf32, #tpu.memory_space<any>>
      %dma_start3A_2892 = tpu.memref_squeeze %dma_start3A_2891 : memref<1x128x128xf32, #tpu.memory_space<any>> -> memref<128x128xf32, #tpu.memory_space<any>>
      tpu.enqueue_dma source(%dma_start3A_2892 : memref<128x128xf32, #tpu.memory_space<any>>) target(%dma_start3A_2888 : memref<128x128xf32, #tpu.memory_space<vmem>>) target_semaphore(%dma_start3A_2884 : memref<!tpu.dma_semaphore, #tpu.memory_space<semaphore_mem>>)
    } else {
    }
    %jit3A = arith.constant 2 : i32
    %eq3A_6 = arith.constant 0 : i32
    %eq3A_7 = arith.cmpi eq, %jit3A, %eq3A_6 : i32
    %jit3A_8 = arith.constant 1 : i32
    %select_n3A = arith.select %eq3A_7, %jit3A_8, %jit3A : i32
    %rem3A = arith.remsi %arg0, %select_n3A : i32
    %ne3A = arith.constant 0 : i32
    %ne3A_9 = arith.cmpi ne, %rem3A, %ne3A : i32
    %lt3A_10 = arith.constant 0 : i32
    %lt3A_11 = arith.cmpi slt, %rem3A, %lt3A_10 : i32
    %lt3A_12 = arith.constant 0 : i32
    %lt3A_13 = arith.cmpi slt, %select_n3A, %lt3A_12 : i32
    %ne3A_14 = arith.xori %lt3A_11, %lt3A_13 : i1
    %and3A = arith.andi %ne3A_14, %ne3A_9 : i1
    %add3A = arith.addi %rem3A, %select_n3A : i32
    %select_n3A_15 = arith.select %and3A, %add3A, %rem3A : i32
    %mul3A = arith.constant 64 : i32
    %mul3A_16 = arith.muli %arg0, %mul3A : i32
    %add3A_17 = arith.constant 0 : i32
    %add3A_18 = arith.addi %mul3A_16, %add3A_17 : i32
    %get3A = arith.index_cast %add3A_18 : i32 to index
    %get3A_19 = memref.load %arg1[%get3A] : memref<512xi32, #tpu.memory_space<smem>>
    %dma_wait3A = arith.constant 0 : i32
    %dma_wait3A_20 = arith.constant 0 : i32
    %dma_wait3A_21 = tpu.memref_slice %arg16[%select_n3A_15, %dma_wait3A_20] : memref<2x64x!tpu.dma_semaphore, #tpu.memory_space<semaphore_mem>> -> memref<1x1x!tpu.dma_semaphore, #tpu.memory_space<semaphore_mem>>
    %dma_wait3A_22 = tpu.memref_squeeze %dma_wait3A_21 : memref<1x1x!tpu.dma_semaphore, #tpu.memory_space<semaphore_mem>> -> memref<!tpu.dma_semaphore, #tpu.memory_space<semaphore_mem>>
    %dma_wait3A_23 = arith.constant 0 : i32
    %dma_wait3A_24 = arith.constant 0 : i32
    %dma_wait3A_25 = tpu.memref_slice %arg15[%select_n3A_15, %dma_wait3A, %dma_wait3A_23, %dma_wait3A_24] : memref<2x64x128x128xf32, #tpu.memory_space<vmem>> -> memref<1x1x128x128xf32, #tpu.memory_space<vmem>>
    %dma_wait3A_26 = tpu.memref_squeeze %dma_wait3A_25 : memref<1x1x128x128xf32, #tpu.memory_space<vmem>> -> memref<128x128xf32, #tpu.memory_space<vmem>>
    %dma_wait3A_27 = arith.constant 0 : i32
    %dma_wait3A_28 = arith.constant 0 : i32
    %dma_wait3A_29 = tpu.memref_slice %arg3[%get3A_19, %dma_wait3A_27, %dma_wait3A_28] : memref<1196x128x128xf32, #tpu.memory_space<any>> -> memref<1x128x128xf32, #tpu.memory_space<any>>
    %dma_wait3A_30 = tpu.memref_squeeze %dma_wait3A_29 : memref<1x128x128xf32, #tpu.memory_space<any>> -> memref<128x128xf32, #tpu.memory_space<any>>
    tpu.wait_dma2 semaphore(%dma_wait3A_22 : memref<!tpu.dma_semaphore, #tpu.memory_space<semaphore_mem>>) src(%dma_wait3A_30 : memref<128x128xf32, #tpu.memory_space<any>>) dst(%dma_wait3A_26 : memref<128x128xf32, #tpu.memory_space<vmem>>)
    %mul3A_31 = arith.constant 64 : i32
    %mul3A_32 = arith.muli %arg0, %mul3A_31 : i32
    %add3A_33 = arith.constant 1 : i32
    %add3A_34 = arith.addi %mul3A_32, %add3A_33 : i32
    %get3A_35 = arith.index_cast %add3A_34 : i32 to index
    %get3A_36 = memref.load %arg1[%get3A_35] : memref<512xi32, #tpu.memory_space<smem>>
    %dma_wait3A_37 = arith.constant 1 : i32
    %dma_wait3A_38 = arith.constant 1 : i32
    %dma_wait3A_39 = tpu.memref_slice %arg16[%select_n3A_15, %dma_wait3A_38] : memref<2x64x!tpu.dma_semaphore, #tpu.memory_space<semaphore_mem>> -> memref<1x1x!tpu.dma_semaphore, #tpu.memory_space<semaphore_mem>>
    %dma_wait3A_40 = tpu.memref_squeeze %dma_wait3A_39 : memref<1x1x!tpu.dma_semaphore, #tpu.memory_space<semaphore_mem>> -> memref<!tpu.dma_semaphore, #tpu.memory_space<semaphore_mem>>
    %dma_wait3A_41 = arith.constant 0 : i32
    %dma_wait3A_42 = arith.constant 0 : i32
    %dma_wait3A_43 = tpu.memref_slice %arg15[%select_n3A_15, %dma_wait3A_37, %dma_wait3A_41, %dma_wait3A_42] : memref<2x64x128x128xf32, #tpu.memory_space<vmem>> -> memref<1x1x128x128xf32, #tpu.memory_space<vmem>>
    %dma_wait3A_44 = tpu.memref_squeeze %dma_wait3A_43 : memref<1x1x128x128xf32, #tpu.memory_space<vmem>> -> memref<128x128xf32, #tpu.memory_space<vmem>>
    %dma_wait3A_45 = arith.constant 0 : i32
    %dma_wait3A_46 = arith.constant 0 : i32
    %dma_wait3A_47 = tpu.memref_slice %arg3[%get3A_36, %dma_wait3A_45, %dma_wait3A_46] : memref<1196x128x128xf32, #tpu.memory_space<any>> -> memref<1x128x128xf32, #tpu.memory_space<any>>
    %dma_wait3A_48 = tpu.memref_squeeze %dma_wait3A_47 : memref<1x128x128xf32, #tpu.memory_space<any>> -> memref<128x128xf32, #tpu.memory_space<any>>
    tpu.wait_dma2 semaphore(%dma_wait3A_40 : memref<!tpu.dma_semaphore, #tpu.memory_space<semaphore_mem>>) src(%dma_wait3A_48 : memref<128x128xf32, #tpu.memory_space<any>>) dst(%dma_wait3A_44 : memref<128x128xf32, #tpu.memory_space<vmem>>)
    %mul3A_49 = arith.constant 64 : i32
    %mul3A_50 = arith.muli %arg0, %mul3A_49 : i32
    %add3A_51 = arith.constant 2 : i32
    %add3A_52 = arith.addi %mul3A_50, %add3A_51 : i32
    %get3A_53 = arith.index_cast %add3A_52 : i32 to index
    %get3A_54 = memref.load %arg1[%get3A_53] : memref<512xi32, #tpu.memory_space<smem>>
    %dma_wait3A_55 = arith.constant 2 : i32
    %dma_wait3A_56 = arith.constant 2 : i32
    %dma_wait3A_57 = tpu.memref_slice %arg16[%select_n3A_15, %dma_wait3A_56] : memref<2x64x!tpu.dma_semaphore, #tpu.memory_space<semaphore_mem>> -> memref<1x1x!tpu.dma_semaphore, #tpu.memory_space<semaphore_mem>>
    %dma_wait3A_58 = tpu.memref_squeeze %dma_wait3A_57 : memref<1x1x!tpu.dma_semaphore, #tpu.memory_space<semaphore_mem>> -> memref<!tpu.dma_semaphore, #tpu.memory_space<semaphore_mem>>
    %dma_wait3A_59 = arith.constant 0 : i32
    %dma_wait3A_60 = arith.constant 0 : i32
    %dma_wait3A_61 = tpu.memref_slice %arg15[%select_n3A_15, %dma_wait3A_55, %dma_wait3A_59, %dma_wait3A_60] : memref<2x64x128x128xf32, #tpu.memory_space<vmem>> -> memref<1x1x128x128xf32, #tpu.memory_space<vmem>>
    %dma_wait3A_62 = tpu.memref_squeeze %dma_wait3A_61 : memref<1x1x128x128xf32, #tpu.memory_space<vmem>> -> memref<128x128xf32, #tpu.memory_space<vmem>>
    %dma_wait3A_63 = arith.constant 0 : i32
    %dma_wait3A_64 = arith.constant 0 : i32
    %dma_wait3A_65 = tpu.memref_slice %arg3[%get3A_54, %dma_wait3A_63, %dma_wait3A_64] : memref<1196x128x128xf32, #tpu.memory_space<any>> -> memref<1x128x128xf32, #tpu.memory_space<any>>
    %dma_wait3A_66 = tpu.memref_squeeze %dma_wait3A_65 : memref<1x128x128xf32, #tpu.memory_space<any>> -> memref<128x128xf32, #tpu.memory_space<any>>
    tpu.wait_dma2 semaphore(%dma_wait3A_58 : memref<!tpu.dma_semaphore, #tpu.memory_space<semaphore_mem>>) src(%dma_wait3A_66 : memref<128x128xf32, #tpu.memory_space<any>>) dst(%dma_wait3A_62 : memref<128x128xf32, #tpu.memory_space<vmem>>)
    %mul3A_67 = arith.constant 64 : i32
    %mul3A_68 = arith.muli %arg0, %mul3A_67 : i32
    %add3A_69 = arith.constant 3 : i32
    %add3A_70 = arith.addi %mul3A_68, %add3A_69 : i32
    %get3A_71 = arith.index_cast %add3A_70 : i32 to index
    %get3A_72 = memref.load %arg1[%get3A_71] : memref<512xi32, #tpu.memory_space<smem>>
    %dma_wait3A_73 = arith.constant 3 : i32
    %dma_wait3A_74 = arith.constant 3 : i32
    %dma_wait3A_75 = tpu.memref_slice %arg16[%select_n3A_15, %dma_wait3A_74] : memref<2x64x!tpu.dma_semaphore, #tpu.memory_space<semaphore_mem>> -> memref<1x1x!tpu.dma_semaphore, #tpu.memory_space<semaphore_mem>>
    %dma_wait3A_76 = tpu.memref_squeeze %dma_wait3A_75 : memref<1x1x!tpu.dma_semaphore, #tpu.memory_space<semaphore_mem>> -> memref<!tpu.dma_semaphore, #tpu.memory_space<semaphore_mem>>
    %dma_wait3A_77 = arith.constant 0 : i32
    %dma_wait3A_78 = arith.constant 0 : i32
    %dma_wait3A_79 = tpu.memref_slice %arg15[%select_n3A_15, %dma_wait3A_73, %dma_wait3A_77, %dma_wait3A_78] : memref<2x64x128x128xf32, #tpu.memory_space<vmem>> -> memref<1x1x128x128xf32, #tpu.memory_space<vmem>>
    %dma_wait3A_80 = tpu.memref_squeeze %dma_wait3A_79 : memref<1x1x128x128xf32, #tpu.memory_space<vmem>> -> memref<128x128xf32, #tpu.memory_space<vmem>>
    %dma_wait3A_81 = arith.constant 0 : i32
    %dma_wait3A_82 = arith.constant 0 : i32
    %dma_wait3A_83 = tpu.memref_slice %arg3[%get3A_72, %dma_wait3A_81, %dma_wait3A_82] : memref<1196x128x128xf32, #tpu.memory_space<any>> -> memref<1x128x128xf32, #tpu.memory_space<any>>
    %dma_wait3A_84 = tpu.memref_squeeze %dma_wait3A_83 : memref<1x128x128xf32, #tpu.memory_space<any>> -> memref<128x128xf32, #tpu.memory_space<any>>
    tpu.wait_dma2 semaphore(%dma_wait3A_76 : memref<!tpu.dma_semaphore, #tpu.memory_space<semaphore_mem>>) src(%dma_wait3A_84 : memref<128x128xf32, #tpu.memory_space<any>>) dst(%dma_wait3A_80 : memref<128x128xf32, #tpu.memory_space<vmem>>)
    %mul3A_85 = arith.constant 64 : i32
    %mul3A_86 = arith.muli %arg0, %mul3A_85 : i32
    %add3A_87 = arith.constant 4 : i32
    %add3A_88 = arith.addi %mul3A_86, %add3A_87 : i32
    %get3A_89 = arith.index_cast %add3A_88 : i32 to index
    %get3A_90 = memref.load %arg1[%get3A_89] : memref<512xi32, #tpu.memory_space<smem>>
    %dma_wait3A_91 = arith.constant 4 : i32
    %dma_wait3A_92 = arith.constant 4 : i32
    %dma_wait3A_93 = tpu.memref_slice %arg16[%select_n3A_15, %dma_wait3A_92] : memref<2x64x!tpu.dma_semaphore, #tpu.memory_space<semaphore_mem>> -> memref<1x1x!tpu.dma_semaphore, #tpu.memory_space<semaphore_mem>>
    %dma_wait3A_94 = tpu.memref_squeeze %dma_wait3A_93 : memref<1x1x!tpu.dma_semaphore, #tpu.memory_space<semaphore_mem>> -> memref<!tpu.dma_semaphore, #tpu.memory_space<semaphore_mem>>
    %dma_wait3A_95 = arith.constant 0 : i32
    %dma_wait3A_96 = arith.constant 0 : i32
    %dma_wait3A_97 = tpu.memref_slice %arg15[%select_n3A_15, %dma_wait3A_91, %dma_wait3A_95, %dma_wait3A_96] : memref<2x64x128x128xf32, #tpu.memory_space<vmem>> -> memref<1x1x128x128xf32, #tpu.memory_space<vmem>>
    %dma_wait3A_98 = tpu.memref_squeeze %dma_wait3A_97 : memref<1x1x128x128xf32, #tpu.memory_space<vmem>> -> memref<128x128xf32, #tpu.memory_space<vmem>>
    %dma_wait3A_99 = arith.constant 0 : i32
    %dma_wait3A_100 = arith.constant 0 : i32
    %dma_wait3A_101 = tpu.memref_slice %arg3[%get3A_90, %dma_wait3A_99, %dma_wait3A_100] : memref<1196x128x128xf32, #tpu.memory_space<any>> -> memref<1x128x128xf32, #tpu.memory_space<any>>
    %dma_wait3A_102 = tpu.memref_squeeze %dma_wait3A_101 : memref<1x128x128xf32, #tpu.memory_space<any>> -> memref<128x128xf32, #tpu.memory_space<any>>
    tpu.wait_dma2 semaphore(%dma_wait3A_94 : memref<!tpu.dma_semaphore, #tpu.memory_space<semaphore_mem>>) src(%dma_wait3A_102 : memref<128x128xf32, #tpu.memory_space<any>>) dst(%dma_wait3A_98 : memref<128x128xf32, #tpu.memory_space<vmem>>)
    %mul3A_103 = arith.constant 64 : i32
    %mul3A_104 = arith.muli %arg0, %mul3A_103 : i32
    %add3A_105 = arith.constant 5 : i32
    %add3A_106 = arith.addi %mul3A_104, %add3A_105 : i32
    %get3A_107 = arith.index_cast %add3A_106 : i32 to index
    %get3A_108 = memref.load %arg1[%get3A_107] : memref<512xi32, #tpu.memory_space<smem>>
    %dma_wait3A_109 = arith.constant 5 : i32
    %dma_wait3A_110 = arith.constant 5 : i32
    %dma_wait3A_111 = tpu.memref_slice %arg16[%select_n3A_15, %dma_wait3A_110] : memref<2x64x!tpu.dma_semaphore, #tpu.memory_space<semaphore_mem>> -> memref<1x1x!tpu.dma_semaphore, #tpu.memory_space<semaphore_mem>>
    %dma_wait3A_112 = tpu.memref_squeeze %dma_wait3A_111 : memref<1x1x!tpu.dma_semaphore, #tpu.memory_space<semaphore_mem>> -> memref<!tpu.dma_semaphore, #tpu.memory_space<semaphore_mem>>
    %dma_wait3A_113 = arith.constant 0 : i32
    %dma_wait3A_114 = arith.constant 0 : i32
    %dma_wait3A_115 = tpu.memref_slice %arg15[%select_n3A_15, %dma_wait3A_109, %dma_wait3A_113, %dma_wait3A_114] : memref<2x64x128x128xf32, #tpu.memory_space<vmem>> -> memref<1x1x128x128xf32, #tpu.memory_space<vmem>>
    %dma_wait3A_116 = tpu.memref_squeeze %dma_wait3A_115 : memref<1x1x128x128xf32, #tpu.memory_space<vmem>> -> memref<128x128xf32, #tpu.memory_space<vmem>>
    %dma_wait3A_117 = arith.constant 0 : i32
    %dma_wait3A_118 = arith.constant 0 : i32
    %dma_wait3A_119 = tpu.memref_slice %arg3[%get3A_108, %dma_wait3A_117, %dma_wait3A_118] : memref<1196x128x128xf32, #tpu.memory_space<any>> -> memref<1x128x128xf32, #tpu.memory_space<any>>
    %dma_wait3A_120 = tpu.memref_squeeze %dma_wait3A_119 : memref<1x128x128xf32, #tpu.memory_space<any>> -> memref<128x128xf32, #tpu.memory_space<any>>
    tpu.wait_dma2 semaphore(%dma_wait3A_112 : memref<!tpu.dma_semaphore, #tpu.memory_space<semaphore_mem>>) src(%dma_wait3A_120 : memref<128x128xf32, #tpu.memory_space<any>>) dst(%dma_wait3A_116 : memref<128x128xf32, #tpu.memory_space<vmem>>)
    %mul3A_121 = arith.constant 64 : i32
    %mul3A_122 = arith.muli %arg0, %mul3A_121 : i32
    %add3A_123 = arith.constant 6 : i32
    %add3A_124 = arith.addi %mul3A_122, %add3A_123 : i32
    %get3A_125 = arith.index_cast %add3A_124 : i32 to index
    %get3A_126 = memref.load %arg1[%get3A_125] : memref<512xi32, #tpu.memory_space<smem>>
    %dma_wait3A_127 = arith.constant 6 : i32
    %dma_wait3A_128 = arith.constant 6 : i32
    %dma_wait3A_129 = tpu.memref_slice %arg16[%select_n3A_15, %dma_wait3A_128] : memref<2x64x!tpu.dma_semaphore, #tpu.memory_space<semaphore_mem>> -> memref<1x1x!tpu.dma_semaphore, #tpu.memory_space<semaphore_mem>>
    %dma_wait3A_130 = tpu.memref_squeeze %dma_wait3A_129 : memref<1x1x!tpu.dma_semaphore, #tpu.memory_space<semaphore_mem>> -> memref<!tpu.dma_semaphore, #tpu.memory_space<semaphore_mem>>
    %dma_wait3A_131 = arith.constant 0 : i32
    %dma_wait3A_132 = arith.constant 0 : i32
    %dma_wait3A_133 = tpu.memref_slice %arg15[%select_n3A_15, %dma_wait3A_127, %dma_wait3A_131, %dma_wait3A_132] : memref<2x64x128x128xf32, #tpu.memory_space<vmem>> -> memref<1x1x128x128xf32, #tpu.memory_space<vmem>>
    %dma_wait3A_134 = tpu.memref_squeeze %dma_wait3A_133 : memref<1x1x128x128xf32, #tpu.memory_space<vmem>> -> memref<128x128xf32, #tpu.memory_space<vmem>>
    %dma_wait3A_135 = arith.constant 0 : i32
    %dma_wait3A_136 = arith.constant 0 : i32
    %dma_wait3A_137 = tpu.memref_slice %arg3[%get3A_126, %dma_wait3A_135, %dma_wait3A_136] : memref<1196x128x128xf32, #tpu.memory_space<any>> -> memref<1x128x128xf32, #tpu.memory_space<any>>
    %dma_wait3A_138 = tpu.memref_squeeze %dma_wait3A_137 : memref<1x128x128xf32, #tpu.memory_space<any>> -> memref<128x128xf32, #tpu.memory_space<any>>
    tpu.wait_dma2 semaphore(%dma_wait3A_130 : memref<!tpu.dma_semaphore, #tpu.memory_space<semaphore_mem>>) src(%dma_wait3A_138 : memref<128x128xf32, #tpu.memory_space<any>>) dst(%dma_wait3A_134 : memref<128x128xf32, #tpu.memory_space<vmem>>)
    %mul3A_139 = arith.constant 64 : i32
    %mul3A_140 = arith.muli %arg0, %mul3A_139 : i32
    %add3A_141 = arith.constant 7 : i32
    %add3A_142 = arith.addi %mul3A_140, %add3A_141 : i32
    %get3A_143 = arith.index_cast %add3A_142 : i32 to index
    %get3A_144 = memref.load %arg1[%get3A_143] : memref<512xi32, #tpu.memory_space<smem>>
    %dma_wait3A_145 = arith.constant 7 : i32
    %dma_wait3A_146 = arith.constant 7 : i32
    %dma_wait3A_147 = tpu.memref_slice %arg16[%select_n3A_15, %dma_wait3A_146] : memref<2x64x!tpu.dma_semaphore, #tpu.memory_space<semaphore_mem>> -> memref<1x1x!tpu.dma_semaphore, #tpu.memory_space<semaphore_mem>>
    %dma_wait3A_148 = tpu.memref_squeeze %dma_wait3A_147 : memref<1x1x!tpu.dma_semaphore, #tpu.memory_space<semaphore_mem>> -> memref<!tpu.dma_semaphore, #tpu.memory_space<semaphore_mem>>
    %dma_wait3A_149 = arith.constant 0 : i32
    %dma_wait3A_150 = arith.constant 0 : i32
    %dma_wait3A_151 = tpu.memref_slice %arg15[%select_n3A_15, %dma_wait3A_145, %dma_wait3A_149, %dma_wait3A_150] : memref<2x64x128x128xf32, #tpu.memory_space<vmem>> -> memref<1x1x128x128xf32, #tpu.memory_space<vmem>>
    %dma_wait3A_152 = tpu.memref_squeeze %dma_wait3A_151 : memref<1x1x128x128xf32, #tpu.memory_space<vmem>> -> memref<128x128xf32, #tpu.memory_space<vmem>>
    %dma_wait3A_153 = arith.constant 0 : i32
    %dma_wait3A_154 = arith.constant 0 : i32
    %dma_wait3A_155 = tpu.memref_slice %arg3[%get3A_144, %dma_wait3A_153, %dma_wait3A_154] : memref<1196x128x128xf32, #tpu.memory_space<any>> -> memref<1x128x128xf32, #tpu.memory_space<any>>
    %dma_wait3A_156 = tpu.memref_squeeze %dma_wait3A_155 : memref<1x128x128xf32, #tpu.memory_space<any>> -> memref<128x128xf32, #tpu.memory_space<any>>
    tpu.wait_dma2 semaphore(%dma_wait3A_148 : memref<!tpu.dma_semaphore, #tpu.memory_space<semaphore_mem>>) src(%dma_wait3A_156 : memref<128x128xf32, #tpu.memory_space<any>>) dst(%dma_wait3A_152 : memref<128x128xf32, #tpu.memory_space<vmem>>)
    %mul3A_157 = arith.constant 64 : i32
    %mul3A_158 = arith.muli %arg0, %mul3A_157 : i32
    %add3A_159 = arith.constant 8 : i32
    %add3A_160 = arith.addi %mul3A_158, %add3A_159 : i32
    %get3A_161 = arith.index_cast %add3A_160 : i32 to index
    %get3A_162 = memref.load %arg1[%get3A_161] : memref<512xi32, #tpu.memory_space<smem>>
    %dma_wait3A_163 = arith.constant 8 : i32
    %dma_wait3A_164 = arith.constant 8 : i32
    %dma_wait3A_165 = tpu.memref_slice %arg16[%select_n3A_15, %dma_wait3A_164] : memref<2x64x!tpu.dma_semaphore, #tpu.memory_space<semaphore_mem>> -> memref<1x1x!tpu.dma_semaphore, #tpu.memory_space<semaphore_mem>>
    %dma_wait3A_166 = tpu.memref_squeeze %dma_wait3A_165 : memref<1x1x!tpu.dma_semaphore, #tpu.memory_space<semaphore_mem>> -> memref<!tpu.dma_semaphore, #tpu.memory_space<semaphore_mem>>
    %dma_wait3A_167 = arith.constant 0 : i32
    %dma_wait3A_168 = arith.constant 0 : i32
    %dma_wait3A_169 = tpu.memref_slice %arg15[%select_n3A_15, %dma_wait3A_163, %dma_wait3A_167, %dma_wait3A_168] : memref<2x64x128x128xf32, #tpu.memory_space<vmem>> -> memref<1x1x128x128xf32, #tpu.memory_space<vmem>>
    %dma_wait3A_170 = tpu.memref_squeeze %dma_wait3A_169 : memref<1x1x128x128xf32, #tpu.memory_space<vmem>> -> memref<128x128xf32, #tpu.memory_space<vmem>>
    %dma_wait3A_171 = arith.constant 0 : i32
    %dma_wait3A_172 = arith.constant 0 : i32
    %dma_wait3A_173 = tpu.memref_slice %arg3[%get3A_162, %dma_wait3A_171, %dma_wait3A_172] : memref<1196x128x128xf32, #tpu.memory_space<any>> -> memref<1x128x128xf32, #tpu.memory_space<any>>
    %dma_wait3A_174 = tpu.memref_squeeze %dma_wait3A_173 : memref<1x128x128xf32, #tpu.memory_space<any>> -> memref<128x128xf32, #tpu.memory_space<any>>
    tpu.wait_dma2 semaphore(%dma_wait3A_166 : memref<!tpu.dma_semaphore, #tpu.memory_space<semaphore_mem>>) src(%dma_wait3A_174 : memref<128x128xf32, #tpu.memory_space<any>>) dst(%dma_wait3A_170 : memref<128x128xf32, #tpu.memory_space<vmem>>)
    %mul3A_175 = arith.constant 64 : i32
    %mul3A_176 = arith.muli %arg0, %mul3A_175 : i32
    %add3A_177 = arith.constant 9 : i32
    %add3A_178 = arith.addi %mul3A_176, %add3A_177 : i32
    %get3A_179 = arith.index_cast %add3A_178 : i32 to index
    %get3A_180 = memref.load %arg1[%get3A_179] : memref<512xi32, #tpu.memory_space<smem>>
    %dma_wait3A_181 = arith.constant 9 : i32
    %dma_wait3A_182 = arith.constant 9 : i32
    %dma_wait3A_183 = tpu.memref_slice %arg16[%select_n3A_15, %dma_wait3A_182] : memref<2x64x!tpu.dma_semaphore, #tpu.memory_space<semaphore_mem>> -> memref<1x1x!tpu.dma_semaphore, #tpu.memory_space<semaphore_mem>>
    %dma_wait3A_184 = tpu.memref_squeeze %dma_wait3A_183 : memref<1x1x!tpu.dma_semaphore, #tpu.memory_space<semaphore_mem>> -> memref<!tpu.dma_semaphore, #tpu.memory_space<semaphore_mem>>
    %dma_wait3A_185 = arith.constant 0 : i32
    %dma_wait3A_186 = arith.constant 0 : i32
    %dma_wait3A_187 = tpu.memref_slice %arg15[%select_n3A_15, %dma_wait3A_181, %dma_wait3A_185, %dma_wait3A_186] : memref<2x64x128x128xf32, #tpu.memory_space<vmem>> -> memref<1x1x128x128xf32, #tpu.memory_space<vmem>>
    %dma_wait3A_188 = tpu.memref_squeeze %dma_wait3A_187 : memref<1x1x128x128xf32, #tpu.memory_space<vmem>> -> memref<128x128xf32, #tpu.memory_space<vmem>>
    %dma_wait3A_189 = arith.constant 0 : i32
    %dma_wait3A_190 = arith.constant 0 : i32
    %dma_wait3A_191 = tpu.memref_slice %arg3[%get3A_180, %dma_wait3A_189, %dma_wait3A_190] : memref<1196x128x128xf32, #tpu.memory_space<any>> -> memref<1x128x128xf32, #tpu.memory_space<any>>
    %dma_wait3A_192 = tpu.memref_squeeze %dma_wait3A_191 : memref<1x128x128xf32, #tpu.memory_space<any>> -> memref<128x128xf32, #tpu.memory_space<any>>
    tpu.wait_dma2 semaphore(%dma_wait3A_184 : memref<!tpu.dma_semaphore, #tpu.memory_space<semaphore_mem>>) src(%dma_wait3A_192 : memref<128x128xf32, #tpu.memory_space<any>>) dst(%dma_wait3A_188 : memref<128x128xf32, #tpu.memory_space<vmem>>)
    %mul3A_193 = arith.constant 64 : i32
    %mul3A_194 = arith.muli %arg0, %mul3A_193 : i32
    %add3A_195 = arith.constant 10 : i32
    %add3A_196 = arith.addi %mul3A_194, %add3A_195 : i32
    %get3A_197 = arith.index_cast %add3A_196 : i32 to index
    %get3A_198 = memref.load %arg1[%get3A_197] : memref<512xi32, #tpu.memory_space<smem>>
    %dma_wait3A_199 = arith.constant 10 : i32
    %dma_wait3A_200 = arith.constant 10 : i32
    %dma_wait3A_201 = tpu.memref_slice %arg16[%select_n3A_15, %dma_wait3A_200] : memref<2x64x!tpu.dma_semaphore, #tpu.memory_space<semaphore_mem>> -> memref<1x1x!tpu.dma_semaphore, #tpu.memory_space<semaphore_mem>>
    %dma_wait3A_202 = tpu.memref_squeeze %dma_wait3A_201 : memref<1x1x!tpu.dma_semaphore, #tpu.memory_space<semaphore_mem>> -> memref<!tpu.dma_semaphore, #tpu.memory_space<semaphore_mem>>
    %dma_wait3A_203 = arith.constant 0 : i32
    %dma_wait3A_204 = arith.constant 0 : i32
    %dma_wait3A_205 = tpu.memref_slice %arg15[%select_n3A_15, %dma_wait3A_199, %dma_wait3A_203, %dma_wait3A_204] : memref<2x64x128x128xf32, #tpu.memory_space<vmem>> -> memref<1x1x128x128xf32, #tpu.memory_space<vmem>>
    %dma_wait3A_206 = tpu.memref_squeeze %dma_wait3A_205 : memref<1x1x128x128xf32, #tpu.memory_space<vmem>> -> memref<128x128xf32, #tpu.memory_space<vmem>>
    %dma_wait3A_207 = arith.constant 0 : i32
    %dma_wait3A_208 = arith.constant 0 : i32
    %dma_wait3A_209 = tpu.memref_slice %arg3[%get3A_198, %dma_wait3A_207, %dma_wait3A_208] : memref<1196x128x128xf32, #tpu.memory_space<any>> -> memref<1x128x128xf32, #tpu.memory_space<any>>
    %dma_wait3A_210 = tpu.memref_squeeze %dma_wait3A_209 : memref<1x128x128xf32, #tpu.memory_space<any>> -> memref<128x128xf32, #tpu.memory_space<any>>
    tpu.wait_dma2 semaphore(%dma_wait3A_202 : memref<!tpu.dma_semaphore, #tpu.memory_space<semaphore_mem>>) src(%dma_wait3A_210 : memref<128x128xf32, #tpu.memory_space<any>>) dst(%dma_wait3A_206 : memref<128x128xf32, #tpu.memory_space<vmem>>)
    %mul3A_211 = arith.constant 64 : i32
    %mul3A_212 = arith.muli %arg0, %mul3A_211 : i32
    %add3A_213 = arith.constant 11 : i32
    %add3A_214 = arith.addi %mul3A_212, %add3A_213 : i32
    %get3A_215 = arith.index_cast %add3A_214 : i32 to index
    %get3A_216 = memref.load %arg1[%get3A_215] : memref<512xi32, #tpu.memory_space<smem>>
    %dma_wait3A_217 = arith.constant 11 : i32
    %dma_wait3A_218 = arith.constant 11 : i32
    %dma_wait3A_219 = tpu.memref_slice %arg16[%select_n3A_15, %dma_wait3A_218] : memref<2x64x!tpu.dma_semaphore, #tpu.memory_space<semaphore_mem>> -> memref<1x1x!tpu.dma_semaphore, #tpu.memory_space<semaphore_mem>>
    %dma_wait3A_220 = tpu.memref_squeeze %dma_wait3A_219 : memref<1x1x!tpu.dma_semaphore, #tpu.memory_space<semaphore_mem>> -> memref<!tpu.dma_semaphore, #tpu.memory_space<semaphore_mem>>
    %dma_wait3A_221 = arith.constant 0 : i32
    %dma_wait3A_222 = arith.constant 0 : i32
    %dma_wait3A_223 = tpu.memref_slice %arg15[%select_n3A_15, %dma_wait3A_217, %dma_wait3A_221, %dma_wait3A_222] : memref<2x64x128x128xf32, #tpu.memory_space<vmem>> -> memref<1x1x128x128xf32, #tpu.memory_space<vmem>>
    %dma_wait3A_224 = tpu.memref_squeeze %dma_wait3A_223 : memref<1x1x128x128xf32, #tpu.memory_space<vmem>> -> memref<128x128xf32, #tpu.memory_space<vmem>>
    %dma_wait3A_225 = arith.constant 0 : i32
    %dma_wait3A_226 = arith.constant 0 : i32
    %dma_wait3A_227 = tpu.memref_slice %arg3[%get3A_216, %dma_wait3A_225, %dma_wait3A_226] : memref<1196x128x128xf32, #tpu.memory_space<any>> -> memref<1x128x128xf32, #tpu.memory_space<any>>
    %dma_wait3A_228 = tpu.memref_squeeze %dma_wait3A_227 : memref<1x128x128xf32, #tpu.memory_space<any>> -> memref<128x128xf32, #tpu.memory_space<any>>
    tpu.wait_dma2 semaphore(%dma_wait3A_220 : memref<!tpu.dma_semaphore, #tpu.memory_space<semaphore_mem>>) src(%dma_wait3A_228 : memref<128x128xf32, #tpu.memory_space<any>>) dst(%dma_wait3A_224 : memref<128x128xf32, #tpu.memory_space<vmem>>)
    %mul3A_229 = arith.constant 64 : i32
    %mul3A_230 = arith.muli %arg0, %mul3A_229 : i32
    %add3A_231 = arith.constant 12 : i32
    %add3A_232 = arith.addi %mul3A_230, %add3A_231 : i32
    %get3A_233 = arith.index_cast %add3A_232 : i32 to index
    %get3A_234 = memref.load %arg1[%get3A_233] : memref<512xi32, #tpu.memory_space<smem>>
    %dma_wait3A_235 = arith.constant 12 : i32
    %dma_wait3A_236 = arith.constant 12 : i32
    %dma_wait3A_237 = tpu.memref_slice %arg16[%select_n3A_15, %dma_wait3A_236] : memref<2x64x!tpu.dma_semaphore, #tpu.memory_space<semaphore_mem>> -> memref<1x1x!tpu.dma_semaphore, #tpu.memory_space<semaphore_mem>>
    %dma_wait3A_238 = tpu.memref_squeeze %dma_wait3A_237 : memref<1x1x!tpu.dma_semaphore, #tpu.memory_space<semaphore_mem>> -> memref<!tpu.dma_semaphore, #tpu.memory_space<semaphore_mem>>
    %dma_wait3A_239 = arith.constant 0 : i32
    %dma_wait3A_240 = arith.constant 0 : i32
    %dma_wait3A_241 = tpu.memref_slice %arg15[%select_n3A_15, %dma_wait3A_235, %dma_wait3A_239, %dma_wait3A_240] : memref<2x64x128x128xf32, #tpu.memory_space<vmem>> -> memref<1x1x128x128xf32, #tpu.memory_space<vmem>>
    %dma_wait3A_242 = tpu.memref_squeeze %dma_wait3A_241 : memref<1x1x128x128xf32, #tpu.memory_space<vmem>> -> memref<128x128xf32, #tpu.memory_space<vmem>>
    %dma_wait3A_243 = arith.constant 0 : i32
    %dma_wait3A_244 = arith.constant 0 : i32
    %dma_wait3A_245 = tpu.memref_slice %arg3[%get3A_234, %dma_wait3A_243, %dma_wait3A_244] : memref<1196x128x128xf32, #tpu.memory_space<any>> -> memref<1x128x128xf32, #tpu.memory_space<any>>
    %dma_wait3A_246 = tpu.memref_squeeze %dma_wait3A_245 : memref<1x128x128xf32, #tpu.memory_space<any>> -> memref<128x128xf32, #tpu.memory_space<any>>
    tpu.wait_dma2 semaphore(%dma_wait3A_238 : memref<!tpu.dma_semaphore, #tpu.memory_space<semaphore_mem>>) src(%dma_wait3A_246 : memref<128x128xf32, #tpu.memory_space<any>>) dst(%dma_wait3A_242 : memref<128x128xf32, #tpu.memory_space<vmem>>)
    %mul3A_247 = arith.constant 64 : i32
    %mul3A_248 = arith.muli %arg0, %mul3A_247 : i32
    %add3A_249 = arith.constant 13 : i32
    %add3A_250 = arith.addi %mul3A_248, %add3A_249 : i32
    %get3A_251 = arith.index_cast %add3A_250 : i32 to index
    %get3A_252 = memref.load %arg1[%get3A_251] : memref<512xi32, #tpu.memory_space<smem>>
    %dma_wait3A_253 = arith.constant 13 : i32
    %dma_wait3A_254 = arith.constant 13 : i32
    %dma_wait3A_255 = tpu.memref_slice %arg16[%select_n3A_15, %dma_wait3A_254] : memref<2x64x!tpu.dma_semaphore, #tpu.memory_space<semaphore_mem>> -> memref<1x1x!tpu.dma_semaphore, #tpu.memory_space<semaphore_mem>>
    %dma_wait3A_256 = tpu.memref_squeeze %dma_wait3A_255 : memref<1x1x!tpu.dma_semaphore, #tpu.memory_space<semaphore_mem>> -> memref<!tpu.dma_semaphore, #tpu.memory_space<semaphore_mem>>
    %dma_wait3A_257 = arith.constant 0 : i32
    %dma_wait3A_258 = arith.constant 0 : i32
    %dma_wait3A_259 = tpu.memref_slice %arg15[%select_n3A_15, %dma_wait3A_253, %dma_wait3A_257, %dma_wait3A_258] : memref<2x64x128x128xf32, #tpu.memory_space<vmem>> -> memref<1x1x128x128xf32, #tpu.memory_space<vmem>>
    %dma_wait3A_260 = tpu.memref_squeeze %dma_wait3A_259 : memref<1x1x128x128xf32, #tpu.memory_space<vmem>> -> memref<128x128xf32, #tpu.memory_space<vmem>>
    %dma_wait3A_261 = arith.constant 0 : i32
    %dma_wait3A_262 = arith.constant 0 : i32
    %dma_wait3A_263 = tpu.memref_slice %arg3[%get3A_252, %dma_wait3A_261, %dma_wait3A_262] : memref<1196x128x128xf32, #tpu.memory_space<any>> -> memref<1x128x128xf32, #tpu.memory_space<any>>
    %dma_wait3A_264 = tpu.memref_squeeze %dma_wait3A_263 : memref<1x128x128xf32, #tpu.memory_space<any>> -> memref<128x128xf32, #tpu.memory_space<any>>
    tpu.wait_dma2 semaphore(%dma_wait3A_256 : memref<!tpu.dma_semaphore, #tpu.memory_space<semaphore_mem>>) src(%dma_wait3A_264 : memref<128x128xf32, #tpu.memory_space<any>>) dst(%dma_wait3A_260 : memref<128x128xf32, #tpu.memory_space<vmem>>)
    %mul3A_265 = arith.constant 64 : i32
    %mul3A_266 = arith.muli %arg0, %mul3A_265 : i32
    %add3A_267 = arith.constant 14 : i32
    %add3A_268 = arith.addi %mul3A_266, %add3A_267 : i32
    %get3A_269 = arith.index_cast %add3A_268 : i32 to index
    %get3A_270 = memref.load %arg1[%get3A_269] : memref<512xi32, #tpu.memory_space<smem>>
    %dma_wait3A_271 = arith.constant 14 : i32
    %dma_wait3A_272 = arith.constant 14 : i32
    %dma_wait3A_273 = tpu.memref_slice %arg16[%select_n3A_15, %dma_wait3A_272] : memref<2x64x!tpu.dma_semaphore, #tpu.memory_space<semaphore_mem>> -> memref<1x1x!tpu.dma_semaphore, #tpu.memory_space<semaphore_mem>>
    %dma_wait3A_274 = tpu.memref_squeeze %dma_wait3A_273 : memref<1x1x!tpu.dma_semaphore, #tpu.memory_space<semaphore_mem>> -> memref<!tpu.dma_semaphore, #tpu.memory_space<semaphore_mem>>
    %dma_wait3A_275 = arith.constant 0 : i32
    %dma_wait3A_276 = arith.constant 0 : i32
    %dma_wait3A_277 = tpu.memref_slice %arg15[%select_n3A_15, %dma_wait3A_271, %dma_wait3A_275, %dma_wait3A_276] : memref<2x64x128x128xf32, #tpu.memory_space<vmem>> -> memref<1x1x128x128xf32, #tpu.memory_space<vmem>>
    %dma_wait3A_278 = tpu.memref_squeeze %dma_wait3A_277 : memref<1x1x128x128xf32, #tpu.memory_space<vmem>> -> memref<128x128xf32, #tpu.memory_space<vmem>>
    %dma_wait3A_279 = arith.constant 0 : i32
    %dma_wait3A_280 = arith.constant 0 : i32
    %dma_wait3A_281 = tpu.memref_slice %arg3[%get3A_270, %dma_wait3A_279, %dma_wait3A_280] : memref<1196x128x128xf32, #tpu.memory_space<any>> -> memref<1x128x128xf32, #tpu.memory_space<any>>
    %dma_wait3A_282 = tpu.memref_squeeze %dma_wait3A_281 : memref<1x128x128xf32, #tpu.memory_space<any>> -> memref<128x128xf32, #tpu.memory_space<any>>
    tpu.wait_dma2 semaphore(%dma_wait3A_274 : memref<!tpu.dma_semaphore, #tpu.memory_space<semaphore_mem>>) src(%dma_wait3A_282 : memref<128x128xf32, #tpu.memory_space<any>>) dst(%dma_wait3A_278 : memref<128x128xf32, #tpu.memory_space<vmem>>)
    %mul3A_283 = arith.constant 64 : i32
    %mul3A_284 = arith.muli %arg0, %mul3A_283 : i32
    %add3A_285 = arith.constant 15 : i32
    %add3A_286 = arith.addi %mul3A_284, %add3A_285 : i32
    %get3A_287 = arith.index_cast %add3A_286 : i32 to index
    %get3A_288 = memref.load %arg1[%get3A_287] : memref<512xi32, #tpu.memory_space<smem>>
    %dma_wait3A_289 = arith.constant 15 : i32
    %dma_wait3A_290 = arith.constant 15 : i32
    %dma_wait3A_291 = tpu.memref_slice %arg16[%select_n3A_15, %dma_wait3A_290] : memref<2x64x!tpu.dma_semaphore, #tpu.memory_space<semaphore_mem>> -> memref<1x1x!tpu.dma_semaphore, #tpu.memory_space<semaphore_mem>>
    %dma_wait3A_292 = tpu.memref_squeeze %dma_wait3A_291 : memref<1x1x!tpu.dma_semaphore, #tpu.memory_space<semaphore_mem>> -> memref<!tpu.dma_semaphore, #tpu.memory_space<semaphore_mem>>
    %dma_wait3A_293 = arith.constant 0 : i32
    %dma_wait3A_294 = arith.constant 0 : i32
    %dma_wait3A_295 = tpu.memref_slice %arg15[%select_n3A_15, %dma_wait3A_289, %dma_wait3A_293, %dma_wait3A_294] : memref<2x64x128x128xf32, #tpu.memory_space<vmem>> -> memref<1x1x128x128xf32, #tpu.memory_space<vmem>>
    %dma_wait3A_296 = tpu.memref_squeeze %dma_wait3A_295 : memref<1x1x128x128xf32, #tpu.memory_space<vmem>> -> memref<128x128xf32, #tpu.memory_space<vmem>>
    %dma_wait3A_297 = arith.constant 0 : i32
    %dma_wait3A_298 = arith.constant 0 : i32
    %dma_wait3A_299 = tpu.memref_slice %arg3[%get3A_288, %dma_wait3A_297, %dma_wait3A_298] : memref<1196x128x128xf32, #tpu.memory_space<any>> -> memref<1x128x128xf32, #tpu.memory_space<any>>
    %dma_wait3A_300 = tpu.memref_squeeze %dma_wait3A_299 : memref<1x128x128xf32, #tpu.memory_space<any>> -> memref<128x128xf32, #tpu.memory_space<any>>
    tpu.wait_dma2 semaphore(%dma_wait3A_292 : memref<!tpu.dma_semaphore, #tpu.memory_space<semaphore_mem>>) src(%dma_wait3A_300 : memref<128x128xf32, #tpu.memory_space<any>>) dst(%dma_wait3A_296 : memref<128x128xf32, #tpu.memory_space<vmem>>)
    %mul3A_301 = arith.constant 64 : i32
    %mul3A_302 = arith.muli %arg0, %mul3A_301 : i32
    %add3A_303 = arith.constant 16 : i32
    %add3A_304 = arith.addi %mul3A_302, %add3A_303 : i32
    %get3A_305 = arith.index_cast %add3A_304 : i32 to index
    %get3A_306 = memref.load %arg1[%get3A_305] : memref<512xi32, #tpu.memory_space<smem>>
    %dma_wait3A_307 = arith.constant 16 : i32
    %dma_wait3A_308 = arith.constant 16 : i32
    %dma_wait3A_309 = tpu.memref_slice %arg16[%select_n3A_15, %dma_wait3A_308] : memref<2x64x!tpu.dma_semaphore, #tpu.memory_space<semaphore_mem>> -> memref<1x1x!tpu.dma_semaphore, #tpu.memory_space<semaphore_mem>>
    %dma_wait3A_310 = tpu.memref_squeeze %dma_wait3A_309 : memref<1x1x!tpu.dma_semaphore, #tpu.memory_space<semaphore_mem>> -> memref<!tpu.dma_semaphore, #tpu.memory_space<semaphore_mem>>
    %dma_wait3A_311 = arith.constant 0 : i32
    %dma_wait3A_312 = arith.constant 0 : i32
    %dma_wait3A_313 = tpu.memref_slice %arg15[%select_n3A_15, %dma_wait3A_307, %dma_wait3A_311, %dma_wait3A_312] : memref<2x64x128x128xf32, #tpu.memory_space<vmem>> -> memref<1x1x128x128xf32, #tpu.memory_space<vmem>>
    %dma_wait3A_314 = tpu.memref_squeeze %dma_wait3A_313 : memref<1x1x128x128xf32, #tpu.memory_space<vmem>> -> memref<128x128xf32, #tpu.memory_space<vmem>>
    %dma_wait3A_315 = arith.constant 0 : i32
    %dma_wait3A_316 = arith.constant 0 : i32
    %dma_wait3A_317 = tpu.memref_slice %arg3[%get3A_306, %dma_wait3A_315, %dma_wait3A_316] : memref<1196x128x128xf32, #tpu.memory_space<any>> -> memref<1x128x128xf32, #tpu.memory_space<any>>
    %dma_wait3A_318 = tpu.memref_squeeze %dma_wait3A_317 : memref<1x128x128xf32, #tpu.memory_space<any>> -> memref<128x128xf32, #tpu.memory_space<any>>
    tpu.wait_dma2 semaphore(%dma_wait3A_310 : memref<!tpu.dma_semaphore, #tpu.memory_space<semaphore_mem>>) src(%dma_wait3A_318 : memref<128x128xf32, #tpu.memory_space<any>>) dst(%dma_wait3A_314 : memref<128x128xf32, #tpu.memory_space<vmem>>)
    %mul3A_319 = arith.constant 64 : i32
    %mul3A_320 = arith.muli %arg0, %mul3A_319 : i32
    %add3A_321 = arith.constant 17 : i32
    %add3A_322 = arith.addi %mul3A_320, %add3A_321 : i32
    %get3A_323 = arith.index_cast %add3A_322 : i32 to index
    %get3A_324 = memref.load %arg1[%get3A_323] : memref<512xi32, #tpu.memory_space<smem>>
    %dma_wait3A_325 = arith.constant 17 : i32
    %dma_wait3A_326 = arith.constant 17 : i32
    %dma_wait3A_327 = tpu.memref_slice %arg16[%select_n3A_15, %dma_wait3A_326] : memref<2x64x!tpu.dma_semaphore, #tpu.memory_space<semaphore_mem>> -> memref<1x1x!tpu.dma_semaphore, #tpu.memory_space<semaphore_mem>>
    %dma_wait3A_328 = tpu.memref_squeeze %dma_wait3A_327 : memref<1x1x!tpu.dma_semaphore, #tpu.memory_space<semaphore_mem>> -> memref<!tpu.dma_semaphore, #tpu.memory_space<semaphore_mem>>
    %dma_wait3A_329 = arith.constant 0 : i32
    %dma_wait3A_330 = arith.constant 0 : i32
    %dma_wait3A_331 = tpu.memref_slice %arg15[%select_n3A_15, %dma_wait3A_325, %dma_wait3A_329, %dma_wait3A_330] : memref<2x64x128x128xf32, #tpu.memory_space<vmem>> -> memref<1x1x128x128xf32, #tpu.memory_space<vmem>>
    %dma_wait3A_332 = tpu.memref_squeeze %dma_wait3A_331 : memref<1x1x128x128xf32, #tpu.memory_space<vmem>> -> memref<128x128xf32, #tpu.memory_space<vmem>>
    %dma_wait3A_333 = arith.constant 0 : i32
    %dma_wait3A_334 = arith.constant 0 : i32
    %dma_wait3A_335 = tpu.memref_slice %arg3[%get3A_324, %dma_wait3A_333, %dma_wait3A_334] : memref<1196x128x128xf32, #tpu.memory_space<any>> -> memref<1x128x128xf32, #tpu.memory_space<any>>
    %dma_wait3A_336 = tpu.memref_squeeze %dma_wait3A_335 : memref<1x128x128xf32, #tpu.memory_space<any>> -> memref<128x128xf32, #tpu.memory_space<any>>
    tpu.wait_dma2 semaphore(%dma_wait3A_328 : memref<!tpu.dma_semaphore, #tpu.memory_space<semaphore_mem>>) src(%dma_wait3A_336 : memref<128x128xf32, #tpu.memory_space<any>>) dst(%dma_wait3A_332 : memref<128x128xf32, #tpu.memory_space<vmem>>)
    %mul3A_337 = arith.constant 64 : i32
    %mul3A_338 = arith.muli %arg0, %mul3A_337 : i32
    %add3A_339 = arith.constant 18 : i32
    %add3A_340 = arith.addi %mul3A_338, %add3A_339 : i32
    %get3A_341 = arith.index_cast %add3A_340 : i32 to index
    %get3A_342 = memref.load %arg1[%get3A_341] : memref<512xi32, #tpu.memory_space<smem>>
    %dma_wait3A_343 = arith.constant 18 : i32
    %dma_wait3A_344 = arith.constant 18 : i32
    %dma_wait3A_345 = tpu.memref_slice %arg16[%select_n3A_15, %dma_wait3A_344] : memref<2x64x!tpu.dma_semaphore, #tpu.memory_space<semaphore_mem>> -> memref<1x1x!tpu.dma_semaphore, #tpu.memory_space<semaphore_mem>>
    %dma_wait3A_346 = tpu.memref_squeeze %dma_wait3A_345 : memref<1x1x!tpu.dma_semaphore, #tpu.memory_space<semaphore_mem>> -> memref<!tpu.dma_semaphore, #tpu.memory_space<semaphore_mem>>
    %dma_wait3A_347 = arith.constant 0 : i32
    %dma_wait3A_348 = arith.constant 0 : i32
    %dma_wait3A_349 = tpu.memref_slice %arg15[%select_n3A_15, %dma_wait3A_343, %dma_wait3A_347, %dma_wait3A_348] : memref<2x64x128x128xf32, #tpu.memory_space<vmem>> -> memref<1x1x128x128xf32, #tpu.memory_space<vmem>>
    %dma_wait3A_350 = tpu.memref_squeeze %dma_wait3A_349 : memref<1x1x128x128xf32, #tpu.memory_space<vmem>> -> memref<128x128xf32, #tpu.memory_space<vmem>>
    %dma_wait3A_351 = arith.constant 0 : i32
    %dma_wait3A_352 = arith.constant 0 : i32
    %dma_wait3A_353 = tpu.memref_slice %arg3[%get3A_342, %dma_wait3A_351, %dma_wait3A_352] : memref<1196x128x128xf32, #tpu.memory_space<any>> -> memref<1x128x128xf32, #tpu.memory_space<any>>
    %dma_wait3A_354 = tpu.memref_squeeze %dma_wait3A_353 : memref<1x128x128xf32, #tpu.memory_space<any>> -> memref<128x128xf32, #tpu.memory_space<any>>
    tpu.wait_dma2 semaphore(%dma_wait3A_346 : memref<!tpu.dma_semaphore, #tpu.memory_space<semaphore_mem>>) src(%dma_wait3A_354 : memref<128x128xf32, #tpu.memory_space<any>>) dst(%dma_wait3A_350 : memref<128x128xf32, #tpu.memory_space<vmem>>)
    %mul3A_355 = arith.constant 64 : i32
    %mul3A_356 = arith.muli %arg0, %mul3A_355 : i32
    %add3A_357 = arith.constant 19 : i32
    %add3A_358 = arith.addi %mul3A_356, %add3A_357 : i32
    %get3A_359 = arith.index_cast %add3A_358 : i32 to index
    %get3A_360 = memref.load %arg1[%get3A_359] : memref<512xi32, #tpu.memory_space<smem>>
    %dma_wait3A_361 = arith.constant 19 : i32
    %dma_wait3A_362 = arith.constant 19 : i32
    %dma_wait3A_363 = tpu.memref_slice %arg16[%select_n3A_15, %dma_wait3A_362] : memref<2x64x!tpu.dma_semaphore, #tpu.memory_space<semaphore_mem>> -> memref<1x1x!tpu.dma_semaphore, #tpu.memory_space<semaphore_mem>>
    %dma_wait3A_364 = tpu.memref_squeeze %dma_wait3A_363 : memref<1x1x!tpu.dma_semaphore, #tpu.memory_space<semaphore_mem>> -> memref<!tpu.dma_semaphore, #tpu.memory_space<semaphore_mem>>
    %dma_wait3A_365 = arith.constant 0 : i32
    %dma_wait3A_366 = arith.constant 0 : i32
    %dma_wait3A_367 = tpu.memref_slice %arg15[%select_n3A_15, %dma_wait3A_361, %dma_wait3A_365, %dma_wait3A_366] : memref<2x64x128x128xf32, #tpu.memory_space<vmem>> -> memref<1x1x128x128xf32, #tpu.memory_space<vmem>>
    %dma_wait3A_368 = tpu.memref_squeeze %dma_wait3A_367 : memref<1x1x128x128xf32, #tpu.memory_space<vmem>> -> memref<128x128xf32, #tpu.memory_space<vmem>>
    %dma_wait3A_369 = arith.constant 0 : i32
    %dma_wait3A_370 = arith.constant 0 : i32
    %dma_wait3A_371 = tpu.memref_slice %arg3[%get3A_360, %dma_wait3A_369, %dma_wait3A_370] : memref<1196x128x128xf32, #tpu.memory_space<any>> -> memref<1x128x128xf32, #tpu.memory_space<any>>
    %dma_wait3A_372 = tpu.memref_squeeze %dma_wait3A_371 : memref<1x128x128xf32, #tpu.memory_space<any>> -> memref<128x128xf32, #tpu.memory_space<any>>
    tpu.wait_dma2 semaphore(%dma_wait3A_364 : memref<!tpu.dma_semaphore, #tpu.memory_space<semaphore_mem>>) src(%dma_wait3A_372 : memref<128x128xf32, #tpu.memory_space<any>>) dst(%dma_wait3A_368 : memref<128x128xf32, #tpu.memory_space<vmem>>)
    %mul3A_373 = arith.constant 64 : i32
    %mul3A_374 = arith.muli %arg0, %mul3A_373 : i32
    %add3A_375 = arith.constant 20 : i32
    %add3A_376 = arith.addi %mul3A_374, %add3A_375 : i32
    %get3A_377 = arith.index_cast %add3A_376 : i32 to index
    %get3A_378 = memref.load %arg1[%get3A_377] : memref<512xi32, #tpu.memory_space<smem>>
    %dma_wait3A_379 = arith.constant 20 : i32
    %dma_wait3A_380 = arith.constant 20 : i32
    %dma_wait3A_381 = tpu.memref_slice %arg16[%select_n3A_15, %dma_wait3A_380] : memref<2x64x!tpu.dma_semaphore, #tpu.memory_space<semaphore_mem>> -> memref<1x1x!tpu.dma_semaphore, #tpu.memory_space<semaphore_mem>>
    %dma_wait3A_382 = tpu.memref_squeeze %dma_wait3A_381 : memref<1x1x!tpu.dma_semaphore, #tpu.memory_space<semaphore_mem>> -> memref<!tpu.dma_semaphore, #tpu.memory_space<semaphore_mem>>
    %dma_wait3A_383 = arith.constant 0 : i32
    %dma_wait3A_384 = arith.constant 0 : i32
    %dma_wait3A_385 = tpu.memref_slice %arg15[%select_n3A_15, %dma_wait3A_379, %dma_wait3A_383, %dma_wait3A_384] : memref<2x64x128x128xf32, #tpu.memory_space<vmem>> -> memref<1x1x128x128xf32, #tpu.memory_space<vmem>>
    %dma_wait3A_386 = tpu.memref_squeeze %dma_wait3A_385 : memref<1x1x128x128xf32, #tpu.memory_space<vmem>> -> memref<128x128xf32, #tpu.memory_space<vmem>>
    %dma_wait3A_387 = arith.constant 0 : i32
    %dma_wait3A_388 = arith.constant 0 : i32
    %dma_wait3A_389 = tpu.memref_slice %arg3[%get3A_378, %dma_wait3A_387, %dma_wait3A_388] : memref<1196x128x128xf32, #tpu.memory_space<any>> -> memref<1x128x128xf32, #tpu.memory_space<any>>
    %dma_wait3A_390 = tpu.memref_squeeze %dma_wait3A_389 : memref<1x128x128xf32, #tpu.memory_space<any>> -> memref<128x128xf32, #tpu.memory_space<any>>
    tpu.wait_dma2 semaphore(%dma_wait3A_382 : memref<!tpu.dma_semaphore, #tpu.memory_space<semaphore_mem>>) src(%dma_wait3A_390 : memref<128x128xf32, #tpu.memory_space<any>>) dst(%dma_wait3A_386 : memref<128x128xf32, #tpu.memory_space<vmem>>)
    %mul3A_391 = arith.constant 64 : i32
    %mul3A_392 = arith.muli %arg0, %mul3A_391 : i32
    %add3A_393 = arith.constant 21 : i32
    %add3A_394 = arith.addi %mul3A_392, %add3A_393 : i32
    %get3A_395 = arith.index_cast %add3A_394 : i32 to index
    %get3A_396 = memref.load %arg1[%get3A_395] : memref<512xi32, #tpu.memory_space<smem>>
    %dma_wait3A_397 = arith.constant 21 : i32
    %dma_wait3A_398 = arith.constant 21 : i32
    %dma_wait3A_399 = tpu.memref_slice %arg16[%select_n3A_15, %dma_wait3A_398] : memref<2x64x!tpu.dma_semaphore, #tpu.memory_space<semaphore_mem>> -> memref<1x1x!tpu.dma_semaphore, #tpu.memory_space<semaphore_mem>>
    %dma_wait3A_400 = tpu.memref_squeeze %dma_wait3A_399 : memref<1x1x!tpu.dma_semaphore, #tpu.memory_space<semaphore_mem>> -> memref<!tpu.dma_semaphore, #tpu.memory_space<semaphore_mem>>
    %dma_wait3A_401 = arith.constant 0 : i32
    %dma_wait3A_402 = arith.constant 0 : i32
    %dma_wait3A_403 = tpu.memref_slice %arg15[%select_n3A_15, %dma_wait3A_397, %dma_wait3A_401, %dma_wait3A_402] : memref<2x64x128x128xf32, #tpu.memory_space<vmem>> -> memref<1x1x128x128xf32, #tpu.memory_space<vmem>>
    %dma_wait3A_404 = tpu.memref_squeeze %dma_wait3A_403 : memref<1x1x128x128xf32, #tpu.memory_space<vmem>> -> memref<128x128xf32, #tpu.memory_space<vmem>>
    %dma_wait3A_405 = arith.constant 0 : i32
    %dma_wait3A_406 = arith.constant 0 : i32
    %dma_wait3A_407 = tpu.memref_slice %arg3[%get3A_396, %dma_wait3A_405, %dma_wait3A_406] : memref<1196x128x128xf32, #tpu.memory_space<any>> -> memref<1x128x128xf32, #tpu.memory_space<any>>
    %dma_wait3A_408 = tpu.memref_squeeze %dma_wait3A_407 : memref<1x128x128xf32, #tpu.memory_space<any>> -> memref<128x128xf32, #tpu.memory_space<any>>
    tpu.wait_dma2 semaphore(%dma_wait3A_400 : memref<!tpu.dma_semaphore, #tpu.memory_space<semaphore_mem>>) src(%dma_wait3A_408 : memref<128x128xf32, #tpu.memory_space<any>>) dst(%dma_wait3A_404 : memref<128x128xf32, #tpu.memory_space<vmem>>)
    %mul3A_409 = arith.constant 64 : i32
    %mul3A_410 = arith.muli %arg0, %mul3A_409 : i32
    %add3A_411 = arith.constant 22 : i32
    %add3A_412 = arith.addi %mul3A_410, %add3A_411 : i32
    %get3A_413 = arith.index_cast %add3A_412 : i32 to index
    %get3A_414 = memref.load %arg1[%get3A_413] : memref<512xi32, #tpu.memory_space<smem>>
    %dma_wait3A_415 = arith.constant 22 : i32
    %dma_wait3A_416 = arith.constant 22 : i32
    %dma_wait3A_417 = tpu.memref_slice %arg16[%select_n3A_15, %dma_wait3A_416] : memref<2x64x!tpu.dma_semaphore, #tpu.memory_space<semaphore_mem>> -> memref<1x1x!tpu.dma_semaphore, #tpu.memory_space<semaphore_mem>>
    %dma_wait3A_418 = tpu.memref_squeeze %dma_wait3A_417 : memref<1x1x!tpu.dma_semaphore, #tpu.memory_space<semaphore_mem>> -> memref<!tpu.dma_semaphore, #tpu.memory_space<semaphore_mem>>
    %dma_wait3A_419 = arith.constant 0 : i32
    %dma_wait3A_420 = arith.constant 0 : i32
    %dma_wait3A_421 = tpu.memref_slice %arg15[%select_n3A_15, %dma_wait3A_415, %dma_wait3A_419, %dma_wait3A_420] : memref<2x64x128x128xf32, #tpu.memory_space<vmem>> -> memref<1x1x128x128xf32, #tpu.memory_space<vmem>>
    %dma_wait3A_422 = tpu.memref_squeeze %dma_wait3A_421 : memref<1x1x128x128xf32, #tpu.memory_space<vmem>> -> memref<128x128xf32, #tpu.memory_space<vmem>>
    %dma_wait3A_423 = arith.constant 0 : i32
    %dma_wait3A_424 = arith.constant 0 : i32
    %dma_wait3A_425 = tpu.memref_slice %arg3[%get3A_414, %dma_wait3A_423, %dma_wait3A_424] : memref<1196x128x128xf32, #tpu.memory_space<any>> -> memref<1x128x128xf32, #tpu.memory_space<any>>
    %dma_wait3A_426 = tpu.memref_squeeze %dma_wait3A_425 : memref<1x128x128xf32, #tpu.memory_space<any>> -> memref<128x128xf32, #tpu.memory_space<any>>
    tpu.wait_dma2 semaphore(%dma_wait3A_418 : memref<!tpu.dma_semaphore, #tpu.memory_space<semaphore_mem>>) src(%dma_wait3A_426 : memref<128x128xf32, #tpu.memory_space<any>>) dst(%dma_wait3A_422 : memref<128x128xf32, #tpu.memory_space<vmem>>)
    %mul3A_427 = arith.constant 64 : i32
    %mul3A_428 = arith.muli %arg0, %mul3A_427 : i32
    %add3A_429 = arith.constant 23 : i32
    %add3A_430 = arith.addi %mul3A_428, %add3A_429 : i32
    %get3A_431 = arith.index_cast %add3A_430 : i32 to index
    %get3A_432 = memref.load %arg1[%get3A_431] : memref<512xi32, #tpu.memory_space<smem>>
    %dma_wait3A_433 = arith.constant 23 : i32
    %dma_wait3A_434 = arith.constant 23 : i32
    %dma_wait3A_435 = tpu.memref_slice %arg16[%select_n3A_15, %dma_wait3A_434] : memref<2x64x!tpu.dma_semaphore, #tpu.memory_space<semaphore_mem>> -> memref<1x1x!tpu.dma_semaphore, #tpu.memory_space<semaphore_mem>>
    %dma_wait3A_436 = tpu.memref_squeeze %dma_wait3A_435 : memref<1x1x!tpu.dma_semaphore, #tpu.memory_space<semaphore_mem>> -> memref<!tpu.dma_semaphore, #tpu.memory_space<semaphore_mem>>
    %dma_wait3A_437 = arith.constant 0 : i32
    %dma_wait3A_438 = arith.constant 0 : i32
    %dma_wait3A_439 = tpu.memref_slice %arg15[%select_n3A_15, %dma_wait3A_433, %dma_wait3A_437, %dma_wait3A_438] : memref<2x64x128x128xf32, #tpu.memory_space<vmem>> -> memref<1x1x128x128xf32, #tpu.memory_space<vmem>>
    %dma_wait3A_440 = tpu.memref_squeeze %dma_wait3A_439 : memref<1x1x128x128xf32, #tpu.memory_space<vmem>> -> memref<128x128xf32, #tpu.memory_space<vmem>>
    %dma_wait3A_441 = arith.constant 0 : i32
    %dma_wait3A_442 = arith.constant 0 : i32
    %dma_wait3A_443 = tpu.memref_slice %arg3[%get3A_432, %dma_wait3A_441, %dma_wait3A_442] : memref<1196x128x128xf32, #tpu.memory_space<any>> -> memref<1x128x128xf32, #tpu.memory_space<any>>
    %dma_wait3A_444 = tpu.memref_squeeze %dma_wait3A_443 : memref<1x128x128xf32, #tpu.memory_space<any>> -> memref<128x128xf32, #tpu.memory_space<any>>
    tpu.wait_dma2 semaphore(%dma_wait3A_436 : memref<!tpu.dma_semaphore, #tpu.memory_space<semaphore_mem>>) src(%dma_wait3A_444 : memref<128x128xf32, #tpu.memory_space<any>>) dst(%dma_wait3A_440 : memref<128x128xf32, #tpu.memory_space<vmem>>)
    %mul3A_445 = arith.constant 64 : i32
    %mul3A_446 = arith.muli %arg0, %mul3A_445 : i32
    %add3A_447 = arith.constant 24 : i32
    %add3A_448 = arith.addi %mul3A_446, %add3A_447 : i32
    %get3A_449 = arith.index_cast %add3A_448 : i32 to index
    %get3A_450 = memref.load %arg1[%get3A_449] : memref<512xi32, #tpu.memory_space<smem>>
    %dma_wait3A_451 = arith.constant 24 : i32
    %dma_wait3A_452 = arith.constant 24 : i32
    %dma_wait3A_453 = tpu.memref_slice %arg16[%select_n3A_15, %dma_wait3A_452] : memref<2x64x!tpu.dma_semaphore, #tpu.memory_space<semaphore_mem>> -> memref<1x1x!tpu.dma_semaphore, #tpu.memory_space<semaphore_mem>>
    %dma_wait3A_454 = tpu.memref_squeeze %dma_wait3A_453 : memref<1x1x!tpu.dma_semaphore, #tpu.memory_space<semaphore_mem>> -> memref<!tpu.dma_semaphore, #tpu.memory_space<semaphore_mem>>
    %dma_wait3A_455 = arith.constant 0 : i32
    %dma_wait3A_456 = arith.constant 0 : i32
    %dma_wait3A_457 = tpu.memref_slice %arg15[%select_n3A_15, %dma_wait3A_451, %dma_wait3A_455, %dma_wait3A_456] : memref<2x64x128x128xf32, #tpu.memory_space<vmem>> -> memref<1x1x128x128xf32, #tpu.memory_space<vmem>>
    %dma_wait3A_458 = tpu.memref_squeeze %dma_wait3A_457 : memref<1x1x128x128xf32, #tpu.memory_space<vmem>> -> memref<128x128xf32, #tpu.memory_space<vmem>>
    %dma_wait3A_459 = arith.constant 0 : i32
    %dma_wait3A_460 = arith.constant 0 : i32
    %dma_wait3A_461 = tpu.memref_slice %arg3[%get3A_450, %dma_wait3A_459, %dma_wait3A_460] : memref<1196x128x128xf32, #tpu.memory_space<any>> -> memref<1x128x128xf32, #tpu.memory_space<any>>
    %dma_wait3A_462 = tpu.memref_squeeze %dma_wait3A_461 : memref<1x128x128xf32, #tpu.memory_space<any>> -> memref<128x128xf32, #tpu.memory_space<any>>
    tpu.wait_dma2 semaphore(%dma_wait3A_454 : memref<!tpu.dma_semaphore, #tpu.memory_space<semaphore_mem>>) src(%dma_wait3A_462 : memref<128x128xf32, #tpu.memory_space<any>>) dst(%dma_wait3A_458 : memref<128x128xf32, #tpu.memory_space<vmem>>)
    %mul3A_463 = arith.constant 64 : i32
    %mul3A_464 = arith.muli %arg0, %mul3A_463 : i32
    %add3A_465 = arith.constant 25 : i32
    %add3A_466 = arith.addi %mul3A_464, %add3A_465 : i32
    %get3A_467 = arith.index_cast %add3A_466 : i32 to index
    %get3A_468 = memref.load %arg1[%get3A_467] : memref<512xi32, #tpu.memory_space<smem>>
    %dma_wait3A_469 = arith.constant 25 : i32
    %dma_wait3A_470 = arith.constant 25 : i32
    %dma_wait3A_471 = tpu.memref_slice %arg16[%select_n3A_15, %dma_wait3A_470] : memref<2x64x!tpu.dma_semaphore, #tpu.memory_space<semaphore_mem>> -> memref<1x1x!tpu.dma_semaphore, #tpu.memory_space<semaphore_mem>>
    %dma_wait3A_472 = tpu.memref_squeeze %dma_wait3A_471 : memref<1x1x!tpu.dma_semaphore, #tpu.memory_space<semaphore_mem>> -> memref<!tpu.dma_semaphore, #tpu.memory_space<semaphore_mem>>
    %dma_wait3A_473 = arith.constant 0 : i32
    %dma_wait3A_474 = arith.constant 0 : i32
    %dma_wait3A_475 = tpu.memref_slice %arg15[%select_n3A_15, %dma_wait3A_469, %dma_wait3A_473, %dma_wait3A_474] : memref<2x64x128x128xf32, #tpu.memory_space<vmem>> -> memref<1x1x128x128xf32, #tpu.memory_space<vmem>>
    %dma_wait3A_476 = tpu.memref_squeeze %dma_wait3A_475 : memref<1x1x128x128xf32, #tpu.memory_space<vmem>> -> memref<128x128xf32, #tpu.memory_space<vmem>>
    %dma_wait3A_477 = arith.constant 0 : i32
    %dma_wait3A_478 = arith.constant 0 : i32
    %dma_wait3A_479 = tpu.memref_slice %arg3[%get3A_468, %dma_wait3A_477, %dma_wait3A_478] : memref<1196x128x128xf32, #tpu.memory_space<any>> -> memref<1x128x128xf32, #tpu.memory_space<any>>
    %dma_wait3A_480 = tpu.memref_squeeze %dma_wait3A_479 : memref<1x128x128xf32, #tpu.memory_space<any>> -> memref<128x128xf32, #tpu.memory_space<any>>
    tpu.wait_dma2 semaphore(%dma_wait3A_472 : memref<!tpu.dma_semaphore, #tpu.memory_space<semaphore_mem>>) src(%dma_wait3A_480 : memref<128x128xf32, #tpu.memory_space<any>>) dst(%dma_wait3A_476 : memref<128x128xf32, #tpu.memory_space<vmem>>)
    %mul3A_481 = arith.constant 64 : i32
    %mul3A_482 = arith.muli %arg0, %mul3A_481 : i32
    %add3A_483 = arith.constant 26 : i32
    %add3A_484 = arith.addi %mul3A_482, %add3A_483 : i32
    %get3A_485 = arith.index_cast %add3A_484 : i32 to index
    %get3A_486 = memref.load %arg1[%get3A_485] : memref<512xi32, #tpu.memory_space<smem>>
    %dma_wait3A_487 = arith.constant 26 : i32
    %dma_wait3A_488 = arith.constant 26 : i32
    %dma_wait3A_489 = tpu.memref_slice %arg16[%select_n3A_15, %dma_wait3A_488] : memref<2x64x!tpu.dma_semaphore, #tpu.memory_space<semaphore_mem>> -> memref<1x1x!tpu.dma_semaphore, #tpu.memory_space<semaphore_mem>>
    %dma_wait3A_490 = tpu.memref_squeeze %dma_wait3A_489 : memref<1x1x!tpu.dma_semaphore, #tpu.memory_space<semaphore_mem>> -> memref<!tpu.dma_semaphore, #tpu.memory_space<semaphore_mem>>
    %dma_wait3A_491 = arith.constant 0 : i32
    %dma_wait3A_492 = arith.constant 0 : i32
    %dma_wait3A_493 = tpu.memref_slice %arg15[%select_n3A_15, %dma_wait3A_487, %dma_wait3A_491, %dma_wait3A_492] : memref<2x64x128x128xf32, #tpu.memory_space<vmem>> -> memref<1x1x128x128xf32, #tpu.memory_space<vmem>>
    %dma_wait3A_494 = tpu.memref_squeeze %dma_wait3A_493 : memref<1x1x128x128xf32, #tpu.memory_space<vmem>> -> memref<128x128xf32, #tpu.memory_space<vmem>>
    %dma_wait3A_495 = arith.constant 0 : i32
    %dma_wait3A_496 = arith.constant 0 : i32
    %dma_wait3A_497 = tpu.memref_slice %arg3[%get3A_486, %dma_wait3A_495, %dma_wait3A_496] : memref<1196x128x128xf32, #tpu.memory_space<any>> -> memref<1x128x128xf32, #tpu.memory_space<any>>
    %dma_wait3A_498 = tpu.memref_squeeze %dma_wait3A_497 : memref<1x128x128xf32, #tpu.memory_space<any>> -> memref<128x128xf32, #tpu.memory_space<any>>
    tpu.wait_dma2 semaphore(%dma_wait3A_490 : memref<!tpu.dma_semaphore, #tpu.memory_space<semaphore_mem>>) src(%dma_wait3A_498 : memref<128x128xf32, #tpu.memory_space<any>>) dst(%dma_wait3A_494 : memref<128x128xf32, #tpu.memory_space<vmem>>)
    %mul3A_499 = arith.constant 64 : i32
    %mul3A_500 = arith.muli %arg0, %mul3A_499 : i32
    %add3A_501 = arith.constant 27 : i32
    %add3A_502 = arith.addi %mul3A_500, %add3A_501 : i32
    %get3A_503 = arith.index_cast %add3A_502 : i32 to index
    %get3A_504 = memref.load %arg1[%get3A_503] : memref<512xi32, #tpu.memory_space<smem>>
    %dma_wait3A_505 = arith.constant 27 : i32
    %dma_wait3A_506 = arith.constant 27 : i32
    %dma_wait3A_507 = tpu.memref_slice %arg16[%select_n3A_15, %dma_wait3A_506] : memref<2x64x!tpu.dma_semaphore, #tpu.memory_space<semaphore_mem>> -> memref<1x1x!tpu.dma_semaphore, #tpu.memory_space<semaphore_mem>>
    %dma_wait3A_508 = tpu.memref_squeeze %dma_wait3A_507 : memref<1x1x!tpu.dma_semaphore, #tpu.memory_space<semaphore_mem>> -> memref<!tpu.dma_semaphore, #tpu.memory_space<semaphore_mem>>
    %dma_wait3A_509 = arith.constant 0 : i32
    %dma_wait3A_510 = arith.constant 0 : i32
    %dma_wait3A_511 = tpu.memref_slice %arg15[%select_n3A_15, %dma_wait3A_505, %dma_wait3A_509, %dma_wait3A_510] : memref<2x64x128x128xf32, #tpu.memory_space<vmem>> -> memref<1x1x128x128xf32, #tpu.memory_space<vmem>>
    %dma_wait3A_512 = tpu.memref_squeeze %dma_wait3A_511 : memref<1x1x128x128xf32, #tpu.memory_space<vmem>> -> memref<128x128xf32, #tpu.memory_space<vmem>>
    %dma_wait3A_513 = arith.constant 0 : i32
    %dma_wait3A_514 = arith.constant 0 : i32
    %dma_wait3A_515 = tpu.memref_slice %arg3[%get3A_504, %dma_wait3A_513, %dma_wait3A_514] : memref<1196x128x128xf32, #tpu.memory_space<any>> -> memref<1x128x128xf32, #tpu.memory_space<any>>
    %dma_wait3A_516 = tpu.memref_squeeze %dma_wait3A_515 : memref<1x128x128xf32, #tpu.memory_space<any>> -> memref<128x128xf32, #tpu.memory_space<any>>
    tpu.wait_dma2 semaphore(%dma_wait3A_508 : memref<!tpu.dma_semaphore, #tpu.memory_space<semaphore_mem>>) src(%dma_wait3A_516 : memref<128x128xf32, #tpu.memory_space<any>>) dst(%dma_wait3A_512 : memref<128x128xf32, #tpu.memory_space<vmem>>)
    %mul3A_517 = arith.constant 64 : i32
    %mul3A_518 = arith.muli %arg0, %mul3A_517 : i32
    %add3A_519 = arith.constant 28 : i32
    %add3A_520 = arith.addi %mul3A_518, %add3A_519 : i32
    %get3A_521 = arith.index_cast %add3A_520 : i32 to index
    %get3A_522 = memref.load %arg1[%get3A_521] : memref<512xi32, #tpu.memory_space<smem>>
    %dma_wait3A_523 = arith.constant 28 : i32
    %dma_wait3A_524 = arith.constant 28 : i32
    %dma_wait3A_525 = tpu.memref_slice %arg16[%select_n3A_15, %dma_wait3A_524] : memref<2x64x!tpu.dma_semaphore, #tpu.memory_space<semaphore_mem>> -> memref<1x1x!tpu.dma_semaphore, #tpu.memory_space<semaphore_mem>>
    %dma_wait3A_526 = tpu.memref_squeeze %dma_wait3A_525 : memref<1x1x!tpu.dma_semaphore, #tpu.memory_space<semaphore_mem>> -> memref<!tpu.dma_semaphore, #tpu.memory_space<semaphore_mem>>
    %dma_wait3A_527 = arith.constant 0 : i32
    %dma_wait3A_528 = arith.constant 0 : i32
    %dma_wait3A_529 = tpu.memref_slice %arg15[%select_n3A_15, %dma_wait3A_523, %dma_wait3A_527, %dma_wait3A_528] : memref<2x64x128x128xf32, #tpu.memory_space<vmem>> -> memref<1x1x128x128xf32, #tpu.memory_space<vmem>>
    %dma_wait3A_530 = tpu.memref_squeeze %dma_wait3A_529 : memref<1x1x128x128xf32, #tpu.memory_space<vmem>> -> memref<128x128xf32, #tpu.memory_space<vmem>>
    %dma_wait3A_531 = arith.constant 0 : i32
    %dma_wait3A_532 = arith.constant 0 : i32
    %dma_wait3A_533 = tpu.memref_slice %arg3[%get3A_522, %dma_wait3A_531, %dma_wait3A_532] : memref<1196x128x128xf32, #tpu.memory_space<any>> -> memref<1x128x128xf32, #tpu.memory_space<any>>
    %dma_wait3A_534 = tpu.memref_squeeze %dma_wait3A_533 : memref<1x128x128xf32, #tpu.memory_space<any>> -> memref<128x128xf32, #tpu.memory_space<any>>
    tpu.wait_dma2 semaphore(%dma_wait3A_526 : memref<!tpu.dma_semaphore, #tpu.memory_space<semaphore_mem>>) src(%dma_wait3A_534 : memref<128x128xf32, #tpu.memory_space<any>>) dst(%dma_wait3A_530 : memref<128x128xf32, #tpu.memory_space<vmem>>)
    %mul3A_535 = arith.constant 64 : i32
    %mul3A_536 = arith.muli %arg0, %mul3A_535 : i32
    %add3A_537 = arith.constant 29 : i32
    %add3A_538 = arith.addi %mul3A_536, %add3A_537 : i32
    %get3A_539 = arith.index_cast %add3A_538 : i32 to index
    %get3A_540 = memref.load %arg1[%get3A_539] : memref<512xi32, #tpu.memory_space<smem>>
    %dma_wait3A_541 = arith.constant 29 : i32
    %dma_wait3A_542 = arith.constant 29 : i32
    %dma_wait3A_543 = tpu.memref_slice %arg16[%select_n3A_15, %dma_wait3A_542] : memref<2x64x!tpu.dma_semaphore, #tpu.memory_space<semaphore_mem>> -> memref<1x1x!tpu.dma_semaphore, #tpu.memory_space<semaphore_mem>>
    %dma_wait3A_544 = tpu.memref_squeeze %dma_wait3A_543 : memref<1x1x!tpu.dma_semaphore, #tpu.memory_space<semaphore_mem>> -> memref<!tpu.dma_semaphore, #tpu.memory_space<semaphore_mem>>
    %dma_wait3A_545 = arith.constant 0 : i32
    %dma_wait3A_546 = arith.constant 0 : i32
    %dma_wait3A_547 = tpu.memref_slice %arg15[%select_n3A_15, %dma_wait3A_541, %dma_wait3A_545, %dma_wait3A_546] : memref<2x64x128x128xf32, #tpu.memory_space<vmem>> -> memref<1x1x128x128xf32, #tpu.memory_space<vmem>>
    %dma_wait3A_548 = tpu.memref_squeeze %dma_wait3A_547 : memref<1x1x128x128xf32, #tpu.memory_space<vmem>> -> memref<128x128xf32, #tpu.memory_space<vmem>>
    %dma_wait3A_549 = arith.constant 0 : i32
    %dma_wait3A_550 = arith.constant 0 : i32
    %dma_wait3A_551 = tpu.memref_slice %arg3[%get3A_540, %dma_wait3A_549, %dma_wait3A_550] : memref<1196x128x128xf32, #tpu.memory_space<any>> -> memref<1x128x128xf32, #tpu.memory_space<any>>
    %dma_wait3A_552 = tpu.memref_squeeze %dma_wait3A_551 : memref<1x128x128xf32, #tpu.memory_space<any>> -> memref<128x128xf32, #tpu.memory_space<any>>
    tpu.wait_dma2 semaphore(%dma_wait3A_544 : memref<!tpu.dma_semaphore, #tpu.memory_space<semaphore_mem>>) src(%dma_wait3A_552 : memref<128x128xf32, #tpu.memory_space<any>>) dst(%dma_wait3A_548 : memref<128x128xf32, #tpu.memory_space<vmem>>)
    %mul3A_553 = arith.constant 64 : i32
    %mul3A_554 = arith.muli %arg0, %mul3A_553 : i32
    %add3A_555 = arith.constant 30 : i32
    %add3A_556 = arith.addi %mul3A_554, %add3A_555 : i32
    %get3A_557 = arith.index_cast %add3A_556 : i32 to index
    %get3A_558 = memref.load %arg1[%get3A_557] : memref<512xi32, #tpu.memory_space<smem>>
    %dma_wait3A_559 = arith.constant 30 : i32
    %dma_wait3A_560 = arith.constant 30 : i32
    %dma_wait3A_561 = tpu.memref_slice %arg16[%select_n3A_15, %dma_wait3A_560] : memref<2x64x!tpu.dma_semaphore, #tpu.memory_space<semaphore_mem>> -> memref<1x1x!tpu.dma_semaphore, #tpu.memory_space<semaphore_mem>>
    %dma_wait3A_562 = tpu.memref_squeeze %dma_wait3A_561 : memref<1x1x!tpu.dma_semaphore, #tpu.memory_space<semaphore_mem>> -> memref<!tpu.dma_semaphore, #tpu.memory_space<semaphore_mem>>
    %dma_wait3A_563 = arith.constant 0 : i32
    %dma_wait3A_564 = arith.constant 0 : i32
    %dma_wait3A_565 = tpu.memref_slice %arg15[%select_n3A_15, %dma_wait3A_559, %dma_wait3A_563, %dma_wait3A_564] : memref<2x64x128x128xf32, #tpu.memory_space<vmem>> -> memref<1x1x128x128xf32, #tpu.memory_space<vmem>>
    %dma_wait3A_566 = tpu.memref_squeeze %dma_wait3A_565 : memref<1x1x128x128xf32, #tpu.memory_space<vmem>> -> memref<128x128xf32, #tpu.memory_space<vmem>>
    %dma_wait3A_567 = arith.constant 0 : i32
    %dma_wait3A_568 = arith.constant 0 : i32
    %dma_wait3A_569 = tpu.memref_slice %arg3[%get3A_558, %dma_wait3A_567, %dma_wait3A_568] : memref<1196x128x128xf32, #tpu.memory_space<any>> -> memref<1x128x128xf32, #tpu.memory_space<any>>
    %dma_wait3A_570 = tpu.memref_squeeze %dma_wait3A_569 : memref<1x128x128xf32, #tpu.memory_space<any>> -> memref<128x128xf32, #tpu.memory_space<any>>
    tpu.wait_dma2 semaphore(%dma_wait3A_562 : memref<!tpu.dma_semaphore, #tpu.memory_space<semaphore_mem>>) src(%dma_wait3A_570 : memref<128x128xf32, #tpu.memory_space<any>>) dst(%dma_wait3A_566 : memref<128x128xf32, #tpu.memory_space<vmem>>)
    %mul3A_571 = arith.constant 64 : i32
    %mul3A_572 = arith.muli %arg0, %mul3A_571 : i32
    %add3A_573 = arith.constant 31 : i32
    %add3A_574 = arith.addi %mul3A_572, %add3A_573 : i32
    %get3A_575 = arith.index_cast %add3A_574 : i32 to index
    %get3A_576 = memref.load %arg1[%get3A_575] : memref<512xi32, #tpu.memory_space<smem>>
    %dma_wait3A_577 = arith.constant 31 : i32
    %dma_wait3A_578 = arith.constant 31 : i32
    %dma_wait3A_579 = tpu.memref_slice %arg16[%select_n3A_15, %dma_wait3A_578] : memref<2x64x!tpu.dma_semaphore, #tpu.memory_space<semaphore_mem>> -> memref<1x1x!tpu.dma_semaphore, #tpu.memory_space<semaphore_mem>>
    %dma_wait3A_580 = tpu.memref_squeeze %dma_wait3A_579 : memref<1x1x!tpu.dma_semaphore, #tpu.memory_space<semaphore_mem>> -> memref<!tpu.dma_semaphore, #tpu.memory_space<semaphore_mem>>
    %dma_wait3A_581 = arith.constant 0 : i32
    %dma_wait3A_582 = arith.constant 0 : i32
    %dma_wait3A_583 = tpu.memref_slice %arg15[%select_n3A_15, %dma_wait3A_577, %dma_wait3A_581, %dma_wait3A_582] : memref<2x64x128x128xf32, #tpu.memory_space<vmem>> -> memref<1x1x128x128xf32, #tpu.memory_space<vmem>>
    %dma_wait3A_584 = tpu.memref_squeeze %dma_wait3A_583 : memref<1x1x128x128xf32, #tpu.memory_space<vmem>> -> memref<128x128xf32, #tpu.memory_space<vmem>>
    %dma_wait3A_585 = arith.constant 0 : i32
    %dma_wait3A_586 = arith.constant 0 : i32
    %dma_wait3A_587 = tpu.memref_slice %arg3[%get3A_576, %dma_wait3A_585, %dma_wait3A_586] : memref<1196x128x128xf32, #tpu.memory_space<any>> -> memref<1x128x128xf32, #tpu.memory_space<any>>
    %dma_wait3A_588 = tpu.memref_squeeze %dma_wait3A_587 : memref<1x128x128xf32, #tpu.memory_space<any>> -> memref<128x128xf32, #tpu.memory_space<any>>
    tpu.wait_dma2 semaphore(%dma_wait3A_580 : memref<!tpu.dma_semaphore, #tpu.memory_space<semaphore_mem>>) src(%dma_wait3A_588 : memref<128x128xf32, #tpu.memory_space<any>>) dst(%dma_wait3A_584 : memref<128x128xf32, #tpu.memory_space<vmem>>)
    %mul3A_589 = arith.constant 64 : i32
    %mul3A_590 = arith.muli %arg0, %mul3A_589 : i32
    %add3A_591 = arith.constant 32 : i32
    %add3A_592 = arith.addi %mul3A_590, %add3A_591 : i32
    %get3A_593 = arith.index_cast %add3A_592 : i32 to index
    %get3A_594 = memref.load %arg1[%get3A_593] : memref<512xi32, #tpu.memory_space<smem>>
    %dma_wait3A_595 = arith.constant 32 : i32
    %dma_wait3A_596 = arith.constant 32 : i32
    %dma_wait3A_597 = tpu.memref_slice %arg16[%select_n3A_15, %dma_wait3A_596] : memref<2x64x!tpu.dma_semaphore, #tpu.memory_space<semaphore_mem>> -> memref<1x1x!tpu.dma_semaphore, #tpu.memory_space<semaphore_mem>>
    %dma_wait3A_598 = tpu.memref_squeeze %dma_wait3A_597 : memref<1x1x!tpu.dma_semaphore, #tpu.memory_space<semaphore_mem>> -> memref<!tpu.dma_semaphore, #tpu.memory_space<semaphore_mem>>
    %dma_wait3A_599 = arith.constant 0 : i32
    %dma_wait3A_600 = arith.constant 0 : i32
    %dma_wait3A_601 = tpu.memref_slice %arg15[%select_n3A_15, %dma_wait3A_595, %dma_wait3A_599, %dma_wait3A_600] : memref<2x64x128x128xf32, #tpu.memory_space<vmem>> -> memref<1x1x128x128xf32, #tpu.memory_space<vmem>>
    %dma_wait3A_602 = tpu.memref_squeeze %dma_wait3A_601 : memref<1x1x128x128xf32, #tpu.memory_space<vmem>> -> memref<128x128xf32, #tpu.memory_space<vmem>>
    %dma_wait3A_603 = arith.constant 0 : i32
    %dma_wait3A_604 = arith.constant 0 : i32
    %dma_wait3A_605 = tpu.memref_slice %arg3[%get3A_594, %dma_wait3A_603, %dma_wait3A_604] : memref<1196x128x128xf32, #tpu.memory_space<any>> -> memref<1x128x128xf32, #tpu.memory_space<any>>
    %dma_wait3A_606 = tpu.memref_squeeze %dma_wait3A_605 : memref<1x128x128xf32, #tpu.memory_space<any>> -> memref<128x128xf32, #tpu.memory_space<any>>
    tpu.wait_dma2 semaphore(%dma_wait3A_598 : memref<!tpu.dma_semaphore, #tpu.memory_space<semaphore_mem>>) src(%dma_wait3A_606 : memref<128x128xf32, #tpu.memory_space<any>>) dst(%dma_wait3A_602 : memref<128x128xf32, #tpu.memory_space<vmem>>)
    %mul3A_607 = arith.constant 64 : i32
    %mul3A_608 = arith.muli %arg0, %mul3A_607 : i32
    %add3A_609 = arith.constant 33 : i32
    %add3A_610 = arith.addi %mul3A_608, %add3A_609 : i32
    %get3A_611 = arith.index_cast %add3A_610 : i32 to index
    %get3A_612 = memref.load %arg1[%get3A_611] : memref<512xi32, #tpu.memory_space<smem>>
    %dma_wait3A_613 = arith.constant 33 : i32
    %dma_wait3A_614 = arith.constant 33 : i32
    %dma_wait3A_615 = tpu.memref_slice %arg16[%select_n3A_15, %dma_wait3A_614] : memref<2x64x!tpu.dma_semaphore, #tpu.memory_space<semaphore_mem>> -> memref<1x1x!tpu.dma_semaphore, #tpu.memory_space<semaphore_mem>>
    %dma_wait3A_616 = tpu.memref_squeeze %dma_wait3A_615 : memref<1x1x!tpu.dma_semaphore, #tpu.memory_space<semaphore_mem>> -> memref<!tpu.dma_semaphore, #tpu.memory_space<semaphore_mem>>
    %dma_wait3A_617 = arith.constant 0 : i32
    %dma_wait3A_618 = arith.constant 0 : i32
    %dma_wait3A_619 = tpu.memref_slice %arg15[%select_n3A_15, %dma_wait3A_613, %dma_wait3A_617, %dma_wait3A_618] : memref<2x64x128x128xf32, #tpu.memory_space<vmem>> -> memref<1x1x128x128xf32, #tpu.memory_space<vmem>>
    %dma_wait3A_620 = tpu.memref_squeeze %dma_wait3A_619 : memref<1x1x128x128xf32, #tpu.memory_space<vmem>> -> memref<128x128xf32, #tpu.memory_space<vmem>>
    %dma_wait3A_621 = arith.constant 0 : i32
    %dma_wait3A_622 = arith.constant 0 : i32
    %dma_wait3A_623 = tpu.memref_slice %arg3[%get3A_612, %dma_wait3A_621, %dma_wait3A_622] : memref<1196x128x128xf32, #tpu.memory_space<any>> -> memref<1x128x128xf32, #tpu.memory_space<any>>
    %dma_wait3A_624 = tpu.memref_squeeze %dma_wait3A_623 : memref<1x128x128xf32, #tpu.memory_space<any>> -> memref<128x128xf32, #tpu.memory_space<any>>
    tpu.wait_dma2 semaphore(%dma_wait3A_616 : memref<!tpu.dma_semaphore, #tpu.memory_space<semaphore_mem>>) src(%dma_wait3A_624 : memref<128x128xf32, #tpu.memory_space<any>>) dst(%dma_wait3A_620 : memref<128x128xf32, #tpu.memory_space<vmem>>)
    %mul3A_625 = arith.constant 64 : i32
    %mul3A_626 = arith.muli %arg0, %mul3A_625 : i32
    %add3A_627 = arith.constant 34 : i32
    %add3A_628 = arith.addi %mul3A_626, %add3A_627 : i32
    %get3A_629 = arith.index_cast %add3A_628 : i32 to index
    %get3A_630 = memref.load %arg1[%get3A_629] : memref<512xi32, #tpu.memory_space<smem>>
    %dma_wait3A_631 = arith.constant 34 : i32
    %dma_wait3A_632 = arith.constant 34 : i32
    %dma_wait3A_633 = tpu.memref_slice %arg16[%select_n3A_15, %dma_wait3A_632] : memref<2x64x!tpu.dma_semaphore, #tpu.memory_space<semaphore_mem>> -> memref<1x1x!tpu.dma_semaphore, #tpu.memory_space<semaphore_mem>>
    %dma_wait3A_634 = tpu.memref_squeeze %dma_wait3A_633 : memref<1x1x!tpu.dma_semaphore, #tpu.memory_space<semaphore_mem>> -> memref<!tpu.dma_semaphore, #tpu.memory_space<semaphore_mem>>
    %dma_wait3A_635 = arith.constant 0 : i32
    %dma_wait3A_636 = arith.constant 0 : i32
    %dma_wait3A_637 = tpu.memref_slice %arg15[%select_n3A_15, %dma_wait3A_631, %dma_wait3A_635, %dma_wait3A_636] : memref<2x64x128x128xf32, #tpu.memory_space<vmem>> -> memref<1x1x128x128xf32, #tpu.memory_space<vmem>>
    %dma_wait3A_638 = tpu.memref_squeeze %dma_wait3A_637 : memref<1x1x128x128xf32, #tpu.memory_space<vmem>> -> memref<128x128xf32, #tpu.memory_space<vmem>>
    %dma_wait3A_639 = arith.constant 0 : i32
    %dma_wait3A_640 = arith.constant 0 : i32
    %dma_wait3A_641 = tpu.memref_slice %arg3[%get3A_630, %dma_wait3A_639, %dma_wait3A_640] : memref<1196x128x128xf32, #tpu.memory_space<any>> -> memref<1x128x128xf32, #tpu.memory_space<any>>
    %dma_wait3A_642 = tpu.memref_squeeze %dma_wait3A_641 : memref<1x128x128xf32, #tpu.memory_space<any>> -> memref<128x128xf32, #tpu.memory_space<any>>
    tpu.wait_dma2 semaphore(%dma_wait3A_634 : memref<!tpu.dma_semaphore, #tpu.memory_space<semaphore_mem>>) src(%dma_wait3A_642 : memref<128x128xf32, #tpu.memory_space<any>>) dst(%dma_wait3A_638 : memref<128x128xf32, #tpu.memory_space<vmem>>)
    %mul3A_643 = arith.constant 64 : i32
    %mul3A_644 = arith.muli %arg0, %mul3A_643 : i32
    %add3A_645 = arith.constant 35 : i32
    %add3A_646 = arith.addi %mul3A_644, %add3A_645 : i32
    %get3A_647 = arith.index_cast %add3A_646 : i32 to index
    %get3A_648 = memref.load %arg1[%get3A_647] : memref<512xi32, #tpu.memory_space<smem>>
    %dma_wait3A_649 = arith.constant 35 : i32
    %dma_wait3A_650 = arith.constant 35 : i32
    %dma_wait3A_651 = tpu.memref_slice %arg16[%select_n3A_15, %dma_wait3A_650] : memref<2x64x!tpu.dma_semaphore, #tpu.memory_space<semaphore_mem>> -> memref<1x1x!tpu.dma_semaphore, #tpu.memory_space<semaphore_mem>>
    %dma_wait3A_652 = tpu.memref_squeeze %dma_wait3A_651 : memref<1x1x!tpu.dma_semaphore, #tpu.memory_space<semaphore_mem>> -> memref<!tpu.dma_semaphore, #tpu.memory_space<semaphore_mem>>
    %dma_wait3A_653 = arith.constant 0 : i32
    %dma_wait3A_654 = arith.constant 0 : i32
    %dma_wait3A_655 = tpu.memref_slice %arg15[%select_n3A_15, %dma_wait3A_649, %dma_wait3A_653, %dma_wait3A_654] : memref<2x64x128x128xf32, #tpu.memory_space<vmem>> -> memref<1x1x128x128xf32, #tpu.memory_space<vmem>>
    %dma_wait3A_656 = tpu.memref_squeeze %dma_wait3A_655 : memref<1x1x128x128xf32, #tpu.memory_space<vmem>> -> memref<128x128xf32, #tpu.memory_space<vmem>>
    %dma_wait3A_657 = arith.constant 0 : i32
    %dma_wait3A_658 = arith.constant 0 : i32
    %dma_wait3A_659 = tpu.memref_slice %arg3[%get3A_648, %dma_wait3A_657, %dma_wait3A_658] : memref<1196x128x128xf32, #tpu.memory_space<any>> -> memref<1x128x128xf32, #tpu.memory_space<any>>
    %dma_wait3A_660 = tpu.memref_squeeze %dma_wait3A_659 : memref<1x128x128xf32, #tpu.memory_space<any>> -> memref<128x128xf32, #tpu.memory_space<any>>
    tpu.wait_dma2 semaphore(%dma_wait3A_652 : memref<!tpu.dma_semaphore, #tpu.memory_space<semaphore_mem>>) src(%dma_wait3A_660 : memref<128x128xf32, #tpu.memory_space<any>>) dst(%dma_wait3A_656 : memref<128x128xf32, #tpu.memory_space<vmem>>)
    %mul3A_661 = arith.constant 64 : i32
    %mul3A_662 = arith.muli %arg0, %mul3A_661 : i32
    %add3A_663 = arith.constant 36 : i32
    %add3A_664 = arith.addi %mul3A_662, %add3A_663 : i32
    %get3A_665 = arith.index_cast %add3A_664 : i32 to index
    %get3A_666 = memref.load %arg1[%get3A_665] : memref<512xi32, #tpu.memory_space<smem>>
    %dma_wait3A_667 = arith.constant 36 : i32
    %dma_wait3A_668 = arith.constant 36 : i32
    %dma_wait3A_669 = tpu.memref_slice %arg16[%select_n3A_15, %dma_wait3A_668] : memref<2x64x!tpu.dma_semaphore, #tpu.memory_space<semaphore_mem>> -> memref<1x1x!tpu.dma_semaphore, #tpu.memory_space<semaphore_mem>>
    %dma_wait3A_670 = tpu.memref_squeeze %dma_wait3A_669 : memref<1x1x!tpu.dma_semaphore, #tpu.memory_space<semaphore_mem>> -> memref<!tpu.dma_semaphore, #tpu.memory_space<semaphore_mem>>
    %dma_wait3A_671 = arith.constant 0 : i32
    %dma_wait3A_672 = arith.constant 0 : i32
    %dma_wait3A_673 = tpu.memref_slice %arg15[%select_n3A_15, %dma_wait3A_667, %dma_wait3A_671, %dma_wait3A_672] : memref<2x64x128x128xf32, #tpu.memory_space<vmem>> -> memref<1x1x128x128xf32, #tpu.memory_space<vmem>>
    %dma_wait3A_674 = tpu.memref_squeeze %dma_wait3A_673 : memref<1x1x128x128xf32, #tpu.memory_space<vmem>> -> memref<128x128xf32, #tpu.memory_space<vmem>>
    %dma_wait3A_675 = arith.constant 0 : i32
    %dma_wait3A_676 = arith.constant 0 : i32
    %dma_wait3A_677 = tpu.memref_slice %arg3[%get3A_666, %dma_wait3A_675, %dma_wait3A_676] : memref<1196x128x128xf32, #tpu.memory_space<any>> -> memref<1x128x128xf32, #tpu.memory_space<any>>
    %dma_wait3A_678 = tpu.memref_squeeze %dma_wait3A_677 : memref<1x128x128xf32, #tpu.memory_space<any>> -> memref<128x128xf32, #tpu.memory_space<any>>
    tpu.wait_dma2 semaphore(%dma_wait3A_670 : memref<!tpu.dma_semaphore, #tpu.memory_space<semaphore_mem>>) src(%dma_wait3A_678 : memref<128x128xf32, #tpu.memory_space<any>>) dst(%dma_wait3A_674 : memref<128x128xf32, #tpu.memory_space<vmem>>)
    %mul3A_679 = arith.constant 64 : i32
    %mul3A_680 = arith.muli %arg0, %mul3A_679 : i32
    %add3A_681 = arith.constant 37 : i32
    %add3A_682 = arith.addi %mul3A_680, %add3A_681 : i32
    %get3A_683 = arith.index_cast %add3A_682 : i32 to index
    %get3A_684 = memref.load %arg1[%get3A_683] : memref<512xi32, #tpu.memory_space<smem>>
    %dma_wait3A_685 = arith.constant 37 : i32
    %dma_wait3A_686 = arith.constant 37 : i32
    %dma_wait3A_687 = tpu.memref_slice %arg16[%select_n3A_15, %dma_wait3A_686] : memref<2x64x!tpu.dma_semaphore, #tpu.memory_space<semaphore_mem>> -> memref<1x1x!tpu.dma_semaphore, #tpu.memory_space<semaphore_mem>>
    %dma_wait3A_688 = tpu.memref_squeeze %dma_wait3A_687 : memref<1x1x!tpu.dma_semaphore, #tpu.memory_space<semaphore_mem>> -> memref<!tpu.dma_semaphore, #tpu.memory_space<semaphore_mem>>
    %dma_wait3A_689 = arith.constant 0 : i32
    %dma_wait3A_690 = arith.constant 0 : i32
    %dma_wait3A_691 = tpu.memref_slice %arg15[%select_n3A_15, %dma_wait3A_685, %dma_wait3A_689, %dma_wait3A_690] : memref<2x64x128x128xf32, #tpu.memory_space<vmem>> -> memref<1x1x128x128xf32, #tpu.memory_space<vmem>>
    %dma_wait3A_692 = tpu.memref_squeeze %dma_wait3A_691 : memref<1x1x128x128xf32, #tpu.memory_space<vmem>> -> memref<128x128xf32, #tpu.memory_space<vmem>>
    %dma_wait3A_693 = arith.constant 0 : i32
    %dma_wait3A_694 = arith.constant 0 : i32
    %dma_wait3A_695 = tpu.memref_slice %arg3[%get3A_684, %dma_wait3A_693, %dma_wait3A_694] : memref<1196x128x128xf32, #tpu.memory_space<any>> -> memref<1x128x128xf32, #tpu.memory_space<any>>
    %dma_wait3A_696 = tpu.memref_squeeze %dma_wait3A_695 : memref<1x128x128xf32, #tpu.memory_space<any>> -> memref<128x128xf32, #tpu.memory_space<any>>
    tpu.wait_dma2 semaphore(%dma_wait3A_688 : memref<!tpu.dma_semaphore, #tpu.memory_space<semaphore_mem>>) src(%dma_wait3A_696 : memref<128x128xf32, #tpu.memory_space<any>>) dst(%dma_wait3A_692 : memref<128x128xf32, #tpu.memory_space<vmem>>)
    %mul3A_697 = arith.constant 64 : i32
    %mul3A_698 = arith.muli %arg0, %mul3A_697 : i32
    %add3A_699 = arith.constant 38 : i32
    %add3A_700 = arith.addi %mul3A_698, %add3A_699 : i32
    %get3A_701 = arith.index_cast %add3A_700 : i32 to index
    %get3A_702 = memref.load %arg1[%get3A_701] : memref<512xi32, #tpu.memory_space<smem>>
    %dma_wait3A_703 = arith.constant 38 : i32
    %dma_wait3A_704 = arith.constant 38 : i32
    %dma_wait3A_705 = tpu.memref_slice %arg16[%select_n3A_15, %dma_wait3A_704] : memref<2x64x!tpu.dma_semaphore, #tpu.memory_space<semaphore_mem>> -> memref<1x1x!tpu.dma_semaphore, #tpu.memory_space<semaphore_mem>>
    %dma_wait3A_706 = tpu.memref_squeeze %dma_wait3A_705 : memref<1x1x!tpu.dma_semaphore, #tpu.memory_space<semaphore_mem>> -> memref<!tpu.dma_semaphore, #tpu.memory_space<semaphore_mem>>
    %dma_wait3A_707 = arith.constant 0 : i32
    %dma_wait3A_708 = arith.constant 0 : i32
    %dma_wait3A_709 = tpu.memref_slice %arg15[%select_n3A_15, %dma_wait3A_703, %dma_wait3A_707, %dma_wait3A_708] : memref<2x64x128x128xf32, #tpu.memory_space<vmem>> -> memref<1x1x128x128xf32, #tpu.memory_space<vmem>>
    %dma_wait3A_710 = tpu.memref_squeeze %dma_wait3A_709 : memref<1x1x128x128xf32, #tpu.memory_space<vmem>> -> memref<128x128xf32, #tpu.memory_space<vmem>>
    %dma_wait3A_711 = arith.constant 0 : i32
    %dma_wait3A_712 = arith.constant 0 : i32
    %dma_wait3A_713 = tpu.memref_slice %arg3[%get3A_702, %dma_wait3A_711, %dma_wait3A_712] : memref<1196x128x128xf32, #tpu.memory_space<any>> -> memref<1x128x128xf32, #tpu.memory_space<any>>
    %dma_wait3A_714 = tpu.memref_squeeze %dma_wait3A_713 : memref<1x128x128xf32, #tpu.memory_space<any>> -> memref<128x128xf32, #tpu.memory_space<any>>
    tpu.wait_dma2 semaphore(%dma_wait3A_706 : memref<!tpu.dma_semaphore, #tpu.memory_space<semaphore_mem>>) src(%dma_wait3A_714 : memref<128x128xf32, #tpu.memory_space<any>>) dst(%dma_wait3A_710 : memref<128x128xf32, #tpu.memory_space<vmem>>)
    %mul3A_715 = arith.constant 64 : i32
    %mul3A_716 = arith.muli %arg0, %mul3A_715 : i32
    %add3A_717 = arith.constant 39 : i32
    %add3A_718 = arith.addi %mul3A_716, %add3A_717 : i32
    %get3A_719 = arith.index_cast %add3A_718 : i32 to index
    %get3A_720 = memref.load %arg1[%get3A_719] : memref<512xi32, #tpu.memory_space<smem>>
    %dma_wait3A_721 = arith.constant 39 : i32
    %dma_wait3A_722 = arith.constant 39 : i32
    %dma_wait3A_723 = tpu.memref_slice %arg16[%select_n3A_15, %dma_wait3A_722] : memref<2x64x!tpu.dma_semaphore, #tpu.memory_space<semaphore_mem>> -> memref<1x1x!tpu.dma_semaphore, #tpu.memory_space<semaphore_mem>>
    %dma_wait3A_724 = tpu.memref_squeeze %dma_wait3A_723 : memref<1x1x!tpu.dma_semaphore, #tpu.memory_space<semaphore_mem>> -> memref<!tpu.dma_semaphore, #tpu.memory_space<semaphore_mem>>
    %dma_wait3A_725 = arith.constant 0 : i32
    %dma_wait3A_726 = arith.constant 0 : i32
    %dma_wait3A_727 = tpu.memref_slice %arg15[%select_n3A_15, %dma_wait3A_721, %dma_wait3A_725, %dma_wait3A_726] : memref<2x64x128x128xf32, #tpu.memory_space<vmem>> -> memref<1x1x128x128xf32, #tpu.memory_space<vmem>>
    %dma_wait3A_728 = tpu.memref_squeeze %dma_wait3A_727 : memref<1x1x128x128xf32, #tpu.memory_space<vmem>> -> memref<128x128xf32, #tpu.memory_space<vmem>>
    %dma_wait3A_729 = arith.constant 0 : i32
    %dma_wait3A_730 = arith.constant 0 : i32
    %dma_wait3A_731 = tpu.memref_slice %arg3[%get3A_720, %dma_wait3A_729, %dma_wait3A_730] : memref<1196x128x128xf32, #tpu.memory_space<any>> -> memref<1x128x128xf32, #tpu.memory_space<any>>
    %dma_wait3A_732 = tpu.memref_squeeze %dma_wait3A_731 : memref<1x128x128xf32, #tpu.memory_space<any>> -> memref<128x128xf32, #tpu.memory_space<any>>
    tpu.wait_dma2 semaphore(%dma_wait3A_724 : memref<!tpu.dma_semaphore, #tpu.memory_space<semaphore_mem>>) src(%dma_wait3A_732 : memref<128x128xf32, #tpu.memory_space<any>>) dst(%dma_wait3A_728 : memref<128x128xf32, #tpu.memory_space<vmem>>)
    %mul3A_733 = arith.constant 64 : i32
    %mul3A_734 = arith.muli %arg0, %mul3A_733 : i32
    %add3A_735 = arith.constant 40 : i32
    %add3A_736 = arith.addi %mul3A_734, %add3A_735 : i32
    %get3A_737 = arith.index_cast %add3A_736 : i32 to index
    %get3A_738 = memref.load %arg1[%get3A_737] : memref<512xi32, #tpu.memory_space<smem>>
    %dma_wait3A_739 = arith.constant 40 : i32
    %dma_wait3A_740 = arith.constant 40 : i32
    %dma_wait3A_741 = tpu.memref_slice %arg16[%select_n3A_15, %dma_wait3A_740] : memref<2x64x!tpu.dma_semaphore, #tpu.memory_space<semaphore_mem>> -> memref<1x1x!tpu.dma_semaphore, #tpu.memory_space<semaphore_mem>>
    %dma_wait3A_742 = tpu.memref_squeeze %dma_wait3A_741 : memref<1x1x!tpu.dma_semaphore, #tpu.memory_space<semaphore_mem>> -> memref<!tpu.dma_semaphore, #tpu.memory_space<semaphore_mem>>
    %dma_wait3A_743 = arith.constant 0 : i32
    %dma_wait3A_744 = arith.constant 0 : i32
    %dma_wait3A_745 = tpu.memref_slice %arg15[%select_n3A_15, %dma_wait3A_739, %dma_wait3A_743, %dma_wait3A_744] : memref<2x64x128x128xf32, #tpu.memory_space<vmem>> -> memref<1x1x128x128xf32, #tpu.memory_space<vmem>>
    %dma_wait3A_746 = tpu.memref_squeeze %dma_wait3A_745 : memref<1x1x128x128xf32, #tpu.memory_space<vmem>> -> memref<128x128xf32, #tpu.memory_space<vmem>>
    %dma_wait3A_747 = arith.constant 0 : i32
    %dma_wait3A_748 = arith.constant 0 : i32
    %dma_wait3A_749 = tpu.memref_slice %arg3[%get3A_738, %dma_wait3A_747, %dma_wait3A_748] : memref<1196x128x128xf32, #tpu.memory_space<any>> -> memref<1x128x128xf32, #tpu.memory_space<any>>
    %dma_wait3A_750 = tpu.memref_squeeze %dma_wait3A_749 : memref<1x128x128xf32, #tpu.memory_space<any>> -> memref<128x128xf32, #tpu.memory_space<any>>
    tpu.wait_dma2 semaphore(%dma_wait3A_742 : memref<!tpu.dma_semaphore, #tpu.memory_space<semaphore_mem>>) src(%dma_wait3A_750 : memref<128x128xf32, #tpu.memory_space<any>>) dst(%dma_wait3A_746 : memref<128x128xf32, #tpu.memory_space<vmem>>)
    %mul3A_751 = arith.constant 64 : i32
    %mul3A_752 = arith.muli %arg0, %mul3A_751 : i32
    %add3A_753 = arith.constant 41 : i32
    %add3A_754 = arith.addi %mul3A_752, %add3A_753 : i32
    %get3A_755 = arith.index_cast %add3A_754 : i32 to index
    %get3A_756 = memref.load %arg1[%get3A_755] : memref<512xi32, #tpu.memory_space<smem>>
    %dma_wait3A_757 = arith.constant 41 : i32
    %dma_wait3A_758 = arith.constant 41 : i32
    %dma_wait3A_759 = tpu.memref_slice %arg16[%select_n3A_15, %dma_wait3A_758] : memref<2x64x!tpu.dma_semaphore, #tpu.memory_space<semaphore_mem>> -> memref<1x1x!tpu.dma_semaphore, #tpu.memory_space<semaphore_mem>>
    %dma_wait3A_760 = tpu.memref_squeeze %dma_wait3A_759 : memref<1x1x!tpu.dma_semaphore, #tpu.memory_space<semaphore_mem>> -> memref<!tpu.dma_semaphore, #tpu.memory_space<semaphore_mem>>
    %dma_wait3A_761 = arith.constant 0 : i32
    %dma_wait3A_762 = arith.constant 0 : i32
    %dma_wait3A_763 = tpu.memref_slice %arg15[%select_n3A_15, %dma_wait3A_757, %dma_wait3A_761, %dma_wait3A_762] : memref<2x64x128x128xf32, #tpu.memory_space<vmem>> -> memref<1x1x128x128xf32, #tpu.memory_space<vmem>>
    %dma_wait3A_764 = tpu.memref_squeeze %dma_wait3A_763 : memref<1x1x128x128xf32, #tpu.memory_space<vmem>> -> memref<128x128xf32, #tpu.memory_space<vmem>>
    %dma_wait3A_765 = arith.constant 0 : i32
    %dma_wait3A_766 = arith.constant 0 : i32
    %dma_wait3A_767 = tpu.memref_slice %arg3[%get3A_756, %dma_wait3A_765, %dma_wait3A_766] : memref<1196x128x128xf32, #tpu.memory_space<any>> -> memref<1x128x128xf32, #tpu.memory_space<any>>
    %dma_wait3A_768 = tpu.memref_squeeze %dma_wait3A_767 : memref<1x128x128xf32, #tpu.memory_space<any>> -> memref<128x128xf32, #tpu.memory_space<any>>
    tpu.wait_dma2 semaphore(%dma_wait3A_760 : memref<!tpu.dma_semaphore, #tpu.memory_space<semaphore_mem>>) src(%dma_wait3A_768 : memref<128x128xf32, #tpu.memory_space<any>>) dst(%dma_wait3A_764 : memref<128x128xf32, #tpu.memory_space<vmem>>)
    %mul3A_769 = arith.constant 64 : i32
    %mul3A_770 = arith.muli %arg0, %mul3A_769 : i32
    %add3A_771 = arith.constant 42 : i32
    %add3A_772 = arith.addi %mul3A_770, %add3A_771 : i32
    %get3A_773 = arith.index_cast %add3A_772 : i32 to index
    %get3A_774 = memref.load %arg1[%get3A_773] : memref<512xi32, #tpu.memory_space<smem>>
    %dma_wait3A_775 = arith.constant 42 : i32
    %dma_wait3A_776 = arith.constant 42 : i32
    %dma_wait3A_777 = tpu.memref_slice %arg16[%select_n3A_15, %dma_wait3A_776] : memref<2x64x!tpu.dma_semaphore, #tpu.memory_space<semaphore_mem>> -> memref<1x1x!tpu.dma_semaphore, #tpu.memory_space<semaphore_mem>>
    %dma_wait3A_778 = tpu.memref_squeeze %dma_wait3A_777 : memref<1x1x!tpu.dma_semaphore, #tpu.memory_space<semaphore_mem>> -> memref<!tpu.dma_semaphore, #tpu.memory_space<semaphore_mem>>
    %dma_wait3A_779 = arith.constant 0 : i32
    %dma_wait3A_780 = arith.constant 0 : i32
    %dma_wait3A_781 = tpu.memref_slice %arg15[%select_n3A_15, %dma_wait3A_775, %dma_wait3A_779, %dma_wait3A_780] : memref<2x64x128x128xf32, #tpu.memory_space<vmem>> -> memref<1x1x128x128xf32, #tpu.memory_space<vmem>>
    %dma_wait3A_782 = tpu.memref_squeeze %dma_wait3A_781 : memref<1x1x128x128xf32, #tpu.memory_space<vmem>> -> memref<128x128xf32, #tpu.memory_space<vmem>>
    %dma_wait3A_783 = arith.constant 0 : i32
    %dma_wait3A_784 = arith.constant 0 : i32
    %dma_wait3A_785 = tpu.memref_slice %arg3[%get3A_774, %dma_wait3A_783, %dma_wait3A_784] : memref<1196x128x128xf32, #tpu.memory_space<any>> -> memref<1x128x128xf32, #tpu.memory_space<any>>
    %dma_wait3A_786 = tpu.memref_squeeze %dma_wait3A_785 : memref<1x128x128xf32, #tpu.memory_space<any>> -> memref<128x128xf32, #tpu.memory_space<any>>
    tpu.wait_dma2 semaphore(%dma_wait3A_778 : memref<!tpu.dma_semaphore, #tpu.memory_space<semaphore_mem>>) src(%dma_wait3A_786 : memref<128x128xf32, #tpu.memory_space<any>>) dst(%dma_wait3A_782 : memref<128x128xf32, #tpu.memory_space<vmem>>)
    %mul3A_787 = arith.constant 64 : i32
    %mul3A_788 = arith.muli %arg0, %mul3A_787 : i32
    %add3A_789 = arith.constant 43 : i32
    %add3A_790 = arith.addi %mul3A_788, %add3A_789 : i32
    %get3A_791 = arith.index_cast %add3A_790 : i32 to index
    %get3A_792 = memref.load %arg1[%get3A_791] : memref<512xi32, #tpu.memory_space<smem>>
    %dma_wait3A_793 = arith.constant 43 : i32
    %dma_wait3A_794 = arith.constant 43 : i32
    %dma_wait3A_795 = tpu.memref_slice %arg16[%select_n3A_15, %dma_wait3A_794] : memref<2x64x!tpu.dma_semaphore, #tpu.memory_space<semaphore_mem>> -> memref<1x1x!tpu.dma_semaphore, #tpu.memory_space<semaphore_mem>>
    %dma_wait3A_796 = tpu.memref_squeeze %dma_wait3A_795 : memref<1x1x!tpu.dma_semaphore, #tpu.memory_space<semaphore_mem>> -> memref<!tpu.dma_semaphore, #tpu.memory_space<semaphore_mem>>
    %dma_wait3A_797 = arith.constant 0 : i32
    %dma_wait3A_798 = arith.constant 0 : i32
    %dma_wait3A_799 = tpu.memref_slice %arg15[%select_n3A_15, %dma_wait3A_793, %dma_wait3A_797, %dma_wait3A_798] : memref<2x64x128x128xf32, #tpu.memory_space<vmem>> -> memref<1x1x128x128xf32, #tpu.memory_space<vmem>>
    %dma_wait3A_800 = tpu.memref_squeeze %dma_wait3A_799 : memref<1x1x128x128xf32, #tpu.memory_space<vmem>> -> memref<128x128xf32, #tpu.memory_space<vmem>>
    %dma_wait3A_801 = arith.constant 0 : i32
    %dma_wait3A_802 = arith.constant 0 : i32
    %dma_wait3A_803 = tpu.memref_slice %arg3[%get3A_792, %dma_wait3A_801, %dma_wait3A_802] : memref<1196x128x128xf32, #tpu.memory_space<any>> -> memref<1x128x128xf32, #tpu.memory_space<any>>
    %dma_wait3A_804 = tpu.memref_squeeze %dma_wait3A_803 : memref<1x128x128xf32, #tpu.memory_space<any>> -> memref<128x128xf32, #tpu.memory_space<any>>
    tpu.wait_dma2 semaphore(%dma_wait3A_796 : memref<!tpu.dma_semaphore, #tpu.memory_space<semaphore_mem>>) src(%dma_wait3A_804 : memref<128x128xf32, #tpu.memory_space<any>>) dst(%dma_wait3A_800 : memref<128x128xf32, #tpu.memory_space<vmem>>)
    %mul3A_805 = arith.constant 64 : i32
    %mul3A_806 = arith.muli %arg0, %mul3A_805 : i32
    %add3A_807 = arith.constant 44 : i32
    %add3A_808 = arith.addi %mul3A_806, %add3A_807 : i32
    %get3A_809 = arith.index_cast %add3A_808 : i32 to index
    %get3A_810 = memref.load %arg1[%get3A_809] : memref<512xi32, #tpu.memory_space<smem>>
    %dma_wait3A_811 = arith.constant 44 : i32
    %dma_wait3A_812 = arith.constant 44 : i32
    %dma_wait3A_813 = tpu.memref_slice %arg16[%select_n3A_15, %dma_wait3A_812] : memref<2x64x!tpu.dma_semaphore, #tpu.memory_space<semaphore_mem>> -> memref<1x1x!tpu.dma_semaphore, #tpu.memory_space<semaphore_mem>>
    %dma_wait3A_814 = tpu.memref_squeeze %dma_wait3A_813 : memref<1x1x!tpu.dma_semaphore, #tpu.memory_space<semaphore_mem>> -> memref<!tpu.dma_semaphore, #tpu.memory_space<semaphore_mem>>
    %dma_wait3A_815 = arith.constant 0 : i32
    %dma_wait3A_816 = arith.constant 0 : i32
    %dma_wait3A_817 = tpu.memref_slice %arg15[%select_n3A_15, %dma_wait3A_811, %dma_wait3A_815, %dma_wait3A_816] : memref<2x64x128x128xf32, #tpu.memory_space<vmem>> -> memref<1x1x128x128xf32, #tpu.memory_space<vmem>>
    %dma_wait3A_818 = tpu.memref_squeeze %dma_wait3A_817 : memref<1x1x128x128xf32, #tpu.memory_space<vmem>> -> memref<128x128xf32, #tpu.memory_space<vmem>>
    %dma_wait3A_819 = arith.constant 0 : i32
    %dma_wait3A_820 = arith.constant 0 : i32
    %dma_wait3A_821 = tpu.memref_slice %arg3[%get3A_810, %dma_wait3A_819, %dma_wait3A_820] : memref<1196x128x128xf32, #tpu.memory_space<any>> -> memref<1x128x128xf32, #tpu.memory_space<any>>
    %dma_wait3A_822 = tpu.memref_squeeze %dma_wait3A_821 : memref<1x128x128xf32, #tpu.memory_space<any>> -> memref<128x128xf32, #tpu.memory_space<any>>
    tpu.wait_dma2 semaphore(%dma_wait3A_814 : memref<!tpu.dma_semaphore, #tpu.memory_space<semaphore_mem>>) src(%dma_wait3A_822 : memref<128x128xf32, #tpu.memory_space<any>>) dst(%dma_wait3A_818 : memref<128x128xf32, #tpu.memory_space<vmem>>)
    %mul3A_823 = arith.constant 64 : i32
    %mul3A_824 = arith.muli %arg0, %mul3A_823 : i32
    %add3A_825 = arith.constant 45 : i32
    %add3A_826 = arith.addi %mul3A_824, %add3A_825 : i32
    %get3A_827 = arith.index_cast %add3A_826 : i32 to index
    %get3A_828 = memref.load %arg1[%get3A_827] : memref<512xi32, #tpu.memory_space<smem>>
    %dma_wait3A_829 = arith.constant 45 : i32
    %dma_wait3A_830 = arith.constant 45 : i32
    %dma_wait3A_831 = tpu.memref_slice %arg16[%select_n3A_15, %dma_wait3A_830] : memref<2x64x!tpu.dma_semaphore, #tpu.memory_space<semaphore_mem>> -> memref<1x1x!tpu.dma_semaphore, #tpu.memory_space<semaphore_mem>>
    %dma_wait3A_832 = tpu.memref_squeeze %dma_wait3A_831 : memref<1x1x!tpu.dma_semaphore, #tpu.memory_space<semaphore_mem>> -> memref<!tpu.dma_semaphore, #tpu.memory_space<semaphore_mem>>
    %dma_wait3A_833 = arith.constant 0 : i32
    %dma_wait3A_834 = arith.constant 0 : i32
    %dma_wait3A_835 = tpu.memref_slice %arg15[%select_n3A_15, %dma_wait3A_829, %dma_wait3A_833, %dma_wait3A_834] : memref<2x64x128x128xf32, #tpu.memory_space<vmem>> -> memref<1x1x128x128xf32, #tpu.memory_space<vmem>>
    %dma_wait3A_836 = tpu.memref_squeeze %dma_wait3A_835 : memref<1x1x128x128xf32, #tpu.memory_space<vmem>> -> memref<128x128xf32, #tpu.memory_space<vmem>>
    %dma_wait3A_837 = arith.constant 0 : i32
    %dma_wait3A_838 = arith.constant 0 : i32
    %dma_wait3A_839 = tpu.memref_slice %arg3[%get3A_828, %dma_wait3A_837, %dma_wait3A_838] : memref<1196x128x128xf32, #tpu.memory_space<any>> -> memref<1x128x128xf32, #tpu.memory_space<any>>
    %dma_wait3A_840 = tpu.memref_squeeze %dma_wait3A_839 : memref<1x128x128xf32, #tpu.memory_space<any>> -> memref<128x128xf32, #tpu.memory_space<any>>
    tpu.wait_dma2 semaphore(%dma_wait3A_832 : memref<!tpu.dma_semaphore, #tpu.memory_space<semaphore_mem>>) src(%dma_wait3A_840 : memref<128x128xf32, #tpu.memory_space<any>>) dst(%dma_wait3A_836 : memref<128x128xf32, #tpu.memory_space<vmem>>)
    %mul3A_841 = arith.constant 64 : i32
    %mul3A_842 = arith.muli %arg0, %mul3A_841 : i32
    %add3A_843 = arith.constant 46 : i32
    %add3A_844 = arith.addi %mul3A_842, %add3A_843 : i32
    %get3A_845 = arith.index_cast %add3A_844 : i32 to index
    %get3A_846 = memref.load %arg1[%get3A_845] : memref<512xi32, #tpu.memory_space<smem>>
    %dma_wait3A_847 = arith.constant 46 : i32
    %dma_wait3A_848 = arith.constant 46 : i32
    %dma_wait3A_849 = tpu.memref_slice %arg16[%select_n3A_15, %dma_wait3A_848] : memref<2x64x!tpu.dma_semaphore, #tpu.memory_space<semaphore_mem>> -> memref<1x1x!tpu.dma_semaphore, #tpu.memory_space<semaphore_mem>>
    %dma_wait3A_850 = tpu.memref_squeeze %dma_wait3A_849 : memref<1x1x!tpu.dma_semaphore, #tpu.memory_space<semaphore_mem>> -> memref<!tpu.dma_semaphore, #tpu.memory_space<semaphore_mem>>
    %dma_wait3A_851 = arith.constant 0 : i32
    %dma_wait3A_852 = arith.constant 0 : i32
    %dma_wait3A_853 = tpu.memref_slice %arg15[%select_n3A_15, %dma_wait3A_847, %dma_wait3A_851, %dma_wait3A_852] : memref<2x64x128x128xf32, #tpu.memory_space<vmem>> -> memref<1x1x128x128xf32, #tpu.memory_space<vmem>>
    %dma_wait3A_854 = tpu.memref_squeeze %dma_wait3A_853 : memref<1x1x128x128xf32, #tpu.memory_space<vmem>> -> memref<128x128xf32, #tpu.memory_space<vmem>>
    %dma_wait3A_855 = arith.constant 0 : i32
    %dma_wait3A_856 = arith.constant 0 : i32
    %dma_wait3A_857 = tpu.memref_slice %arg3[%get3A_846, %dma_wait3A_855, %dma_wait3A_856] : memref<1196x128x128xf32, #tpu.memory_space<any>> -> memref<1x128x128xf32, #tpu.memory_space<any>>
    %dma_wait3A_858 = tpu.memref_squeeze %dma_wait3A_857 : memref<1x128x128xf32, #tpu.memory_space<any>> -> memref<128x128xf32, #tpu.memory_space<any>>
    tpu.wait_dma2 semaphore(%dma_wait3A_850 : memref<!tpu.dma_semaphore, #tpu.memory_space<semaphore_mem>>) src(%dma_wait3A_858 : memref<128x128xf32, #tpu.memory_space<any>>) dst(%dma_wait3A_854 : memref<128x128xf32, #tpu.memory_space<vmem>>)
    %mul3A_859 = arith.constant 64 : i32
    %mul3A_860 = arith.muli %arg0, %mul3A_859 : i32
    %add3A_861 = arith.constant 47 : i32
    %add3A_862 = arith.addi %mul3A_860, %add3A_861 : i32
    %get3A_863 = arith.index_cast %add3A_862 : i32 to index
    %get3A_864 = memref.load %arg1[%get3A_863] : memref<512xi32, #tpu.memory_space<smem>>
    %dma_wait3A_865 = arith.constant 47 : i32
    %dma_wait3A_866 = arith.constant 47 : i32
    %dma_wait3A_867 = tpu.memref_slice %arg16[%select_n3A_15, %dma_wait3A_866] : memref<2x64x!tpu.dma_semaphore, #tpu.memory_space<semaphore_mem>> -> memref<1x1x!tpu.dma_semaphore, #tpu.memory_space<semaphore_mem>>
    %dma_wait3A_868 = tpu.memref_squeeze %dma_wait3A_867 : memref<1x1x!tpu.dma_semaphore, #tpu.memory_space<semaphore_mem>> -> memref<!tpu.dma_semaphore, #tpu.memory_space<semaphore_mem>>
    %dma_wait3A_869 = arith.constant 0 : i32
    %dma_wait3A_870 = arith.constant 0 : i32
    %dma_wait3A_871 = tpu.memref_slice %arg15[%select_n3A_15, %dma_wait3A_865, %dma_wait3A_869, %dma_wait3A_870] : memref<2x64x128x128xf32, #tpu.memory_space<vmem>> -> memref<1x1x128x128xf32, #tpu.memory_space<vmem>>
    %dma_wait3A_872 = tpu.memref_squeeze %dma_wait3A_871 : memref<1x1x128x128xf32, #tpu.memory_space<vmem>> -> memref<128x128xf32, #tpu.memory_space<vmem>>
    %dma_wait3A_873 = arith.constant 0 : i32
    %dma_wait3A_874 = arith.constant 0 : i32
    %dma_wait3A_875 = tpu.memref_slice %arg3[%get3A_864, %dma_wait3A_873, %dma_wait3A_874] : memref<1196x128x128xf32, #tpu.memory_space<any>> -> memref<1x128x128xf32, #tpu.memory_space<any>>
    %dma_wait3A_876 = tpu.memref_squeeze %dma_wait3A_875 : memref<1x128x128xf32, #tpu.memory_space<any>> -> memref<128x128xf32, #tpu.memory_space<any>>
    tpu.wait_dma2 semaphore(%dma_wait3A_868 : memref<!tpu.dma_semaphore, #tpu.memory_space<semaphore_mem>>) src(%dma_wait3A_876 : memref<128x128xf32, #tpu.memory_space<any>>) dst(%dma_wait3A_872 : memref<128x128xf32, #tpu.memory_space<vmem>>)
    %mul3A_877 = arith.constant 64 : i32
    %mul3A_878 = arith.muli %arg0, %mul3A_877 : i32
    %add3A_879 = arith.constant 48 : i32
    %add3A_880 = arith.addi %mul3A_878, %add3A_879 : i32
    %get3A_881 = arith.index_cast %add3A_880 : i32 to index
    %get3A_882 = memref.load %arg1[%get3A_881] : memref<512xi32, #tpu.memory_space<smem>>
    %dma_wait3A_883 = arith.constant 48 : i32
    %dma_wait3A_884 = arith.constant 48 : i32
    %dma_wait3A_885 = tpu.memref_slice %arg16[%select_n3A_15, %dma_wait3A_884] : memref<2x64x!tpu.dma_semaphore, #tpu.memory_space<semaphore_mem>> -> memref<1x1x!tpu.dma_semaphore, #tpu.memory_space<semaphore_mem>>
    %dma_wait3A_886 = tpu.memref_squeeze %dma_wait3A_885 : memref<1x1x!tpu.dma_semaphore, #tpu.memory_space<semaphore_mem>> -> memref<!tpu.dma_semaphore, #tpu.memory_space<semaphore_mem>>
    %dma_wait3A_887 = arith.constant 0 : i32
    %dma_wait3A_888 = arith.constant 0 : i32
    %dma_wait3A_889 = tpu.memref_slice %arg15[%select_n3A_15, %dma_wait3A_883, %dma_wait3A_887, %dma_wait3A_888] : memref<2x64x128x128xf32, #tpu.memory_space<vmem>> -> memref<1x1x128x128xf32, #tpu.memory_space<vmem>>
    %dma_wait3A_890 = tpu.memref_squeeze %dma_wait3A_889 : memref<1x1x128x128xf32, #tpu.memory_space<vmem>> -> memref<128x128xf32, #tpu.memory_space<vmem>>
    %dma_wait3A_891 = arith.constant 0 : i32
    %dma_wait3A_892 = arith.constant 0 : i32
    %dma_wait3A_893 = tpu.memref_slice %arg3[%get3A_882, %dma_wait3A_891, %dma_wait3A_892] : memref<1196x128x128xf32, #tpu.memory_space<any>> -> memref<1x128x128xf32, #tpu.memory_space<any>>
    %dma_wait3A_894 = tpu.memref_squeeze %dma_wait3A_893 : memref<1x128x128xf32, #tpu.memory_space<any>> -> memref<128x128xf32, #tpu.memory_space<any>>
    tpu.wait_dma2 semaphore(%dma_wait3A_886 : memref<!tpu.dma_semaphore, #tpu.memory_space<semaphore_mem>>) src(%dma_wait3A_894 : memref<128x128xf32, #tpu.memory_space<any>>) dst(%dma_wait3A_890 : memref<128x128xf32, #tpu.memory_space<vmem>>)
    %mul3A_895 = arith.constant 64 : i32
    %mul3A_896 = arith.muli %arg0, %mul3A_895 : i32
    %add3A_897 = arith.constant 49 : i32
    %add3A_898 = arith.addi %mul3A_896, %add3A_897 : i32
    %get3A_899 = arith.index_cast %add3A_898 : i32 to index
    %get3A_900 = memref.load %arg1[%get3A_899] : memref<512xi32, #tpu.memory_space<smem>>
    %dma_wait3A_901 = arith.constant 49 : i32
    %dma_wait3A_902 = arith.constant 49 : i32
    %dma_wait3A_903 = tpu.memref_slice %arg16[%select_n3A_15, %dma_wait3A_902] : memref<2x64x!tpu.dma_semaphore, #tpu.memory_space<semaphore_mem>> -> memref<1x1x!tpu.dma_semaphore, #tpu.memory_space<semaphore_mem>>
    %dma_wait3A_904 = tpu.memref_squeeze %dma_wait3A_903 : memref<1x1x!tpu.dma_semaphore, #tpu.memory_space<semaphore_mem>> -> memref<!tpu.dma_semaphore, #tpu.memory_space<semaphore_mem>>
    %dma_wait3A_905 = arith.constant 0 : i32
    %dma_wait3A_906 = arith.constant 0 : i32
    %dma_wait3A_907 = tpu.memref_slice %arg15[%select_n3A_15, %dma_wait3A_901, %dma_wait3A_905, %dma_wait3A_906] : memref<2x64x128x128xf32, #tpu.memory_space<vmem>> -> memref<1x1x128x128xf32, #tpu.memory_space<vmem>>
    %dma_wait3A_908 = tpu.memref_squeeze %dma_wait3A_907 : memref<1x1x128x128xf32, #tpu.memory_space<vmem>> -> memref<128x128xf32, #tpu.memory_space<vmem>>
    %dma_wait3A_909 = arith.constant 0 : i32
    %dma_wait3A_910 = arith.constant 0 : i32
    %dma_wait3A_911 = tpu.memref_slice %arg3[%get3A_900, %dma_wait3A_909, %dma_wait3A_910] : memref<1196x128x128xf32, #tpu.memory_space<any>> -> memref<1x128x128xf32, #tpu.memory_space<any>>
    %dma_wait3A_912 = tpu.memref_squeeze %dma_wait3A_911 : memref<1x128x128xf32, #tpu.memory_space<any>> -> memref<128x128xf32, #tpu.memory_space<any>>
    tpu.wait_dma2 semaphore(%dma_wait3A_904 : memref<!tpu.dma_semaphore, #tpu.memory_space<semaphore_mem>>) src(%dma_wait3A_912 : memref<128x128xf32, #tpu.memory_space<any>>) dst(%dma_wait3A_908 : memref<128x128xf32, #tpu.memory_space<vmem>>)
    %mul3A_913 = arith.constant 64 : i32
    %mul3A_914 = arith.muli %arg0, %mul3A_913 : i32
    %add3A_915 = arith.constant 50 : i32
    %add3A_916 = arith.addi %mul3A_914, %add3A_915 : i32
    %get3A_917 = arith.index_cast %add3A_916 : i32 to index
    %get3A_918 = memref.load %arg1[%get3A_917] : memref<512xi32, #tpu.memory_space<smem>>
    %dma_wait3A_919 = arith.constant 50 : i32
    %dma_wait3A_920 = arith.constant 50 : i32
    %dma_wait3A_921 = tpu.memref_slice %arg16[%select_n3A_15, %dma_wait3A_920] : memref<2x64x!tpu.dma_semaphore, #tpu.memory_space<semaphore_mem>> -> memref<1x1x!tpu.dma_semaphore, #tpu.memory_space<semaphore_mem>>
    %dma_wait3A_922 = tpu.memref_squeeze %dma_wait3A_921 : memref<1x1x!tpu.dma_semaphore, #tpu.memory_space<semaphore_mem>> -> memref<!tpu.dma_semaphore, #tpu.memory_space<semaphore_mem>>
    %dma_wait3A_923 = arith.constant 0 : i32
    %dma_wait3A_924 = arith.constant 0 : i32
    %dma_wait3A_925 = tpu.memref_slice %arg15[%select_n3A_15, %dma_wait3A_919, %dma_wait3A_923, %dma_wait3A_924] : memref<2x64x128x128xf32, #tpu.memory_space<vmem>> -> memref<1x1x128x128xf32, #tpu.memory_space<vmem>>
    %dma_wait3A_926 = tpu.memref_squeeze %dma_wait3A_925 : memref<1x1x128x128xf32, #tpu.memory_space<vmem>> -> memref<128x128xf32, #tpu.memory_space<vmem>>
    %dma_wait3A_927 = arith.constant 0 : i32
    %dma_wait3A_928 = arith.constant 0 : i32
    %dma_wait3A_929 = tpu.memref_slice %arg3[%get3A_918, %dma_wait3A_927, %dma_wait3A_928] : memref<1196x128x128xf32, #tpu.memory_space<any>> -> memref<1x128x128xf32, #tpu.memory_space<any>>
    %dma_wait3A_930 = tpu.memref_squeeze %dma_wait3A_929 : memref<1x128x128xf32, #tpu.memory_space<any>> -> memref<128x128xf32, #tpu.memory_space<any>>
    tpu.wait_dma2 semaphore(%dma_wait3A_922 : memref<!tpu.dma_semaphore, #tpu.memory_space<semaphore_mem>>) src(%dma_wait3A_930 : memref<128x128xf32, #tpu.memory_space<any>>) dst(%dma_wait3A_926 : memref<128x128xf32, #tpu.memory_space<vmem>>)
    %mul3A_931 = arith.constant 64 : i32
    %mul3A_932 = arith.muli %arg0, %mul3A_931 : i32
    %add3A_933 = arith.constant 51 : i32
    %add3A_934 = arith.addi %mul3A_932, %add3A_933 : i32
    %get3A_935 = arith.index_cast %add3A_934 : i32 to index
    %get3A_936 = memref.load %arg1[%get3A_935] : memref<512xi32, #tpu.memory_space<smem>>
    %dma_wait3A_937 = arith.constant 51 : i32
    %dma_wait3A_938 = arith.constant 51 : i32
    %dma_wait3A_939 = tpu.memref_slice %arg16[%select_n3A_15, %dma_wait3A_938] : memref<2x64x!tpu.dma_semaphore, #tpu.memory_space<semaphore_mem>> -> memref<1x1x!tpu.dma_semaphore, #tpu.memory_space<semaphore_mem>>
    %dma_wait3A_940 = tpu.memref_squeeze %dma_wait3A_939 : memref<1x1x!tpu.dma_semaphore, #tpu.memory_space<semaphore_mem>> -> memref<!tpu.dma_semaphore, #tpu.memory_space<semaphore_mem>>
    %dma_wait3A_941 = arith.constant 0 : i32
    %dma_wait3A_942 = arith.constant 0 : i32
    %dma_wait3A_943 = tpu.memref_slice %arg15[%select_n3A_15, %dma_wait3A_937, %dma_wait3A_941, %dma_wait3A_942] : memref<2x64x128x128xf32, #tpu.memory_space<vmem>> -> memref<1x1x128x128xf32, #tpu.memory_space<vmem>>
    %dma_wait3A_944 = tpu.memref_squeeze %dma_wait3A_943 : memref<1x1x128x128xf32, #tpu.memory_space<vmem>> -> memref<128x128xf32, #tpu.memory_space<vmem>>
    %dma_wait3A_945 = arith.constant 0 : i32
    %dma_wait3A_946 = arith.constant 0 : i32
    %dma_wait3A_947 = tpu.memref_slice %arg3[%get3A_936, %dma_wait3A_945, %dma_wait3A_946] : memref<1196x128x128xf32, #tpu.memory_space<any>> -> memref<1x128x128xf32, #tpu.memory_space<any>>
    %dma_wait3A_948 = tpu.memref_squeeze %dma_wait3A_947 : memref<1x128x128xf32, #tpu.memory_space<any>> -> memref<128x128xf32, #tpu.memory_space<any>>
    tpu.wait_dma2 semaphore(%dma_wait3A_940 : memref<!tpu.dma_semaphore, #tpu.memory_space<semaphore_mem>>) src(%dma_wait3A_948 : memref<128x128xf32, #tpu.memory_space<any>>) dst(%dma_wait3A_944 : memref<128x128xf32, #tpu.memory_space<vmem>>)
    %mul3A_949 = arith.constant 64 : i32
    %mul3A_950 = arith.muli %arg0, %mul3A_949 : i32
    %add3A_951 = arith.constant 52 : i32
    %add3A_952 = arith.addi %mul3A_950, %add3A_951 : i32
    %get3A_953 = arith.index_cast %add3A_952 : i32 to index
    %get3A_954 = memref.load %arg1[%get3A_953] : memref<512xi32, #tpu.memory_space<smem>>
    %dma_wait3A_955 = arith.constant 52 : i32
    %dma_wait3A_956 = arith.constant 52 : i32
    %dma_wait3A_957 = tpu.memref_slice %arg16[%select_n3A_15, %dma_wait3A_956] : memref<2x64x!tpu.dma_semaphore, #tpu.memory_space<semaphore_mem>> -> memref<1x1x!tpu.dma_semaphore, #tpu.memory_space<semaphore_mem>>
    %dma_wait3A_958 = tpu.memref_squeeze %dma_wait3A_957 : memref<1x1x!tpu.dma_semaphore, #tpu.memory_space<semaphore_mem>> -> memref<!tpu.dma_semaphore, #tpu.memory_space<semaphore_mem>>
    %dma_wait3A_959 = arith.constant 0 : i32
    %dma_wait3A_960 = arith.constant 0 : i32
    %dma_wait3A_961 = tpu.memref_slice %arg15[%select_n3A_15, %dma_wait3A_955, %dma_wait3A_959, %dma_wait3A_960] : memref<2x64x128x128xf32, #tpu.memory_space<vmem>> -> memref<1x1x128x128xf32, #tpu.memory_space<vmem>>
    %dma_wait3A_962 = tpu.memref_squeeze %dma_wait3A_961 : memref<1x1x128x128xf32, #tpu.memory_space<vmem>> -> memref<128x128xf32, #tpu.memory_space<vmem>>
    %dma_wait3A_963 = arith.constant 0 : i32
    %dma_wait3A_964 = arith.constant 0 : i32
    %dma_wait3A_965 = tpu.memref_slice %arg3[%get3A_954, %dma_wait3A_963, %dma_wait3A_964] : memref<1196x128x128xf32, #tpu.memory_space<any>> -> memref<1x128x128xf32, #tpu.memory_space<any>>
    %dma_wait3A_966 = tpu.memref_squeeze %dma_wait3A_965 : memref<1x128x128xf32, #tpu.memory_space<any>> -> memref<128x128xf32, #tpu.memory_space<any>>
    tpu.wait_dma2 semaphore(%dma_wait3A_958 : memref<!tpu.dma_semaphore, #tpu.memory_space<semaphore_mem>>) src(%dma_wait3A_966 : memref<128x128xf32, #tpu.memory_space<any>>) dst(%dma_wait3A_962 : memref<128x128xf32, #tpu.memory_space<vmem>>)
    %mul3A_967 = arith.constant 64 : i32
    %mul3A_968 = arith.muli %arg0, %mul3A_967 : i32
    %add3A_969 = arith.constant 53 : i32
    %add3A_970 = arith.addi %mul3A_968, %add3A_969 : i32
    %get3A_971 = arith.index_cast %add3A_970 : i32 to index
    %get3A_972 = memref.load %arg1[%get3A_971] : memref<512xi32, #tpu.memory_space<smem>>
    %dma_wait3A_973 = arith.constant 53 : i32
    %dma_wait3A_974 = arith.constant 53 : i32
    %dma_wait3A_975 = tpu.memref_slice %arg16[%select_n3A_15, %dma_wait3A_974] : memref<2x64x!tpu.dma_semaphore, #tpu.memory_space<semaphore_mem>> -> memref<1x1x!tpu.dma_semaphore, #tpu.memory_space<semaphore_mem>>
    %dma_wait3A_976 = tpu.memref_squeeze %dma_wait3A_975 : memref<1x1x!tpu.dma_semaphore, #tpu.memory_space<semaphore_mem>> -> memref<!tpu.dma_semaphore, #tpu.memory_space<semaphore_mem>>
    %dma_wait3A_977 = arith.constant 0 : i32
    %dma_wait3A_978 = arith.constant 0 : i32
    %dma_wait3A_979 = tpu.memref_slice %arg15[%select_n3A_15, %dma_wait3A_973, %dma_wait3A_977, %dma_wait3A_978] : memref<2x64x128x128xf32, #tpu.memory_space<vmem>> -> memref<1x1x128x128xf32, #tpu.memory_space<vmem>>
    %dma_wait3A_980 = tpu.memref_squeeze %dma_wait3A_979 : memref<1x1x128x128xf32, #tpu.memory_space<vmem>> -> memref<128x128xf32, #tpu.memory_space<vmem>>
    %dma_wait3A_981 = arith.constant 0 : i32
    %dma_wait3A_982 = arith.constant 0 : i32
    %dma_wait3A_983 = tpu.memref_slice %arg3[%get3A_972, %dma_wait3A_981, %dma_wait3A_982] : memref<1196x128x128xf32, #tpu.memory_space<any>> -> memref<1x128x128xf32, #tpu.memory_space<any>>
    %dma_wait3A_984 = tpu.memref_squeeze %dma_wait3A_983 : memref<1x128x128xf32, #tpu.memory_space<any>> -> memref<128x128xf32, #tpu.memory_space<any>>
    tpu.wait_dma2 semaphore(%dma_wait3A_976 : memref<!tpu.dma_semaphore, #tpu.memory_space<semaphore_mem>>) src(%dma_wait3A_984 : memref<128x128xf32, #tpu.memory_space<any>>) dst(%dma_wait3A_980 : memref<128x128xf32, #tpu.memory_space<vmem>>)
    %mul3A_985 = arith.constant 64 : i32
    %mul3A_986 = arith.muli %arg0, %mul3A_985 : i32
    %add3A_987 = arith.constant 54 : i32
    %add3A_988 = arith.addi %mul3A_986, %add3A_987 : i32
    %get3A_989 = arith.index_cast %add3A_988 : i32 to index
    %get3A_990 = memref.load %arg1[%get3A_989] : memref<512xi32, #tpu.memory_space<smem>>
    %dma_wait3A_991 = arith.constant 54 : i32
    %dma_wait3A_992 = arith.constant 54 : i32
    %dma_wait3A_993 = tpu.memref_slice %arg16[%select_n3A_15, %dma_wait3A_992] : memref<2x64x!tpu.dma_semaphore, #tpu.memory_space<semaphore_mem>> -> memref<1x1x!tpu.dma_semaphore, #tpu.memory_space<semaphore_mem>>
    %dma_wait3A_994 = tpu.memref_squeeze %dma_wait3A_993 : memref<1x1x!tpu.dma_semaphore, #tpu.memory_space<semaphore_mem>> -> memref<!tpu.dma_semaphore, #tpu.memory_space<semaphore_mem>>
    %dma_wait3A_995 = arith.constant 0 : i32
    %dma_wait3A_996 = arith.constant 0 : i32
    %dma_wait3A_997 = tpu.memref_slice %arg15[%select_n3A_15, %dma_wait3A_991, %dma_wait3A_995, %dma_wait3A_996] : memref<2x64x128x128xf32, #tpu.memory_space<vmem>> -> memref<1x1x128x128xf32, #tpu.memory_space<vmem>>
    %dma_wait3A_998 = tpu.memref_squeeze %dma_wait3A_997 : memref<1x1x128x128xf32, #tpu.memory_space<vmem>> -> memref<128x128xf32, #tpu.memory_space<vmem>>
    %dma_wait3A_999 = arith.constant 0 : i32
    %dma_wait3A_1000 = arith.constant 0 : i32
    %dma_wait3A_1001 = tpu.memref_slice %arg3[%get3A_990, %dma_wait3A_999, %dma_wait3A_1000] : memref<1196x128x128xf32, #tpu.memory_space<any>> -> memref<1x128x128xf32, #tpu.memory_space<any>>
    %dma_wait3A_1002 = tpu.memref_squeeze %dma_wait3A_1001 : memref<1x128x128xf32, #tpu.memory_space<any>> -> memref<128x128xf32, #tpu.memory_space<any>>
    tpu.wait_dma2 semaphore(%dma_wait3A_994 : memref<!tpu.dma_semaphore, #tpu.memory_space<semaphore_mem>>) src(%dma_wait3A_1002 : memref<128x128xf32, #tpu.memory_space<any>>) dst(%dma_wait3A_998 : memref<128x128xf32, #tpu.memory_space<vmem>>)
    %mul3A_1003 = arith.constant 64 : i32
    %mul3A_1004 = arith.muli %arg0, %mul3A_1003 : i32
    %add3A_1005 = arith.constant 55 : i32
    %add3A_1006 = arith.addi %mul3A_1004, %add3A_1005 : i32
    %get3A_1007 = arith.index_cast %add3A_1006 : i32 to index
    %get3A_1008 = memref.load %arg1[%get3A_1007] : memref<512xi32, #tpu.memory_space<smem>>
    %dma_wait3A_1009 = arith.constant 55 : i32
    %dma_wait3A_1010 = arith.constant 55 : i32
    %dma_wait3A_1011 = tpu.memref_slice %arg16[%select_n3A_15, %dma_wait3A_1010] : memref<2x64x!tpu.dma_semaphore, #tpu.memory_space<semaphore_mem>> -> memref<1x1x!tpu.dma_semaphore, #tpu.memory_space<semaphore_mem>>
    %dma_wait3A_1012 = tpu.memref_squeeze %dma_wait3A_1011 : memref<1x1x!tpu.dma_semaphore, #tpu.memory_space<semaphore_mem>> -> memref<!tpu.dma_semaphore, #tpu.memory_space<semaphore_mem>>
    %dma_wait3A_1013 = arith.constant 0 : i32
    %dma_wait3A_1014 = arith.constant 0 : i32
    %dma_wait3A_1015 = tpu.memref_slice %arg15[%select_n3A_15, %dma_wait3A_1009, %dma_wait3A_1013, %dma_wait3A_1014] : memref<2x64x128x128xf32, #tpu.memory_space<vmem>> -> memref<1x1x128x128xf32, #tpu.memory_space<vmem>>
    %dma_wait3A_1016 = tpu.memref_squeeze %dma_wait3A_1015 : memref<1x1x128x128xf32, #tpu.memory_space<vmem>> -> memref<128x128xf32, #tpu.memory_space<vmem>>
    %dma_wait3A_1017 = arith.constant 0 : i32
    %dma_wait3A_1018 = arith.constant 0 : i32
    %dma_wait3A_1019 = tpu.memref_slice %arg3[%get3A_1008, %dma_wait3A_1017, %dma_wait3A_1018] : memref<1196x128x128xf32, #tpu.memory_space<any>> -> memref<1x128x128xf32, #tpu.memory_space<any>>
    %dma_wait3A_1020 = tpu.memref_squeeze %dma_wait3A_1019 : memref<1x128x128xf32, #tpu.memory_space<any>> -> memref<128x128xf32, #tpu.memory_space<any>>
    tpu.wait_dma2 semaphore(%dma_wait3A_1012 : memref<!tpu.dma_semaphore, #tpu.memory_space<semaphore_mem>>) src(%dma_wait3A_1020 : memref<128x128xf32, #tpu.memory_space<any>>) dst(%dma_wait3A_1016 : memref<128x128xf32, #tpu.memory_space<vmem>>)
    %mul3A_1021 = arith.constant 64 : i32
    %mul3A_1022 = arith.muli %arg0, %mul3A_1021 : i32
    %add3A_1023 = arith.constant 56 : i32
    %add3A_1024 = arith.addi %mul3A_1022, %add3A_1023 : i32
    %get3A_1025 = arith.index_cast %add3A_1024 : i32 to index
    %get3A_1026 = memref.load %arg1[%get3A_1025] : memref<512xi32, #tpu.memory_space<smem>>
    %dma_wait3A_1027 = arith.constant 56 : i32
    %dma_wait3A_1028 = arith.constant 56 : i32
    %dma_wait3A_1029 = tpu.memref_slice %arg16[%select_n3A_15, %dma_wait3A_1028] : memref<2x64x!tpu.dma_semaphore, #tpu.memory_space<semaphore_mem>> -> memref<1x1x!tpu.dma_semaphore, #tpu.memory_space<semaphore_mem>>
    %dma_wait3A_1030 = tpu.memref_squeeze %dma_wait3A_1029 : memref<1x1x!tpu.dma_semaphore, #tpu.memory_space<semaphore_mem>> -> memref<!tpu.dma_semaphore, #tpu.memory_space<semaphore_mem>>
    %dma_wait3A_1031 = arith.constant 0 : i32
    %dma_wait3A_1032 = arith.constant 0 : i32
    %dma_wait3A_1033 = tpu.memref_slice %arg15[%select_n3A_15, %dma_wait3A_1027, %dma_wait3A_1031, %dma_wait3A_1032] : memref<2x64x128x128xf32, #tpu.memory_space<vmem>> -> memref<1x1x128x128xf32, #tpu.memory_space<vmem>>
    %dma_wait3A_1034 = tpu.memref_squeeze %dma_wait3A_1033 : memref<1x1x128x128xf32, #tpu.memory_space<vmem>> -> memref<128x128xf32, #tpu.memory_space<vmem>>
    %dma_wait3A_1035 = arith.constant 0 : i32
    %dma_wait3A_1036 = arith.constant 0 : i32
    %dma_wait3A_1037 = tpu.memref_slice %arg3[%get3A_1026, %dma_wait3A_1035, %dma_wait3A_1036] : memref<1196x128x128xf32, #tpu.memory_space<any>> -> memref<1x128x128xf32, #tpu.memory_space<any>>
    %dma_wait3A_1038 = tpu.memref_squeeze %dma_wait3A_1037 : memref<1x128x128xf32, #tpu.memory_space<any>> -> memref<128x128xf32, #tpu.memory_space<any>>
    tpu.wait_dma2 semaphore(%dma_wait3A_1030 : memref<!tpu.dma_semaphore, #tpu.memory_space<semaphore_mem>>) src(%dma_wait3A_1038 : memref<128x128xf32, #tpu.memory_space<any>>) dst(%dma_wait3A_1034 : memref<128x128xf32, #tpu.memory_space<vmem>>)
    %mul3A_1039 = arith.constant 64 : i32
    %mul3A_1040 = arith.muli %arg0, %mul3A_1039 : i32
    %add3A_1041 = arith.constant 57 : i32
    %add3A_1042 = arith.addi %mul3A_1040, %add3A_1041 : i32
    %get3A_1043 = arith.index_cast %add3A_1042 : i32 to index
    %get3A_1044 = memref.load %arg1[%get3A_1043] : memref<512xi32, #tpu.memory_space<smem>>
    %dma_wait3A_1045 = arith.constant 57 : i32
    %dma_wait3A_1046 = arith.constant 57 : i32
    %dma_wait3A_1047 = tpu.memref_slice %arg16[%select_n3A_15, %dma_wait3A_1046] : memref<2x64x!tpu.dma_semaphore, #tpu.memory_space<semaphore_mem>> -> memref<1x1x!tpu.dma_semaphore, #tpu.memory_space<semaphore_mem>>
    %dma_wait3A_1048 = tpu.memref_squeeze %dma_wait3A_1047 : memref<1x1x!tpu.dma_semaphore, #tpu.memory_space<semaphore_mem>> -> memref<!tpu.dma_semaphore, #tpu.memory_space<semaphore_mem>>
    %dma_wait3A_1049 = arith.constant 0 : i32
    %dma_wait3A_1050 = arith.constant 0 : i32
    %dma_wait3A_1051 = tpu.memref_slice %arg15[%select_n3A_15, %dma_wait3A_1045, %dma_wait3A_1049, %dma_wait3A_1050] : memref<2x64x128x128xf32, #tpu.memory_space<vmem>> -> memref<1x1x128x128xf32, #tpu.memory_space<vmem>>
    %dma_wait3A_1052 = tpu.memref_squeeze %dma_wait3A_1051 : memref<1x1x128x128xf32, #tpu.memory_space<vmem>> -> memref<128x128xf32, #tpu.memory_space<vmem>>
    %dma_wait3A_1053 = arith.constant 0 : i32
    %dma_wait3A_1054 = arith.constant 0 : i32
    %dma_wait3A_1055 = tpu.memref_slice %arg3[%get3A_1044, %dma_wait3A_1053, %dma_wait3A_1054] : memref<1196x128x128xf32, #tpu.memory_space<any>> -> memref<1x128x128xf32, #tpu.memory_space<any>>
    %dma_wait3A_1056 = tpu.memref_squeeze %dma_wait3A_1055 : memref<1x128x128xf32, #tpu.memory_space<any>> -> memref<128x128xf32, #tpu.memory_space<any>>
    tpu.wait_dma2 semaphore(%dma_wait3A_1048 : memref<!tpu.dma_semaphore, #tpu.memory_space<semaphore_mem>>) src(%dma_wait3A_1056 : memref<128x128xf32, #tpu.memory_space<any>>) dst(%dma_wait3A_1052 : memref<128x128xf32, #tpu.memory_space<vmem>>)
    %mul3A_1057 = arith.constant 64 : i32
    %mul3A_1058 = arith.muli %arg0, %mul3A_1057 : i32
    %add3A_1059 = arith.constant 58 : i32
    %add3A_1060 = arith.addi %mul3A_1058, %add3A_1059 : i32
    %get3A_1061 = arith.index_cast %add3A_1060 : i32 to index
    %get3A_1062 = memref.load %arg1[%get3A_1061] : memref<512xi32, #tpu.memory_space<smem>>
    %dma_wait3A_1063 = arith.constant 58 : i32
    %dma_wait3A_1064 = arith.constant 58 : i32
    %dma_wait3A_1065 = tpu.memref_slice %arg16[%select_n3A_15, %dma_wait3A_1064] : memref<2x64x!tpu.dma_semaphore, #tpu.memory_space<semaphore_mem>> -> memref<1x1x!tpu.dma_semaphore, #tpu.memory_space<semaphore_mem>>
    %dma_wait3A_1066 = tpu.memref_squeeze %dma_wait3A_1065 : memref<1x1x!tpu.dma_semaphore, #tpu.memory_space<semaphore_mem>> -> memref<!tpu.dma_semaphore, #tpu.memory_space<semaphore_mem>>
    %dma_wait3A_1067 = arith.constant 0 : i32
    %dma_wait3A_1068 = arith.constant 0 : i32
    %dma_wait3A_1069 = tpu.memref_slice %arg15[%select_n3A_15, %dma_wait3A_1063, %dma_wait3A_1067, %dma_wait3A_1068] : memref<2x64x128x128xf32, #tpu.memory_space<vmem>> -> memref<1x1x128x128xf32, #tpu.memory_space<vmem>>
    %dma_wait3A_1070 = tpu.memref_squeeze %dma_wait3A_1069 : memref<1x1x128x128xf32, #tpu.memory_space<vmem>> -> memref<128x128xf32, #tpu.memory_space<vmem>>
    %dma_wait3A_1071 = arith.constant 0 : i32
    %dma_wait3A_1072 = arith.constant 0 : i32
    %dma_wait3A_1073 = tpu.memref_slice %arg3[%get3A_1062, %dma_wait3A_1071, %dma_wait3A_1072] : memref<1196x128x128xf32, #tpu.memory_space<any>> -> memref<1x128x128xf32, #tpu.memory_space<any>>
    %dma_wait3A_1074 = tpu.memref_squeeze %dma_wait3A_1073 : memref<1x128x128xf32, #tpu.memory_space<any>> -> memref<128x128xf32, #tpu.memory_space<any>>
    tpu.wait_dma2 semaphore(%dma_wait3A_1066 : memref<!tpu.dma_semaphore, #tpu.memory_space<semaphore_mem>>) src(%dma_wait3A_1074 : memref<128x128xf32, #tpu.memory_space<any>>) dst(%dma_wait3A_1070 : memref<128x128xf32, #tpu.memory_space<vmem>>)
    %mul3A_1075 = arith.constant 64 : i32
    %mul3A_1076 = arith.muli %arg0, %mul3A_1075 : i32
    %add3A_1077 = arith.constant 59 : i32
    %add3A_1078 = arith.addi %mul3A_1076, %add3A_1077 : i32
    %get3A_1079 = arith.index_cast %add3A_1078 : i32 to index
    %get3A_1080 = memref.load %arg1[%get3A_1079] : memref<512xi32, #tpu.memory_space<smem>>
    %dma_wait3A_1081 = arith.constant 59 : i32
    %dma_wait3A_1082 = arith.constant 59 : i32
    %dma_wait3A_1083 = tpu.memref_slice %arg16[%select_n3A_15, %dma_wait3A_1082] : memref<2x64x!tpu.dma_semaphore, #tpu.memory_space<semaphore_mem>> -> memref<1x1x!tpu.dma_semaphore, #tpu.memory_space<semaphore_mem>>
    %dma_wait3A_1084 = tpu.memref_squeeze %dma_wait3A_1083 : memref<1x1x!tpu.dma_semaphore, #tpu.memory_space<semaphore_mem>> -> memref<!tpu.dma_semaphore, #tpu.memory_space<semaphore_mem>>
    %dma_wait3A_1085 = arith.constant 0 : i32
    %dma_wait3A_1086 = arith.constant 0 : i32
    %dma_wait3A_1087 = tpu.memref_slice %arg15[%select_n3A_15, %dma_wait3A_1081, %dma_wait3A_1085, %dma_wait3A_1086] : memref<2x64x128x128xf32, #tpu.memory_space<vmem>> -> memref<1x1x128x128xf32, #tpu.memory_space<vmem>>
    %dma_wait3A_1088 = tpu.memref_squeeze %dma_wait3A_1087 : memref<1x1x128x128xf32, #tpu.memory_space<vmem>> -> memref<128x128xf32, #tpu.memory_space<vmem>>
    %dma_wait3A_1089 = arith.constant 0 : i32
    %dma_wait3A_1090 = arith.constant 0 : i32
    %dma_wait3A_1091 = tpu.memref_slice %arg3[%get3A_1080, %dma_wait3A_1089, %dma_wait3A_1090] : memref<1196x128x128xf32, #tpu.memory_space<any>> -> memref<1x128x128xf32, #tpu.memory_space<any>>
    %dma_wait3A_1092 = tpu.memref_squeeze %dma_wait3A_1091 : memref<1x128x128xf32, #tpu.memory_space<any>> -> memref<128x128xf32, #tpu.memory_space<any>>
    tpu.wait_dma2 semaphore(%dma_wait3A_1084 : memref<!tpu.dma_semaphore, #tpu.memory_space<semaphore_mem>>) src(%dma_wait3A_1092 : memref<128x128xf32, #tpu.memory_space<any>>) dst(%dma_wait3A_1088 : memref<128x128xf32, #tpu.memory_space<vmem>>)
    %mul3A_1093 = arith.constant 64 : i32
    %mul3A_1094 = arith.muli %arg0, %mul3A_1093 : i32
    %add3A_1095 = arith.constant 60 : i32
    %add3A_1096 = arith.addi %mul3A_1094, %add3A_1095 : i32
    %get3A_1097 = arith.index_cast %add3A_1096 : i32 to index
    %get3A_1098 = memref.load %arg1[%get3A_1097] : memref<512xi32, #tpu.memory_space<smem>>
    %dma_wait3A_1099 = arith.constant 60 : i32
    %dma_wait3A_1100 = arith.constant 60 : i32
    %dma_wait3A_1101 = tpu.memref_slice %arg16[%select_n3A_15, %dma_wait3A_1100] : memref<2x64x!tpu.dma_semaphore, #tpu.memory_space<semaphore_mem>> -> memref<1x1x!tpu.dma_semaphore, #tpu.memory_space<semaphore_mem>>
    %dma_wait3A_1102 = tpu.memref_squeeze %dma_wait3A_1101 : memref<1x1x!tpu.dma_semaphore, #tpu.memory_space<semaphore_mem>> -> memref<!tpu.dma_semaphore, #tpu.memory_space<semaphore_mem>>
    %dma_wait3A_1103 = arith.constant 0 : i32
    %dma_wait3A_1104 = arith.constant 0 : i32
    %dma_wait3A_1105 = tpu.memref_slice %arg15[%select_n3A_15, %dma_wait3A_1099, %dma_wait3A_1103, %dma_wait3A_1104] : memref<2x64x128x128xf32, #tpu.memory_space<vmem>> -> memref<1x1x128x128xf32, #tpu.memory_space<vmem>>
    %dma_wait3A_1106 = tpu.memref_squeeze %dma_wait3A_1105 : memref<1x1x128x128xf32, #tpu.memory_space<vmem>> -> memref<128x128xf32, #tpu.memory_space<vmem>>
    %dma_wait3A_1107 = arith.constant 0 : i32
    %dma_wait3A_1108 = arith.constant 0 : i32
    %dma_wait3A_1109 = tpu.memref_slice %arg3[%get3A_1098, %dma_wait3A_1107, %dma_wait3A_1108] : memref<1196x128x128xf32, #tpu.memory_space<any>> -> memref<1x128x128xf32, #tpu.memory_space<any>>
    %dma_wait3A_1110 = tpu.memref_squeeze %dma_wait3A_1109 : memref<1x128x128xf32, #tpu.memory_space<any>> -> memref<128x128xf32, #tpu.memory_space<any>>
    tpu.wait_dma2 semaphore(%dma_wait3A_1102 : memref<!tpu.dma_semaphore, #tpu.memory_space<semaphore_mem>>) src(%dma_wait3A_1110 : memref<128x128xf32, #tpu.memory_space<any>>) dst(%dma_wait3A_1106 : memref<128x128xf32, #tpu.memory_space<vmem>>)
    %mul3A_1111 = arith.constant 64 : i32
    %mul3A_1112 = arith.muli %arg0, %mul3A_1111 : i32
    %add3A_1113 = arith.constant 61 : i32
    %add3A_1114 = arith.addi %mul3A_1112, %add3A_1113 : i32
    %get3A_1115 = arith.index_cast %add3A_1114 : i32 to index
    %get3A_1116 = memref.load %arg1[%get3A_1115] : memref<512xi32, #tpu.memory_space<smem>>
    %dma_wait3A_1117 = arith.constant 61 : i32
    %dma_wait3A_1118 = arith.constant 61 : i32
    %dma_wait3A_1119 = tpu.memref_slice %arg16[%select_n3A_15, %dma_wait3A_1118] : memref<2x64x!tpu.dma_semaphore, #tpu.memory_space<semaphore_mem>> -> memref<1x1x!tpu.dma_semaphore, #tpu.memory_space<semaphore_mem>>
    %dma_wait3A_1120 = tpu.memref_squeeze %dma_wait3A_1119 : memref<1x1x!tpu.dma_semaphore, #tpu.memory_space<semaphore_mem>> -> memref<!tpu.dma_semaphore, #tpu.memory_space<semaphore_mem>>
    %dma_wait3A_1121 = arith.constant 0 : i32
    %dma_wait3A_1122 = arith.constant 0 : i32
    %dma_wait3A_1123 = tpu.memref_slice %arg15[%select_n3A_15, %dma_wait3A_1117, %dma_wait3A_1121, %dma_wait3A_1122] : memref<2x64x128x128xf32, #tpu.memory_space<vmem>> -> memref<1x1x128x128xf32, #tpu.memory_space<vmem>>
    %dma_wait3A_1124 = tpu.memref_squeeze %dma_wait3A_1123 : memref<1x1x128x128xf32, #tpu.memory_space<vmem>> -> memref<128x128xf32, #tpu.memory_space<vmem>>
    %dma_wait3A_1125 = arith.constant 0 : i32
    %dma_wait3A_1126 = arith.constant 0 : i32
    %dma_wait3A_1127 = tpu.memref_slice %arg3[%get3A_1116, %dma_wait3A_1125, %dma_wait3A_1126] : memref<1196x128x128xf32, #tpu.memory_space<any>> -> memref<1x128x128xf32, #tpu.memory_space<any>>
    %dma_wait3A_1128 = tpu.memref_squeeze %dma_wait3A_1127 : memref<1x128x128xf32, #tpu.memory_space<any>> -> memref<128x128xf32, #tpu.memory_space<any>>
    tpu.wait_dma2 semaphore(%dma_wait3A_1120 : memref<!tpu.dma_semaphore, #tpu.memory_space<semaphore_mem>>) src(%dma_wait3A_1128 : memref<128x128xf32, #tpu.memory_space<any>>) dst(%dma_wait3A_1124 : memref<128x128xf32, #tpu.memory_space<vmem>>)
    %mul3A_1129 = arith.constant 64 : i32
    %mul3A_1130 = arith.muli %arg0, %mul3A_1129 : i32
    %add3A_1131 = arith.constant 62 : i32
    %add3A_1132 = arith.addi %mul3A_1130, %add3A_1131 : i32
    %get3A_1133 = arith.index_cast %add3A_1132 : i32 to index
    %get3A_1134 = memref.load %arg1[%get3A_1133] : memref<512xi32, #tpu.memory_space<smem>>
    %dma_wait3A_1135 = arith.constant 62 : i32
    %dma_wait3A_1136 = arith.constant 62 : i32
    %dma_wait3A_1137 = tpu.memref_slice %arg16[%select_n3A_15, %dma_wait3A_1136] : memref<2x64x!tpu.dma_semaphore, #tpu.memory_space<semaphore_mem>> -> memref<1x1x!tpu.dma_semaphore, #tpu.memory_space<semaphore_mem>>
    %dma_wait3A_1138 = tpu.memref_squeeze %dma_wait3A_1137 : memref<1x1x!tpu.dma_semaphore, #tpu.memory_space<semaphore_mem>> -> memref<!tpu.dma_semaphore, #tpu.memory_space<semaphore_mem>>
    %dma_wait3A_1139 = arith.constant 0 : i32
    %dma_wait3A_1140 = arith.constant 0 : i32
    %dma_wait3A_1141 = tpu.memref_slice %arg15[%select_n3A_15, %dma_wait3A_1135, %dma_wait3A_1139, %dma_wait3A_1140] : memref<2x64x128x128xf32, #tpu.memory_space<vmem>> -> memref<1x1x128x128xf32, #tpu.memory_space<vmem>>
    %dma_wait3A_1142 = tpu.memref_squeeze %dma_wait3A_1141 : memref<1x1x128x128xf32, #tpu.memory_space<vmem>> -> memref<128x128xf32, #tpu.memory_space<vmem>>
    %dma_wait3A_1143 = arith.constant 0 : i32
    %dma_wait3A_1144 = arith.constant 0 : i32
    %dma_wait3A_1145 = tpu.memref_slice %arg3[%get3A_1134, %dma_wait3A_1143, %dma_wait3A_1144] : memref<1196x128x128xf32, #tpu.memory_space<any>> -> memref<1x128x128xf32, #tpu.memory_space<any>>
    %dma_wait3A_1146 = tpu.memref_squeeze %dma_wait3A_1145 : memref<1x128x128xf32, #tpu.memory_space<any>> -> memref<128x128xf32, #tpu.memory_space<any>>
    tpu.wait_dma2 semaphore(%dma_wait3A_1138 : memref<!tpu.dma_semaphore, #tpu.memory_space<semaphore_mem>>) src(%dma_wait3A_1146 : memref<128x128xf32, #tpu.memory_space<any>>) dst(%dma_wait3A_1142 : memref<128x128xf32, #tpu.memory_space<vmem>>)
    %mul3A_1147 = arith.constant 64 : i32
    %mul3A_1148 = arith.muli %arg0, %mul3A_1147 : i32
    %add3A_1149 = arith.constant 63 : i32
    %add3A_1150 = arith.addi %mul3A_1148, %add3A_1149 : i32
    %get3A_1151 = arith.index_cast %add3A_1150 : i32 to index
    %get3A_1152 = memref.load %arg1[%get3A_1151] : memref<512xi32, #tpu.memory_space<smem>>
    %dma_wait3A_1153 = arith.constant 63 : i32
    %dma_wait3A_1154 = arith.constant 63 : i32
    %dma_wait3A_1155 = tpu.memref_slice %arg16[%select_n3A_15, %dma_wait3A_1154] : memref<2x64x!tpu.dma_semaphore, #tpu.memory_space<semaphore_mem>> -> memref<1x1x!tpu.dma_semaphore, #tpu.memory_space<semaphore_mem>>
    %dma_wait3A_1156 = tpu.memref_squeeze %dma_wait3A_1155 : memref<1x1x!tpu.dma_semaphore, #tpu.memory_space<semaphore_mem>> -> memref<!tpu.dma_semaphore, #tpu.memory_space<semaphore_mem>>
    %dma_wait3A_1157 = arith.constant 0 : i32
    %dma_wait3A_1158 = arith.constant 0 : i32
    %dma_wait3A_1159 = tpu.memref_slice %arg15[%select_n3A_15, %dma_wait3A_1153, %dma_wait3A_1157, %dma_wait3A_1158] : memref<2x64x128x128xf32, #tpu.memory_space<vmem>> -> memref<1x1x128x128xf32, #tpu.memory_space<vmem>>
    %dma_wait3A_1160 = tpu.memref_squeeze %dma_wait3A_1159 : memref<1x1x128x128xf32, #tpu.memory_space<vmem>> -> memref<128x128xf32, #tpu.memory_space<vmem>>
    %dma_wait3A_1161 = arith.constant 0 : i32
    %dma_wait3A_1162 = arith.constant 0 : i32
    %dma_wait3A_1163 = tpu.memref_slice %arg3[%get3A_1152, %dma_wait3A_1161, %dma_wait3A_1162] : memref<1196x128x128xf32, #tpu.memory_space<any>> -> memref<1x128x128xf32, #tpu.memory_space<any>>
    %dma_wait3A_1164 = tpu.memref_squeeze %dma_wait3A_1163 : memref<1x128x128xf32, #tpu.memory_space<any>> -> memref<128x128xf32, #tpu.memory_space<any>>
    tpu.wait_dma2 semaphore(%dma_wait3A_1156 : memref<!tpu.dma_semaphore, #tpu.memory_space<semaphore_mem>>) src(%dma_wait3A_1164 : memref<128x128xf32, #tpu.memory_space<any>>) dst(%dma_wait3A_1160 : memref<128x128xf32, #tpu.memory_space<vmem>>)
    %get3A_1165 = arith.constant 0 : index
    %get3A_1166 = arith.constant 0 : index
    %get3A_1167 = arith.constant 0 : index
    %get3A_1168 = vector.load %arg2[%get3A_1165, %get3A_1166, %get3A_1167] : memref<8x128x128xf32, #tpu.memory_space<vmem>>, vector<8x128x128xf32>
    %reshape3A = vector.shape_cast %get3A_1168 : vector<8x128x128xf32> to vector<1024x128xf32>
    %get3A_1169 = arith.constant 0 : index
    %get3A_1170 = arith.constant 0 : index
    %get3A_1171 = vector.load %arg4[%get3A_1169, %get3A_1170] : memref<128x128xf32, #tpu.memory_space<vmem>>, vector<128x128xf32>
    %dot_general3A = arith.constant dense<0.000000e+00> : vector<1024x128xf32>
    %dot_general3A_1172 = tpu.matmul %reshape3A, %get3A_1171, %dot_general3A {dimension_numbers = #tpu.dot_dimension_numbers<[1], [0], [0], [1], [0, 0, 1, 1], [], []>, transpose_lhs_hint = false} : vector<1024x128xf32>, vector<128x128xf32>, vector<1024x128xf32> -> vector<1024x128xf32>
    %get3A_1173 = arith.constant 0 : index
    %get3A_1174 = arith.constant 0 : index
    %get3A_1175 = vector.load %arg5[%get3A_1173, %get3A_1174] : memref<1x128xf32, #tpu.memory_space<vmem>>, vector<1x128xf32>
    %add3A_1176 = vector.broadcast %get3A_1175 : vector<1x128xf32> to vector<1024x128xf32>
    %add3A_1177 = arith.addf %dot_general3A_1172, %add3A_1176 : vector<1024x128xf32>
    %iota3A = tpu.iota {dimensions = array<i32: 0>} : vector<128x4xi32>
    %jit3A_1178 = arith.constant 32 : i32
    %div3A = vector.broadcast %jit3A_1178 : i32 to vector<128x4xi32>
    %div3A_1179 = arith.divsi %iota3A, %div3A : vector<128x4xi32>
    %sign3A = arith.constant 0 : i32
    %sign3A_1180 = vector.broadcast %sign3A : i32 to vector<128x4xi32>
    %sign3A_1181 = arith.cmpi sgt, %iota3A, %sign3A_1180 : vector<128x4xi32>
    %sign3A_1182 = arith.extui %sign3A_1181 : vector<128x4xi1> to vector<128x4xi32>
    %sign3A_1183 = arith.constant 0 : i32
    %sign3A_1184 = vector.broadcast %sign3A_1183 : i32 to vector<128x4xi32>
    %sign3A_1185 = arith.cmpi slt, %iota3A, %sign3A_1184 : vector<128x4xi32>
    %sign3A_1186 = arith.extui %sign3A_1185 : vector<128x4xi1> to vector<128x4xi32>
    %sign3A_1187 = arith.subi %sign3A_1182, %sign3A_1186 : vector<128x4xi32>
    %sign3A_1188 = arith.constant 0 : i32
    %sign3A_1189 = arith.cmpi sgt, %jit3A_1178, %sign3A_1188 : i32
    %sign3A_1190 = arith.extui %sign3A_1189 : i1 to i32
    %sign3A_1191 = arith.constant 0 : i32
    %sign3A_1192 = arith.cmpi slt, %jit3A_1178, %sign3A_1191 : i32
    %sign3A_1193 = arith.extui %sign3A_1192 : i1 to i32
    %sign3A_1194 = arith.subi %sign3A_1190, %sign3A_1193 : i32
    %ne3A_1195 = vector.broadcast %sign3A_1194 : i32 to vector<128x4xi32>
    %ne3A_1196 = arith.cmpi ne, %sign3A_1187, %ne3A_1195 : vector<128x4xi32>
    %rem3A_1197 = vector.broadcast %jit3A_1178 : i32 to vector<128x4xi32>
    %rem3A_1198 = arith.remsi %iota3A, %rem3A_1197 : vector<128x4xi32>
    %ne3A_1199 = arith.constant 0 : i32
    %ne3A_1200 = vector.broadcast %ne3A_1199 : i32 to vector<128x4xi32>
    %ne3A_1201 = arith.cmpi ne, %rem3A_1198, %ne3A_1200 : vector<128x4xi32>
    %and3A_1202 = arith.andi %ne3A_1196, %ne3A_1201 : vector<128x4xi1>
    %sub3A = arith.constant 1 : i32
    %sub3A_1203 = vector.broadcast %sub3A : i32 to vector<128x4xi32>
    %sub3A_1204 = arith.subi %div3A_1179, %sub3A_1203 : vector<128x4xi32>
    %select_n3A_1205 = arith.select %and3A_1202, %sub3A_1204, %div3A_1179 : vector<128x4xi1>, vector<128x4xi32>
    %iota3A_1206 = tpu.iota {dimensions = array<i32: 1>} : vector<128x4xi32>
    %eq3A_1207 = arith.cmpi eq, %select_n3A_1205, %iota3A_1206 : vector<128x4xi32>
    %convert_element_type3A_1208 = arith.extui %eq3A_1207 : vector<128x4xi1> to vector<128x4xi32>
    %convert_element_type3A_1209 = arith.sitofp %convert_element_type3A_1208 : vector<128x4xi32> to vector<128x4xf32>
    %iota3A_1210 = tpu.iota {dimensions = array<i32: 1>} : vector<4x128xi32>
    %jit3A_1211 = arith.constant 32 : i32
    %div3A_1212 = vector.broadcast %jit3A_1211 : i32 to vector<4x128xi32>
    %div3A_1213 = arith.divsi %iota3A_1210, %div3A_1212 : vector<4x128xi32>
    %sign3A_1214 = arith.constant 0 : i32
    %sign3A_1215 = vector.broadcast %sign3A_1214 : i32 to vector<4x128xi32>
    %sign3A_1216 = arith.cmpi sgt, %iota3A_1210, %sign3A_1215 : vector<4x128xi32>
    %sign3A_1217 = arith.extui %sign3A_1216 : vector<4x128xi1> to vector<4x128xi32>
    %sign3A_1218 = arith.constant 0 : i32
    %sign3A_1219 = vector.broadcast %sign3A_1218 : i32 to vector<4x128xi32>
    %sign3A_1220 = arith.cmpi slt, %iota3A_1210, %sign3A_1219 : vector<4x128xi32>
    %sign3A_1221 = arith.extui %sign3A_1220 : vector<4x128xi1> to vector<4x128xi32>
    %sign3A_1222 = arith.subi %sign3A_1217, %sign3A_1221 : vector<4x128xi32>
    %sign3A_1223 = arith.constant 0 : i32
    %sign3A_1224 = arith.cmpi sgt, %jit3A_1211, %sign3A_1223 : i32
    %sign3A_1225 = arith.extui %sign3A_1224 : i1 to i32
    %sign3A_1226 = arith.constant 0 : i32
    %sign3A_1227 = arith.cmpi slt, %jit3A_1211, %sign3A_1226 : i32
    %sign3A_1228 = arith.extui %sign3A_1227 : i1 to i32
    %sign3A_1229 = arith.subi %sign3A_1225, %sign3A_1228 : i32
    %ne3A_1230 = vector.broadcast %sign3A_1229 : i32 to vector<4x128xi32>
    %ne3A_1231 = arith.cmpi ne, %sign3A_1222, %ne3A_1230 : vector<4x128xi32>
    %rem3A_1232 = vector.broadcast %jit3A_1211 : i32 to vector<4x128xi32>
    %rem3A_1233 = arith.remsi %iota3A_1210, %rem3A_1232 : vector<4x128xi32>
    %ne3A_1234 = arith.constant 0 : i32
    %ne3A_1235 = vector.broadcast %ne3A_1234 : i32 to vector<4x128xi32>
    %ne3A_1236 = arith.cmpi ne, %rem3A_1233, %ne3A_1235 : vector<4x128xi32>
    %and3A_1237 = arith.andi %ne3A_1231, %ne3A_1236 : vector<4x128xi1>
    %sub3A_1238 = arith.constant 1 : i32
    %sub3A_1239 = vector.broadcast %sub3A_1238 : i32 to vector<4x128xi32>
    %sub3A_1240 = arith.subi %div3A_1213, %sub3A_1239 : vector<4x128xi32>
    %select_n3A_1241 = arith.select %and3A_1237, %sub3A_1240, %div3A_1213 : vector<4x128xi1>, vector<4x128xi32>
    %iota3A_1242 = tpu.iota {dimensions = array<i32: 0>} : vector<4x128xi32>
    %eq3A_1243 = arith.cmpi eq, %select_n3A_1241, %iota3A_1242 : vector<4x128xi32>
    %convert_element_type3A_1244 = arith.extui %eq3A_1243 : vector<4x128xi1> to vector<4x128xi32>
    %convert_element_type3A_1245 = arith.sitofp %convert_element_type3A_1244 : vector<4x128xi32> to vector<4x128xf32>
    %get3A_1246 = arith.index_cast %select_n3A_15 : i32 to index
    %get3A_1247 = arith.constant 0 : index
    %get3A_1248 = arith.constant 0 : index
    %get3A_1249 = arith.constant 0 : index
    %get3A_1250 = vector.load %arg15[%get3A_1246, %get3A_1247, %get3A_1248, %get3A_1249] : memref<2x64x128x128xf32, #tpu.memory_space<vmem>>, vector<1x8x128x128xf32>
    %get3A_1251 = vector.shape_cast %get3A_1250 : vector<1x8x128x128xf32> to vector<8x128x128xf32>
    %reshape3A_1252 = vector.shape_cast %get3A_1251 : vector<8x128x128xf32> to vector<1024x128xf32>
    %get3A_1253 = arith.constant 0 : index
    %get3A_1254 = arith.constant 0 : index
    %get3A_1255 = vector.load %arg6[%get3A_1253, %get3A_1254] : memref<128x128xf32, #tpu.memory_space<vmem>>, vector<128x128xf32>
    %dot_general3A_1256 = arith.constant dense<0.000000e+00> : vector<1024x128xf32>
    %dot_general3A_1257 = tpu.matmul %reshape3A_1252, %get3A_1255, %dot_general3A_1256 {dimension_numbers = #tpu.dot_dimension_numbers<[1], [0], [0], [1], [0, 0, 1, 1], [], []>, transpose_lhs_hint = false} : vector<1024x128xf32>, vector<128x128xf32>, vector<1024x128xf32> -> vector<1024x128xf32>
    %get3A_1258 = arith.constant 0 : index
    %get3A_1259 = arith.constant 0 : index
    %get3A_1260 = vector.load %arg7[%get3A_1258, %get3A_1259] : memref<1x128xf32, #tpu.memory_space<vmem>>, vector<1x128xf32>
    %add3A_1261 = vector.broadcast %get3A_1260 : vector<1x128xf32> to vector<1024x128xf32>
    %add3A_1262 = arith.addf %dot_general3A_1257, %add3A_1261 : vector<1024x128xf32>
    %get3A_1263 = arith.constant 0 : index
    %get3A_1264 = arith.constant 0 : index
    %get3A_1265 = vector.load %arg8[%get3A_1263, %get3A_1264] : memref<128x128xf32, #tpu.memory_space<vmem>>, vector<128x128xf32>
    %dot_general3A_1266 = arith.constant dense<0.000000e+00> : vector<1024x128xf32>
    %dot_general3A_1267 = tpu.matmul %reshape3A_1252, %get3A_1265, %dot_general3A_1266 {dimension_numbers = #tpu.dot_dimension_numbers<[1], [0], [0], [1], [0, 0, 1, 1], [], []>, transpose_lhs_hint = false} : vector<1024x128xf32>, vector<128x128xf32>, vector<1024x128xf32> -> vector<1024x128xf32>
    %get3A_1268 = arith.constant 0 : index
    %get3A_1269 = arith.constant 0 : index
    %get3A_1270 = vector.load %arg9[%get3A_1268, %get3A_1269] : memref<1x128xf32, #tpu.memory_space<vmem>>, vector<1x128xf32>
    %add3A_1271 = vector.broadcast %get3A_1270 : vector<1x128xf32> to vector<1024x128xf32>
    %add3A_1272 = arith.addf %dot_general3A_1267, %add3A_1271 : vector<1024x128xf32>
    %mul3A_1273 = arith.mulf %add3A_1177, %add3A_1262 : vector<1024x128xf32>
    %dot_general3A_1274 = arith.constant dense<0.000000e+00> : vector<1024x4xf32>
    %dot_general3A_1275 = tpu.matmul %mul3A_1273, %convert_element_type3A_1209, %dot_general3A_1274 {dimension_numbers = #tpu.dot_dimension_numbers<[1], [0], [0], [1], [0, 0, 1, 1], [], []>, transpose_lhs_hint = false} : vector<1024x128xf32>, vector<128x4xf32>, vector<1024x4xf32> -> vector<1024x4xf32>
    %mul3A_1276 = arith.constant 0.176776692 : f32
    %mul3A_1277 = vector.broadcast %mul3A_1276 : f32 to vector<1024x4xf32>
    %mul3A_1278 = arith.mulf %dot_general3A_1275, %mul3A_1277 : vector<1024x4xf32>
    %get3A_1279 = arith.index_cast %select_n3A_15 : i32 to index
    %get3A_1280 = arith.constant 8 : index
    %get3A_1281 = arith.constant 0 : index
    %get3A_1282 = arith.constant 0 : index
    %get3A_1283 = vector.load %arg15[%get3A_1279, %get3A_1280, %get3A_1281, %get3A_1282] : memref<2x64x128x128xf32, #tpu.memory_space<vmem>>, vector<1x8x128x128xf32>
    %get3A_1284 = vector.shape_cast %get3A_1283 : vector<1x8x128x128xf32> to vector<8x128x128xf32>
    %reshape3A_1285 = vector.shape_cast %get3A_1284 : vector<8x128x128xf32> to vector<1024x128xf32>
    %get3A_1286 = arith.constant 0 : index
    %get3A_1287 = arith.constant 0 : index
    %get3A_1288 = vector.load %arg6[%get3A_1286, %get3A_1287] : memref<128x128xf32, #tpu.memory_space<vmem>>, vector<128x128xf32>
    %dot_general3A_1289 = arith.constant dense<0.000000e+00> : vector<1024x128xf32>
    %dot_general3A_1290 = tpu.matmul %reshape3A_1285, %get3A_1288, %dot_general3A_1289 {dimension_numbers = #tpu.dot_dimension_numbers<[1], [0], [0], [1], [0, 0, 1, 1], [], []>, transpose_lhs_hint = false} : vector<1024x128xf32>, vector<128x128xf32>, vector<1024x128xf32> -> vector<1024x128xf32>
    %get3A_1291 = arith.constant 0 : index
    %get3A_1292 = arith.constant 0 : index
    %get3A_1293 = vector.load %arg7[%get3A_1291, %get3A_1292] : memref<1x128xf32, #tpu.memory_space<vmem>>, vector<1x128xf32>
    %add3A_1294 = vector.broadcast %get3A_1293 : vector<1x128xf32> to vector<1024x128xf32>
    %add3A_1295 = arith.addf %dot_general3A_1290, %add3A_1294 : vector<1024x128xf32>
    %get3A_1296 = arith.constant 0 : index
    %get3A_1297 = arith.constant 0 : index
    %get3A_1298 = vector.load %arg8[%get3A_1296, %get3A_1297] : memref<128x128xf32, #tpu.memory_space<vmem>>, vector<128x128xf32>
    %dot_general3A_1299 = arith.constant dense<0.000000e+00> : vector<1024x128xf32>
    %dot_general3A_1300 = tpu.matmul %reshape3A_1285, %get3A_1298, %dot_general3A_1299 {dimension_numbers = #tpu.dot_dimension_numbers<[1], [0], [0], [1], [0, 0, 1, 1], [], []>, transpose_lhs_hint = false} : vector<1024x128xf32>, vector<128x128xf32>, vector<1024x128xf32> -> vector<1024x128xf32>
    %get3A_1301 = arith.constant 0 : index
    %get3A_1302 = arith.constant 0 : index
    %get3A_1303 = vector.load %arg9[%get3A_1301, %get3A_1302] : memref<1x128xf32, #tpu.memory_space<vmem>>, vector<1x128xf32>
    %add3A_1304 = vector.broadcast %get3A_1303 : vector<1x128xf32> to vector<1024x128xf32>
    %add3A_1305 = arith.addf %dot_general3A_1300, %add3A_1304 : vector<1024x128xf32>
    %mul3A_1306 = arith.mulf %add3A_1177, %add3A_1295 : vector<1024x128xf32>
    %dot_general3A_1307 = arith.constant dense<0.000000e+00> : vector<1024x4xf32>
    %dot_general3A_1308 = tpu.matmul %mul3A_1306, %convert_element_type3A_1209, %dot_general3A_1307 {dimension_numbers = #tpu.dot_dimension_numbers<[1], [0], [0], [1], [0, 0, 1, 1], [], []>, transpose_lhs_hint = false} : vector<1024x128xf32>, vector<128x4xf32>, vector<1024x4xf32> -> vector<1024x4xf32>
    %mul3A_1309 = arith.constant 0.176776692 : f32
    %mul3A_1310 = vector.broadcast %mul3A_1309 : f32 to vector<1024x4xf32>
    %mul3A_1311 = arith.mulf %dot_general3A_1308, %mul3A_1310 : vector<1024x4xf32>
    %get3A_1312 = arith.index_cast %select_n3A_15 : i32 to index
    %get3A_1313 = arith.constant 16 : index
    %get3A_1314 = arith.constant 0 : index
    %get3A_1315 = arith.constant 0 : index
    %get3A_1316 = vector.load %arg15[%get3A_1312, %get3A_1313, %get3A_1314, %get3A_1315] : memref<2x64x128x128xf32, #tpu.memory_space<vmem>>, vector<1x8x128x128xf32>
    %get3A_1317 = vector.shape_cast %get3A_1316 : vector<1x8x128x128xf32> to vector<8x128x128xf32>
    %reshape3A_1318 = vector.shape_cast %get3A_1317 : vector<8x128x128xf32> to vector<1024x128xf32>
    %get3A_1319 = arith.constant 0 : index
    %get3A_1320 = arith.constant 0 : index
    %get3A_1321 = vector.load %arg6[%get3A_1319, %get3A_1320] : memref<128x128xf32, #tpu.memory_space<vmem>>, vector<128x128xf32>
    %dot_general3A_1322 = arith.constant dense<0.000000e+00> : vector<1024x128xf32>
    %dot_general3A_1323 = tpu.matmul %reshape3A_1318, %get3A_1321, %dot_general3A_1322 {dimension_numbers = #tpu.dot_dimension_numbers<[1], [0], [0], [1], [0, 0, 1, 1], [], []>, transpose_lhs_hint = false} : vector<1024x128xf32>, vector<128x128xf32>, vector<1024x128xf32> -> vector<1024x128xf32>
    %get3A_1324 = arith.constant 0 : index
    %get3A_1325 = arith.constant 0 : index
    %get3A_1326 = vector.load %arg7[%get3A_1324, %get3A_1325] : memref<1x128xf32, #tpu.memory_space<vmem>>, vector<1x128xf32>
    %add3A_1327 = vector.broadcast %get3A_1326 : vector<1x128xf32> to vector<1024x128xf32>
    %add3A_1328 = arith.addf %dot_general3A_1323, %add3A_1327 : vector<1024x128xf32>
    %get3A_1329 = arith.constant 0 : index
    %get3A_1330 = arith.constant 0 : index
    %get3A_1331 = vector.load %arg8[%get3A_1329, %get3A_1330] : memref<128x128xf32, #tpu.memory_space<vmem>>, vector<128x128xf32>
    %dot_general3A_1332 = arith.constant dense<0.000000e+00> : vector<1024x128xf32>
    %dot_general3A_1333 = tpu.matmul %reshape3A_1318, %get3A_1331, %dot_general3A_1332 {dimension_numbers = #tpu.dot_dimension_numbers<[1], [0], [0], [1], [0, 0, 1, 1], [], []>, transpose_lhs_hint = false} : vector<1024x128xf32>, vector<128x128xf32>, vector<1024x128xf32> -> vector<1024x128xf32>
    %get3A_1334 = arith.constant 0 : index
    %get3A_1335 = arith.constant 0 : index
    %get3A_1336 = vector.load %arg9[%get3A_1334, %get3A_1335] : memref<1x128xf32, #tpu.memory_space<vmem>>, vector<1x128xf32>
    %add3A_1337 = vector.broadcast %get3A_1336 : vector<1x128xf32> to vector<1024x128xf32>
    %add3A_1338 = arith.addf %dot_general3A_1333, %add3A_1337 : vector<1024x128xf32>
    %mul3A_1339 = arith.mulf %add3A_1177, %add3A_1328 : vector<1024x128xf32>
    %dot_general3A_1340 = arith.constant dense<0.000000e+00> : vector<1024x4xf32>
    %dot_general3A_1341 = tpu.matmul %mul3A_1339, %convert_element_type3A_1209, %dot_general3A_1340 {dimension_numbers = #tpu.dot_dimension_numbers<[1], [0], [0], [1], [0, 0, 1, 1], [], []>, transpose_lhs_hint = false} : vector<1024x128xf32>, vector<128x4xf32>, vector<1024x4xf32> -> vector<1024x4xf32>
    %mul3A_1342 = arith.constant 0.176776692 : f32
    %mul3A_1343 = vector.broadcast %mul3A_1342 : f32 to vector<1024x4xf32>
    %mul3A_1344 = arith.mulf %dot_general3A_1341, %mul3A_1343 : vector<1024x4xf32>
    %get3A_1345 = arith.index_cast %select_n3A_15 : i32 to index
    %get3A_1346 = arith.constant 24 : index
    %get3A_1347 = arith.constant 0 : index
    %get3A_1348 = arith.constant 0 : index
    %get3A_1349 = vector.load %arg15[%get3A_1345, %get3A_1346, %get3A_1347, %get3A_1348] : memref<2x64x128x128xf32, #tpu.memory_space<vmem>>, vector<1x8x128x128xf32>
    %get3A_1350 = vector.shape_cast %get3A_1349 : vector<1x8x128x128xf32> to vector<8x128x128xf32>
    %reshape3A_1351 = vector.shape_cast %get3A_1350 : vector<8x128x128xf32> to vector<1024x128xf32>
    %get3A_1352 = arith.constant 0 : index
    %get3A_1353 = arith.constant 0 : index
    %get3A_1354 = vector.load %arg6[%get3A_1352, %get3A_1353] : memref<128x128xf32, #tpu.memory_space<vmem>>, vector<128x128xf32>
    %dot_general3A_1355 = arith.constant dense<0.000000e+00> : vector<1024x128xf32>
    %dot_general3A_1356 = tpu.matmul %reshape3A_1351, %get3A_1354, %dot_general3A_1355 {dimension_numbers = #tpu.dot_dimension_numbers<[1], [0], [0], [1], [0, 0, 1, 1], [], []>, transpose_lhs_hint = false} : vector<1024x128xf32>, vector<128x128xf32>, vector<1024x128xf32> -> vector<1024x128xf32>
    %get3A_1357 = arith.constant 0 : index
    %get3A_1358 = arith.constant 0 : index
    %get3A_1359 = vector.load %arg7[%get3A_1357, %get3A_1358] : memref<1x128xf32, #tpu.memory_space<vmem>>, vector<1x128xf32>
    %add3A_1360 = vector.broadcast %get3A_1359 : vector<1x128xf32> to vector<1024x128xf32>
    %add3A_1361 = arith.addf %dot_general3A_1356, %add3A_1360 : vector<1024x128xf32>
    %get3A_1362 = arith.constant 0 : index
    %get3A_1363 = arith.constant 0 : index
    %get3A_1364 = vector.load %arg8[%get3A_1362, %get3A_1363] : memref<128x128xf32, #tpu.memory_space<vmem>>, vector<128x128xf32>
    %dot_general3A_1365 = arith.constant dense<0.000000e+00> : vector<1024x128xf32>
    %dot_general3A_1366 = tpu.matmul %reshape3A_1351, %get3A_1364, %dot_general3A_1365 {dimension_numbers = #tpu.dot_dimension_numbers<[1], [0], [0], [1], [0, 0, 1, 1], [], []>, transpose_lhs_hint = false} : vector<1024x128xf32>, vector<128x128xf32>, vector<1024x128xf32> -> vector<1024x128xf32>
    %get3A_1367 = arith.constant 0 : index
    %get3A_1368 = arith.constant 0 : index
    %get3A_1369 = vector.load %arg9[%get3A_1367, %get3A_1368] : memref<1x128xf32, #tpu.memory_space<vmem>>, vector<1x128xf32>
    %add3A_1370 = vector.broadcast %get3A_1369 : vector<1x128xf32> to vector<1024x128xf32>
    %add3A_1371 = arith.addf %dot_general3A_1366, %add3A_1370 : vector<1024x128xf32>
    %mul3A_1372 = arith.mulf %add3A_1177, %add3A_1361 : vector<1024x128xf32>
    %dot_general3A_1373 = arith.constant dense<0.000000e+00> : vector<1024x4xf32>
    %dot_general3A_1374 = tpu.matmul %mul3A_1372, %convert_element_type3A_1209, %dot_general3A_1373 {dimension_numbers = #tpu.dot_dimension_numbers<[1], [0], [0], [1], [0, 0, 1, 1], [], []>, transpose_lhs_hint = false} : vector<1024x128xf32>, vector<128x4xf32>, vector<1024x4xf32> -> vector<1024x4xf32>
    %mul3A_1375 = arith.constant 0.176776692 : f32
    %mul3A_1376 = vector.broadcast %mul3A_1375 : f32 to vector<1024x4xf32>
    %mul3A_1377 = arith.mulf %dot_general3A_1374, %mul3A_1376 : vector<1024x4xf32>
    %get3A_1378 = arith.index_cast %select_n3A_15 : i32 to index
    %get3A_1379 = arith.constant 32 : index
    %get3A_1380 = arith.constant 0 : index
    %get3A_1381 = arith.constant 0 : index
    %get3A_1382 = vector.load %arg15[%get3A_1378, %get3A_1379, %get3A_1380, %get3A_1381] : memref<2x64x128x128xf32, #tpu.memory_space<vmem>>, vector<1x8x128x128xf32>
    %get3A_1383 = vector.shape_cast %get3A_1382 : vector<1x8x128x128xf32> to vector<8x128x128xf32>
    %reshape3A_1384 = vector.shape_cast %get3A_1383 : vector<8x128x128xf32> to vector<1024x128xf32>
    %get3A_1385 = arith.constant 0 : index
    %get3A_1386 = arith.constant 0 : index
    %get3A_1387 = vector.load %arg6[%get3A_1385, %get3A_1386] : memref<128x128xf32, #tpu.memory_space<vmem>>, vector<128x128xf32>
    %dot_general3A_1388 = arith.constant dense<0.000000e+00> : vector<1024x128xf32>
    %dot_general3A_1389 = tpu.matmul %reshape3A_1384, %get3A_1387, %dot_general3A_1388 {dimension_numbers = #tpu.dot_dimension_numbers<[1], [0], [0], [1], [0, 0, 1, 1], [], []>, transpose_lhs_hint = false} : vector<1024x128xf32>, vector<128x128xf32>, vector<1024x128xf32> -> vector<1024x128xf32>
    %get3A_1390 = arith.constant 0 : index
    %get3A_1391 = arith.constant 0 : index
    %get3A_1392 = vector.load %arg7[%get3A_1390, %get3A_1391] : memref<1x128xf32, #tpu.memory_space<vmem>>, vector<1x128xf32>
    %add3A_1393 = vector.broadcast %get3A_1392 : vector<1x128xf32> to vector<1024x128xf32>
    %add3A_1394 = arith.addf %dot_general3A_1389, %add3A_1393 : vector<1024x128xf32>
    %get3A_1395 = arith.constant 0 : index
    %get3A_1396 = arith.constant 0 : index
    %get3A_1397 = vector.load %arg8[%get3A_1395, %get3A_1396] : memref<128x128xf32, #tpu.memory_space<vmem>>, vector<128x128xf32>
    %dot_general3A_1398 = arith.constant dense<0.000000e+00> : vector<1024x128xf32>
    %dot_general3A_1399 = tpu.matmul %reshape3A_1384, %get3A_1397, %dot_general3A_1398 {dimension_numbers = #tpu.dot_dimension_numbers<[1], [0], [0], [1], [0, 0, 1, 1], [], []>, transpose_lhs_hint = false} : vector<1024x128xf32>, vector<128x128xf32>, vector<1024x128xf32> -> vector<1024x128xf32>
    %get3A_1400 = arith.constant 0 : index
    %get3A_1401 = arith.constant 0 : index
    %get3A_1402 = vector.load %arg9[%get3A_1400, %get3A_1401] : memref<1x128xf32, #tpu.memory_space<vmem>>, vector<1x128xf32>
    %add3A_1403 = vector.broadcast %get3A_1402 : vector<1x128xf32> to vector<1024x128xf32>
    %add3A_1404 = arith.addf %dot_general3A_1399, %add3A_1403 : vector<1024x128xf32>
    %mul3A_1405 = arith.mulf %add3A_1177, %add3A_1394 : vector<1024x128xf32>
    %dot_general3A_1406 = arith.constant dense<0.000000e+00> : vector<1024x4xf32>
    %dot_general3A_1407 = tpu.matmul %mul3A_1405, %convert_element_type3A_1209, %dot_general3A_1406 {dimension_numbers = #tpu.dot_dimension_numbers<[1], [0], [0], [1], [0, 0, 1, 1], [], []>, transpose_lhs_hint = false} : vector<1024x128xf32>, vector<128x4xf32>, vector<1024x4xf32> -> vector<1024x4xf32>
    %mul3A_1408 = arith.constant 0.176776692 : f32
    %mul3A_1409 = vector.broadcast %mul3A_1408 : f32 to vector<1024x4xf32>
    %mul3A_1410 = arith.mulf %dot_general3A_1407, %mul3A_1409 : vector<1024x4xf32>
    %get3A_1411 = arith.index_cast %select_n3A_15 : i32 to index
    %get3A_1412 = arith.constant 40 : index
    %get3A_1413 = arith.constant 0 : index
    %get3A_1414 = arith.constant 0 : index
    %get3A_1415 = vector.load %arg15[%get3A_1411, %get3A_1412, %get3A_1413, %get3A_1414] : memref<2x64x128x128xf32, #tpu.memory_space<vmem>>, vector<1x8x128x128xf32>
    %get3A_1416 = vector.shape_cast %get3A_1415 : vector<1x8x128x128xf32> to vector<8x128x128xf32>
    %reshape3A_1417 = vector.shape_cast %get3A_1416 : vector<8x128x128xf32> to vector<1024x128xf32>
    %get3A_1418 = arith.constant 0 : index
    %get3A_1419 = arith.constant 0 : index
    %get3A_1420 = vector.load %arg6[%get3A_1418, %get3A_1419] : memref<128x128xf32, #tpu.memory_space<vmem>>, vector<128x128xf32>
    %dot_general3A_1421 = arith.constant dense<0.000000e+00> : vector<1024x128xf32>
    %dot_general3A_1422 = tpu.matmul %reshape3A_1417, %get3A_1420, %dot_general3A_1421 {dimension_numbers = #tpu.dot_dimension_numbers<[1], [0], [0], [1], [0, 0, 1, 1], [], []>, transpose_lhs_hint = false} : vector<1024x128xf32>, vector<128x128xf32>, vector<1024x128xf32> -> vector<1024x128xf32>
    %get3A_1423 = arith.constant 0 : index
    %get3A_1424 = arith.constant 0 : index
    %get3A_1425 = vector.load %arg7[%get3A_1423, %get3A_1424] : memref<1x128xf32, #tpu.memory_space<vmem>>, vector<1x128xf32>
    %add3A_1426 = vector.broadcast %get3A_1425 : vector<1x128xf32> to vector<1024x128xf32>
    %add3A_1427 = arith.addf %dot_general3A_1422, %add3A_1426 : vector<1024x128xf32>
    %get3A_1428 = arith.constant 0 : index
    %get3A_1429 = arith.constant 0 : index
    %get3A_1430 = vector.load %arg8[%get3A_1428, %get3A_1429] : memref<128x128xf32, #tpu.memory_space<vmem>>, vector<128x128xf32>
    %dot_general3A_1431 = arith.constant dense<0.000000e+00> : vector<1024x128xf32>
    %dot_general3A_1432 = tpu.matmul %reshape3A_1417, %get3A_1430, %dot_general3A_1431 {dimension_numbers = #tpu.dot_dimension_numbers<[1], [0], [0], [1], [0, 0, 1, 1], [], []>, transpose_lhs_hint = false} : vector<1024x128xf32>, vector<128x128xf32>, vector<1024x128xf32> -> vector<1024x128xf32>
    %get3A_1433 = arith.constant 0 : index
    %get3A_1434 = arith.constant 0 : index
    %get3A_1435 = vector.load %arg9[%get3A_1433, %get3A_1434] : memref<1x128xf32, #tpu.memory_space<vmem>>, vector<1x128xf32>
    %add3A_1436 = vector.broadcast %get3A_1435 : vector<1x128xf32> to vector<1024x128xf32>
    %add3A_1437 = arith.addf %dot_general3A_1432, %add3A_1436 : vector<1024x128xf32>
    %mul3A_1438 = arith.mulf %add3A_1177, %add3A_1427 : vector<1024x128xf32>
    %dot_general3A_1439 = arith.constant dense<0.000000e+00> : vector<1024x4xf32>
    %dot_general3A_1440 = tpu.matmul %mul3A_1438, %convert_element_type3A_1209, %dot_general3A_1439 {dimension_numbers = #tpu.dot_dimension_numbers<[1], [0], [0], [1], [0, 0, 1, 1], [], []>, transpose_lhs_hint = false} : vector<1024x128xf32>, vector<128x4xf32>, vector<1024x4xf32> -> vector<1024x4xf32>
    %mul3A_1441 = arith.constant 0.176776692 : f32
    %mul3A_1442 = vector.broadcast %mul3A_1441 : f32 to vector<1024x4xf32>
    %mul3A_1443 = arith.mulf %dot_general3A_1440, %mul3A_1442 : vector<1024x4xf32>
    %get3A_1444 = arith.index_cast %select_n3A_15 : i32 to index
    %get3A_1445 = arith.constant 48 : index
    %get3A_1446 = arith.constant 0 : index
    %get3A_1447 = arith.constant 0 : index
    %get3A_1448 = vector.load %arg15[%get3A_1444, %get3A_1445, %get3A_1446, %get3A_1447] : memref<2x64x128x128xf32, #tpu.memory_space<vmem>>, vector<1x8x128x128xf32>
    %get3A_1449 = vector.shape_cast %get3A_1448 : vector<1x8x128x128xf32> to vector<8x128x128xf32>
    %reshape3A_1450 = vector.shape_cast %get3A_1449 : vector<8x128x128xf32> to vector<1024x128xf32>
    %get3A_1451 = arith.constant 0 : index
    %get3A_1452 = arith.constant 0 : index
    %get3A_1453 = vector.load %arg6[%get3A_1451, %get3A_1452] : memref<128x128xf32, #tpu.memory_space<vmem>>, vector<128x128xf32>
    %dot_general3A_1454 = arith.constant dense<0.000000e+00> : vector<1024x128xf32>
    %dot_general3A_1455 = tpu.matmul %reshape3A_1450, %get3A_1453, %dot_general3A_1454 {dimension_numbers = #tpu.dot_dimension_numbers<[1], [0], [0], [1], [0, 0, 1, 1], [], []>, transpose_lhs_hint = false} : vector<1024x128xf32>, vector<128x128xf32>, vector<1024x128xf32> -> vector<1024x128xf32>
    %get3A_1456 = arith.constant 0 : index
    %get3A_1457 = arith.constant 0 : index
    %get3A_1458 = vector.load %arg7[%get3A_1456, %get3A_1457] : memref<1x128xf32, #tpu.memory_space<vmem>>, vector<1x128xf32>
    %add3A_1459 = vector.broadcast %get3A_1458 : vector<1x128xf32> to vector<1024x128xf32>
    %add3A_1460 = arith.addf %dot_general3A_1455, %add3A_1459 : vector<1024x128xf32>
    %get3A_1461 = arith.constant 0 : index
    %get3A_1462 = arith.constant 0 : index
    %get3A_1463 = vector.load %arg8[%get3A_1461, %get3A_1462] : memref<128x128xf32, #tpu.memory_space<vmem>>, vector<128x128xf32>
    %dot_general3A_1464 = arith.constant dense<0.000000e+00> : vector<1024x128xf32>
    %dot_general3A_1465 = tpu.matmul %reshape3A_1450, %get3A_1463, %dot_general3A_1464 {dimension_numbers = #tpu.dot_dimension_numbers<[1], [0], [0], [1], [0, 0, 1, 1], [], []>, transpose_lhs_hint = false} : vector<1024x128xf32>, vector<128x128xf32>, vector<1024x128xf32> -> vector<1024x128xf32>
    %get3A_1466 = arith.constant 0 : index
    %get3A_1467 = arith.constant 0 : index
    %get3A_1468 = vector.load %arg9[%get3A_1466, %get3A_1467] : memref<1x128xf32, #tpu.memory_space<vmem>>, vector<1x128xf32>
    %add3A_1469 = vector.broadcast %get3A_1468 : vector<1x128xf32> to vector<1024x128xf32>
    %add3A_1470 = arith.addf %dot_general3A_1465, %add3A_1469 : vector<1024x128xf32>
    %mul3A_1471 = arith.mulf %add3A_1177, %add3A_1460 : vector<1024x128xf32>
    %dot_general3A_1472 = arith.constant dense<0.000000e+00> : vector<1024x4xf32>
    %dot_general3A_1473 = tpu.matmul %mul3A_1471, %convert_element_type3A_1209, %dot_general3A_1472 {dimension_numbers = #tpu.dot_dimension_numbers<[1], [0], [0], [1], [0, 0, 1, 1], [], []>, transpose_lhs_hint = false} : vector<1024x128xf32>, vector<128x4xf32>, vector<1024x4xf32> -> vector<1024x4xf32>
    %mul3A_1474 = arith.constant 0.176776692 : f32
    %mul3A_1475 = vector.broadcast %mul3A_1474 : f32 to vector<1024x4xf32>
    %mul3A_1476 = arith.mulf %dot_general3A_1473, %mul3A_1475 : vector<1024x4xf32>
    %get3A_1477 = arith.index_cast %select_n3A_15 : i32 to index
    %get3A_1478 = arith.constant 56 : index
    %get3A_1479 = arith.constant 0 : index
    %get3A_1480 = arith.constant 0 : index
    %get3A_1481 = vector.load %arg15[%get3A_1477, %get3A_1478, %get3A_1479, %get3A_1480] : memref<2x64x128x128xf32, #tpu.memory_space<vmem>>, vector<1x8x128x128xf32>
    %get3A_1482 = vector.shape_cast %get3A_1481 : vector<1x8x128x128xf32> to vector<8x128x128xf32>
    %reshape3A_1483 = vector.shape_cast %get3A_1482 : vector<8x128x128xf32> to vector<1024x128xf32>
    %get3A_1484 = arith.constant 0 : index
    %get3A_1485 = arith.constant 0 : index
    %get3A_1486 = vector.load %arg6[%get3A_1484, %get3A_1485] : memref<128x128xf32, #tpu.memory_space<vmem>>, vector<128x128xf32>
    %dot_general3A_1487 = arith.constant dense<0.000000e+00> : vector<1024x128xf32>
    %dot_general3A_1488 = tpu.matmul %reshape3A_1483, %get3A_1486, %dot_general3A_1487 {dimension_numbers = #tpu.dot_dimension_numbers<[1], [0], [0], [1], [0, 0, 1, 1], [], []>, transpose_lhs_hint = false} : vector<1024x128xf32>, vector<128x128xf32>, vector<1024x128xf32> -> vector<1024x128xf32>
    %get3A_1489 = arith.constant 0 : index
    %get3A_1490 = arith.constant 0 : index
    %get3A_1491 = vector.load %arg7[%get3A_1489, %get3A_1490] : memref<1x128xf32, #tpu.memory_space<vmem>>, vector<1x128xf32>
    %add3A_1492 = vector.broadcast %get3A_1491 : vector<1x128xf32> to vector<1024x128xf32>
    %add3A_1493 = arith.addf %dot_general3A_1488, %add3A_1492 : vector<1024x128xf32>
    %get3A_1494 = arith.constant 0 : index
    %get3A_1495 = arith.constant 0 : index
    %get3A_1496 = vector.load %arg8[%get3A_1494, %get3A_1495] : memref<128x128xf32, #tpu.memory_space<vmem>>, vector<128x128xf32>
    %dot_general3A_1497 = arith.constant dense<0.000000e+00> : vector<1024x128xf32>
    %dot_general3A_1498 = tpu.matmul %reshape3A_1483, %get3A_1496, %dot_general3A_1497 {dimension_numbers = #tpu.dot_dimension_numbers<[1], [0], [0], [1], [0, 0, 1, 1], [], []>, transpose_lhs_hint = false} : vector<1024x128xf32>, vector<128x128xf32>, vector<1024x128xf32> -> vector<1024x128xf32>
    %get3A_1499 = arith.constant 0 : index
    %get3A_1500 = arith.constant 0 : index
    %get3A_1501 = vector.load %arg9[%get3A_1499, %get3A_1500] : memref<1x128xf32, #tpu.memory_space<vmem>>, vector<1x128xf32>
    %add3A_1502 = vector.broadcast %get3A_1501 : vector<1x128xf32> to vector<1024x128xf32>
    %add3A_1503 = arith.addf %dot_general3A_1498, %add3A_1502 : vector<1024x128xf32>
    %mul3A_1504 = arith.mulf %add3A_1177, %add3A_1493 : vector<1024x128xf32>
    %dot_general3A_1505 = arith.constant dense<0.000000e+00> : vector<1024x4xf32>
    %dot_general3A_1506 = tpu.matmul %mul3A_1504, %convert_element_type3A_1209, %dot_general3A_1505 {dimension_numbers = #tpu.dot_dimension_numbers<[1], [0], [0], [1], [0, 0, 1, 1], [], []>, transpose_lhs_hint = false} : vector<1024x128xf32>, vector<128x4xf32>, vector<1024x4xf32> -> vector<1024x4xf32>
    %mul3A_1507 = arith.constant 0.176776692 : f32
    %mul3A_1508 = vector.broadcast %mul3A_1507 : f32 to vector<1024x4xf32>
    %mul3A_1509 = arith.mulf %dot_general3A_1506, %mul3A_1508 : vector<1024x4xf32>
    %stack3A = vector.shape_cast %mul3A_1278 : vector<1024x4xf32> to vector<1x1024x4xf32>
    %stack3A_1510 = vector.shape_cast %mul3A_1311 : vector<1024x4xf32> to vector<1x1024x4xf32>
    %stack3A_1511 = vector.shape_cast %mul3A_1344 : vector<1024x4xf32> to vector<1x1024x4xf32>
    %stack3A_1512 = vector.shape_cast %mul3A_1377 : vector<1024x4xf32> to vector<1x1024x4xf32>
    %stack3A_1513 = vector.shape_cast %mul3A_1410 : vector<1024x4xf32> to vector<1x1024x4xf32>
    %stack3A_1514 = vector.shape_cast %mul3A_1443 : vector<1024x4xf32> to vector<1x1024x4xf32>
    %stack3A_1515 = vector.shape_cast %mul3A_1476 : vector<1024x4xf32> to vector<1x1024x4xf32>
    %stack3A_1516 = vector.shape_cast %mul3A_1509 : vector<1024x4xf32> to vector<1x1024x4xf32>
    %stack3A_1517 = tpu.concatenate %stack3A, %stack3A_1510, %stack3A_1511, %stack3A_1512, %stack3A_1513, %stack3A_1514, %stack3A_1515, %stack3A_1516 in 0 : vector<1x1024x4xf32>, vector<1x1024x4xf32>, vector<1x1024x4xf32>, vector<1x1024x4xf32>, vector<1x1024x4xf32>, vector<1x1024x4xf32>, vector<1x1024x4xf32>, vector<1x1024x4xf32> -> vector<8x1024x4xf32>
    %reduce_max3A = arith.constant dense<0xFF800000> : vector<1024x4xf32>
    %reduce_max3A_1518 = vector.multi_reduction <maximumf>, %stack3A_1517, %reduce_max3A [0] : vector<8x1024x4xf32> to vector<1024x4xf32>
    %broadcast_in_dim3A = vector.shape_cast %reduce_max3A_1518 : vector<1024x4xf32> to vector<1x1024x4xf32>
    %sub3A_1519 = vector.broadcast %broadcast_in_dim3A : vector<1x1024x4xf32> to vector<8x1024x4xf32>
    %sub3A_1520 = arith.subf %stack3A_1517, %sub3A_1519 : vector<8x1024x4xf32>
    %exp3A = math.exp %sub3A_1520 : vector<8x1024x4xf32>
    %reduce_sum3A = arith.constant dense<0.000000e+00> : vector<1024x4xf32>
    %reduce_sum3A_1521 = vector.multi_reduction <add>, %exp3A, %reduce_sum3A [0] : vector<8x1024x4xf32> to vector<1024x4xf32>
    %broadcast_in_dim3A_1522 = vector.shape_cast %reduce_sum3A_1521 : vector<1024x4xf32> to vector<1x1024x4xf32>
    %div3A_1523 = vector.broadcast %broadcast_in_dim3A_1522 : vector<1x1024x4xf32> to vector<8x1024x4xf32>
    %div3A_1524 = arith.divf %exp3A, %div3A_1523 : vector<8x1024x4xf32>
    %slice3A = vector.extract_strided_slice %div3A_1524 {offsets = [0, 0, 0], sizes = [1, 1024, 4], strides = [1, 1, 1]} : vector<8x1024x4xf32> to vector<1x1024x4xf32>
    %squeeze3A = vector.shape_cast %slice3A : vector<1x1024x4xf32> to vector<1024x4xf32>
    %dot_general3A_1525 = arith.constant dense<0.000000e+00> : vector<1024x128xf32>
    %dot_general3A_1526 = tpu.matmul %squeeze3A, %convert_element_type3A_1245, %dot_general3A_1525 {dimension_numbers = #tpu.dot_dimension_numbers<[1], [0], [0], [1], [0, 0, 1, 1], [], []>, transpose_lhs_hint = false} : vector<1024x4xf32>, vector<4x128xf32>, vector<1024x128xf32> -> vector<1024x128xf32>
    %mul3A_1527 = arith.mulf %dot_general3A_1526, %add3A_1272 : vector<1024x128xf32>
    %slice3A_1528 = vector.extract_strided_slice %div3A_1524 {offsets = [1, 0, 0], sizes = [1, 1024, 4], strides = [1, 1, 1]} : vector<8x1024x4xf32> to vector<1x1024x4xf32>
    %squeeze3A_1529 = vector.shape_cast %slice3A_1528 : vector<1x1024x4xf32> to vector<1024x4xf32>
    %dot_general3A_1530 = arith.constant dense<0.000000e+00> : vector<1024x128xf32>
    %dot_general3A_1531 = tpu.matmul %squeeze3A_1529, %convert_element_type3A_1245, %dot_general3A_1530 {dimension_numbers = #tpu.dot_dimension_numbers<[1], [0], [0], [1], [0, 0, 1, 1], [], []>, transpose_lhs_hint = false} : vector<1024x4xf32>, vector<4x128xf32>, vector<1024x128xf32> -> vector<1024x128xf32>
    %mul3A_1532 = arith.mulf %dot_general3A_1531, %add3A_1305 : vector<1024x128xf32>
    %add3A_1533 = arith.addf %mul3A_1527, %mul3A_1532 : vector<1024x128xf32>
    %slice3A_1534 = vector.extract_strided_slice %div3A_1524 {offsets = [2, 0, 0], sizes = [1, 1024, 4], strides = [1, 1, 1]} : vector<8x1024x4xf32> to vector<1x1024x4xf32>
    %squeeze3A_1535 = vector.shape_cast %slice3A_1534 : vector<1x1024x4xf32> to vector<1024x4xf32>
    %dot_general3A_1536 = arith.constant dense<0.000000e+00> : vector<1024x128xf32>
    %dot_general3A_1537 = tpu.matmul %squeeze3A_1535, %convert_element_type3A_1245, %dot_general3A_1536 {dimension_numbers = #tpu.dot_dimension_numbers<[1], [0], [0], [1], [0, 0, 1, 1], [], []>, transpose_lhs_hint = false} : vector<1024x4xf32>, vector<4x128xf32>, vector<1024x128xf32> -> vector<1024x128xf32>
    %mul3A_1538 = arith.mulf %dot_general3A_1537, %add3A_1338 : vector<1024x128xf32>
    %add3A_1539 = arith.addf %add3A_1533, %mul3A_1538 : vector<1024x128xf32>
    %slice3A_1540 = vector.extract_strided_slice %div3A_1524 {offsets = [3, 0, 0], sizes = [1, 1024, 4], strides = [1, 1, 1]} : vector<8x1024x4xf32> to vector<1x1024x4xf32>
    %squeeze3A_1541 = vector.shape_cast %slice3A_1540 : vector<1x1024x4xf32> to vector<1024x4xf32>
    %dot_general3A_1542 = arith.constant dense<0.000000e+00> : vector<1024x128xf32>
    %dot_general3A_1543 = tpu.matmul %squeeze3A_1541, %convert_element_type3A_1245, %dot_general3A_1542 {dimension_numbers = #tpu.dot_dimension_numbers<[1], [0], [0], [1], [0, 0, 1, 1], [], []>, transpose_lhs_hint = false} : vector<1024x4xf32>, vector<4x128xf32>, vector<1024x128xf32> -> vector<1024x128xf32>
    %mul3A_1544 = arith.mulf %dot_general3A_1543, %add3A_1371 : vector<1024x128xf32>
    %add3A_1545 = arith.addf %add3A_1539, %mul3A_1544 : vector<1024x128xf32>
    %slice3A_1546 = vector.extract_strided_slice %div3A_1524 {offsets = [4, 0, 0], sizes = [1, 1024, 4], strides = [1, 1, 1]} : vector<8x1024x4xf32> to vector<1x1024x4xf32>
    %squeeze3A_1547 = vector.shape_cast %slice3A_1546 : vector<1x1024x4xf32> to vector<1024x4xf32>
    %dot_general3A_1548 = arith.constant dense<0.000000e+00> : vector<1024x128xf32>
    %dot_general3A_1549 = tpu.matmul %squeeze3A_1547, %convert_element_type3A_1245, %dot_general3A_1548 {dimension_numbers = #tpu.dot_dimension_numbers<[1], [0], [0], [1], [0, 0, 1, 1], [], []>, transpose_lhs_hint = false} : vector<1024x4xf32>, vector<4x128xf32>, vector<1024x128xf32> -> vector<1024x128xf32>
    %mul3A_1550 = arith.mulf %dot_general3A_1549, %add3A_1404 : vector<1024x128xf32>
    %add3A_1551 = arith.addf %add3A_1545, %mul3A_1550 : vector<1024x128xf32>
    %slice3A_1552 = vector.extract_strided_slice %div3A_1524 {offsets = [5, 0, 0], sizes = [1, 1024, 4], strides = [1, 1, 1]} : vector<8x1024x4xf32> to vector<1x1024x4xf32>
    %squeeze3A_1553 = vector.shape_cast %slice3A_1552 : vector<1x1024x4xf32> to vector<1024x4xf32>
    %dot_general3A_1554 = arith.constant dense<0.000000e+00> : vector<1024x128xf32>
    %dot_general3A_1555 = tpu.matmul %squeeze3A_1553, %convert_element_type3A_1245, %dot_general3A_1554 {dimension_numbers = #tpu.dot_dimension_numbers<[1], [0], [0], [1], [0, 0, 1, 1], [], []>, transpose_lhs_hint = false} : vector<1024x4xf32>, vector<4x128xf32>, vector<1024x128xf32> -> vector<1024x128xf32>
    %mul3A_1556 = arith.mulf %dot_general3A_1555, %add3A_1437 : vector<1024x128xf32>
    %add3A_1557 = arith.addf %add3A_1551, %mul3A_1556 : vector<1024x128xf32>
    %slice3A_1558 = vector.extract_strided_slice %div3A_1524 {offsets = [6, 0, 0], sizes = [1, 1024, 4], strides = [1, 1, 1]} : vector<8x1024x4xf32> to vector<1x1024x4xf32>
    %squeeze3A_1559 = vector.shape_cast %slice3A_1558 : vector<1x1024x4xf32> to vector<1024x4xf32>
    %dot_general3A_1560 = arith.constant dense<0.000000e+00> : vector<1024x128xf32>
    %dot_general3A_1561 = tpu.matmul %squeeze3A_1559, %convert_element_type3A_1245, %dot_general3A_1560 {dimension_numbers = #tpu.dot_dimension_numbers<[1], [0], [0], [1], [0, 0, 1, 1], [], []>, transpose_lhs_hint = false} : vector<1024x4xf32>, vector<4x128xf32>, vector<1024x128xf32> -> vector<1024x128xf32>
    %mul3A_1562 = arith.mulf %dot_general3A_1561, %add3A_1470 : vector<1024x128xf32>
    %add3A_1563 = arith.addf %add3A_1557, %mul3A_1562 : vector<1024x128xf32>
    %slice3A_1564 = vector.extract_strided_slice %div3A_1524 {offsets = [7, 0, 0], sizes = [1, 1024, 4], strides = [1, 1, 1]} : vector<8x1024x4xf32> to vector<1x1024x4xf32>
    %squeeze3A_1565 = vector.shape_cast %slice3A_1564 : vector<1x1024x4xf32> to vector<1024x4xf32>
    %dot_general3A_1566 = arith.constant dense<0.000000e+00> : vector<1024x128xf32>
    %dot_general3A_1567 = tpu.matmul %squeeze3A_1565, %convert_element_type3A_1245, %dot_general3A_1566 {dimension_numbers = #tpu.dot_dimension_numbers<[1], [0], [0], [1], [0, 0, 1, 1], [], []>, transpose_lhs_hint = false} : vector<1024x4xf32>, vector<4x128xf32>, vector<1024x128xf32> -> vector<1024x128xf32>
    %mul3A_1568 = arith.mulf %dot_general3A_1567, %add3A_1503 : vector<1024x128xf32>
    %add3A_1569 = arith.addf %add3A_1563, %mul3A_1568 : vector<1024x128xf32>
    %get3A_1570 = arith.constant 0 : index
    %get3A_1571 = arith.constant 0 : index
    %get3A_1572 = vector.load %arg10[%get3A_1570, %get3A_1571] : memref<128x128xf32, #tpu.memory_space<vmem>>, vector<128x128xf32>
    %dot_general3A_1573 = arith.constant dense<0.000000e+00> : vector<1024x128xf32>
    %dot_general3A_1574 = tpu.matmul %add3A_1569, %get3A_1572, %dot_general3A_1573 {dimension_numbers = #tpu.dot_dimension_numbers<[1], [0], [0], [1], [0, 0, 1, 1], [], []>, transpose_lhs_hint = false} : vector<1024x128xf32>, vector<128x128xf32>, vector<1024x128xf32> -> vector<1024x128xf32>
    %get3A_1575 = arith.constant 0 : index
    %get3A_1576 = arith.constant 0 : index
    %get3A_1577 = vector.load %arg11[%get3A_1575, %get3A_1576] : memref<1x128xf32, #tpu.memory_space<vmem>>, vector<1x128xf32>
    %add3A_1578 = vector.broadcast %get3A_1577 : vector<1x128xf32> to vector<1024x128xf32>
    %add3A_1579 = arith.addf %dot_general3A_1574, %add3A_1578 : vector<1024x128xf32>
    %get3A_1580 = arith.constant 0 : index
    %get3A_1581 = arith.constant 0 : index
    %get3A_1582 = vector.load %arg12[%get3A_1580, %get3A_1581] : memref<128x128xf32, #tpu.memory_space<vmem>>, vector<128x128xf32>
    %dot_general3A_1583 = arith.constant dense<0.000000e+00> : vector<1024x128xf32>
    %dot_general3A_1584 = tpu.matmul %add3A_1579, %get3A_1582, %dot_general3A_1583 {dimension_numbers = #tpu.dot_dimension_numbers<[1], [0], [0], [1], [0, 0, 1, 1], [], []>, transpose_lhs_hint = false} : vector<1024x128xf32>, vector<128x128xf32>, vector<1024x128xf32> -> vector<1024x128xf32>
    %get3A_1585 = arith.constant 0 : index
    %get3A_1586 = arith.constant 0 : index
    %get3A_1587 = vector.load %arg13[%get3A_1585, %get3A_1586] : memref<1x128xf32, #tpu.memory_space<vmem>>, vector<1x128xf32>
    %add3A_1588 = vector.broadcast %get3A_1587 : vector<1x128xf32> to vector<1024x128xf32>
    %add3A_1589 = arith.addf %dot_general3A_1584, %add3A_1588 : vector<1024x128xf32>
    %reshape3A_1590 = vector.shape_cast %add3A_1589 : vector<1024x128xf32> to vector<8x128x128xf32>
    %swap3A = arith.constant 0 : index
    %swap3A_1591 = arith.constant 0 : index
    %swap3A_1592 = arith.constant 0 : index
    %swap3A_1593 = vector.load %arg14[%swap3A, %swap3A_1591, %swap3A_1592] : memref<8x128x128xf32, #tpu.memory_space<vmem>>, vector<8x128x128xf32>
    tpu.vector_store %arg14[%swap3A, %swap3A_1591, %swap3A_1592], %reshape3A_1590 {strides = array<i32>} : memref<8x128x128xf32, #tpu.memory_space<vmem>>, vector<8x128x128xf32>,
    return
  }
  func.func @transform_0(%arg0: i32, %arg1: memref<512xi32, #tpu.memory_space<smem>>) -> (i32, i32, i32) {
    %c0_i32 = arith.constant 0 : i32
    %c0_i32_0 = arith.constant 0 : i32
    %c0_i32_1 = arith.constant 0 : i32
    return %arg0, %c0_i32, %c0_i32_0 : i32, i32, i32
  }
  func.func @transform_2(%arg0: i32, %arg1: memref<512xi32, #tpu.memory_space<smem>>) -> (i32, i32) {
    %c0_i32 = arith.constant 0 : i32
    %c0_i32_0 = arith.constant 0 : i32
    %c0_i32_1 = arith.constant 0 : i32
    return %c0_i32, %c0_i32_0 : i32, i32
  }
  func.func @transform_3(%arg0: i32, %arg1: memref<512xi32, #tpu.memory_space<smem>>) -> (i32, i32) {
    %c0_i32 = arith.constant 0 : i32
    %c0_i32_0 = arith.constant 0 : i32
    %c0_i32_1 = arith.constant 0 : i32
    return %c0_i32, %c0_i32_0 : i32, i32
  }
  func.func @transform_4(%arg0: i32, %arg1: memref<512xi32, #tpu.memory_space<smem>>) -> (i32, i32) {
    %c0_i32 = arith.constant 0 : i32
    %c0_i32_0 = arith.constant 0 : i32
    %c0_i32_1 = arith.constant 0 : i32
    return %c0_i32, %c0_i32_0 : i32, i32
  }
  func.func @transform_5(%arg0: i32, %arg1: memref<512xi32, #tpu.memory_space<smem>>) -> (i32, i32) {
    %c0_i32 = arith.constant 0 : i32
    %c0_i32_0 = arith.constant 0 : i32
    %c0_i32_1 = arith.constant 0 : i32
    return %c0_i32, %c0_i32_0 : i32, i32
  }
  func.func @transform_6(%arg0: i32, %arg1: memref<512xi32, #tpu.memory_space<smem>>) -> (i32, i32) {
    %c0_i32 = arith.constant 0 : i32
    %c0_i32_0 = arith.constant 0 : i32
    %c0_i32_1 = arith.constant 0 : i32
    return %c0_i32, %c0_i32_0 : i32, i32
  }
  func.func @transform_7(%arg0: i32, %arg1: memref<512xi32, #tpu.memory_space<smem>>) -> (i32, i32) {
    %c0_i32 = arith.constant 0 : i32
    %c0_i32_0 = arith.constant 0 : i32
    %c0_i32_1 = arith.constant 0 : i32
    return %c0_i32, %c0_i32_0 : i32, i32
  }
  func.func @transform_8(%arg0: i32, %arg1: memref<512xi32, #tpu.memory_space<smem>>) -> (i32, i32) {
    %c0_i32 = arith.constant 0 : i32
    %c0_i32_0 = arith.constant 0 : i32
    %c0_i32_1 = arith.constant 0 : i32
    return %c0_i32, %c0_i32_0 : i32, i32
  }
  func.func @transform_9(%arg0: i32, %arg1: memref<512xi32, #tpu.memory_space<smem>>) -> (i32, i32) {
    %c0_i32 = arith.constant 0 : i32
    %c0_i32_0 = arith.constant 0 : i32
    %c0_i32_1 = arith.constant 0 : i32
    return %c0_i32, %c0_i32_0 : i32, i32
  }
  func.func @transform_10(%arg0: i32, %arg1: memref<512xi32, #tpu.memory_space<smem>>) -> (i32, i32) {
    %c0_i32 = arith.constant 0 : i32
    %c0_i32_0 = arith.constant 0 : i32
    %c0_i32_1 = arith.constant 0 : i32
    return %c0_i32, %c0_i32_0 : i32, i32
  }
  func.func @transform_11(%arg0: i32, %arg1: memref<512xi32, #tpu.memory_space<smem>>) -> (i32, i32) {
    %c0_i32 = arith.constant 0 : i32
    %c0_i32_0 = arith.constant 0 : i32
    %c0_i32_1 = arith.constant 0 : i32
    return %c0_i32, %c0_i32_0 : i32, i32
  }
  func.func @transform_12(%arg0: i32, %arg1: memref<512xi32, #tpu.memory_space<smem>>) -> (i32, i32, i32) {
    %c0_i32 = arith.constant 0 : i32
    %c0_i32_0 = arith.constant 0 : i32
    %c0_i32_1 = arith.constant 0 : i32
    return %arg0, %c0_i32, %c0_i32_0 : i32, i32, i32
  }
}

</mosaic_0001>

<sc_bundles>
// kernel: sparse-core-data-format-call.cloned.1.call-start
scs
called_computation_lowered:
.L_overlay_start_0:
0x0: {  	s1 =	sld [smem:$0x3FD9]  }
0x1: {  	s2 =	sld [smem:$0x3FFE];
	_ =	sdelay $0x1  }
0x2: {  	s3 =	srdreg.scid  }
0x3: {  	s0 =	sand.u32 $0x1, s3  }
0x4: {  	s17 =	sshll.u32 s0, $0xA;
	s1 =	sadd.s32 s2, s1  }
0x5: {  	s1 =	sadd.s32 s1, s17  }
0x6: {  	[smem:$0x3FB6] =	sst s1  }
0x7: {  	_ = 	snop  }
0x8: {  	(tm) =	ssettm $0x1  }
0x9: {  	s18 =	sld [smem:$0x3FFB];
	_ =	sdelay $0x3  }
0xa: {  	_ =	strace s18  }
0xb: {  	s1 =	sld [smem:$0x3FFC];
	_ =	sdelay $0x3  }
0xc: {  	_ =	strace s1  }
0xd: {  	s1 =	sld [smem:$0x3FFD];
	_ =	sdelay $0x3  }
0xe: {  	_ =	strace s1  }
0xf: {  	_ =	strace $0x8FFFFFFF  }
0x10: {  	s19 =	sld [smem:$0x3FDB];
	_ =	sdelay $0x1  }
0x11: {  	s20 =	simm.s32 $_scs_section_size  }
0x12: {  	s4 =	simm.s32 $_size__tile_overlayer_lowered;
	s5 =	simm.s32 $_tile_overlayer_lowered  }
0x13: {  	s23 =	simm.s32 $0x1BFF;
	s22 =	sshll.u32 s5, $0x1;
	s1 =	sadd.s32 s20, s19  }
0x14: {  	s6 =	simm.s32 $0x0;
	s21 =	sshll.u32 s4, $0x1;
	s4 =	sadd.s32 s22, s1  }
0x15: {  	[timem:s6], [sflag:s23] =	dma.local [hbm:s4], s21  }
0x16: {  	_ =	swait.ge [sflag:s23], s21  }
0x17: {  	s2 =	ssub.s32 $0x0, s21;
	[sflag:s23] =	ssyncset.done $0x0  }
0x18: {  	[sflag:s23] =	ssyncadd.s32 s2;
	_ =	sdelay $0x1  }
0x19: {  	s24 =	simm.s32 $0x1B8B  }
0x1a: {  	_ =	swait.ge [sflag:s24], $0x1  }
0x1b: {  	[sflag:s24] =	ssyncset.done $0x0  }
0x1c: {  	s26 =	simm.s32 $0x1B8E;
	s25 =	sld [smem:$0x3FFE];
	[sflag:s24] =	ssyncadd.s32 $0xFFFFFFFF  }
0x1d: {  	s27 =	simm.s32 $execute0_lowered;
	[smem:$0x3FD2] =	sst s26  }
0x1e: {  	s4 =	sshll.u32 s27, $0x1;
	_ =	strace $0x80000046;
	[dreg:$0x1] =	wrdreg $0xFFFFFFFF  }
0x1f: {  	s28 =	simm.s32 $_size_execute0_lowered;
	s1 =	sadd.s32 s1, s4;
	[dreg:$0x0] =	wrdreg $0x0  }
0x20: {  	s4 =	sshll.u32 s28, $0x1;
	[dreg:$0x2] =	wrdreg s1  }
0x21: {  	[dreg:$0x3] =	wrdreg s4  }
0x22: {  	[dreg:$0x4] =	wrdreg $0xC0  }
0x23: {  	_ =	task [dreg:s6], $0x5FFFF  }
0x24: {  	[dreg:$0x1] =	wrdreg $0xFFFFFFFF  }
0x25: {  	[dreg:$0x0] =	wrdreg $0x60  }
0x26: {  	[dreg:$0x2] =	wrdreg s25  }
0x27: {  	[dreg:$0x3] =	wrdreg $0x9  }
0x28: {  	_ =	task.clear_ibuf [dreg:s6], $0x4FFFF;
	_ =	strace $0x90000046  }
0x29: {  	s29 =	simm.s32 $0x9;
	_ =	strace $0x80000048  }
0x2a: {  	_ =	swait.ge [sflag:s29], $0x1  }
0x2b: {  	[sflag:s29] =	ssyncadd.s32 $0xFFFFFFFF  }
0x2c: {  	_ =	strace $0x90000048  }
0x2d: {  	_ =	sfence  }
0x2e: {  	s30 =	sld [smem:$0x0];
	_ =	sdelay $0x2  }
0x2f: {  	s31 =	sshll.u32 s3, $0xD;
	s3 =	sshrl.u32 s3, $0x2  }
0x30: {  	s2 =	sand.u32 $0x4000, s31;
	s1 =	sadd.s32 s3, s30  }
0x31: {  	s0 =	sor.u32 s2, s0;
	s1 =	sshll.u32 s1, $0x11  }
0x32: {  	s0 =	sor.u32 s1, s0  }
0x33: {  	s0 =	sadd.s32 $0x8F2B, s0  }
0x34: {  	[sflag:s0] =	ssyncadd.remote.s32 $0x1  }
0x35: {  	_ =	sfence.sel $0xFFFF  }
0x36: {  	[dreg:$0x0] =	wrdreg $0xFFFFFFFF;
	(pc) =	sbr.abs _section_cstart, $3  }
0x37: {  	[dreg:$0x1] =	wrdreg $0xFFFFFFFF  }
0x38: {  	_ =	task.clear_ibuf [dreg:s6], $0x2FFFF;
	_ =	strace $0x9FFFFFFF  }
0x39: {  	(tm) =	ssettm $0x7FFFFFFF  }
tec
execute0_lowered:
.L_overlay_start_1:
0x0: {  	(tag) =	ssettag $0x1  }
0x1: {  	s0 =	srdreg.scid;
	s4 =	rddreg [dreg:$0x0]  }
0x2: {  	s5 =	simm.s32 $0x1;
	s8 =	simm.s32 $0x2;
	s1 =	sshll.u32 s0, $0x4  }
0x3: {  	s13 =	simm.s32 $0x0;
	s0 =	stileid.u32;
	s1 =	sand.u32 $0x10, s1  }
0x4: {  	p0 =	por $0x0, $0x0;
	s9 =	simm.s32 $0x80;
	s1 =	sor.u32 s0, s1  }
0x5: {  	s10 =	simm.s32 $0x400;
	s14 =	simm.s32 $0x0;
	s2 =	sshrl.u32 s1, $0x2  }
.Ltmp0:
0x6: {  	s1 =	rddreg [dreg:$0x1];
	s3 =	sshll.u32 s2, $0xB;
	(pc) =	sbr.rel .LBB1_1-.Ltmp0, $4  }
0x7: {  	_ =	strace $0x80000047;
	s7 =	sadd.s32 s3, s4;
	s3 =	sand.u32 $0x3, s0  }
0x8: {  	s12 =	simm.s32 $0x0;
	[sflag:s5] =	ssyncpa.u1 $0x0;
	s6 =	ssub.s32 $0x99, s3  }
0x9: {  	s4 =	sadd.s32 $0x25AC00, s4;
	[sflag:s8] =	ssyncpa.u1 $0x0;
	s6 =	sshrl.u32 s6, $0x2  }
0xa: {  	s7 =	sadd.s32 $0x2C00, s7;
	s11 =	smov.u32 s3;
	s8 =	sadd.s32 $0x1, s6  }
.LBB1_4:
0xb: {  	_ =	sdelay $0x3  }
0xc: {  	[tilespmem:v0+s16+$0xFFFFFFA0 ss:$0x1] =	vst.idx.msk $0xffff, v6  }
0xd: {  	v56 =	vld.idx.msk [tilespmem:v1+s17+$0x30 ss:$0x1], $0xffff;
	[tilespmem:v0+s16+$0xFFFFFFB0 ss:$0x1] =	vst.idx.msk $0xffff, v4  }
0xe: {  	v57 =	vld.idx.msk [tilespmem:v1+s17+$0xFFFFFFC0 ss:$0x1], $0xffff;
	[tilespmem:v0+s16+$0xFFFFFFC0 ss:$0x1] =	vst.idx.msk $0xffff, v2  }
0xf: {  	v58 =	vld.idx.msk [tilespmem:v1+s17+$0xFFFFFFD0 ss:$0x1], $0xffff;
	[tilespmem:v0+s16+$0xFFFFFFD0 ss:$0x1] =	vst.idx.msk $0xffff, v3  }
0x10: {  	v59 =	vld.idx.msk [tilespmem:v1+s17+$0xFFFFFFE0 ss:$0x1], $0xffff;
	[tilespmem:v0+s16+$0xFFFFFFE0 ss:$0x1] =	vst.idx.msk $0xffff, v5  }
0x11: {  	v60 =	vld.idx.msk [tilespmem:v1+s17+$0xFFFFFFF0 ss:$0x1], $0xffff;
	[tilespmem:v0+s16+$0xFFFFFFF0 ss:$0x1] =	vst.idx.msk $0xffff, v7  }
0x12: {  	v61 =	vld.idx.msk [tilespmem:v1+s17+$0x0 ss:$0x1], $0xffff;
	[tilespmem:v0+s17+$0x0 ss:$0x1] =	vst.idx.msk $0xffff, v56  }
0x13: {  	v62 =	vld.idx.msk [tilespmem:v1+s17+$0x10 ss:$0x1], $0xffff;
	[tilespmem:v0+s17+$0xFFFFFF90 ss:$0x1] =	vst.idx.msk $0xffff, v57  }
0x14: {  	v63 =	vld.idx.msk [tilespmem:v1+s17+$0x20 ss:$0x1], $0xffff;
	[tilespmem:v0+s17+$0xFFFFFFA0 ss:$0x1] =	vst.idx.msk $0xffff, v58  }
0x15: {  	[tilespmem:v0+s17+$0xFFFFFFB0 ss:$0x1] =	vst.idx.msk $0xffff, v59  }
0x16: {  	[tilespmem:v0+s17+$0xFFFFFFC0 ss:$0x1] =	vst.idx.msk $0xffff, v60  }
0x17: {  	s14 =	sshll.u32 s14, $0xE;
	s13 =	sshll.u32 s13, $0x4;
	[tilespmem:v0+s17+$0xFFFFFFD0 ss:$0x1] =	vst.idx.msk $0xffff, v61  }
0x18: {  	s13 =	sand.u32 $0x70, s13;
	s14 =	sadd.s32 s4, s14;
	[tilespmem:v0+s17+$0xFFFFFFE0 ss:$0x1] =	vst.idx.msk $0xffff, v62  }
0x19: {  	s13 =	sadd.s32 s13, s14;
	[tilespmem:v0+s17+$0xFFFFFFF0 ss:$0x1] =	vst.idx.msk $0xffff, v63  }
0x1a: {  	[hbm4b:s13+s9] =	stream.strided.scatter [tilespmem:s15], [sflag:$0x2], $0x4000, s10, s9, $0x38;
	[tilespmem:$0x10000] =	vst v63  }
.LBB1_5:
0x1b: {  	s15 =	sadd.s32 $0x4, s11  }
0x1c: {  	p2 =	sgt.s32 s15, $0x95  }
0x1d: {  	s15 =	smov.u32 @p2 s3;
	p2 =	sne.s32 s12, s8  }
.Ltmp1:
0x1e: {  	p1 =	slt.u32 s12, $0x2;
	(pc) =	sbr.rel @!p2 .LBB1_6-.Ltmp1, $4  }
0x1f: {  	s13 =	simm.s32 @!p1 $0x2  }
0x20: {  	s16 =	sadd.s32 $0x1, s12;
	s14 =	smov.u32 s11;
	_ =	swait.ge @!p1 [sflag:s13], $0x4000  }
0x21: {  	p0 =	por !p0, !p0;
	s12 =	smov.u32 s16;
	[sflag:s13] =	ssyncset.done @!p1 $0x0  }
0x22: {  	s11 =	smov.u32 s15;
	[sflag:s13] =	ssyncadd.s32 @!p1 $0xFFFFC000;
	s13 =	smov.u32 s2  }
.LBB1_1:
0x23: {  	p1 =	sge.u32 s12, s6  }
0x24: {  	s15 =	sxor.u32 @!p1 $0xFFFFFFFF, s12  }
0x25: {  	s31 =	sadd.s32 $0xFFFFFFFF, s12;
	s16 =	sshll.u32 @!p1 s11, $0xE;
	s15 =	sshll.u32 @!p1 s15, $0xE  }
0x26: {  	s17 =	simm.s32 @!p1 $0x0;
	s16 =	sadd.s32 @!p1 s16, s7;
	s15 =	sand.u32 @!p1 $0x4000, s15  }
0x27: {  	[tilespmem:s15], [sflag:$0x1] =	stream.linear.gather @!p1 [hbm4b:s16+s17], $0x4000, $0x38;
	[tilespmem:$0x10000] =	vst v63  }
0x28: {  	p1 =	sge.u32 s31, s6  }
.Ltmp2:
0x29: {  	_ = 	snop;
	(pc) =	sbr.rel @p1 .LBB1_5-.Ltmp2, $1  }
0x2a: {  	_ =	sdelay $0x3  }
0x2b: {  	s15 =	simm.s32 $0x1  }
0x2c: {  	s15 =	simm.s32 @!p0 $0x0  }
0x2d: {  	s15 =	sshll.u32 s15, $0xE  }
0x2e: {  	s16 =	sor.u32 $0x40, s15  }
0x2f: {  	v1 =	vmov s16;
	_ =	sdelay $0x1  }
0x30: {  	_ =	swait.ge [sflag:s5], $0x4000  }
0x31: {  	[sflag:s5] =	ssyncset.done $0x0  }
0x32: {  	[sflag:s5] =	ssyncadd.s32 $0xFFFFC000;
	s16 =	simm.s32 $0x0  }
0x33: {  	s15 =	sor.u32 $0x8070, s15;
	v7 =	vld.idx.msk [tilespmem:v1+s16+$0x30 ss:$0x1], $0xffff  }
0x34: {  	v0 =	vmov s15;
	v8 =	vld.idx.msk [tilespmem:v1+s16+$0xFFFFFFC0 ss:$0x1], $0xffff  }
0x35: {  	v6 =	vld.idx.msk [tilespmem:v1+s16+$0xFFFFFFD0 ss:$0x1], $0xffff  }
0x36: {  	v4 =	vld.idx.msk [tilespmem:v1+s16+$0xFFFFFFE0 ss:$0x1], $0xffff  }
0x37: {  	v2 =	vld.idx.msk [tilespmem:v1+s16+$0xFFFFFFF0 ss:$0x1], $0xffff  }
0x38: {  	s31 =	sshll.u32 s12, $0xE;
	v3 =	vld.idx.msk [tilespmem:v1+s16+$0x0 ss:$0x1], $0xffff  }
0x39: {  	s15 =	sand.u32 $0x4000, s31;
	v5 =	vld.idx.msk [tilespmem:v1+s16+$0x10 ss:$0x1], $0xffff;
	[tilespmem:v0+s16+$0x0 ss:$0x1] =	vst.idx.msk $0xffff, v7  }
0x3a: {  	s17 =	simm.s32 $0x80;
	s18 =	simm.s32 $0x400;
	s15 =	sor.u32 $0x8000, s15;
	[tilespmem:v0+s16+$0xFFFFFF90 ss:$0x1] =	vst.idx.msk $0xffff, v8;
	v7 =	vld.idx.msk [tilespmem:v1+s16+$0x20 ss:$0x1], $0xffff  }
.LBB1_3:
0x3b: {  	p1 =	sne.s32 s18, $0xFE00;
	v8 =	vld.idx.msk [tilespmem:v1+s17+$0x30 ss:$0x1], $0xffff;
	[tilespmem:v0+s16+$0xFFFFFFA0 ss:$0x1] =	vst.idx.msk $0xffff, v6  }
0x3c: {  	v9 =	vld.idx.msk [tilespmem:v1+s17+$0xFFFFFFC0 ss:$0x1], $0xffff;
	[tilespmem:v0+s16+$0xFFFFFFB0 ss:$0x1] =	vst.idx.msk $0xffff, v4  }
0x3d: {  	v6 =	vld.idx.msk [tilespmem:v1+s17+$0xFFFFFFD0 ss:$0x1], $0xffff;
	[tilespmem:v0+s16+$0xFFFFFFC0 ss:$0x1] =	vst.idx.msk $0xffff, v2  }
.Ltmp3:
0x3e: {  	v4 =	vld.idx.msk [tilespmem:v1+s17+$0xFFFFFFE0 ss:$0x1], $0xffff;
	[tilespmem:v0+s16+$0xFFFFFFD0 ss:$0x1] =	vst.idx.msk $0xffff, v3;
	(pc) =	sbr.rel @p1 .LBB1_3-.Ltmp3, $4  }
0x3f: {  	v2 =	vld.idx.msk [tilespmem:v1+s17+$0xFFFFFFF0 ss:$0x1], $0xffff;
	[tilespmem:v0+s16+$0xFFFFFFE0 ss:$0x1] =	vst.idx.msk $0xffff, v5  }
0x40: {  	v3 =	vld.idx.msk [tilespmem:v1+s17+$0x0 ss:$0x1], $0xffff;
	[tilespmem:v0+s16+$0xFFFFFFF0 ss:$0x1] =	vst.idx.msk $0xffff, v7;
	s16 =	smov.u32 s17  }
0x41: {  	v5 =	vld.idx.msk [tilespmem:v1+s16+$0x10 ss:$0x1], $0xffff;
	[tilespmem:v0+s16+$0x0 ss:$0x1] =	vst.idx.msk $0xffff, v8  }
0x42: {  	s17 =	sshra.s32 s18, $0x2;
	s18 =	sadd.s32 $0x200, s18;
	[tilespmem:v0+s16+$0xFFFFFF90 ss:$0x1] =	vst.idx.msk $0xffff, v9;
	v7 =	vld.idx.msk [tilespmem:v1+s16+$0x20 ss:$0x1], $0xffff  }
.Ltmp4:
0x43: {  	_ = 	snop;
	(pc) =	sbr.rel .LBB1_4-.Ltmp4, $1  }
0x44: {  	_ =	sdelay $0x3  }
.LBB1_6:
0x45: {  	_ =	sfence.sel $0x180000  }
0x46: {  	s2 =	simm.s32 $0x1;
	[bflag:$0x0] =	sbarrier.arrive $0xFFFF  }
0x47: {  	s31 =	simm.s32 $0x2;
	[sflag:s2] =	ssyncpa.u1 $0x1  }
0x48: {  	[sflag:s31] =	ssyncpa.u1 $0x1  }
0x49: {  	p0 =	sne.s32 s0, $0x0;
	_ =	strace $0x90000047  }
0x4a: {  	s0 =	sadd.s32 @!p0 $0x100000, s1;
	[bflag:$0x2] =	sbarrier.arrive $0xFFFF  }
0x4b: {  	[sflag:s0] =	ssyncadd.tile.s32 @!p0 $0x1;
	_ =	shalt  }
.Lfunc_end1:
_tile_overlayer_lowered:
.L_overlay_start_2:
0x4c: {  	(tag) =	ssettag $0x2  }
0x4d: {  	s0 =	rddreg [dreg:$0x0];
	s2 =	stileid.u32  }
0x4e: {  	s1 =	rddreg [dreg:$0x1];
	p0 =	sne.s32 s2, $0x0  }
0x4f: {  	s3 =	rddreg [dreg:$0x2];
	[bflag:$0x3] =	sbarrier.arrive $0xFFFF;
	s2 =	simm.s32 @!p0 $0x1C01  }
0x50: {  	[timem:s3], [sflag:s2] =	dma.local @!p0 [hbm:s0], s1  }
0x51: {  	s0 =	simm.s32 @!p0 $0x1  }
0x52: {  	_ =	swait.ge @!p0 [sflag:s0], s1  }
0x53: {  	s1 =	ssub.s32 @!p0 $0x0, s1;
	[sflag:s0] =	ssyncset.done @!p0 $0x0  }
0x54: {  	[sflag:s0] =	ssyncadd.s32 @!p0 s1  }
0x55: {  	[bflag:$0x3] =	sbarrier.arrive $0xFFFF  }
0x56: {  	_ =	shalt  }

</sc_bundles>
